<compile_context>
chip_gen: v7x
topology: tpu7x:2x2x1
jax: 0.10.2.dev20260603
libtpu: 0.0.44.dev20260713+nightly
codegen_flags: <defaults>
</compile_context>

<pallas_src>
import functools

import jax
import jax.numpy as jnp
from jax import lax
from jax.experimental import pallas as pl
from jax.experimental.pallas import tpu as pltpu
from jax.experimental.pallas import tpu_sc as plsc

N = 16384
P = 20
V = 1000000
DV = 1000
NC, NS = 2, 16
NH = N // NC
NSW = NH // NS
NB = NSW // 128
CW = 256
NFC = V // CW
REM = V - NFC * CW
NCH = NFC + 1
HMAX = NH + 16
RR = N + 64


def _sc_embed(road_t, dt_t, xr, xd):
  mesh = plsc.VectorSubcoreMesh(core_axis_name="c", subcore_axis_name="s")

  @functools.partial(
      pl.kernel,
      mesh=mesh,
      compiler_params=pltpu.CompilerParams(use_tc_tiling_on_sc=True,
                                           needs_layout_passes=False),
      out_type=(jax.ShapeDtypeStruct((P, 64, N), jnp.float32),
                jax.ShapeDtypeStruct((RR, 128), jnp.float32)),
      scratch_types=[
          pltpu.VMEM((NH,), jnp.int32),
          pltpu.VMEM((HMAX,), jnp.int32),
          pltpu.VMEM((2, 32, CW), jnp.float32),
          pltpu.VMEM((32, REM), jnp.float32),
          pltpu.VMEM((16, 128), jnp.float32),
          pltpu.VMEM((16,), jnp.int32),
          pltpu.VMEM((32, DV), jnp.float32),
          pltpu.VMEM((NSW,), jnp.int32),
          pltpu.VMEM((128, 128), jnp.float32),
          pltpu.VMEM((4, 8, NB * 128), jnp.float32),
          pltpu.VMEM((2, 8, NB * 128), jnp.float32),
          pltpu.SemaphoreType.DMA((2,)),
          pltpu.SemaphoreType.DMA,
          pltpu.SemaphoreType.DMA((2,)),
      ],
  )
  def k(road_hbm, dt_hbm, xr_hbm, xd_hbm, out_hbm, rows_hbm,
        xr_v, hn, cbuf, pbuf, ext, tgt_v, dtv, xd_v, rbuf, roadblk, dtblk,
        ssem, wsem, dsem):
    cid = lax.axis_index("c")
    sid = lax.axis_index("s")
    iota = lax.iota(jnp.int32, 16)

    pltpu.sync_copy(xr_hbm.at[pl.ds(cid * NH, NH)], xr_v)
    pltpu.sync_copy(dt_hbm, dtv)

    c0 = sid * NCH // NS
    c1 = (sid + 1) * NCH // NS
    lane_lo = c0 * CW
    lane_hi = c1 * CW

    def scan_body(v, cnt):
      idx = xr_v[pl.ds(v * 16, 16)]
      m = (idx >= lane_lo) & (idx < lane_hi)
      pos = cnt + plsc.cumsum(m.astype(jnp.int32)) - 1
      plsc.store_scatter(hn, [pos], iota + v * 16, mask=m)
      return cnt + jnp.sum(m.astype(jnp.int32))

    cnt = lax.fori_loop(0, NH // 16, scan_body, jnp.int32(0))
    hn[pl.ds(cnt, 16)] = jnp.zeros((16,), jnp.int32)
    nhv = (cnt + 15) // 16

    def process_chunk(bufref, k_lane0):
      def hit_body(hv, carry):
        nl = hn[pl.ds(hv * 16, 16)]
        hi = plsc.load_gather(xr_v, [nl])
        m = (hi >= k_lane0) & (hi < k_lane0 + CW)

        def extract():
          local = jnp.where(m, hi - k_lane0, 0)

          for c in range(32):
            cvec = jnp.full((16,), c, jnp.int32)
            vals = plsc.load_gather(bufref, [cvec, local])
            plsc.store_scatter(ext, [iota, cvec], vals)
          tgt_v[...] = jnp.where(m, cid * NH + nl, N + iota)
          pltpu.sync_copy(ext, rows_hbm.at[tgt_v])

        pl.when(jnp.sum(m.astype(jnp.int32)) > 0)(extract)
        return carry

      lax.fori_loop(0, nhv, hit_body, 0)

    nch_full = jnp.minimum(c1, NFC) - c0

    def issue(kc, par):
      pltpu.async_copy(road_hbm.at[:, pl.ds(kc * CW, CW)], cbuf.at[par],
                       ssem.at[par])

    def wait(par):
      pltpu.make_async_copy(road_hbm.at[:, pl.ds(0, CW)], cbuf.at[par],
                            ssem.at[par]).wait()

    pl.when(nch_full > 0)(lambda: issue(c0, 0))

    def sweep_body(i, carry):
      par = lax.rem(i, 2)
      pl.when(i + 1 < nch_full)(lambda: issue(c0 + i + 1, 1 - par))
      wait(par)
      process_chunk(cbuf.at[par], (c0 + i) * CW)
      return carry

    lax.fori_loop(0, nch_full, sweep_body, 0)

    def partial_chunk():
      pltpu.sync_copy(road_hbm.at[:, pl.ds(NFC * CW, REM)], pbuf)
      process_chunk(pbuf, NFC * CW)

    pl.when(c1 == NCH)(partial_chunk)

    n0 = cid * NH + sid * NSW

    def p_body(p, carry):
      pltpu.sync_copy(xd_hbm.at[pl.ds(p * N + n0, NSW)], xd_v)

      def cb_body(cb, carry2):
        q = lax.rem(p * 4 + cb, 2)
        i2 = p * 4 + cb
        pl.when(i2 >= 2)(lambda: pltpu.make_async_copy(
            dtblk.at[q], out_hbm.at[0, pl.ds(32, 8), pl.ds(n0, NB * 128)],
            dsem.at[q]).wait())

        def r_body(r, carry3):
          row = jnp.full((16,), cb * 8 + r, jnp.int32)
          for g in range(NB * 8):
            idxv = xd_v[pl.ds(g * 16, 16)]
            vals = plsc.load_gather(dtv, [row, idxv])
            dtblk[q, r, pl.ds(g * 16, 16)] = vals
          return carry3

        lax.fori_loop(0, 8, r_body, 0)
        pltpu.async_copy(dtblk.at[q],
                         out_hbm.at[p, pl.ds(32 + cb * 8, 8),
                                    pl.ds(n0, NB * 128)],
                         dsem.at[q])
        return carry2

      lax.fori_loop(0, 4, cb_body, 0)
      return carry

    lax.fori_loop(0, P, p_body, 0)
    for q in range(2):
      pltpu.make_async_copy(
          dtblk.at[q], out_hbm.at[0, pl.ds(32, 8), pl.ds(n0, NB * 128)],
          dsem.at[q]).wait()

    plsc.subcore_barrier()

    def nb_body(nb, carry):
      pltpu.sync_copy(rows_hbm.at[pl.ds(n0 + nb * 128, 128)], rbuf)

      def cr_body(cr, carry2):
        cb, r = cr // 8, lax.rem(cr, 8)
        crv = jnp.full((16,), cr, jnp.int32)
        for g in range(8):
          vals = plsc.load_gather(rbuf, [g * 16 + iota, crv])
          roadblk[cb, r, pl.ds(nb * 128 + g * 16, 16)] = vals
        return carry2

      lax.fori_loop(0, 32, cr_body, 0)
      return carry

    lax.fori_loop(0, NB, nb_body, 0)

    def pw_body(p, carry):
      for cb in range(4):
        pltpu.async_copy(roadblk.at[cb],
                         out_hbm.at[p, pl.ds(cb * 8, 8), pl.ds(n0, NB * 128)],
                         wsem)
      for cb in range(4):
        pltpu.make_async_copy(
            roadblk.at[cb],
            out_hbm.at[p, pl.ds(cb * 8, 8), pl.ds(n0, NB * 128)],
            wsem).wait()
      return carry

    lax.fori_loop(0, P, pw_body, 0)

  return k(road_t, dt_t, xr, xd)


def kernel(x_road, x_datetime, road_table, datetime_table):
  road_t = road_table.T
  dt_t = datetime_table.T
  xr = x_road.reshape(N).astype(jnp.int32)
  xd = jnp.swapaxes(x_datetime, 0, 1).reshape(P * N).astype(jnp.int32)
  out, _ = _sc_embed(road_t, dt_t, xr, xd)
  return jnp.transpose(out, (2, 0, 1))

# --- scband reference (transcript-rebuilt; emitter-appended) ---
"""Pipeline reference for scband-context-embedding-69681549410928 (READ-ONLY COPY).

The authoritative reference and input builder live on the scoring server;
editing this copy changes nothing except your own understanding.
"""

import jax, jax.numpy as jnp
import numpy as np

ROAD_N_CATEGORY = 1000000
DATETIME_N_CATEGORY = 1000
ROAD_N_EMBEDDING = 32
DATETIME_N_EMBEDDING = 32
N = 16384
P_HOUR = 20


def setup_inputs(seed: int = 0) -> dict:
    key = jax.random.key(seed)
    k1, k2, k3, k4 = jax.random.split(key, 4)
    x_road = jax.random.randint(k1, (N, 1, 1), 0, ROAD_N_CATEGORY)
    x_datetime = jax.random.randint(k2, (N, P_HOUR, 1), 0, DATETIME_N_CATEGORY)
    road_table = jax.random.normal(k3, (ROAD_N_CATEGORY, ROAD_N_EMBEDDING), dtype=jnp.float32) * 0.02
    datetime_table = jax.random.normal(k4, (DATETIME_N_CATEGORY, DATETIME_N_EMBEDDING), dtype=jnp.float32) * 0.02
    return {"x_road": x_road, "x_datetime": x_datetime, "road_table": road_table, "datetime_table": datetime_table}


def reference(x_road, x_datetime, road_table, datetime_table):
    # x_road: [N, 1, 1] int; x_datetime: [N, P_hour, 1] int
    xr = x_road[..., 0]          # [N, 1]
    xd = x_datetime[..., 0]      # [N, P_hour]
    p_hour = xd.shape[1]
    out_road = jnp.take(road_table, xr, axis=0)          # [N, 1, Dr]
    out_datetime = jnp.take(datetime_table, xd, axis=0)  # [N, P_hour, Dd]
    # dropout in eval mode = identity
    # torch .repeat(1, P_hour, 1) on dim of size 1 == tile along axis 1
    out_road = jnp.tile(out_road, (1, p_hour, 1))        # [N, P_hour, Dr]
    out = jnp.concatenate([out_road, out_datetime], axis=-1)  # [N, P_hour, Dr+Dd]
    return out

if __name__ == "__main__":
    import jax
    _d = setup_inputs()
    print(jax.jit(kernel)(*tuple(_d.values())))

</pallas_src>

<mosaic_0001>
#map = affine_map<(d0, d1) -> (0, 0)>
#map1 = affine_map<(d0, d1) -> (0)>
#map2 = affine_map<(d0, d1) -> (0, 0, 0)>
module attributes {stable_mosaic.version = 14 : i64} {
  func.func @k(%arg0: i32, %arg1: i32, %arg2: memref<32x1000000xf32, #tpu.memory_space<hbm>>, %arg3: memref<32x1000xf32, #tpu.memory_space<hbm>>, %arg4: memref<16384xi32, #tpu.memory_space<hbm>>, %arg5: memref<327680xi32, #tpu.memory_space<hbm>>, %arg6: memref<20x64x16384xf32, #tpu.memory_space<hbm>>, %arg7: memref<16448x128xf32, #tpu.memory_space<hbm>>, %arg8: memref<8192xi32, #tpu.memory_space<vmem>>, %arg9: memref<8208xi32, #tpu.memory_space<vmem>>, %arg10: memref<2x32x256xf32, #tpu.memory_space<vmem>>, %arg11: memref<32x64xf32, #tpu.memory_space<vmem>>, %arg12: memref<16x128xf32, #tpu.memory_space<vmem>>, %arg13: memref<16xi32, #tpu.memory_space<vmem>>, %arg14: memref<32x1000xf32, #tpu.memory_space<vmem>>, %arg15: memref<512xi32, #tpu.memory_space<vmem>>, %arg16: memref<128x128xf32, #tpu.memory_space<vmem>>, %arg17: memref<4x8x512xf32, #tpu.memory_space<vmem>>, %arg18: memref<2x8x512xf32, #tpu.memory_space<vmem>>, %arg19: memref<2x!tpu.dma_semaphore, #tpu.memory_space<semaphore_mem>>, %arg20: memref<!tpu.dma_semaphore, #tpu.memory_space<semaphore_mem>>, %arg21: memref<2x!tpu.dma_semaphore, #tpu.memory_space<semaphore_mem>>) attributes {dimension_semantics = [#tpu.dimension_semantics<core_parallel>, #tpu.dimension_semantics<subcore_parallel>], iteration_bounds = array<i64: 2, 16>, scalar_prefetch = 0 : i64, scratch_operands = 14 : i64, tpu.core_type = #tpu.core_type<sc_vector_subcore>, window_params = [{transform_indices = #map}, {transform_indices = #map}, {transform_indices = #map1}, {transform_indices = #map1}, {transform_indices = #map2}, {transform_indices = #map}]} {
    %iota3A = tpu.iota {dimensions = array<i32: 0>} : vector<16xi32>
    %mul3A = arith.constant 8192 : i32
    %mul3A_0 = arith.muli %arg0, %mul3A : i32
    "tpu.region"() ({
      %run_scoped3A = tpu.sem_alloc : memref<!tpu.dma_semaphore, #tpu.memory_space<semaphore_mem>>
      %dma_start3A = tpu.memref_slice %arg4[%mul3A_0] : memref<16384xi32, #tpu.memory_space<hbm>> -> memref<8192xi32, #tpu.memory_space<hbm>>
      %dma_start3A_161 = tpu.memref_slice %arg4[%mul3A_0] : memref<16384xi32, #tpu.memory_space<hbm>> -> memref<8192xi32, #tpu.memory_space<hbm>>
      tpu.enqueue_dma source(%dma_start3A_161 : memref<8192xi32, #tpu.memory_space<hbm>>) target(%arg8 : memref<8192xi32, #tpu.memory_space<vmem>>) target_semaphore(%run_scoped3A : memref<!tpu.dma_semaphore, #tpu.memory_space<semaphore_mem>>)
      %dma_wait3A_162 = tpu.memref_slice %arg4[%mul3A_0] : memref<16384xi32, #tpu.memory_space<hbm>> -> memref<8192xi32, #tpu.memory_space<hbm>>
      %dma_wait3A_163 = tpu.memref_slice %arg4[%mul3A_0] : memref<16384xi32, #tpu.memory_space<hbm>> -> memref<8192xi32, #tpu.memory_space<hbm>>
      tpu.wait_dma2 semaphore(%run_scoped3A : memref<!tpu.dma_semaphore, #tpu.memory_space<semaphore_mem>>) src(%dma_wait3A_163 : memref<8192xi32, #tpu.memory_space<hbm>>) dst(%arg8 : memref<8192xi32, #tpu.memory_space<vmem>>)
      tpu.yield
    }) : () -> ()
    "tpu.region"() ({
      %run_scoped3A = tpu.sem_alloc : memref<!tpu.dma_semaphore, #tpu.memory_space<semaphore_mem>>
      tpu.enqueue_dma source(%arg3 : memref<32x1000xf32, #tpu.memory_space<hbm>>) target(%arg14 : memref<32x1000xf32, #tpu.memory_space<vmem>>) target_semaphore(%run_scoped3A : memref<!tpu.dma_semaphore, #tpu.memory_space<semaphore_mem>>)
      tpu.wait_dma2 semaphore(%run_scoped3A : memref<!tpu.dma_semaphore, #tpu.memory_space<semaphore_mem>>) src(%arg3 : memref<32x1000xf32, #tpu.memory_space<hbm>>) dst(%arg14 : memref<32x1000xf32, #tpu.memory_space<vmem>>)
      tpu.yield
    }) : () -> ()
    %mul3A_1 = arith.constant 3907 : i32
    %mul3A_2 = arith.muli %arg1, %mul3A_1 : i32
    %jit3A = arith.constant 16 : i32
    %div3A = arith.divsi %mul3A_2, %jit3A : i32
    %sign3A = arith.constant 0 : i32
    %sign3A_3 = arith.cmpi sgt, %mul3A_2, %sign3A : i32
    %sign3A_4 = arith.extui %sign3A_3 : i1 to i32
    %sign3A_5 = arith.constant 0 : i32
    %sign3A_6 = arith.cmpi slt, %mul3A_2, %sign3A_5 : i32
    %sign3A_7 = arith.extui %sign3A_6 : i1 to i32
    %sign3A_8 = arith.subi %sign3A_4, %sign3A_7 : i32
    %sign3A_9 = arith.constant 0 : i32
    %sign3A_10 = arith.cmpi sgt, %jit3A, %sign3A_9 : i32
    %sign3A_11 = arith.extui %sign3A_10 : i1 to i32
    %sign3A_12 = arith.constant 0 : i32
    %sign3A_13 = arith.cmpi slt, %jit3A, %sign3A_12 : i32
    %sign3A_14 = arith.extui %sign3A_13 : i1 to i32
    %sign3A_15 = arith.subi %sign3A_11, %sign3A_14 : i32
    %ne3A = arith.cmpi ne, %sign3A_8, %sign3A_15 : i32
    %rem3A = arith.remsi %mul3A_2, %jit3A : i32
    %ne3A_16 = arith.constant 0 : i32
    %ne3A_17 = arith.cmpi ne, %rem3A, %ne3A_16 : i32
    %and3A = arith.andi %ne3A, %ne3A_17 : i1
    %sub3A = arith.constant 1 : i32
    %sub3A_18 = arith.subi %div3A, %sub3A : i32
    %select_n3A = arith.select %and3A, %sub3A_18, %div3A : i32
    %add3A = arith.constant 1 : i32
    %add3A_19 = arith.addi %arg1, %add3A : i32
    %mul3A_20 = arith.constant 3907 : i32
    %mul3A_21 = arith.muli %add3A_19, %mul3A_20 : i32
    %jit3A_22 = arith.constant 16 : i32
    %div3A_23 = arith.divsi %mul3A_21, %jit3A_22 : i32
    %sign3A_24 = arith.constant 0 : i32
    %sign3A_25 = arith.cmpi sgt, %mul3A_21, %sign3A_24 : i32
    %sign3A_26 = arith.extui %sign3A_25 : i1 to i32
    %sign3A_27 = arith.constant 0 : i32
    %sign3A_28 = arith.cmpi slt, %mul3A_21, %sign3A_27 : i32
    %sign3A_29 = arith.extui %sign3A_28 : i1 to i32
    %sign3A_30 = arith.subi %sign3A_26, %sign3A_29 : i32
    %sign3A_31 = arith.constant 0 : i32
    %sign3A_32 = arith.cmpi sgt, %jit3A_22, %sign3A_31 : i32
    %sign3A_33 = arith.extui %sign3A_32 : i1 to i32
    %sign3A_34 = arith.constant 0 : i32
    %sign3A_35 = arith.cmpi slt, %jit3A_22, %sign3A_34 : i32
    %sign3A_36 = arith.extui %sign3A_35 : i1 to i32
    %sign3A_37 = arith.subi %sign3A_33, %sign3A_36 : i32
    %ne3A_38 = arith.cmpi ne, %sign3A_30, %sign3A_37 : i32
    %rem3A_39 = arith.remsi %mul3A_21, %jit3A_22 : i32
    %ne3A_40 = arith.constant 0 : i32
    %ne3A_41 = arith.cmpi ne, %rem3A_39, %ne3A_40 : i32
    %and3A_42 = arith.andi %ne3A_38, %ne3A_41 : i1
    %sub3A_43 = arith.constant 1 : i32
    %sub3A_44 = arith.subi %div3A_23, %sub3A_43 : i32
    %select_n3A_45 = arith.select %and3A_42, %sub3A_44, %div3A_23 : i32
    %mul3A_46 = arith.constant 256 : i32
    %mul3A_47 = arith.muli %select_n3A, %mul3A_46 : i32
    %mul3A_48 = arith.constant 256 : i32
    %mul3A_49 = arith.muli %select_n3A_45, %mul3A_48 : i32
    %scan3A = arith.constant 0 : i32
    %scan3A_50 = arith.constant 0 : i32
    %scan3A_51 = arith.constant 512 : i32
    %scan3A_52 = arith.addi %scan3A_50, %scan3A_51 : i32
    %scan3A_53 = arith.constant 1 : i32
    %scan3A_54 = scf.for %scan3A_161 = %scan3A_50 to %scan3A_52 step %scan3A_53 iter_args(%scan3A_162 = %scan3A) -> (i32)  : i32 {
      %mul3A_163 = arith.constant 16 : i32
      %mul3A_164 = arith.muli %scan3A_161, %mul3A_163 : i32
      %get3A = arith.index_cast %mul3A_164 : i32 to index
      %get3A_165 = tpu.vector_load %arg8[%get3A] {strides = array<i32>} : memref<8192xi32, #tpu.memory_space<vmem>>, vector<16xi32>,
      %ge3A = vector.broadcast %mul3A_47 : i32 to vector<16xi32>
      %ge3A_166 = arith.cmpi sge, %get3A_165, %ge3A : vector<16xi32>
      %lt3A = vector.broadcast %mul3A_49 : i32 to vector<16xi32>
      %lt3A_167 = arith.cmpi slt, %get3A_165, %lt3A : vector<16xi32>
      %and3A_168 = arith.andi %ge3A_166, %lt3A_167 : vector<16xi1>
      %convert_element_type3A_169 = arith.extui %and3A_168 : vector<16xi1> to vector<16xi32>
      %broadcast_in_dim3A_170 = arith.constant true
      %broadcast_in_dim3A_171 = vector.broadcast %broadcast_in_dim3A_170 : i1 to vector<16xi1>
      %masked_cumsum3A = tpu.scan <sum>, %convert_element_type3A_169 masked %broadcast_in_dim3A_171 : vector<16xi32>, vector<16xi1> -> vector<16xi32>
      %add3A_172 = vector.broadcast %scan3A_162 : i32 to vector<16xi32>
      %add3A_173 = arith.addi %add3A_172, %masked_cumsum3A : vector<16xi32>
      %sub3A_174 = arith.constant 1 : i32
      %sub3A_175 = vector.broadcast %sub3A_174 : i32 to vector<16xi32>
      %sub3A_176 = arith.subi %add3A_173, %sub3A_175 : vector<16xi32>
      %mul3A_177 = arith.constant 16 : i32
      %mul3A_178 = arith.muli %scan3A_161, %mul3A_177 : i32
      %add3A_179 = vector.broadcast %mul3A_178 : i32 to vector<16xi32>
      %add3A_180 = arith.addi %iota3A, %add3A_179 : vector<16xi32>
      tpu.vector_store_idx %arg9[%sub3A_176], %add3A_180 masked %and3A_168 : memref<8208xi32, #tpu.memory_space<vmem>>[vector<16xi32>], vector<16xi32>, vector<16xi1>
      %convert_element_type3A_181 = arith.extui %and3A_168 : vector<16xi1> to vector<16xi32>
      %reduce_sum3A = arith.constant true
      %reduce_sum3A_182 = vector.broadcast %reduce_sum3A : i1 to vector<16xi1>
      %reduce_sum3A_183 = tpu.scan <sum>, %convert_element_type3A_181 masked %reduce_sum3A_182 : vector<16xi32>, vector<16xi1> -> vector<16xi32>
      %reduce_sum3A_184 = vector.extract %reduce_sum3A_183[15] : i32 from vector<16xi32>
      %add3A_185 = arith.addi %scan3A_162, %reduce_sum3A_184 : i32
      scf.yield %add3A_185 : i32
    }
    %scan3A_55 = arith.constant 512 : i32
    %broadcast_in_dim3A = arith.constant 0 : i32
    %broadcast_in_dim3A_56 = vector.broadcast %broadcast_in_dim3A : i32 to vector<16xi32>
    %swap3A = arith.index_cast %scan3A_54 : i32 to index
    %swap3A_57 = tpu.vector_load %arg9[%swap3A] {strides = array<i32>} : memref<8208xi32, #tpu.memory_space<vmem>>, vector<16xi32>,
    tpu.vector_store %arg9[%swap3A], %broadcast_in_dim3A_56 {strides = array<i32>} : memref<8208xi32, #tpu.memory_space<vmem>>, vector<16xi32>,
    %add3A_58 = arith.constant 15 : i32
    %add3A_59 = arith.addi %scan3A_54, %add3A_58 : i32
    %jit3A_60 = arith.constant 16 : i32
    %div3A_61 = arith.divsi %add3A_59, %jit3A_60 : i32
    %sign3A_62 = arith.constant 0 : i32
    %sign3A_63 = arith.cmpi sgt, %add3A_59, %sign3A_62 : i32
    %sign3A_64 = arith.extui %sign3A_63 : i1 to i32
    %sign3A_65 = arith.constant 0 : i32
    %sign3A_66 = arith.cmpi slt, %add3A_59, %sign3A_65 : i32
    %sign3A_67 = arith.extui %sign3A_66 : i1 to i32
    %sign3A_68 = arith.subi %sign3A_64, %sign3A_67 : i32
    %sign3A_69 = arith.constant 0 : i32
    %sign3A_70 = arith.cmpi sgt, %jit3A_60, %sign3A_69 : i32
    %sign3A_71 = arith.extui %sign3A_70 : i1 to i32
    %sign3A_72 = arith.constant 0 : i32
    %sign3A_73 = arith.cmpi slt, %jit3A_60, %sign3A_72 : i32
    %sign3A_74 = arith.extui %sign3A_73 : i1 to i32
    %sign3A_75 = arith.subi %sign3A_71, %sign3A_74 : i32
    %ne3A_76 = arith.cmpi ne, %sign3A_68, %sign3A_75 : i32
    %rem3A_77 = arith.remsi %add3A_59, %jit3A_60 : i32
    %ne3A_78 = arith.constant 0 : i32
    %ne3A_79 = arith.cmpi ne, %rem3A_77, %ne3A_78 : i32
    %and3A_80 = arith.andi %ne3A_76, %ne3A_79 : i1
    %sub3A_81 = arith.constant 1 : i32
    %sub3A_82 = arith.subi %div3A_61, %sub3A_81 : i32
    %select_n3A_83 = arith.select %and3A_80, %sub3A_82, %div3A_61 : i32
    %min3A = arith.constant 3906 : i32
    %min3A_84 = arith.minsi %select_n3A_45, %min3A : i32
    %sub3A_85 = arith.subi %min3A_84, %select_n3A : i32
    %gt3A = arith.constant 0 : i32
    %gt3A_86 = arith.cmpi sgt, %sub3A_85, %gt3A : i32
    %convert_element_type3A = arith.extui %gt3A_86 : i1 to i32
    %cond3A = arith.constant 0 : i32
    %cond3A_87 = arith.cmpi ne, %convert_element_type3A, %cond3A : i32
    scf.if %cond3A_87 {
      %mul3A_161 = arith.constant 256 : i32
      %mul3A_162 = arith.muli %select_n3A, %mul3A_161 : i32
      %dma_start3A = arith.constant 0 : i32
      %dma_start3A_163 = arith.constant 0 : i32
      %dma_start3A_164 = arith.constant 0 : i32
      %dma_start3A_165 = arith.constant 0 : i32
      %dma_start3A_166 = tpu.memref_slice %arg10[%dma_start3A, %dma_start3A_164, %dma_start3A_165] : memref<2x32x256xf32, #tpu.memory_space<vmem>> -> memref<1x32x256xf32, #tpu.memory_space<vmem>>
      %dma_start3A_167 = tpu.memref_squeeze %dma_start3A_166 : memref<1x32x256xf32, #tpu.memory_space<vmem>> -> memref<32x256xf32, #tpu.memory_space<vmem>>
      %dma_start3A_168 = arith.constant 0 : i32
      %dma_start3A_169 = tpu.memref_slice %arg2[%dma_start3A_168, %mul3A_162] : memref<32x1000000xf32, #tpu.memory_space<hbm>> -> memref<32x256xf32, #tpu.memory_space<hbm>>
      %dma_start3A_170 = tpu.memref_slice %arg19[%dma_start3A_163] : memref<2x!tpu.dma_semaphore, #tpu.memory_space<semaphore_mem>> -> memref<1x!tpu.dma_semaphore, #tpu.memory_space<semaphore_mem>>
      %dma_start3A_171 = tpu.memref_squeeze %dma_start3A_170 : memref<1x!tpu.dma_semaphore, #tpu.memory_space<semaphore_mem>> -> memref<!tpu.dma_semaphore, #tpu.memory_space<semaphore_mem>>
      %dma_start3A_172 = arith.constant 0 : i32
      %dma_start3A_173 = arith.constant 0 : i32
      %dma_start3A_174 = tpu.memref_slice %arg10[%dma_start3A, %dma_start3A_172, %dma_start3A_173] : memref<2x32x256xf32, #tpu.memory_space<vmem>> -> memref<1x32x256xf32, #tpu.memory_space<vmem>>
      %dma_start3A_175 = tpu.memref_squeeze %dma_start3A_174 : memref<1x32x256xf32, #tpu.memory_space<vmem>> -> memref<32x256xf32, #tpu.memory_space<vmem>>
      %dma_start3A_176 = arith.constant 0 : i32
      %dma_start3A_177 = tpu.memref_slice %arg2[%dma_start3A_176, %mul3A_162] : memref<32x1000000xf32, #tpu.memory_space<hbm>> -> memref<32x256xf32, #tpu.memory_space<hbm>>
      tpu.enqueue_dma source(%dma_start3A_177 : memref<32x256xf32, #tpu.memory_space<hbm>>) target(%dma_start3A_175 : memref<32x256xf32, #tpu.memory_space<vmem>>) target_semaphore(%dma_start3A_171 : memref<!tpu.dma_semaphore, #tpu.memory_space<semaphore_mem>>)
    } else {
    }
    %while3A = arith.constant 0 : i32
    %while3A_88 = arith.constant 0 : i32
    %while3A_89 = arith.subi %sub3A_85, %while3A_88 : i32
    %while3A_90 = arith.addi %while3A_88, %while3A_89 : i32
    %while3A_91 = arith.constant 1 : i32
    %while3A_92 = arith.divsi %while3A_89, %while3A_91 : i32
    %while3A_93 = arith.muli %while3A_92, %while3A_91 : i32
    %while3A_94 = arith.addi %while3A_88, %while3A_93 : i32
    %while3A_95 = arith.constant 1 : i32
    scf.for %while3A_161 = %while3A_88 to %while3A_94 step %while3A_95  : i32 {
      %rem3A_162 = arith.constant 2 : i32
      %rem3A_163 = arith.remsi %while3A_161, %rem3A_162 : i32
      %add3A_164 = arith.constant 1 : i32
      %add3A_165 = arith.addi %while3A_161, %add3A_164 : i32
      %lt3A = arith.cmpi slt, %add3A_165, %sub3A_85 : i32
      %convert_element_type3A_166 = arith.extui %lt3A : i1 to i32
      %cond3A_167 = arith.constant 0 : i32
      %cond3A_168 = arith.cmpi ne, %convert_element_type3A_166, %cond3A_167 : i32
      scf.if %cond3A_168 {
        %add3A_198 = arith.addi %select_n3A, %while3A_161 : i32
        %add3A_199 = arith.constant 1 : i32
        %add3A_200 = arith.addi %add3A_198, %add3A_199 : i32
        %sub3A_201 = arith.constant 1 : i32
        %sub3A_202 = arith.subi %sub3A_201, %rem3A_163 : i32
        %mul3A_203 = arith.constant 256 : i32
        %mul3A_204 = arith.muli %add3A_200, %mul3A_203 : i32
        %dma_start3A = arith.constant 0 : i32
        %dma_start3A_205 = arith.constant 0 : i32
        %dma_start3A_206 = tpu.memref_slice %arg10[%sub3A_202, %dma_start3A, %dma_start3A_205] : memref<2x32x256xf32, #tpu.memory_space<vmem>> -> memref<1x32x256xf32, #tpu.memory_space<vmem>>
        %dma_start3A_207 = tpu.memref_squeeze %dma_start3A_206 : memref<1x32x256xf32, #tpu.memory_space<vmem>> -> memref<32x256xf32, #tpu.memory_space<vmem>>
        %dma_start3A_208 = arith.constant 0 : i32
        %dma_start3A_209 = tpu.memref_slice %arg2[%dma_start3A_208, %mul3A_204] : memref<32x1000000xf32, #tpu.memory_space<hbm>> -> memref<32x256xf32, #tpu.memory_space<hbm>>
        %dma_start3A_210 = tpu.memref_slice %arg19[%sub3A_202] : memref<2x!tpu.dma_semaphore, #tpu.memory_space<semaphore_mem>> -> memref<1x!tpu.dma_semaphore, #tpu.memory_space<semaphore_mem>>
        %dma_start3A_211 = tpu.memref_squeeze %dma_start3A_210 : memref<1x!tpu.dma_semaphore, #tpu.memory_space<semaphore_mem>> -> memref<!tpu.dma_semaphore, #tpu.memory_space<semaphore_mem>>
        %dma_start3A_212 = arith.constant 0 : i32
        %dma_start3A_213 = arith.constant 0 : i32
        %dma_start3A_214 = tpu.memref_slice %arg10[%sub3A_202, %dma_start3A_212, %dma_start3A_213] : memref<2x32x256xf32, #tpu.memory_space<vmem>> -> memref<1x32x256xf32, #tpu.memory_space<vmem>>
        %dma_start3A_215 = tpu.memref_squeeze %dma_start3A_214 : memref<1x32x256xf32, #tpu.memory_space<vmem>> -> memref<32x256xf32, #tpu.memory_space<vmem>>
        %dma_start3A_216 = arith.constant 0 : i32
        %dma_start3A_217 = tpu.memref_slice %arg2[%dma_start3A_216, %mul3A_204] : memref<32x1000000xf32, #tpu.memory_space<hbm>> -> memref<32x256xf32, #tpu.memory_space<hbm>>
        tpu.enqueue_dma source(%dma_start3A_217 : memref<32x256xf32, #tpu.memory_space<hbm>>) target(%dma_start3A_215 : memref<32x256xf32, #tpu.memory_space<vmem>>) target_semaphore(%dma_start3A_211 : memref<!tpu.dma_semaphore, #tpu.memory_space<semaphore_mem>>)
      } else {
      }
      %dma_wait3A_169 = arith.constant 0 : i32
      %dma_wait3A_170 = arith.constant 0 : i32
      %dma_wait3A_171 = tpu.memref_slice %arg10[%rem3A_163, %dma_wait3A_169, %dma_wait3A_170] : memref<2x32x256xf32, #tpu.memory_space<vmem>> -> memref<1x32x256xf32, #tpu.memory_space<vmem>>
      %dma_wait3A_172 = tpu.memref_squeeze %dma_wait3A_171 : memref<1x32x256xf32, #tpu.memory_space<vmem>> -> memref<32x256xf32, #tpu.memory_space<vmem>>
      %dma_wait3A_173 = arith.constant 0 : i32
      %dma_wait3A_174 = arith.constant 0 : i32
      %dma_wait3A_175 = tpu.memref_slice %arg2[%dma_wait3A_173, %dma_wait3A_174] : memref<32x1000000xf32, #tpu.memory_space<hbm>> -> memref<32x256xf32, #tpu.memory_space<hbm>>
      %dma_wait3A_176 = tpu.memref_slice %arg19[%rem3A_163] : memref<2x!tpu.dma_semaphore, #tpu.memory_space<semaphore_mem>> -> memref<1x!tpu.dma_semaphore, #tpu.memory_space<semaphore_mem>>
      %dma_wait3A_177 = tpu.memref_squeeze %dma_wait3A_176 : memref<1x!tpu.dma_semaphore, #tpu.memory_space<semaphore_mem>> -> memref<!tpu.dma_semaphore, #tpu.memory_space<semaphore_mem>>
      %dma_wait3A_178 = arith.constant 0 : i32
      %dma_wait3A_179 = arith.constant 0 : i32
      %dma_wait3A_180 = tpu.memref_slice %arg10[%rem3A_163, %dma_wait3A_178, %dma_wait3A_179] : memref<2x32x256xf32, #tpu.memory_space<vmem>> -> memref<1x32x256xf32, #tpu.memory_space<vmem>>
      %dma_wait3A_181 = tpu.memref_squeeze %dma_wait3A_180 : memref<1x32x256xf32, #tpu.memory_space<vmem>> -> memref<32x256xf32, #tpu.memory_space<vmem>>
      %dma_wait3A_182 = arith.constant 0 : i32
      %dma_wait3A_183 = arith.constant 0 : i32
      %dma_wait3A_184 = tpu.memref_slice %arg2[%dma_wait3A_182, %dma_wait3A_183] : memref<32x1000000xf32, #tpu.memory_space<hbm>> -> memref<32x256xf32, #tpu.memory_space<hbm>>
      tpu.wait_dma2 semaphore(%dma_wait3A_177 : memref<!tpu.dma_semaphore, #tpu.memory_space<semaphore_mem>>) src(%dma_wait3A_184 : memref<32x256xf32, #tpu.memory_space<hbm>>) dst(%dma_wait3A_181 : memref<32x256xf32, #tpu.memory_space<vmem>>)
      %add3A_185 = arith.addi %select_n3A, %while3A_161 : i32
      %mul3A_186 = arith.constant 256 : i32
      %mul3A_187 = arith.muli %add3A_185, %mul3A_186 : i32
      %while3A_188 = arith.constant 0 : i32
      %while3A_189 = arith.constant 0 : i32
      %while3A_190 = arith.subi %select_n3A_83, %while3A_189 : i32
      %while3A_191 = arith.addi %while3A_189, %while3A_190 : i32
      %while3A_192 = arith.constant 1 : i32
      %while3A_193 = arith.divsi %while3A_190, %while3A_192 : i32
      %while3A_194 = arith.muli %while3A_193, %while3A_192 : i32
      %while3A_195 = arith.addi %while3A_189, %while3A_194 : i32
      %while3A_196 = arith.constant 1 : i32
      scf.for %while3A_198 = %while3A_189 to %while3A_195 step %while3A_196  : i32 {
        %mul3A_199 = arith.constant 16 : i32
        %mul3A_200 = arith.muli %while3A_198, %mul3A_199 : i32
        %get3A = arith.index_cast %mul3A_200 : i32 to index
        %get3A_201 = tpu.vector_load %arg9[%get3A] {strides = array<i32>} : memref<8208xi32, #tpu.memory_space<vmem>>, vector<16xi32>,
        %gather3A = tpu.vector_load_idx %arg8[%get3A_201] : memref<8192xi32, #tpu.memory_space<vmem>>[vector<16xi32>], vector<16xi32>,
        %ge3A = vector.broadcast %mul3A_187 : i32 to vector<16xi32>
        %ge3A_202 = arith.cmpi sge, %gather3A, %ge3A : vector<16xi32>
        %add3A_203 = arith.constant 256 : i32
        %add3A_204 = arith.addi %mul3A_187, %add3A_203 : i32
        %lt3A_205 = vector.broadcast %add3A_204 : i32 to vector<16xi32>
        %lt3A_206 = arith.cmpi slt, %gather3A, %lt3A_205 : vector<16xi32>
        %and3A_207 = arith.andi %ge3A_202, %lt3A_206 : vector<16xi1>
        %convert_element_type3A_208 = arith.extui %and3A_207 : vector<16xi1> to vector<16xi32>
        %reduce_sum3A = arith.constant true
        %reduce_sum3A_209 = vector.broadcast %reduce_sum3A : i1 to vector<16xi1>
        %reduce_sum3A_210 = tpu.scan <sum>, %convert_element_type3A_208 masked %reduce_sum3A_209 : vector<16xi32>, vector<16xi1> -> vector<16xi32>
        %reduce_sum3A_211 = vector.extract %reduce_sum3A_210[15] : i32 from vector<16xi32>
        %gt3A_212 = arith.constant 0 : i32
        %gt3A_213 = arith.cmpi sgt, %reduce_sum3A_211, %gt3A_212 : i32
        %convert_element_type3A_214 = arith.extui %gt3A_213 : i1 to i32
        %cond3A_215 = arith.constant 0 : i32
        %cond3A_216 = arith.cmpi ne, %convert_element_type3A_214, %cond3A_215 : i32
        scf.if %cond3A_216 {
          %sub3A_217 = vector.broadcast %mul3A_187 : i32 to vector<16xi32>
          %sub3A_218 = arith.subi %gather3A, %sub3A_217 : vector<16xi32>
          %jit3A_219 = arith.constant 0 : i32
          %broadcast_in_dim3A_220 = vector.broadcast %jit3A_219 : i32 to vector<16xi32>
          %select_n3A_221 = arith.select %and3A_207, %sub3A_218, %broadcast_in_dim3A_220 : vector<16xi1>, vector<16xi32>
          %broadcast_in_dim3A_222 = arith.constant 0 : i32
          %broadcast_in_dim3A_223 = vector.broadcast %broadcast_in_dim3A_222 : i32 to vector<16xi32>
          %gather3A_224 = arith.constant 0 : i32
          %gather3A_225 = arith.constant 0 : i32
          %gather3A_226 = tpu.memref_slice %arg10[%rem3A_163, %gather3A_224, %gather3A_225] : memref<2x32x256xf32, #tpu.memory_space<vmem>> -> memref<1x32x256xf32, #tpu.memory_space<vmem>>
          %gather3A_227 = tpu.memref_squeeze %gather3A_226 : memref<1x32x256xf32, #tpu.memory_space<vmem>> -> memref<32x256xf32, #tpu.memory_space<vmem>>
          %gather3A_228 = tpu.vector_load_idx %gather3A_227[%broadcast_in_dim3A_223, %select_n3A_221] : memref<32x256xf32, #tpu.memory_space<vmem>>[vector<16xi32>, vector<16xi32>], vector<16xf32>,
          tpu.vector_store_idx %arg12[%iota3A, %broadcast_in_dim3A_223], %gather3A_228 : memref<16x128xf32, #tpu.memory_space<vmem>>[vector<16xi32>, vector<16xi32>], vector<16xf32>,
          %broadcast_in_dim3A_229 = arith.constant 1 : i32
          %broadcast_in_dim3A_230 = vector.broadcast %broadcast_in_dim3A_229 : i32 to vector<16xi32>
          %gather3A_231 = arith.constant 0 : i32
          %gather3A_232 = arith.constant 0 : i32
          %gather3A_233 = tpu.memref_slice %arg10[%rem3A_163, %gather3A_231, %gather3A_232] : memref<2x32x256xf32, #tpu.memory_space<vmem>> -> memref<1x32x256xf32, #tpu.memory_space<vmem>>
          %gather3A_234 = tpu.memref_squeeze %gather3A_233 : memref<1x32x256xf32, #tpu.memory_space<vmem>> -> memref<32x256xf32, #tpu.memory_space<vmem>>
          %gather3A_235 = tpu.vector_load_idx %gather3A_234[%broadcast_in_dim3A_230, %select_n3A_221] : memref<32x256xf32, #tpu.memory_space<vmem>>[vector<16xi32>, vector<16xi32>], vector<16xf32>,
          tpu.vector_store_idx %arg12[%iota3A, %broadcast_in_dim3A_230], %gather3A_235 : memref<16x128xf32, #tpu.memory_space<vmem>>[vector<16xi32>, vector<16xi32>], vector<16xf32>,
          %broadcast_in_dim3A_236 = arith.constant 2 : i32
          %broadcast_in_dim3A_237 = vector.broadcast %broadcast_in_dim3A_236 : i32 to vector<16xi32>
          %gather3A_238 = arith.constant 0 : i32
          %gather3A_239 = arith.constant 0 : i32
          %gather3A_240 = tpu.memref_slice %arg10[%rem3A_163, %gather3A_238, %gather3A_239] : memref<2x32x256xf32, #tpu.memory_space<vmem>> -> memref<1x32x256xf32, #tpu.memory_space<vmem>>
          %gather3A_241 = tpu.memref_squeeze %gather3A_240 : memref<1x32x256xf32, #tpu.memory_space<vmem>> -> memref<32x256xf32, #tpu.memory_space<vmem>>
          %gather3A_242 = tpu.vector_load_idx %gather3A_241[%broadcast_in_dim3A_237, %select_n3A_221] : memref<32x256xf32, #tpu.memory_space<vmem>>[vector<16xi32>, vector<16xi32>], vector<16xf32>,
          tpu.vector_store_idx %arg12[%iota3A, %broadcast_in_dim3A_237], %gather3A_242 : memref<16x128xf32, #tpu.memory_space<vmem>>[vector<16xi32>, vector<16xi32>], vector<16xf32>,
          %broadcast_in_dim3A_243 = arith.constant 3 : i32
          %broadcast_in_dim3A_244 = vector.broadcast %broadcast_in_dim3A_243 : i32 to vector<16xi32>
          %gather3A_245 = arith.constant 0 : i32
          %gather3A_246 = arith.constant 0 : i32
          %gather3A_247 = tpu.memref_slice %arg10[%rem3A_163, %gather3A_245, %gather3A_246] : memref<2x32x256xf32, #tpu.memory_space<vmem>> -> memref<1x32x256xf32, #tpu.memory_space<vmem>>
          %gather3A_248 = tpu.memref_squeeze %gather3A_247 : memref<1x32x256xf32, #tpu.memory_space<vmem>> -> memref<32x256xf32, #tpu.memory_space<vmem>>
          %gather3A_249 = tpu.vector_load_idx %gather3A_248[%broadcast_in_dim3A_244, %select_n3A_221] : memref<32x256xf32, #tpu.memory_space<vmem>>[vector<16xi32>, vector<16xi32>], vector<16xf32>,
          tpu.vector_store_idx %arg12[%iota3A, %broadcast_in_dim3A_244], %gather3A_249 : memref<16x128xf32, #tpu.memory_space<vmem>>[vector<16xi32>, vector<16xi32>], vector<16xf32>,
          %broadcast_in_dim3A_250 = arith.constant 4 : i32
          %broadcast_in_dim3A_251 = vector.broadcast %broadcast_in_dim3A_250 : i32 to vector<16xi32>
          %gather3A_252 = arith.constant 0 : i32
          %gather3A_253 = arith.constant 0 : i32
          %gather3A_254 = tpu.memref_slice %arg10[%rem3A_163, %gather3A_252, %gather3A_253] : memref<2x32x256xf32, #tpu.memory_space<vmem>> -> memref<1x32x256xf32, #tpu.memory_space<vmem>>
          %gather3A_255 = tpu.memref_squeeze %gather3A_254 : memref<1x32x256xf32, #tpu.memory_space<vmem>> -> memref<32x256xf32, #tpu.memory_space<vmem>>
          %gather3A_256 = tpu.vector_load_idx %gather3A_255[%broadcast_in_dim3A_251, %select_n3A_221] : memref<32x256xf32, #tpu.memory_space<vmem>>[vector<16xi32>, vector<16xi32>], vector<16xf32>,
          tpu.vector_store_idx %arg12[%iota3A, %broadcast_in_dim3A_251], %gather3A_256 : memref<16x128xf32, #tpu.memory_space<vmem>>[vector<16xi32>, vector<16xi32>], vector<16xf32>,
          %broadcast_in_dim3A_257 = arith.constant 5 : i32
          %broadcast_in_dim3A_258 = vector.broadcast %broadcast_in_dim3A_257 : i32 to vector<16xi32>
          %gather3A_259 = arith.constant 0 : i32
          %gather3A_260 = arith.constant 0 : i32
          %gather3A_261 = tpu.memref_slice %arg10[%rem3A_163, %gather3A_259, %gather3A_260] : memref<2x32x256xf32, #tpu.memory_space<vmem>> -> memref<1x32x256xf32, #tpu.memory_space<vmem>>
          %gather3A_262 = tpu.memref_squeeze %gather3A_261 : memref<1x32x256xf32, #tpu.memory_space<vmem>> -> memref<32x256xf32, #tpu.memory_space<vmem>>
          %gather3A_263 = tpu.vector_load_idx %gather3A_262[%broadcast_in_dim3A_258, %select_n3A_221] : memref<32x256xf32, #tpu.memory_space<vmem>>[vector<16xi32>, vector<16xi32>], vector<16xf32>,
          tpu.vector_store_idx %arg12[%iota3A, %broadcast_in_dim3A_258], %gather3A_263 : memref<16x128xf32, #tpu.memory_space<vmem>>[vector<16xi32>, vector<16xi32>], vector<16xf32>,
          %broadcast_in_dim3A_264 = arith.constant 6 : i32
          %broadcast_in_dim3A_265 = vector.broadcast %broadcast_in_dim3A_264 : i32 to vector<16xi32>
          %gather3A_266 = arith.constant 0 : i32
          %gather3A_267 = arith.constant 0 : i32
          %gather3A_268 = tpu.memref_slice %arg10[%rem3A_163, %gather3A_266, %gather3A_267] : memref<2x32x256xf32, #tpu.memory_space<vmem>> -> memref<1x32x256xf32, #tpu.memory_space<vmem>>
          %gather3A_269 = tpu.memref_squeeze %gather3A_268 : memref<1x32x256xf32, #tpu.memory_space<vmem>> -> memref<32x256xf32, #tpu.memory_space<vmem>>
          %gather3A_270 = tpu.vector_load_idx %gather3A_269[%broadcast_in_dim3A_265, %select_n3A_221] : memref<32x256xf32, #tpu.memory_space<vmem>>[vector<16xi32>, vector<16xi32>], vector<16xf32>,
          tpu.vector_store_idx %arg12[%iota3A, %broadcast_in_dim3A_265], %gather3A_270 : memref<16x128xf32, #tpu.memory_space<vmem>>[vector<16xi32>, vector<16xi32>], vector<16xf32>,
          %broadcast_in_dim3A_271 = arith.constant 7 : i32
          %broadcast_in_dim3A_272 = vector.broadcast %broadcast_in_dim3A_271 : i32 to vector<16xi32>
          %gather3A_273 = arith.constant 0 : i32
          %gather3A_274 = arith.constant 0 : i32
          %gather3A_275 = tpu.memref_slice %arg10[%rem3A_163, %gather3A_273, %gather3A_274] : memref<2x32x256xf32, #tpu.memory_space<vmem>> -> memref<1x32x256xf32, #tpu.memory_space<vmem>>
          %gather3A_276 = tpu.memref_squeeze %gather3A_275 : memref<1x32x256xf32, #tpu.memory_space<vmem>> -> memref<32x256xf32, #tpu.memory_space<vmem>>
          %gather3A_277 = tpu.vector_load_idx %gather3A_276[%broadcast_in_dim3A_272, %select_n3A_221] : memref<32x256xf32, #tpu.memory_space<vmem>>[vector<16xi32>, vector<16xi32>], vector<16xf32>,
          tpu.vector_store_idx %arg12[%iota3A, %broadcast_in_dim3A_272], %gather3A_277 : memref<16x128xf32, #tpu.memory_space<vmem>>[vector<16xi32>, vector<16xi32>], vector<16xf32>,
          %broadcast_in_dim3A_278 = arith.constant 8 : i32
          %broadcast_in_dim3A_279 = vector.broadcast %broadcast_in_dim3A_278 : i32 to vector<16xi32>
          %gather3A_280 = arith.constant 0 : i32
          %gather3A_281 = arith.constant 0 : i32
          %gather3A_282 = tpu.memref_slice %arg10[%rem3A_163, %gather3A_280, %gather3A_281] : memref<2x32x256xf32, #tpu.memory_space<vmem>> -> memref<1x32x256xf32, #tpu.memory_space<vmem>>
          %gather3A_283 = tpu.memref_squeeze %gather3A_282 : memref<1x32x256xf32, #tpu.memory_space<vmem>> -> memref<32x256xf32, #tpu.memory_space<vmem>>
          %gather3A_284 = tpu.vector_load_idx %gather3A_283[%broadcast_in_dim3A_279, %select_n3A_221] : memref<32x256xf32, #tpu.memory_space<vmem>>[vector<16xi32>, vector<16xi32>], vector<16xf32>,
          tpu.vector_store_idx %arg12[%iota3A, %broadcast_in_dim3A_279], %gather3A_284 : memref<16x128xf32, #tpu.memory_space<vmem>>[vector<16xi32>, vector<16xi32>], vector<16xf32>,
          %broadcast_in_dim3A_285 = arith.constant 9 : i32
          %broadcast_in_dim3A_286 = vector.broadcast %broadcast_in_dim3A_285 : i32 to vector<16xi32>
          %gather3A_287 = arith.constant 0 : i32
          %gather3A_288 = arith.constant 0 : i32
          %gather3A_289 = tpu.memref_slice %arg10[%rem3A_163, %gather3A_287, %gather3A_288] : memref<2x32x256xf32, #tpu.memory_space<vmem>> -> memref<1x32x256xf32, #tpu.memory_space<vmem>>
          %gather3A_290 = tpu.memref_squeeze %gather3A_289 : memref<1x32x256xf32, #tpu.memory_space<vmem>> -> memref<32x256xf32, #tpu.memory_space<vmem>>
          %gather3A_291 = tpu.vector_load_idx %gather3A_290[%broadcast_in_dim3A_286, %select_n3A_221] : memref<32x256xf32, #tpu.memory_space<vmem>>[vector<16xi32>, vector<16xi32>], vector<16xf32>,
          tpu.vector_store_idx %arg12[%iota3A, %broadcast_in_dim3A_286], %gather3A_291 : memref<16x128xf32, #tpu.memory_space<vmem>>[vector<16xi32>, vector<16xi32>], vector<16xf32>,
          %broadcast_in_dim3A_292 = arith.constant 10 : i32
          %broadcast_in_dim3A_293 = vector.broadcast %broadcast_in_dim3A_292 : i32 to vector<16xi32>
          %gather3A_294 = arith.constant 0 : i32
          %gather3A_295 = arith.constant 0 : i32
          %gather3A_296 = tpu.memref_slice %arg10[%rem3A_163, %gather3A_294, %gather3A_295] : memref<2x32x256xf32, #tpu.memory_space<vmem>> -> memref<1x32x256xf32, #tpu.memory_space<vmem>>
          %gather3A_297 = tpu.memref_squeeze %gather3A_296 : memref<1x32x256xf32, #tpu.memory_space<vmem>> -> memref<32x256xf32, #tpu.memory_space<vmem>>
          %gather3A_298 = tpu.vector_load_idx %gather3A_297[%broadcast_in_dim3A_293, %select_n3A_221] : memref<32x256xf32, #tpu.memory_space<vmem>>[vector<16xi32>, vector<16xi32>], vector<16xf32>,
          tpu.vector_store_idx %arg12[%iota3A, %broadcast_in_dim3A_293], %gather3A_298 : memref<16x128xf32, #tpu.memory_space<vmem>>[vector<16xi32>, vector<16xi32>], vector<16xf32>,
          %broadcast_in_dim3A_299 = arith.constant 11 : i32
          %broadcast_in_dim3A_300 = vector.broadcast %broadcast_in_dim3A_299 : i32 to vector<16xi32>
          %gather3A_301 = arith.constant 0 : i32
          %gather3A_302 = arith.constant 0 : i32
          %gather3A_303 = tpu.memref_slice %arg10[%rem3A_163, %gather3A_301, %gather3A_302] : memref<2x32x256xf32, #tpu.memory_space<vmem>> -> memref<1x32x256xf32, #tpu.memory_space<vmem>>
          %gather3A_304 = tpu.memref_squeeze %gather3A_303 : memref<1x32x256xf32, #tpu.memory_space<vmem>> -> memref<32x256xf32, #tpu.memory_space<vmem>>
          %gather3A_305 = tpu.vector_load_idx %gather3A_304[%broadcast_in_dim3A_300, %select_n3A_221] : memref<32x256xf32, #tpu.memory_space<vmem>>[vector<16xi32>, vector<16xi32>], vector<16xf32>,
          tpu.vector_store_idx %arg12[%iota3A, %broadcast_in_dim3A_300], %gather3A_305 : memref<16x128xf32, #tpu.memory_space<vmem>>[vector<16xi32>, vector<16xi32>], vector<16xf32>,
          %broadcast_in_dim3A_306 = arith.constant 12 : i32
          %broadcast_in_dim3A_307 = vector.broadcast %broadcast_in_dim3A_306 : i32 to vector<16xi32>
          %gather3A_308 = arith.constant 0 : i32
          %gather3A_309 = arith.constant 0 : i32
          %gather3A_310 = tpu.memref_slice %arg10[%rem3A_163, %gather3A_308, %gather3A_309] : memref<2x32x256xf32, #tpu.memory_space<vmem>> -> memref<1x32x256xf32, #tpu.memory_space<vmem>>
          %gather3A_311 = tpu.memref_squeeze %gather3A_310 : memref<1x32x256xf32, #tpu.memory_space<vmem>> -> memref<32x256xf32, #tpu.memory_space<vmem>>
          %gather3A_312 = tpu.vector_load_idx %gather3A_311[%broadcast_in_dim3A_307, %select_n3A_221] : memref<32x256xf32, #tpu.memory_space<vmem>>[vector<16xi32>, vector<16xi32>], vector<16xf32>,
          tpu.vector_store_idx %arg12[%iota3A, %broadcast_in_dim3A_307], %gather3A_312 : memref<16x128xf32, #tpu.memory_space<vmem>>[vector<16xi32>, vector<16xi32>], vector<16xf32>,
          %broadcast_in_dim3A_313 = arith.constant 13 : i32
          %broadcast_in_dim3A_314 = vector.broadcast %broadcast_in_dim3A_313 : i32 to vector<16xi32>
          %gather3A_315 = arith.constant 0 : i32
          %gather3A_316 = arith.constant 0 : i32
          %gather3A_317 = tpu.memref_slice %arg10[%rem3A_163, %gather3A_315, %gather3A_316] : memref<2x32x256xf32, #tpu.memory_space<vmem>> -> memref<1x32x256xf32, #tpu.memory_space<vmem>>
          %gather3A_318 = tpu.memref_squeeze %gather3A_317 : memref<1x32x256xf32, #tpu.memory_space<vmem>> -> memref<32x256xf32, #tpu.memory_space<vmem>>
          %gather3A_319 = tpu.vector_load_idx %gather3A_318[%broadcast_in_dim3A_314, %select_n3A_221] : memref<32x256xf32, #tpu.memory_space<vmem>>[vector<16xi32>, vector<16xi32>], vector<16xf32>,
          tpu.vector_store_idx %arg12[%iota3A, %broadcast_in_dim3A_314], %gather3A_319 : memref<16x128xf32, #tpu.memory_space<vmem>>[vector<16xi32>, vector<16xi32>], vector<16xf32>,
          %broadcast_in_dim3A_320 = arith.constant 14 : i32
          %broadcast_in_dim3A_321 = vector.broadcast %broadcast_in_dim3A_320 : i32 to vector<16xi32>
          %gather3A_322 = arith.constant 0 : i32
          %gather3A_323 = arith.constant 0 : i32
          %gather3A_324 = tpu.memref_slice %arg10[%rem3A_163, %gather3A_322, %gather3A_323] : memref<2x32x256xf32, #tpu.memory_space<vmem>> -> memref<1x32x256xf32, #tpu.memory_space<vmem>>
          %gather3A_325 = tpu.memref_squeeze %gather3A_324 : memref<1x32x256xf32, #tpu.memory_space<vmem>> -> memref<32x256xf32, #tpu.memory_space<vmem>>
          %gather3A_326 = tpu.vector_load_idx %gather3A_325[%broadcast_in_dim3A_321, %select_n3A_221] : memref<32x256xf32, #tpu.memory_space<vmem>>[vector<16xi32>, vector<16xi32>], vector<16xf32>,
          tpu.vector_store_idx %arg12[%iota3A, %broadcast_in_dim3A_321], %gather3A_326 : memref<16x128xf32, #tpu.memory_space<vmem>>[vector<16xi32>, vector<16xi32>], vector<16xf32>,
          %broadcast_in_dim3A_327 = arith.constant 15 : i32
          %broadcast_in_dim3A_328 = vector.broadcast %broadcast_in_dim3A_327 : i32 to vector<16xi32>
          %gather3A_329 = arith.constant 0 : i32
          %gather3A_330 = arith.constant 0 : i32
          %gather3A_331 = tpu.memref_slice %arg10[%rem3A_163, %gather3A_329, %gather3A_330] : memref<2x32x256xf32, #tpu.memory_space<vmem>> -> memref<1x32x256xf32, #tpu.memory_space<vmem>>
          %gather3A_332 = tpu.memref_squeeze %gather3A_331 : memref<1x32x256xf32, #tpu.memory_space<vmem>> -> memref<32x256xf32, #tpu.memory_space<vmem>>
          %gather3A_333 = tpu.vector_load_idx %gather3A_332[%broadcast_in_dim3A_328, %select_n3A_221] : memref<32x256xf32, #tpu.memory_space<vmem>>[vector<16xi32>, vector<16xi32>], vector<16xf32>,
          tpu.vector_store_idx %arg12[%iota3A, %broadcast_in_dim3A_328], %gather3A_333 : memref<16x128xf32, #tpu.memory_space<vmem>>[vector<16xi32>, vector<16xi32>], vector<16xf32>,
          %broadcast_in_dim3A_334 = arith.constant 16 : i32
          %broadcast_in_dim3A_335 = vector.broadcast %broadcast_in_dim3A_334 : i32 to vector<16xi32>
          %gather3A_336 = arith.constant 0 : i32
          %gather3A_337 = arith.constant 0 : i32
          %gather3A_338 = tpu.memref_slice %arg10[%rem3A_163, %gather3A_336, %gather3A_337] : memref<2x32x256xf32, #tpu.memory_space<vmem>> -> memref<1x32x256xf32, #tpu.memory_space<vmem>>
          %gather3A_339 = tpu.memref_squeeze %gather3A_338 : memref<1x32x256xf32, #tpu.memory_space<vmem>> -> memref<32x256xf32, #tpu.memory_space<vmem>>
          %gather3A_340 = tpu.vector_load_idx %gather3A_339[%broadcast_in_dim3A_335, %select_n3A_221] : memref<32x256xf32, #tpu.memory_space<vmem>>[vector<16xi32>, vector<16xi32>], vector<16xf32>,
          tpu.vector_store_idx %arg12[%iota3A, %broadcast_in_dim3A_335], %gather3A_340 : memref<16x128xf32, #tpu.memory_space<vmem>>[vector<16xi32>, vector<16xi32>], vector<16xf32>,
          %broadcast_in_dim3A_341 = arith.constant 17 : i32
          %broadcast_in_dim3A_342 = vector.broadcast %broadcast_in_dim3A_341 : i32 to vector<16xi32>
          %gather3A_343 = arith.constant 0 : i32
          %gather3A_344 = arith.constant 0 : i32
          %gather3A_345 = tpu.memref_slice %arg10[%rem3A_163, %gather3A_343, %gather3A_344] : memref<2x32x256xf32, #tpu.memory_space<vmem>> -> memref<1x32x256xf32, #tpu.memory_space<vmem>>
          %gather3A_346 = tpu.memref_squeeze %gather3A_345 : memref<1x32x256xf32, #tpu.memory_space<vmem>> -> memref<32x256xf32, #tpu.memory_space<vmem>>
          %gather3A_347 = tpu.vector_load_idx %gather3A_346[%broadcast_in_dim3A_342, %select_n3A_221] : memref<32x256xf32, #tpu.memory_space<vmem>>[vector<16xi32>, vector<16xi32>], vector<16xf32>,
          tpu.vector_store_idx %arg12[%iota3A, %broadcast_in_dim3A_342], %gather3A_347 : memref<16x128xf32, #tpu.memory_space<vmem>>[vector<16xi32>, vector<16xi32>], vector<16xf32>,
          %broadcast_in_dim3A_348 = arith.constant 18 : i32
          %broadcast_in_dim3A_349 = vector.broadcast %broadcast_in_dim3A_348 : i32 to vector<16xi32>
          %gather3A_350 = arith.constant 0 : i32
          %gather3A_351 = arith.constant 0 : i32
          %gather3A_352 = tpu.memref_slice %arg10[%rem3A_163, %gather3A_350, %gather3A_351] : memref<2x32x256xf32, #tpu.memory_space<vmem>> -> memref<1x32x256xf32, #tpu.memory_space<vmem>>
          %gather3A_353 = tpu.memref_squeeze %gather3A_352 : memref<1x32x256xf32, #tpu.memory_space<vmem>> -> memref<32x256xf32, #tpu.memory_space<vmem>>
          %gather3A_354 = tpu.vector_load_idx %gather3A_353[%broadcast_in_dim3A_349, %select_n3A_221] : memref<32x256xf32, #tpu.memory_space<vmem>>[vector<16xi32>, vector<16xi32>], vector<16xf32>,
          tpu.vector_store_idx %arg12[%iota3A, %broadcast_in_dim3A_349], %gather3A_354 : memref<16x128xf32, #tpu.memory_space<vmem>>[vector<16xi32>, vector<16xi32>], vector<16xf32>,
          %broadcast_in_dim3A_355 = arith.constant 19 : i32
          %broadcast_in_dim3A_356 = vector.broadcast %broadcast_in_dim3A_355 : i32 to vector<16xi32>
          %gather3A_357 = arith.constant 0 : i32
          %gather3A_358 = arith.constant 0 : i32
          %gather3A_359 = tpu.memref_slice %arg10[%rem3A_163, %gather3A_357, %gather3A_358] : memref<2x32x256xf32, #tpu.memory_space<vmem>> -> memref<1x32x256xf32, #tpu.memory_space<vmem>>
          %gather3A_360 = tpu.memref_squeeze %gather3A_359 : memref<1x32x256xf32, #tpu.memory_space<vmem>> -> memref<32x256xf32, #tpu.memory_space<vmem>>
          %gather3A_361 = tpu.vector_load_idx %gather3A_360[%broadcast_in_dim3A_356, %select_n3A_221] : memref<32x256xf32, #tpu.memory_space<vmem>>[vector<16xi32>, vector<16xi32>], vector<16xf32>,
          tpu.vector_store_idx %arg12[%iota3A, %broadcast_in_dim3A_356], %gather3A_361 : memref<16x128xf32, #tpu.memory_space<vmem>>[vector<16xi32>, vector<16xi32>], vector<16xf32>,
          %broadcast_in_dim3A_362 = arith.constant 20 : i32
          %broadcast_in_dim3A_363 = vector.broadcast %broadcast_in_dim3A_362 : i32 to vector<16xi32>
          %gather3A_364 = arith.constant 0 : i32
          %gather3A_365 = arith.constant 0 : i32
          %gather3A_366 = tpu.memref_slice %arg10[%rem3A_163, %gather3A_364, %gather3A_365] : memref<2x32x256xf32, #tpu.memory_space<vmem>> -> memref<1x32x256xf32, #tpu.memory_space<vmem>>
          %gather3A_367 = tpu.memref_squeeze %gather3A_366 : memref<1x32x256xf32, #tpu.memory_space<vmem>> -> memref<32x256xf32, #tpu.memory_space<vmem>>
          %gather3A_368 = tpu.vector_load_idx %gather3A_367[%broadcast_in_dim3A_363, %select_n3A_221] : memref<32x256xf32, #tpu.memory_space<vmem>>[vector<16xi32>, vector<16xi32>], vector<16xf32>,
          tpu.vector_store_idx %arg12[%iota3A, %broadcast_in_dim3A_363], %gather3A_368 : memref<16x128xf32, #tpu.memory_space<vmem>>[vector<16xi32>, vector<16xi32>], vector<16xf32>,
          %broadcast_in_dim3A_369 = arith.constant 21 : i32
          %broadcast_in_dim3A_370 = vector.broadcast %broadcast_in_dim3A_369 : i32 to vector<16xi32>
          %gather3A_371 = arith.constant 0 : i32
          %gather3A_372 = arith.constant 0 : i32
          %gather3A_373 = tpu.memref_slice %arg10[%rem3A_163, %gather3A_371, %gather3A_372] : memref<2x32x256xf32, #tpu.memory_space<vmem>> -> memref<1x32x256xf32, #tpu.memory_space<vmem>>
          %gather3A_374 = tpu.memref_squeeze %gather3A_373 : memref<1x32x256xf32, #tpu.memory_space<vmem>> -> memref<32x256xf32, #tpu.memory_space<vmem>>
          %gather3A_375 = tpu.vector_load_idx %gather3A_374[%broadcast_in_dim3A_370, %select_n3A_221] : memref<32x256xf32, #tpu.memory_space<vmem>>[vector<16xi32>, vector<16xi32>], vector<16xf32>,
          tpu.vector_store_idx %arg12[%iota3A, %broadcast_in_dim3A_370], %gather3A_375 : memref<16x128xf32, #tpu.memory_space<vmem>>[vector<16xi32>, vector<16xi32>], vector<16xf32>,
          %broadcast_in_dim3A_376 = arith.constant 22 : i32
          %broadcast_in_dim3A_377 = vector.broadcast %broadcast_in_dim3A_376 : i32 to vector<16xi32>
          %gather3A_378 = arith.constant 0 : i32
          %gather3A_379 = arith.constant 0 : i32
          %gather3A_380 = tpu.memref_slice %arg10[%rem3A_163, %gather3A_378, %gather3A_379] : memref<2x32x256xf32, #tpu.memory_space<vmem>> -> memref<1x32x256xf32, #tpu.memory_space<vmem>>
          %gather3A_381 = tpu.memref_squeeze %gather3A_380 : memref<1x32x256xf32, #tpu.memory_space<vmem>> -> memref<32x256xf32, #tpu.memory_space<vmem>>
          %gather3A_382 = tpu.vector_load_idx %gather3A_381[%broadcast_in_dim3A_377, %select_n3A_221] : memref<32x256xf32, #tpu.memory_space<vmem>>[vector<16xi32>, vector<16xi32>], vector<16xf32>,
          tpu.vector_store_idx %arg12[%iota3A, %broadcast_in_dim3A_377], %gather3A_382 : memref<16x128xf32, #tpu.memory_space<vmem>>[vector<16xi32>, vector<16xi32>], vector<16xf32>,
          %broadcast_in_dim3A_383 = arith.constant 23 : i32
          %broadcast_in_dim3A_384 = vector.broadcast %broadcast_in_dim3A_383 : i32 to vector<16xi32>
          %gather3A_385 = arith.constant 0 : i32
          %gather3A_386 = arith.constant 0 : i32
          %gather3A_387 = tpu.memref_slice %arg10[%rem3A_163, %gather3A_385, %gather3A_386] : memref<2x32x256xf32, #tpu.memory_space<vmem>> -> memref<1x32x256xf32, #tpu.memory_space<vmem>>
          %gather3A_388 = tpu.memref_squeeze %gather3A_387 : memref<1x32x256xf32, #tpu.memory_space<vmem>> -> memref<32x256xf32, #tpu.memory_space<vmem>>
          %gather3A_389 = tpu.vector_load_idx %gather3A_388[%broadcast_in_dim3A_384, %select_n3A_221] : memref<32x256xf32, #tpu.memory_space<vmem>>[vector<16xi32>, vector<16xi32>], vector<16xf32>,
          tpu.vector_store_idx %arg12[%iota3A, %broadcast_in_dim3A_384], %gather3A_389 : memref<16x128xf32, #tpu.memory_space<vmem>>[vector<16xi32>, vector<16xi32>], vector<16xf32>,
          %broadcast_in_dim3A_390 = arith.constant 24 : i32
          %broadcast_in_dim3A_391 = vector.broadcast %broadcast_in_dim3A_390 : i32 to vector<16xi32>
          %gather3A_392 = arith.constant 0 : i32
          %gather3A_393 = arith.constant 0 : i32
          %gather3A_394 = tpu.memref_slice %arg10[%rem3A_163, %gather3A_392, %gather3A_393] : memref<2x32x256xf32, #tpu.memory_space<vmem>> -> memref<1x32x256xf32, #tpu.memory_space<vmem>>
          %gather3A_395 = tpu.memref_squeeze %gather3A_394 : memref<1x32x256xf32, #tpu.memory_space<vmem>> -> memref<32x256xf32, #tpu.memory_space<vmem>>
          %gather3A_396 = tpu.vector_load_idx %gather3A_395[%broadcast_in_dim3A_391, %select_n3A_221] : memref<32x256xf32, #tpu.memory_space<vmem>>[vector<16xi32>, vector<16xi32>], vector<16xf32>,
          tpu.vector_store_idx %arg12[%iota3A, %broadcast_in_dim3A_391], %gather3A_396 : memref<16x128xf32, #tpu.memory_space<vmem>>[vector<16xi32>, vector<16xi32>], vector<16xf32>,
          %broadcast_in_dim3A_397 = arith.constant 25 : i32
          %broadcast_in_dim3A_398 = vector.broadcast %broadcast_in_dim3A_397 : i32 to vector<16xi32>
          %gather3A_399 = arith.constant 0 : i32
          %gather3A_400 = arith.constant 0 : i32
          %gather3A_401 = tpu.memref_slice %arg10[%rem3A_163, %gather3A_399, %gather3A_400] : memref<2x32x256xf32, #tpu.memory_space<vmem>> -> memref<1x32x256xf32, #tpu.memory_space<vmem>>
          %gather3A_402 = tpu.memref_squeeze %gather3A_401 : memref<1x32x256xf32, #tpu.memory_space<vmem>> -> memref<32x256xf32, #tpu.memory_space<vmem>>
          %gather3A_403 = tpu.vector_load_idx %gather3A_402[%broadcast_in_dim3A_398, %select_n3A_221] : memref<32x256xf32, #tpu.memory_space<vmem>>[vector<16xi32>, vector<16xi32>], vector<16xf32>,
          tpu.vector_store_idx %arg12[%iota3A, %broadcast_in_dim3A_398], %gather3A_403 : memref<16x128xf32, #tpu.memory_space<vmem>>[vector<16xi32>, vector<16xi32>], vector<16xf32>,
          %broadcast_in_dim3A_404 = arith.constant 26 : i32
          %broadcast_in_dim3A_405 = vector.broadcast %broadcast_in_dim3A_404 : i32 to vector<16xi32>
          %gather3A_406 = arith.constant 0 : i32
          %gather3A_407 = arith.constant 0 : i32
          %gather3A_408 = tpu.memref_slice %arg10[%rem3A_163, %gather3A_406, %gather3A_407] : memref<2x32x256xf32, #tpu.memory_space<vmem>> -> memref<1x32x256xf32, #tpu.memory_space<vmem>>
          %gather3A_409 = tpu.memref_squeeze %gather3A_408 : memref<1x32x256xf32, #tpu.memory_space<vmem>> -> memref<32x256xf32, #tpu.memory_space<vmem>>
          %gather3A_410 = tpu.vector_load_idx %gather3A_409[%broadcast_in_dim3A_405, %select_n3A_221] : memref<32x256xf32, #tpu.memory_space<vmem>>[vector<16xi32>, vector<16xi32>], vector<16xf32>,
          tpu.vector_store_idx %arg12[%iota3A, %broadcast_in_dim3A_405], %gather3A_410 : memref<16x128xf32, #tpu.memory_space<vmem>>[vector<16xi32>, vector<16xi32>], vector<16xf32>,
          %broadcast_in_dim3A_411 = arith.constant 27 : i32
          %broadcast_in_dim3A_412 = vector.broadcast %broadcast_in_dim3A_411 : i32 to vector<16xi32>
          %gather3A_413 = arith.constant 0 : i32
          %gather3A_414 = arith.constant 0 : i32
          %gather3A_415 = tpu.memref_slice %arg10[%rem3A_163, %gather3A_413, %gather3A_414] : memref<2x32x256xf32, #tpu.memory_space<vmem>> -> memref<1x32x256xf32, #tpu.memory_space<vmem>>
          %gather3A_416 = tpu.memref_squeeze %gather3A_415 : memref<1x32x256xf32, #tpu.memory_space<vmem>> -> memref<32x256xf32, #tpu.memory_space<vmem>>
          %gather3A_417 = tpu.vector_load_idx %gather3A_416[%broadcast_in_dim3A_412, %select_n3A_221] : memref<32x256xf32, #tpu.memory_space<vmem>>[vector<16xi32>, vector<16xi32>], vector<16xf32>,
          tpu.vector_store_idx %arg12[%iota3A, %broadcast_in_dim3A_412], %gather3A_417 : memref<16x128xf32, #tpu.memory_space<vmem>>[vector<16xi32>, vector<16xi32>], vector<16xf32>,
          %broadcast_in_dim3A_418 = arith.constant 28 : i32
          %broadcast_in_dim3A_419 = vector.broadcast %broadcast_in_dim3A_418 : i32 to vector<16xi32>
          %gather3A_420 = arith.constant 0 : i32
          %gather3A_421 = arith.constant 0 : i32
          %gather3A_422 = tpu.memref_slice %arg10[%rem3A_163, %gather3A_420, %gather3A_421] : memref<2x32x256xf32, #tpu.memory_space<vmem>> -> memref<1x32x256xf32, #tpu.memory_space<vmem>>
          %gather3A_423 = tpu.memref_squeeze %gather3A_422 : memref<1x32x256xf32, #tpu.memory_space<vmem>> -> memref<32x256xf32, #tpu.memory_space<vmem>>
          %gather3A_424 = tpu.vector_load_idx %gather3A_423[%broadcast_in_dim3A_419, %select_n3A_221] : memref<32x256xf32, #tpu.memory_space<vmem>>[vector<16xi32>, vector<16xi32>], vector<16xf32>,
          tpu.vector_store_idx %arg12[%iota3A, %broadcast_in_dim3A_419], %gather3A_424 : memref<16x128xf32, #tpu.memory_space<vmem>>[vector<16xi32>, vector<16xi32>], vector<16xf32>,
          %broadcast_in_dim3A_425 = arith.constant 29 : i32
          %broadcast_in_dim3A_426 = vector.broadcast %broadcast_in_dim3A_425 : i32 to vector<16xi32>
          %gather3A_427 = arith.constant 0 : i32
          %gather3A_428 = arith.constant 0 : i32
          %gather3A_429 = tpu.memref_slice %arg10[%rem3A_163, %gather3A_427, %gather3A_428] : memref<2x32x256xf32, #tpu.memory_space<vmem>> -> memref<1x32x256xf32, #tpu.memory_space<vmem>>
          %gather3A_430 = tpu.memref_squeeze %gather3A_429 : memref<1x32x256xf32, #tpu.memory_space<vmem>> -> memref<32x256xf32, #tpu.memory_space<vmem>>
          %gather3A_431 = tpu.vector_load_idx %gather3A_430[%broadcast_in_dim3A_426, %select_n3A_221] : memref<32x256xf32, #tpu.memory_space<vmem>>[vector<16xi32>, vector<16xi32>], vector<16xf32>,
          tpu.vector_store_idx %arg12[%iota3A, %broadcast_in_dim3A_426], %gather3A_431 : memref<16x128xf32, #tpu.memory_space<vmem>>[vector<16xi32>, vector<16xi32>], vector<16xf32>,
          %broadcast_in_dim3A_432 = arith.constant 30 : i32
          %broadcast_in_dim3A_433 = vector.broadcast %broadcast_in_dim3A_432 : i32 to vector<16xi32>
          %gather3A_434 = arith.constant 0 : i32
          %gather3A_435 = arith.constant 0 : i32
          %gather3A_436 = tpu.memref_slice %arg10[%rem3A_163, %gather3A_434, %gather3A_435] : memref<2x32x256xf32, #tpu.memory_space<vmem>> -> memref<1x32x256xf32, #tpu.memory_space<vmem>>
          %gather3A_437 = tpu.memref_squeeze %gather3A_436 : memref<1x32x256xf32, #tpu.memory_space<vmem>> -> memref<32x256xf32, #tpu.memory_space<vmem>>
          %gather3A_438 = tpu.vector_load_idx %gather3A_437[%broadcast_in_dim3A_433, %select_n3A_221] : memref<32x256xf32, #tpu.memory_space<vmem>>[vector<16xi32>, vector<16xi32>], vector<16xf32>,
          tpu.vector_store_idx %arg12[%iota3A, %broadcast_in_dim3A_433], %gather3A_438 : memref<16x128xf32, #tpu.memory_space<vmem>>[vector<16xi32>, vector<16xi32>], vector<16xf32>,
          %broadcast_in_dim3A_439 = arith.constant 31 : i32
          %broadcast_in_dim3A_440 = vector.broadcast %broadcast_in_dim3A_439 : i32 to vector<16xi32>
          %gather3A_441 = arith.constant 0 : i32
          %gather3A_442 = arith.constant 0 : i32
          %gather3A_443 = tpu.memref_slice %arg10[%rem3A_163, %gather3A_441, %gather3A_442] : memref<2x32x256xf32, #tpu.memory_space<vmem>> -> memref<1x32x256xf32, #tpu.memory_space<vmem>>
          %gather3A_444 = tpu.memref_squeeze %gather3A_443 : memref<1x32x256xf32, #tpu.memory_space<vmem>> -> memref<32x256xf32, #tpu.memory_space<vmem>>
          %gather3A_445 = tpu.vector_load_idx %gather3A_444[%broadcast_in_dim3A_440, %select_n3A_221] : memref<32x256xf32, #tpu.memory_space<vmem>>[vector<16xi32>, vector<16xi32>], vector<16xf32>,
          tpu.vector_store_idx %arg12[%iota3A, %broadcast_in_dim3A_440], %gather3A_445 : memref<16x128xf32, #tpu.memory_space<vmem>>[vector<16xi32>, vector<16xi32>], vector<16xf32>,
          %mul3A_446 = arith.constant 8192 : i32
          %mul3A_447 = arith.muli %arg0, %mul3A_446 : i32
          %add3A_448 = vector.broadcast %mul3A_447 : i32 to vector<16xi32>
          %add3A_449 = arith.addi %add3A_448, %get3A_201 : vector<16xi32>
          %add3A_450 = arith.constant 16384 : i32
          %add3A_451 = vector.broadcast %add3A_450 : i32 to vector<16xi32>
          %add3A_452 = arith.addi %add3A_451, %iota3A : vector<16xi32>
          %select_n3A_453 = arith.select %and3A_207, %add3A_449, %add3A_452 : vector<16xi1>, vector<16xi32>
          %swap3A_454 = arith.constant 0 : index
          %swap3A_455 = tpu.vector_load %arg13[%swap3A_454] {strides = array<i32>} : memref<16xi32, #tpu.memory_space<vmem>>, vector<16xi32>,
          tpu.vector_store %arg13[%swap3A_454], %select_n3A_453 {strides = array<i32>} : memref<16xi32, #tpu.memory_space<vmem>>, vector<16xi32>,
          "tpu.region"() ({
            %run_scoped3A = tpu.sem_alloc : memref<!tpu.dma_semaphore, #tpu.memory_space<semaphore_mem>>
            %dma_start3A = arith.constant 0 : i32
            %dma_start3A_456 = arith.constant 0 : i32
            %dma_start3A_457 = tpu.memref_slice %arg7[%dma_start3A, %dma_start3A_456] : memref<16448x128xf32, #tpu.memory_space<hbm>> -> memref<16448x128xf32, #tpu.memory_space<hbm>>
            tpu.enqueue_indirect_dma source(%arg12 : memref<16x128xf32, #tpu.memory_space<vmem>>) target(%dma_start3A_457 : memref<16448x128xf32, #tpu.memory_space<hbm>>) offsets(%arg13 : memref<16xi32, #tpu.memory_space<vmem>>) semaphore(%run_scoped3A : memref<!tpu.dma_semaphore, #tpu.memory_space<semaphore_mem>>)
            %dma_wait3A_458 = arith.constant 0 : i32
            %dma_wait3A_459 = arith.constant 0 : i32
            %dma_wait3A_460 = tpu.memref_slice %arg7[%dma_wait3A_458, %dma_wait3A_459] : memref<16448x128xf32, #tpu.memory_space<hbm>> -> memref<16448x128xf32, #tpu.memory_space<hbm>>
            tpu.wait_indirect_dma semaphore(%run_scoped3A : memref<!tpu.dma_semaphore, #tpu.memory_space<semaphore_mem>>) src(%arg12 : memref<16x128xf32, #tpu.memory_space<vmem>>) dst(%dma_wait3A_460 : memref<16448x128xf32, #tpu.memory_space<hbm>>)
            tpu.yield
          }) : () -> ()
        } else {
        }
      }
      %while3A_197 = arith.constant 1 : i32
      scf.for %while3A_198 = %while3A_195 to %while3A_191 step %while3A_197  : i32 {
        %mul3A_199 = arith.constant 16 : i32
        %mul3A_200 = arith.muli %while3A_198, %mul3A_199 : i32
        %get3A = arith.index_cast %mul3A_200 : i32 to index
        %get3A_201 = tpu.vector_load %arg9[%get3A] {strides = array<i32>} : memref<8208xi32, #tpu.memory_space<vmem>>, vector<16xi32>,
        %gather3A = tpu.vector_load_idx %arg8[%get3A_201] : memref<8192xi32, #tpu.memory_space<vmem>>[vector<16xi32>], vector<16xi32>,
        %ge3A = vector.broadcast %mul3A_187 : i32 to vector<16xi32>
        %ge3A_202 = arith.cmpi sge, %gather3A, %ge3A : vector<16xi32>
        %add3A_203 = arith.constant 256 : i32
        %add3A_204 = arith.addi %mul3A_187, %add3A_203 : i32
        %lt3A_205 = vector.broadcast %add3A_204 : i32 to vector<16xi32>
        %lt3A_206 = arith.cmpi slt, %gather3A, %lt3A_205 : vector<16xi32>
        %and3A_207 = arith.andi %ge3A_202, %lt3A_206 : vector<16xi1>
        %convert_element_type3A_208 = arith.extui %and3A_207 : vector<16xi1> to vector<16xi32>
        %reduce_sum3A = arith.constant true
        %reduce_sum3A_209 = vector.broadcast %reduce_sum3A : i1 to vector<16xi1>
        %reduce_sum3A_210 = tpu.scan <sum>, %convert_element_type3A_208 masked %reduce_sum3A_209 : vector<16xi32>, vector<16xi1> -> vector<16xi32>
        %reduce_sum3A_211 = vector.extract %reduce_sum3A_210[15] : i32 from vector<16xi32>
        %gt3A_212 = arith.constant 0 : i32
        %gt3A_213 = arith.cmpi sgt, %reduce_sum3A_211, %gt3A_212 : i32
        %convert_element_type3A_214 = arith.extui %gt3A_213 : i1 to i32
        %cond3A_215 = arith.constant 0 : i32
        %cond3A_216 = arith.cmpi ne, %convert_element_type3A_214, %cond3A_215 : i32
        scf.if %cond3A_216 {
          %sub3A_217 = vector.broadcast %mul3A_187 : i32 to vector<16xi32>
          %sub3A_218 = arith.subi %gather3A, %sub3A_217 : vector<16xi32>
          %jit3A_219 = arith.constant 0 : i32
          %broadcast_in_dim3A_220 = vector.broadcast %jit3A_219 : i32 to vector<16xi32>
          %select_n3A_221 = arith.select %and3A_207, %sub3A_218, %broadcast_in_dim3A_220 : vector<16xi1>, vector<16xi32>
          %broadcast_in_dim3A_222 = arith.constant 0 : i32
          %broadcast_in_dim3A_223 = vector.broadcast %broadcast_in_dim3A_222 : i32 to vector<16xi32>
          %gather3A_224 = arith.constant 0 : i32
          %gather3A_225 = arith.constant 0 : i32
          %gather3A_226 = tpu.memref_slice %arg10[%rem3A_163, %gather3A_224, %gather3A_225] : memref<2x32x256xf32, #tpu.memory_space<vmem>> -> memref<1x32x256xf32, #tpu.memory_space<vmem>>
          %gather3A_227 = tpu.memref_squeeze %gather3A_226 : memref<1x32x256xf32, #tpu.memory_space<vmem>> -> memref<32x256xf32, #tpu.memory_space<vmem>>
          %gather3A_228 = tpu.vector_load_idx %gather3A_227[%broadcast_in_dim3A_223, %select_n3A_221] : memref<32x256xf32, #tpu.memory_space<vmem>>[vector<16xi32>, vector<16xi32>], vector<16xf32>,
          tpu.vector_store_idx %arg12[%iota3A, %broadcast_in_dim3A_223], %gather3A_228 : memref<16x128xf32, #tpu.memory_space<vmem>>[vector<16xi32>, vector<16xi32>], vector<16xf32>,
          %broadcast_in_dim3A_229 = arith.constant 1 : i32
          %broadcast_in_dim3A_230 = vector.broadcast %broadcast_in_dim3A_229 : i32 to vector<16xi32>
          %gather3A_231 = arith.constant 0 : i32
          %gather3A_232 = arith.constant 0 : i32
          %gather3A_233 = tpu.memref_slice %arg10[%rem3A_163, %gather3A_231, %gather3A_232] : memref<2x32x256xf32, #tpu.memory_space<vmem>> -> memref<1x32x256xf32, #tpu.memory_space<vmem>>
          %gather3A_234 = tpu.memref_squeeze %gather3A_233 : memref<1x32x256xf32, #tpu.memory_space<vmem>> -> memref<32x256xf32, #tpu.memory_space<vmem>>
          %gather3A_235 = tpu.vector_load_idx %gather3A_234[%broadcast_in_dim3A_230, %select_n3A_221] : memref<32x256xf32, #tpu.memory_space<vmem>>[vector<16xi32>, vector<16xi32>], vector<16xf32>,
          tpu.vector_store_idx %arg12[%iota3A, %broadcast_in_dim3A_230], %gather3A_235 : memref<16x128xf32, #tpu.memory_space<vmem>>[vector<16xi32>, vector<16xi32>], vector<16xf32>,
          %broadcast_in_dim3A_236 = arith.constant 2 : i32
          %broadcast_in_dim3A_237 = vector.broadcast %broadcast_in_dim3A_236 : i32 to vector<16xi32>
          %gather3A_238 = arith.constant 0 : i32
          %gather3A_239 = arith.constant 0 : i32
          %gather3A_240 = tpu.memref_slice %arg10[%rem3A_163, %gather3A_238, %gather3A_239] : memref<2x32x256xf32, #tpu.memory_space<vmem>> -> memref<1x32x256xf32, #tpu.memory_space<vmem>>
          %gather3A_241 = tpu.memref_squeeze %gather3A_240 : memref<1x32x256xf32, #tpu.memory_space<vmem>> -> memref<32x256xf32, #tpu.memory_space<vmem>>
          %gather3A_242 = tpu.vector_load_idx %gather3A_241[%broadcast_in_dim3A_237, %select_n3A_221] : memref<32x256xf32, #tpu.memory_space<vmem>>[vector<16xi32>, vector<16xi32>], vector<16xf32>,
          tpu.vector_store_idx %arg12[%iota3A, %broadcast_in_dim3A_237], %gather3A_242 : memref<16x128xf32, #tpu.memory_space<vmem>>[vector<16xi32>, vector<16xi32>], vector<16xf32>,
          %broadcast_in_dim3A_243 = arith.constant 3 : i32
          %broadcast_in_dim3A_244 = vector.broadcast %broadcast_in_dim3A_243 : i32 to vector<16xi32>
          %gather3A_245 = arith.constant 0 : i32
          %gather3A_246 = arith.constant 0 : i32
          %gather3A_247 = tpu.memref_slice %arg10[%rem3A_163, %gather3A_245, %gather3A_246] : memref<2x32x256xf32, #tpu.memory_space<vmem>> -> memref<1x32x256xf32, #tpu.memory_space<vmem>>
          %gather3A_248 = tpu.memref_squeeze %gather3A_247 : memref<1x32x256xf32, #tpu.memory_space<vmem>> -> memref<32x256xf32, #tpu.memory_space<vmem>>
          %gather3A_249 = tpu.vector_load_idx %gather3A_248[%broadcast_in_dim3A_244, %select_n3A_221] : memref<32x256xf32, #tpu.memory_space<vmem>>[vector<16xi32>, vector<16xi32>], vector<16xf32>,
          tpu.vector_store_idx %arg12[%iota3A, %broadcast_in_dim3A_244], %gather3A_249 : memref<16x128xf32, #tpu.memory_space<vmem>>[vector<16xi32>, vector<16xi32>], vector<16xf32>,
          %broadcast_in_dim3A_250 = arith.constant 4 : i32
          %broadcast_in_dim3A_251 = vector.broadcast %broadcast_in_dim3A_250 : i32 to vector<16xi32>
          %gather3A_252 = arith.constant 0 : i32
          %gather3A_253 = arith.constant 0 : i32
          %gather3A_254 = tpu.memref_slice %arg10[%rem3A_163, %gather3A_252, %gather3A_253] : memref<2x32x256xf32, #tpu.memory_space<vmem>> -> memref<1x32x256xf32, #tpu.memory_space<vmem>>
          %gather3A_255 = tpu.memref_squeeze %gather3A_254 : memref<1x32x256xf32, #tpu.memory_space<vmem>> -> memref<32x256xf32, #tpu.memory_space<vmem>>
          %gather3A_256 = tpu.vector_load_idx %gather3A_255[%broadcast_in_dim3A_251, %select_n3A_221] : memref<32x256xf32, #tpu.memory_space<vmem>>[vector<16xi32>, vector<16xi32>], vector<16xf32>,
          tpu.vector_store_idx %arg12[%iota3A, %broadcast_in_dim3A_251], %gather3A_256 : memref<16x128xf32, #tpu.memory_space<vmem>>[vector<16xi32>, vector<16xi32>], vector<16xf32>,
          %broadcast_in_dim3A_257 = arith.constant 5 : i32
          %broadcast_in_dim3A_258 = vector.broadcast %broadcast_in_dim3A_257 : i32 to vector<16xi32>
          %gather3A_259 = arith.constant 0 : i32
          %gather3A_260 = arith.constant 0 : i32
          %gather3A_261 = tpu.memref_slice %arg10[%rem3A_163, %gather3A_259, %gather3A_260] : memref<2x32x256xf32, #tpu.memory_space<vmem>> -> memref<1x32x256xf32, #tpu.memory_space<vmem>>
          %gather3A_262 = tpu.memref_squeeze %gather3A_261 : memref<1x32x256xf32, #tpu.memory_space<vmem>> -> memref<32x256xf32, #tpu.memory_space<vmem>>
          %gather3A_263 = tpu.vector_load_idx %gather3A_262[%broadcast_in_dim3A_258, %select_n3A_221] : memref<32x256xf32, #tpu.memory_space<vmem>>[vector<16xi32>, vector<16xi32>], vector<16xf32>,
          tpu.vector_store_idx %arg12[%iota3A, %broadcast_in_dim3A_258], %gather3A_263 : memref<16x128xf32, #tpu.memory_space<vmem>>[vector<16xi32>, vector<16xi32>], vector<16xf32>,
          %broadcast_in_dim3A_264 = arith.constant 6 : i32
          %broadcast_in_dim3A_265 = vector.broadcast %broadcast_in_dim3A_264 : i32 to vector<16xi32>
          %gather3A_266 = arith.constant 0 : i32
          %gather3A_267 = arith.constant 0 : i32
          %gather3A_268 = tpu.memref_slice %arg10[%rem3A_163, %gather3A_266, %gather3A_267] : memref<2x32x256xf32, #tpu.memory_space<vmem>> -> memref<1x32x256xf32, #tpu.memory_space<vmem>>
          %gather3A_269 = tpu.memref_squeeze %gather3A_268 : memref<1x32x256xf32, #tpu.memory_space<vmem>> -> memref<32x256xf32, #tpu.memory_space<vmem>>
          %gather3A_270 = tpu.vector_load_idx %gather3A_269[%broadcast_in_dim3A_265, %select_n3A_221] : memref<32x256xf32, #tpu.memory_space<vmem>>[vector<16xi32>, vector<16xi32>], vector<16xf32>,
          tpu.vector_store_idx %arg12[%iota3A, %broadcast_in_dim3A_265], %gather3A_270 : memref<16x128xf32, #tpu.memory_space<vmem>>[vector<16xi32>, vector<16xi32>], vector<16xf32>,
          %broadcast_in_dim3A_271 = arith.constant 7 : i32
          %broadcast_in_dim3A_272 = vector.broadcast %broadcast_in_dim3A_271 : i32 to vector<16xi32>
          %gather3A_273 = arith.constant 0 : i32
          %gather3A_274 = arith.constant 0 : i32
          %gather3A_275 = tpu.memref_slice %arg10[%rem3A_163, %gather3A_273, %gather3A_274] : memref<2x32x256xf32, #tpu.memory_space<vmem>> -> memref<1x32x256xf32, #tpu.memory_space<vmem>>
          %gather3A_276 = tpu.memref_squeeze %gather3A_275 : memref<1x32x256xf32, #tpu.memory_space<vmem>> -> memref<32x256xf32, #tpu.memory_space<vmem>>
          %gather3A_277 = tpu.vector_load_idx %gather3A_276[%broadcast_in_dim3A_272, %select_n3A_221] : memref<32x256xf32, #tpu.memory_space<vmem>>[vector<16xi32>, vector<16xi32>], vector<16xf32>,
          tpu.vector_store_idx %arg12[%iota3A, %broadcast_in_dim3A_272], %gather3A_277 : memref<16x128xf32, #tpu.memory_space<vmem>>[vector<16xi32>, vector<16xi32>], vector<16xf32>,
          %broadcast_in_dim3A_278 = arith.constant 8 : i32
          %broadcast_in_dim3A_279 = vector.broadcast %broadcast_in_dim3A_278 : i32 to vector<16xi32>
          %gather3A_280 = arith.constant 0 : i32
          %gather3A_281 = arith.constant 0 : i32
          %gather3A_282 = tpu.memref_slice %arg10[%rem3A_163, %gather3A_280, %gather3A_281] : memref<2x32x256xf32, #tpu.memory_space<vmem>> -> memref<1x32x256xf32, #tpu.memory_space<vmem>>
          %gather3A_283 = tpu.memref_squeeze %gather3A_282 : memref<1x32x256xf32, #tpu.memory_space<vmem>> -> memref<32x256xf32, #tpu.memory_space<vmem>>
          %gather3A_284 = tpu.vector_load_idx %gather3A_283[%broadcast_in_dim3A_279, %select_n3A_221] : memref<32x256xf32, #tpu.memory_space<vmem>>[vector<16xi32>, vector<16xi32>], vector<16xf32>,
          tpu.vector_store_idx %arg12[%iota3A, %broadcast_in_dim3A_279], %gather3A_284 : memref<16x128xf32, #tpu.memory_space<vmem>>[vector<16xi32>, vector<16xi32>], vector<16xf32>,
          %broadcast_in_dim3A_285 = arith.constant 9 : i32
          %broadcast_in_dim3A_286 = vector.broadcast %broadcast_in_dim3A_285 : i32 to vector<16xi32>
          %gather3A_287 = arith.constant 0 : i32
          %gather3A_288 = arith.constant 0 : i32
          %gather3A_289 = tpu.memref_slice %arg10[%rem3A_163, %gather3A_287, %gather3A_288] : memref<2x32x256xf32, #tpu.memory_space<vmem>> -> memref<1x32x256xf32, #tpu.memory_space<vmem>>
          %gather3A_290 = tpu.memref_squeeze %gather3A_289 : memref<1x32x256xf32, #tpu.memory_space<vmem>> -> memref<32x256xf32, #tpu.memory_space<vmem>>
          %gather3A_291 = tpu.vector_load_idx %gather3A_290[%broadcast_in_dim3A_286, %select_n3A_221] : memref<32x256xf32, #tpu.memory_space<vmem>>[vector<16xi32>, vector<16xi32>], vector<16xf32>,
          tpu.vector_store_idx %arg12[%iota3A, %broadcast_in_dim3A_286], %gather3A_291 : memref<16x128xf32, #tpu.memory_space<vmem>>[vector<16xi32>, vector<16xi32>], vector<16xf32>,
          %broadcast_in_dim3A_292 = arith.constant 10 : i32
          %broadcast_in_dim3A_293 = vector.broadcast %broadcast_in_dim3A_292 : i32 to vector<16xi32>
          %gather3A_294 = arith.constant 0 : i32
          %gather3A_295 = arith.constant 0 : i32
          %gather3A_296 = tpu.memref_slice %arg10[%rem3A_163, %gather3A_294, %gather3A_295] : memref<2x32x256xf32, #tpu.memory_space<vmem>> -> memref<1x32x256xf32, #tpu.memory_space<vmem>>
          %gather3A_297 = tpu.memref_squeeze %gather3A_296 : memref<1x32x256xf32, #tpu.memory_space<vmem>> -> memref<32x256xf32, #tpu.memory_space<vmem>>
          %gather3A_298 = tpu.vector_load_idx %gather3A_297[%broadcast_in_dim3A_293, %select_n3A_221] : memref<32x256xf32, #tpu.memory_space<vmem>>[vector<16xi32>, vector<16xi32>], vector<16xf32>,
          tpu.vector_store_idx %arg12[%iota3A, %broadcast_in_dim3A_293], %gather3A_298 : memref<16x128xf32, #tpu.memory_space<vmem>>[vector<16xi32>, vector<16xi32>], vector<16xf32>,
          %broadcast_in_dim3A_299 = arith.constant 11 : i32
          %broadcast_in_dim3A_300 = vector.broadcast %broadcast_in_dim3A_299 : i32 to vector<16xi32>
          %gather3A_301 = arith.constant 0 : i32
          %gather3A_302 = arith.constant 0 : i32
          %gather3A_303 = tpu.memref_slice %arg10[%rem3A_163, %gather3A_301, %gather3A_302] : memref<2x32x256xf32, #tpu.memory_space<vmem>> -> memref<1x32x256xf32, #tpu.memory_space<vmem>>
          %gather3A_304 = tpu.memref_squeeze %gather3A_303 : memref<1x32x256xf32, #tpu.memory_space<vmem>> -> memref<32x256xf32, #tpu.memory_space<vmem>>
          %gather3A_305 = tpu.vector_load_idx %gather3A_304[%broadcast_in_dim3A_300, %select_n3A_221] : memref<32x256xf32, #tpu.memory_space<vmem>>[vector<16xi32>, vector<16xi32>], vector<16xf32>,
          tpu.vector_store_idx %arg12[%iota3A, %broadcast_in_dim3A_300], %gather3A_305 : memref<16x128xf32, #tpu.memory_space<vmem>>[vector<16xi32>, vector<16xi32>], vector<16xf32>,
          %broadcast_in_dim3A_306 = arith.constant 12 : i32
          %broadcast_in_dim3A_307 = vector.broadcast %broadcast_in_dim3A_306 : i32 to vector<16xi32>
          %gather3A_308 = arith.constant 0 : i32
          %gather3A_309 = arith.constant 0 : i32
          %gather3A_310 = tpu.memref_slice %arg10[%rem3A_163, %gather3A_308, %gather3A_309] : memref<2x32x256xf32, #tpu.memory_space<vmem>> -> memref<1x32x256xf32, #tpu.memory_space<vmem>>
          %gather3A_311 = tpu.memref_squeeze %gather3A_310 : memref<1x32x256xf32, #tpu.memory_space<vmem>> -> memref<32x256xf32, #tpu.memory_space<vmem>>
          %gather3A_312 = tpu.vector_load_idx %gather3A_311[%broadcast_in_dim3A_307, %select_n3A_221] : memref<32x256xf32, #tpu.memory_space<vmem>>[vector<16xi32>, vector<16xi32>], vector<16xf32>,
          tpu.vector_store_idx %arg12[%iota3A, %broadcast_in_dim3A_307], %gather3A_312 : memref<16x128xf32, #tpu.memory_space<vmem>>[vector<16xi32>, vector<16xi32>], vector<16xf32>,
          %broadcast_in_dim3A_313 = arith.constant 13 : i32
          %broadcast_in_dim3A_314 = vector.broadcast %broadcast_in_dim3A_313 : i32 to vector<16xi32>
          %gather3A_315 = arith.constant 0 : i32
          %gather3A_316 = arith.constant 0 : i32
          %gather3A_317 = tpu.memref_slice %arg10[%rem3A_163, %gather3A_315, %gather3A_316] : memref<2x32x256xf32, #tpu.memory_space<vmem>> -> memref<1x32x256xf32, #tpu.memory_space<vmem>>
          %gather3A_318 = tpu.memref_squeeze %gather3A_317 : memref<1x32x256xf32, #tpu.memory_space<vmem>> -> memref<32x256xf32, #tpu.memory_space<vmem>>
          %gather3A_319 = tpu.vector_load_idx %gather3A_318[%broadcast_in_dim3A_314, %select_n3A_221] : memref<32x256xf32, #tpu.memory_space<vmem>>[vector<16xi32>, vector<16xi32>], vector<16xf32>,
          tpu.vector_store_idx %arg12[%iota3A, %broadcast_in_dim3A_314], %gather3A_319 : memref<16x128xf32, #tpu.memory_space<vmem>>[vector<16xi32>, vector<16xi32>], vector<16xf32>,
          %broadcast_in_dim3A_320 = arith.constant 14 : i32
          %broadcast_in_dim3A_321 = vector.broadcast %broadcast_in_dim3A_320 : i32 to vector<16xi32>
          %gather3A_322 = arith.constant 0 : i32
          %gather3A_323 = arith.constant 0 : i32
          %gather3A_324 = tpu.memref_slice %arg10[%rem3A_163, %gather3A_322, %gather3A_323] : memref<2x32x256xf32, #tpu.memory_space<vmem>> -> memref<1x32x256xf32, #tpu.memory_space<vmem>>
          %gather3A_325 = tpu.memref_squeeze %gather3A_324 : memref<1x32x256xf32, #tpu.memory_space<vmem>> -> memref<32x256xf32, #tpu.memory_space<vmem>>
          %gather3A_326 = tpu.vector_load_idx %gather3A_325[%broadcast_in_dim3A_321, %select_n3A_221] : memref<32x256xf32, #tpu.memory_space<vmem>>[vector<16xi32>, vector<16xi32>], vector<16xf32>,
          tpu.vector_store_idx %arg12[%iota3A, %broadcast_in_dim3A_321], %gather3A_326 : memref<16x128xf32, #tpu.memory_space<vmem>>[vector<16xi32>, vector<16xi32>], vector<16xf32>,
          %broadcast_in_dim3A_327 = arith.constant 15 : i32
          %broadcast_in_dim3A_328 = vector.broadcast %broadcast_in_dim3A_327 : i32 to vector<16xi32>
          %gather3A_329 = arith.constant 0 : i32
          %gather3A_330 = arith.constant 0 : i32
          %gather3A_331 = tpu.memref_slice %arg10[%rem3A_163, %gather3A_329, %gather3A_330] : memref<2x32x256xf32, #tpu.memory_space<vmem>> -> memref<1x32x256xf32, #tpu.memory_space<vmem>>
          %gather3A_332 = tpu.memref_squeeze %gather3A_331 : memref<1x32x256xf32, #tpu.memory_space<vmem>> -> memref<32x256xf32, #tpu.memory_space<vmem>>
          %gather3A_333 = tpu.vector_load_idx %gather3A_332[%broadcast_in_dim3A_328, %select_n3A_221] : memref<32x256xf32, #tpu.memory_space<vmem>>[vector<16xi32>, vector<16xi32>], vector<16xf32>,
          tpu.vector_store_idx %arg12[%iota3A, %broadcast_in_dim3A_328], %gather3A_333 : memref<16x128xf32, #tpu.memory_space<vmem>>[vector<16xi32>, vector<16xi32>], vector<16xf32>,
          %broadcast_in_dim3A_334 = arith.constant 16 : i32
          %broadcast_in_dim3A_335 = vector.broadcast %broadcast_in_dim3A_334 : i32 to vector<16xi32>
          %gather3A_336 = arith.constant 0 : i32
          %gather3A_337 = arith.constant 0 : i32
          %gather3A_338 = tpu.memref_slice %arg10[%rem3A_163, %gather3A_336, %gather3A_337] : memref<2x32x256xf32, #tpu.memory_space<vmem>> -> memref<1x32x256xf32, #tpu.memory_space<vmem>>
          %gather3A_339 = tpu.memref_squeeze %gather3A_338 : memref<1x32x256xf32, #tpu.memory_space<vmem>> -> memref<32x256xf32, #tpu.memory_space<vmem>>
          %gather3A_340 = tpu.vector_load_idx %gather3A_339[%broadcast_in_dim3A_335, %select_n3A_221] : memref<32x256xf32, #tpu.memory_space<vmem>>[vector<16xi32>, vector<16xi32>], vector<16xf32>,
          tpu.vector_store_idx %arg12[%iota3A, %broadcast_in_dim3A_335], %gather3A_340 : memref<16x128xf32, #tpu.memory_space<vmem>>[vector<16xi32>, vector<16xi32>], vector<16xf32>,
          %broadcast_in_dim3A_341 = arith.constant 17 : i32
          %broadcast_in_dim3A_342 = vector.broadcast %broadcast_in_dim3A_341 : i32 to vector<16xi32>
          %gather3A_343 = arith.constant 0 : i32
          %gather3A_344 = arith.constant 0 : i32
          %gather3A_345 = tpu.memref_slice %arg10[%rem3A_163, %gather3A_343, %gather3A_344] : memref<2x32x256xf32, #tpu.memory_space<vmem>> -> memref<1x32x256xf32, #tpu.memory_space<vmem>>
          %gather3A_346 = tpu.memref_squeeze %gather3A_345 : memref<1x32x256xf32, #tpu.memory_space<vmem>> -> memref<32x256xf32, #tpu.memory_space<vmem>>
          %gather3A_347 = tpu.vector_load_idx %gather3A_346[%broadcast_in_dim3A_342, %select_n3A_221] : memref<32x256xf32, #tpu.memory_space<vmem>>[vector<16xi32>, vector<16xi32>], vector<16xf32>,
          tpu.vector_store_idx %arg12[%iota3A, %broadcast_in_dim3A_342], %gather3A_347 : memref<16x128xf32, #tpu.memory_space<vmem>>[vector<16xi32>, vector<16xi32>], vector<16xf32>,
          %broadcast_in_dim3A_348 = arith.constant 18 : i32
          %broadcast_in_dim3A_349 = vector.broadcast %broadcast_in_dim3A_348 : i32 to vector<16xi32>
          %gather3A_350 = arith.constant 0 : i32
          %gather3A_351 = arith.constant 0 : i32
          %gather3A_352 = tpu.memref_slice %arg10[%rem3A_163, %gather3A_350, %gather3A_351] : memref<2x32x256xf32, #tpu.memory_space<vmem>> -> memref<1x32x256xf32, #tpu.memory_space<vmem>>
          %gather3A_353 = tpu.memref_squeeze %gather3A_352 : memref<1x32x256xf32, #tpu.memory_space<vmem>> -> memref<32x256xf32, #tpu.memory_space<vmem>>
          %gather3A_354 = tpu.vector_load_idx %gather3A_353[%broadcast_in_dim3A_349, %select_n3A_221] : memref<32x256xf32, #tpu.memory_space<vmem>>[vector<16xi32>, vector<16xi32>], vector<16xf32>,
          tpu.vector_store_idx %arg12[%iota3A, %broadcast_in_dim3A_349], %gather3A_354 : memref<16x128xf32, #tpu.memory_space<vmem>>[vector<16xi32>, vector<16xi32>], vector<16xf32>,
          %broadcast_in_dim3A_355 = arith.constant 19 : i32
          %broadcast_in_dim3A_356 = vector.broadcast %broadcast_in_dim3A_355 : i32 to vector<16xi32>
          %gather3A_357 = arith.constant 0 : i32
          %gather3A_358 = arith.constant 0 : i32
          %gather3A_359 = tpu.memref_slice %arg10[%rem3A_163, %gather3A_357, %gather3A_358] : memref<2x32x256xf32, #tpu.memory_space<vmem>> -> memref<1x32x256xf32, #tpu.memory_space<vmem>>
          %gather3A_360 = tpu.memref_squeeze %gather3A_359 : memref<1x32x256xf32, #tpu.memory_space<vmem>> -> memref<32x256xf32, #tpu.memory_space<vmem>>
          %gather3A_361 = tpu.vector_load_idx %gather3A_360[%broadcast_in_dim3A_356, %select_n3A_221] : memref<32x256xf32, #tpu.memory_space<vmem>>[vector<16xi32>, vector<16xi32>], vector<16xf32>,
          tpu.vector_store_idx %arg12[%iota3A, %broadcast_in_dim3A_356], %gather3A_361 : memref<16x128xf32, #tpu.memory_space<vmem>>[vector<16xi32>, vector<16xi32>], vector<16xf32>,
          %broadcast_in_dim3A_362 = arith.constant 20 : i32
          %broadcast_in_dim3A_363 = vector.broadcast %broadcast_in_dim3A_362 : i32 to vector<16xi32>
          %gather3A_364 = arith.constant 0 : i32
          %gather3A_365 = arith.constant 0 : i32
          %gather3A_366 = tpu.memref_slice %arg10[%rem3A_163, %gather3A_364, %gather3A_365] : memref<2x32x256xf32, #tpu.memory_space<vmem>> -> memref<1x32x256xf32, #tpu.memory_space<vmem>>
          %gather3A_367 = tpu.memref_squeeze %gather3A_366 : memref<1x32x256xf32, #tpu.memory_space<vmem>> -> memref<32x256xf32, #tpu.memory_space<vmem>>
          %gather3A_368 = tpu.vector_load_idx %gather3A_367[%broadcast_in_dim3A_363, %select_n3A_221] : memref<32x256xf32, #tpu.memory_space<vmem>>[vector<16xi32>, vector<16xi32>], vector<16xf32>,
          tpu.vector_store_idx %arg12[%iota3A, %broadcast_in_dim3A_363], %gather3A_368 : memref<16x128xf32, #tpu.memory_space<vmem>>[vector<16xi32>, vector<16xi32>], vector<16xf32>,
          %broadcast_in_dim3A_369 = arith.constant 21 : i32
          %broadcast_in_dim3A_370 = vector.broadcast %broadcast_in_dim3A_369 : i32 to vector<16xi32>
          %gather3A_371 = arith.constant 0 : i32
          %gather3A_372 = arith.constant 0 : i32
          %gather3A_373 = tpu.memref_slice %arg10[%rem3A_163, %gather3A_371, %gather3A_372] : memref<2x32x256xf32, #tpu.memory_space<vmem>> -> memref<1x32x256xf32, #tpu.memory_space<vmem>>
          %gather3A_374 = tpu.memref_squeeze %gather3A_373 : memref<1x32x256xf32, #tpu.memory_space<vmem>> -> memref<32x256xf32, #tpu.memory_space<vmem>>
          %gather3A_375 = tpu.vector_load_idx %gather3A_374[%broadcast_in_dim3A_370, %select_n3A_221] : memref<32x256xf32, #tpu.memory_space<vmem>>[vector<16xi32>, vector<16xi32>], vector<16xf32>,
          tpu.vector_store_idx %arg12[%iota3A, %broadcast_in_dim3A_370], %gather3A_375 : memref<16x128xf32, #tpu.memory_space<vmem>>[vector<16xi32>, vector<16xi32>], vector<16xf32>,
          %broadcast_in_dim3A_376 = arith.constant 22 : i32
          %broadcast_in_dim3A_377 = vector.broadcast %broadcast_in_dim3A_376 : i32 to vector<16xi32>
          %gather3A_378 = arith.constant 0 : i32
          %gather3A_379 = arith.constant 0 : i32
          %gather3A_380 = tpu.memref_slice %arg10[%rem3A_163, %gather3A_378, %gather3A_379] : memref<2x32x256xf32, #tpu.memory_space<vmem>> -> memref<1x32x256xf32, #tpu.memory_space<vmem>>
          %gather3A_381 = tpu.memref_squeeze %gather3A_380 : memref<1x32x256xf32, #tpu.memory_space<vmem>> -> memref<32x256xf32, #tpu.memory_space<vmem>>
          %gather3A_382 = tpu.vector_load_idx %gather3A_381[%broadcast_in_dim3A_377, %select_n3A_221] : memref<32x256xf32, #tpu.memory_space<vmem>>[vector<16xi32>, vector<16xi32>], vector<16xf32>,
          tpu.vector_store_idx %arg12[%iota3A, %broadcast_in_dim3A_377], %gather3A_382 : memref<16x128xf32, #tpu.memory_space<vmem>>[vector<16xi32>, vector<16xi32>], vector<16xf32>,
          %broadcast_in_dim3A_383 = arith.constant 23 : i32
          %broadcast_in_dim3A_384 = vector.broadcast %broadcast_in_dim3A_383 : i32 to vector<16xi32>
          %gather3A_385 = arith.constant 0 : i32
          %gather3A_386 = arith.constant 0 : i32
          %gather3A_387 = tpu.memref_slice %arg10[%rem3A_163, %gather3A_385, %gather3A_386] : memref<2x32x256xf32, #tpu.memory_space<vmem>> -> memref<1x32x256xf32, #tpu.memory_space<vmem>>
          %gather3A_388 = tpu.memref_squeeze %gather3A_387 : memref<1x32x256xf32, #tpu.memory_space<vmem>> -> memref<32x256xf32, #tpu.memory_space<vmem>>
          %gather3A_389 = tpu.vector_load_idx %gather3A_388[%broadcast_in_dim3A_384, %select_n3A_221] : memref<32x256xf32, #tpu.memory_space<vmem>>[vector<16xi32>, vector<16xi32>], vector<16xf32>,
          tpu.vector_store_idx %arg12[%iota3A, %broadcast_in_dim3A_384], %gather3A_389 : memref<16x128xf32, #tpu.memory_space<vmem>>[vector<16xi32>, vector<16xi32>], vector<16xf32>,
          %broadcast_in_dim3A_390 = arith.constant 24 : i32
          %broadcast_in_dim3A_391 = vector.broadcast %broadcast_in_dim3A_390 : i32 to vector<16xi32>
          %gather3A_392 = arith.constant 0 : i32
          %gather3A_393 = arith.constant 0 : i32
          %gather3A_394 = tpu.memref_slice %arg10[%rem3A_163, %gather3A_392, %gather3A_393] : memref<2x32x256xf32, #tpu.memory_space<vmem>> -> memref<1x32x256xf32, #tpu.memory_space<vmem>>
          %gather3A_395 = tpu.memref_squeeze %gather3A_394 : memref<1x32x256xf32, #tpu.memory_space<vmem>> -> memref<32x256xf32, #tpu.memory_space<vmem>>
          %gather3A_396 = tpu.vector_load_idx %gather3A_395[%broadcast_in_dim3A_391, %select_n3A_221] : memref<32x256xf32, #tpu.memory_space<vmem>>[vector<16xi32>, vector<16xi32>], vector<16xf32>,
          tpu.vector_store_idx %arg12[%iota3A, %broadcast_in_dim3A_391], %gather3A_396 : memref<16x128xf32, #tpu.memory_space<vmem>>[vector<16xi32>, vector<16xi32>], vector<16xf32>,
          %broadcast_in_dim3A_397 = arith.constant 25 : i32
          %broadcast_in_dim3A_398 = vector.broadcast %broadcast_in_dim3A_397 : i32 to vector<16xi32>
          %gather3A_399 = arith.constant 0 : i32
          %gather3A_400 = arith.constant 0 : i32
          %gather3A_401 = tpu.memref_slice %arg10[%rem3A_163, %gather3A_399, %gather3A_400] : memref<2x32x256xf32, #tpu.memory_space<vmem>> -> memref<1x32x256xf32, #tpu.memory_space<vmem>>
          %gather3A_402 = tpu.memref_squeeze %gather3A_401 : memref<1x32x256xf32, #tpu.memory_space<vmem>> -> memref<32x256xf32, #tpu.memory_space<vmem>>
          %gather3A_403 = tpu.vector_load_idx %gather3A_402[%broadcast_in_dim3A_398, %select_n3A_221] : memref<32x256xf32, #tpu.memory_space<vmem>>[vector<16xi32>, vector<16xi32>], vector<16xf32>,
          tpu.vector_store_idx %arg12[%iota3A, %broadcast_in_dim3A_398], %gather3A_403 : memref<16x128xf32, #tpu.memory_space<vmem>>[vector<16xi32>, vector<16xi32>], vector<16xf32>,
          %broadcast_in_dim3A_404 = arith.constant 26 : i32
          %broadcast_in_dim3A_405 = vector.broadcast %broadcast_in_dim3A_404 : i32 to vector<16xi32>
          %gather3A_406 = arith.constant 0 : i32
          %gather3A_407 = arith.constant 0 : i32
          %gather3A_408 = tpu.memref_slice %arg10[%rem3A_163, %gather3A_406, %gather3A_407] : memref<2x32x256xf32, #tpu.memory_space<vmem>> -> memref<1x32x256xf32, #tpu.memory_space<vmem>>
          %gather3A_409 = tpu.memref_squeeze %gather3A_408 : memref<1x32x256xf32, #tpu.memory_space<vmem>> -> memref<32x256xf32, #tpu.memory_space<vmem>>
          %gather3A_410 = tpu.vector_load_idx %gather3A_409[%broadcast_in_dim3A_405, %select_n3A_221] : memref<32x256xf32, #tpu.memory_space<vmem>>[vector<16xi32>, vector<16xi32>], vector<16xf32>,
          tpu.vector_store_idx %arg12[%iota3A, %broadcast_in_dim3A_405], %gather3A_410 : memref<16x128xf32, #tpu.memory_space<vmem>>[vector<16xi32>, vector<16xi32>], vector<16xf32>,
          %broadcast_in_dim3A_411 = arith.constant 27 : i32
          %broadcast_in_dim3A_412 = vector.broadcast %broadcast_in_dim3A_411 : i32 to vector<16xi32>
          %gather3A_413 = arith.constant 0 : i32
          %gather3A_414 = arith.constant 0 : i32
          %gather3A_415 = tpu.memref_slice %arg10[%rem3A_163, %gather3A_413, %gather3A_414] : memref<2x32x256xf32, #tpu.memory_space<vmem>> -> memref<1x32x256xf32, #tpu.memory_space<vmem>>
          %gather3A_416 = tpu.memref_squeeze %gather3A_415 : memref<1x32x256xf32, #tpu.memory_space<vmem>> -> memref<32x256xf32, #tpu.memory_space<vmem>>
          %gather3A_417 = tpu.vector_load_idx %gather3A_416[%broadcast_in_dim3A_412, %select_n3A_221] : memref<32x256xf32, #tpu.memory_space<vmem>>[vector<16xi32>, vector<16xi32>], vector<16xf32>,
          tpu.vector_store_idx %arg12[%iota3A, %broadcast_in_dim3A_412], %gather3A_417 : memref<16x128xf32, #tpu.memory_space<vmem>>[vector<16xi32>, vector<16xi32>], vector<16xf32>,
          %broadcast_in_dim3A_418 = arith.constant 28 : i32
          %broadcast_in_dim3A_419 = vector.broadcast %broadcast_in_dim3A_418 : i32 to vector<16xi32>
          %gather3A_420 = arith.constant 0 : i32
          %gather3A_421 = arith.constant 0 : i32
          %gather3A_422 = tpu.memref_slice %arg10[%rem3A_163, %gather3A_420, %gather3A_421] : memref<2x32x256xf32, #tpu.memory_space<vmem>> -> memref<1x32x256xf32, #tpu.memory_space<vmem>>
          %gather3A_423 = tpu.memref_squeeze %gather3A_422 : memref<1x32x256xf32, #tpu.memory_space<vmem>> -> memref<32x256xf32, #tpu.memory_space<vmem>>
          %gather3A_424 = tpu.vector_load_idx %gather3A_423[%broadcast_in_dim3A_419, %select_n3A_221] : memref<32x256xf32, #tpu.memory_space<vmem>>[vector<16xi32>, vector<16xi32>], vector<16xf32>,
          tpu.vector_store_idx %arg12[%iota3A, %broadcast_in_dim3A_419], %gather3A_424 : memref<16x128xf32, #tpu.memory_space<vmem>>[vector<16xi32>, vector<16xi32>], vector<16xf32>,
          %broadcast_in_dim3A_425 = arith.constant 29 : i32
          %broadcast_in_dim3A_426 = vector.broadcast %broadcast_in_dim3A_425 : i32 to vector<16xi32>
          %gather3A_427 = arith.constant 0 : i32
          %gather3A_428 = arith.constant 0 : i32
          %gather3A_429 = tpu.memref_slice %arg10[%rem3A_163, %gather3A_427, %gather3A_428] : memref<2x32x256xf32, #tpu.memory_space<vmem>> -> memref<1x32x256xf32, #tpu.memory_space<vmem>>
          %gather3A_430 = tpu.memref_squeeze %gather3A_429 : memref<1x32x256xf32, #tpu.memory_space<vmem>> -> memref<32x256xf32, #tpu.memory_space<vmem>>
          %gather3A_431 = tpu.vector_load_idx %gather3A_430[%broadcast_in_dim3A_426, %select_n3A_221] : memref<32x256xf32, #tpu.memory_space<vmem>>[vector<16xi32>, vector<16xi32>], vector<16xf32>,
          tpu.vector_store_idx %arg12[%iota3A, %broadcast_in_dim3A_426], %gather3A_431 : memref<16x128xf32, #tpu.memory_space<vmem>>[vector<16xi32>, vector<16xi32>], vector<16xf32>,
          %broadcast_in_dim3A_432 = arith.constant 30 : i32
          %broadcast_in_dim3A_433 = vector.broadcast %broadcast_in_dim3A_432 : i32 to vector<16xi32>
          %gather3A_434 = arith.constant 0 : i32
          %gather3A_435 = arith.constant 0 : i32
          %gather3A_436 = tpu.memref_slice %arg10[%rem3A_163, %gather3A_434, %gather3A_435] : memref<2x32x256xf32, #tpu.memory_space<vmem>> -> memref<1x32x256xf32, #tpu.memory_space<vmem>>
          %gather3A_437 = tpu.memref_squeeze %gather3A_436 : memref<1x32x256xf32, #tpu.memory_space<vmem>> -> memref<32x256xf32, #tpu.memory_space<vmem>>
          %gather3A_438 = tpu.vector_load_idx %gather3A_437[%broadcast_in_dim3A_433, %select_n3A_221] : memref<32x256xf32, #tpu.memory_space<vmem>>[vector<16xi32>, vector<16xi32>], vector<16xf32>,
          tpu.vector_store_idx %arg12[%iota3A, %broadcast_in_dim3A_433], %gather3A_438 : memref<16x128xf32, #tpu.memory_space<vmem>>[vector<16xi32>, vector<16xi32>], vector<16xf32>,
          %broadcast_in_dim3A_439 = arith.constant 31 : i32
          %broadcast_in_dim3A_440 = vector.broadcast %broadcast_in_dim3A_439 : i32 to vector<16xi32>
          %gather3A_441 = arith.constant 0 : i32
          %gather3A_442 = arith.constant 0 : i32
          %gather3A_443 = tpu.memref_slice %arg10[%rem3A_163, %gather3A_441, %gather3A_442] : memref<2x32x256xf32, #tpu.memory_space<vmem>> -> memref<1x32x256xf32, #tpu.memory_space<vmem>>
          %gather3A_444 = tpu.memref_squeeze %gather3A_443 : memref<1x32x256xf32, #tpu.memory_space<vmem>> -> memref<32x256xf32, #tpu.memory_space<vmem>>
          %gather3A_445 = tpu.vector_load_idx %gather3A_444[%broadcast_in_dim3A_440, %select_n3A_221] : memref<32x256xf32, #tpu.memory_space<vmem>>[vector<16xi32>, vector<16xi32>], vector<16xf32>,
          tpu.vector_store_idx %arg12[%iota3A, %broadcast_in_dim3A_440], %gather3A_445 : memref<16x128xf32, #tpu.memory_space<vmem>>[vector<16xi32>, vector<16xi32>], vector<16xf32>,
          %mul3A_446 = arith.constant 8192 : i32
          %mul3A_447 = arith.muli %arg0, %mul3A_446 : i32
          %add3A_448 = vector.broadcast %mul3A_447 : i32 to vector<16xi32>
          %add3A_449 = arith.addi %add3A_448, %get3A_201 : vector<16xi32>
          %add3A_450 = arith.constant 16384 : i32
          %add3A_451 = vector.broadcast %add3A_450 : i32 to vector<16xi32>
          %add3A_452 = arith.addi %add3A_451, %iota3A : vector<16xi32>
          %select_n3A_453 = arith.select %and3A_207, %add3A_449, %add3A_452 : vector<16xi1>, vector<16xi32>
          %swap3A_454 = arith.constant 0 : index
          %swap3A_455 = tpu.vector_load %arg13[%swap3A_454] {strides = array<i32>} : memref<16xi32, #tpu.memory_space<vmem>>, vector<16xi32>,
          tpu.vector_store %arg13[%swap3A_454], %select_n3A_453 {strides = array<i32>} : memref<16xi32, #tpu.memory_space<vmem>>, vector<16xi32>,
          "tpu.region"() ({
            %run_scoped3A = tpu.sem_alloc : memref<!tpu.dma_semaphore, #tpu.memory_space<semaphore_mem>>
            %dma_start3A = arith.constant 0 : i32
            %dma_start3A_456 = arith.constant 0 : i32
            %dma_start3A_457 = tpu.memref_slice %arg7[%dma_start3A, %dma_start3A_456] : memref<16448x128xf32, #tpu.memory_space<hbm>> -> memref<16448x128xf32, #tpu.memory_space<hbm>>
            tpu.enqueue_indirect_dma source(%arg12 : memref<16x128xf32, #tpu.memory_space<vmem>>) target(%dma_start3A_457 : memref<16448x128xf32, #tpu.memory_space<hbm>>) offsets(%arg13 : memref<16xi32, #tpu.memory_space<vmem>>) semaphore(%run_scoped3A : memref<!tpu.dma_semaphore, #tpu.memory_space<semaphore_mem>>)
            %dma_wait3A_458 = arith.constant 0 : i32
            %dma_wait3A_459 = arith.constant 0 : i32
            %dma_wait3A_460 = tpu.memref_slice %arg7[%dma_wait3A_458, %dma_wait3A_459] : memref<16448x128xf32, #tpu.memory_space<hbm>> -> memref<16448x128xf32, #tpu.memory_space<hbm>>
            tpu.wait_indirect_dma semaphore(%run_scoped3A : memref<!tpu.dma_semaphore, #tpu.memory_space<semaphore_mem>>) src(%arg12 : memref<16x128xf32, #tpu.memory_space<vmem>>) dst(%dma_wait3A_460 : memref<16448x128xf32, #tpu.memory_space<hbm>>)
            tpu.yield
          }) : () -> ()
        } else {
        }
      }
    }
    %while3A_96 = arith.constant 1 : i32
    scf.for %while3A_161 = %while3A_94 to %while3A_90 step %while3A_96  : i32 {
      %rem3A_162 = arith.constant 2 : i32
      %rem3A_163 = arith.remsi %while3A_161, %rem3A_162 : i32
      %add3A_164 = arith.constant 1 : i32
      %add3A_165 = arith.addi %while3A_161, %add3A_164 : i32
      %lt3A = arith.cmpi slt, %add3A_165, %sub3A_85 : i32
      %convert_element_type3A_166 = arith.extui %lt3A : i1 to i32
      %cond3A_167 = arith.constant 0 : i32
      %cond3A_168 = arith.cmpi ne, %convert_element_type3A_166, %cond3A_167 : i32
      scf.if %cond3A_168 {
        %add3A_198 = arith.addi %select_n3A, %while3A_161 : i32
        %add3A_199 = arith.constant 1 : i32
        %add3A_200 = arith.addi %add3A_198, %add3A_199 : i32
        %sub3A_201 = arith.constant 1 : i32
        %sub3A_202 = arith.subi %sub3A_201, %rem3A_163 : i32
        %mul3A_203 = arith.constant 256 : i32
        %mul3A_204 = arith.muli %add3A_200, %mul3A_203 : i32
        %dma_start3A = arith.constant 0 : i32
        %dma_start3A_205 = arith.constant 0 : i32
        %dma_start3A_206 = tpu.memref_slice %arg10[%sub3A_202, %dma_start3A, %dma_start3A_205] : memref<2x32x256xf32, #tpu.memory_space<vmem>> -> memref<1x32x256xf32, #tpu.memory_space<vmem>>
        %dma_start3A_207 = tpu.memref_squeeze %dma_start3A_206 : memref<1x32x256xf32, #tpu.memory_space<vmem>> -> memref<32x256xf32, #tpu.memory_space<vmem>>
        %dma_start3A_208 = arith.constant 0 : i32
        %dma_start3A_209 = tpu.memref_slice %arg2[%dma_start3A_208, %mul3A_204] : memref<32x1000000xf32, #tpu.memory_space<hbm>> -> memref<32x256xf32, #tpu.memory_space<hbm>>
        %dma_start3A_210 = tpu.memref_slice %arg19[%sub3A_202] : memref<2x!tpu.dma_semaphore, #tpu.memory_space<semaphore_mem>> -> memref<1x!tpu.dma_semaphore, #tpu.memory_space<semaphore_mem>>
        %dma_start3A_211 = tpu.memref_squeeze %dma_start3A_210 : memref<1x!tpu.dma_semaphore, #tpu.memory_space<semaphore_mem>> -> memref<!tpu.dma_semaphore, #tpu.memory_space<semaphore_mem>>
        %dma_start3A_212 = arith.constant 0 : i32
        %dma_start3A_213 = arith.constant 0 : i32
        %dma_start3A_214 = tpu.memref_slice %arg10[%sub3A_202, %dma_start3A_212, %dma_start3A_213] : memref<2x32x256xf32, #tpu.memory_space<vmem>> -> memref<1x32x256xf32, #tpu.memory_space<vmem>>
        %dma_start3A_215 = tpu.memref_squeeze %dma_start3A_214 : memref<1x32x256xf32, #tpu.memory_space<vmem>> -> memref<32x256xf32, #tpu.memory_space<vmem>>
        %dma_start3A_216 = arith.constant 0 : i32
        %dma_start3A_217 = tpu.memref_slice %arg2[%dma_start3A_216, %mul3A_204] : memref<32x1000000xf32, #tpu.memory_space<hbm>> -> memref<32x256xf32, #tpu.memory_space<hbm>>
        tpu.enqueue_dma source(%dma_start3A_217 : memref<32x256xf32, #tpu.memory_space<hbm>>) target(%dma_start3A_215 : memref<32x256xf32, #tpu.memory_space<vmem>>) target_semaphore(%dma_start3A_211 : memref<!tpu.dma_semaphore, #tpu.memory_space<semaphore_mem>>)
      } else {
      }
      %dma_wait3A_169 = arith.constant 0 : i32
      %dma_wait3A_170 = arith.constant 0 : i32
      %dma_wait3A_171 = tpu.memref_slice %arg10[%rem3A_163, %dma_wait3A_169, %dma_wait3A_170] : memref<2x32x256xf32, #tpu.memory_space<vmem>> -> memref<1x32x256xf32, #tpu.memory_space<vmem>>
      %dma_wait3A_172 = tpu.memref_squeeze %dma_wait3A_171 : memref<1x32x256xf32, #tpu.memory_space<vmem>> -> memref<32x256xf32, #tpu.memory_space<vmem>>
      %dma_wait3A_173 = arith.constant 0 : i32
      %dma_wait3A_174 = arith.constant 0 : i32
      %dma_wait3A_175 = tpu.memref_slice %arg2[%dma_wait3A_173, %dma_wait3A_174] : memref<32x1000000xf32, #tpu.memory_space<hbm>> -> memref<32x256xf32, #tpu.memory_space<hbm>>
      %dma_wait3A_176 = tpu.memref_slice %arg19[%rem3A_163] : memref<2x!tpu.dma_semaphore, #tpu.memory_space<semaphore_mem>> -> memref<1x!tpu.dma_semaphore, #tpu.memory_space<semaphore_mem>>
      %dma_wait3A_177 = tpu.memref_squeeze %dma_wait3A_176 : memref<1x!tpu.dma_semaphore, #tpu.memory_space<semaphore_mem>> -> memref<!tpu.dma_semaphore, #tpu.memory_space<semaphore_mem>>
      %dma_wait3A_178 = arith.constant 0 : i32
      %dma_wait3A_179 = arith.constant 0 : i32
      %dma_wait3A_180 = tpu.memref_slice %arg10[%rem3A_163, %dma_wait3A_178, %dma_wait3A_179] : memref<2x32x256xf32, #tpu.memory_space<vmem>> -> memref<1x32x256xf32, #tpu.memory_space<vmem>>
      %dma_wait3A_181 = tpu.memref_squeeze %dma_wait3A_180 : memref<1x32x256xf32, #tpu.memory_space<vmem>> -> memref<32x256xf32, #tpu.memory_space<vmem>>
      %dma_wait3A_182 = arith.constant 0 : i32
      %dma_wait3A_183 = arith.constant 0 : i32
      %dma_wait3A_184 = tpu.memref_slice %arg2[%dma_wait3A_182, %dma_wait3A_183] : memref<32x1000000xf32, #tpu.memory_space<hbm>> -> memref<32x256xf32, #tpu.memory_space<hbm>>
      tpu.wait_dma2 semaphore(%dma_wait3A_177 : memref<!tpu.dma_semaphore, #tpu.memory_space<semaphore_mem>>) src(%dma_wait3A_184 : memref<32x256xf32, #tpu.memory_space<hbm>>) dst(%dma_wait3A_181 : memref<32x256xf32, #tpu.memory_space<vmem>>)
      %add3A_185 = arith.addi %select_n3A, %while3A_161 : i32
      %mul3A_186 = arith.constant 256 : i32
      %mul3A_187 = arith.muli %add3A_185, %mul3A_186 : i32
      %while3A_188 = arith.constant 0 : i32
      %while3A_189 = arith.constant 0 : i32
      %while3A_190 = arith.subi %select_n3A_83, %while3A_189 : i32
      %while3A_191 = arith.addi %while3A_189, %while3A_190 : i32
      %while3A_192 = arith.constant 1 : i32
      %while3A_193 = arith.divsi %while3A_190, %while3A_192 : i32
      %while3A_194 = arith.muli %while3A_193, %while3A_192 : i32
      %while3A_195 = arith.addi %while3A_189, %while3A_194 : i32
      %while3A_196 = arith.constant 1 : i32
      scf.for %while3A_198 = %while3A_189 to %while3A_195 step %while3A_196  : i32 {
        %mul3A_199 = arith.constant 16 : i32
        %mul3A_200 = arith.muli %while3A_198, %mul3A_199 : i32
        %get3A = arith.index_cast %mul3A_200 : i32 to index
        %get3A_201 = tpu.vector_load %arg9[%get3A] {strides = array<i32>} : memref<8208xi32, #tpu.memory_space<vmem>>, vector<16xi32>,
        %gather3A = tpu.vector_load_idx %arg8[%get3A_201] : memref<8192xi32, #tpu.memory_space<vmem>>[vector<16xi32>], vector<16xi32>,
        %ge3A = vector.broadcast %mul3A_187 : i32 to vector<16xi32>
        %ge3A_202 = arith.cmpi sge, %gather3A, %ge3A : vector<16xi32>
        %add3A_203 = arith.constant 256 : i32
        %add3A_204 = arith.addi %mul3A_187, %add3A_203 : i32
        %lt3A_205 = vector.broadcast %add3A_204 : i32 to vector<16xi32>
        %lt3A_206 = arith.cmpi slt, %gather3A, %lt3A_205 : vector<16xi32>
        %and3A_207 = arith.andi %ge3A_202, %lt3A_206 : vector<16xi1>
        %convert_element_type3A_208 = arith.extui %and3A_207 : vector<16xi1> to vector<16xi32>
        %reduce_sum3A = arith.constant true
        %reduce_sum3A_209 = vector.broadcast %reduce_sum3A : i1 to vector<16xi1>
        %reduce_sum3A_210 = tpu.scan <sum>, %convert_element_type3A_208 masked %reduce_sum3A_209 : vector<16xi32>, vector<16xi1> -> vector<16xi32>
        %reduce_sum3A_211 = vector.extract %reduce_sum3A_210[15] : i32 from vector<16xi32>
        %gt3A_212 = arith.constant 0 : i32
        %gt3A_213 = arith.cmpi sgt, %reduce_sum3A_211, %gt3A_212 : i32
        %convert_element_type3A_214 = arith.extui %gt3A_213 : i1 to i32
        %cond3A_215 = arith.constant 0 : i32
        %cond3A_216 = arith.cmpi ne, %convert_element_type3A_214, %cond3A_215 : i32
        scf.if %cond3A_216 {
          %sub3A_217 = vector.broadcast %mul3A_187 : i32 to vector<16xi32>
          %sub3A_218 = arith.subi %gather3A, %sub3A_217 : vector<16xi32>
          %jit3A_219 = arith.constant 0 : i32
          %broadcast_in_dim3A_220 = vector.broadcast %jit3A_219 : i32 to vector<16xi32>
          %select_n3A_221 = arith.select %and3A_207, %sub3A_218, %broadcast_in_dim3A_220 : vector<16xi1>, vector<16xi32>
          %broadcast_in_dim3A_222 = arith.constant 0 : i32
          %broadcast_in_dim3A_223 = vector.broadcast %broadcast_in_dim3A_222 : i32 to vector<16xi32>
          %gather3A_224 = arith.constant 0 : i32
          %gather3A_225 = arith.constant 0 : i32
          %gather3A_226 = tpu.memref_slice %arg10[%rem3A_163, %gather3A_224, %gather3A_225] : memref<2x32x256xf32, #tpu.memory_space<vmem>> -> memref<1x32x256xf32, #tpu.memory_space<vmem>>
          %gather3A_227 = tpu.memref_squeeze %gather3A_226 : memref<1x32x256xf32, #tpu.memory_space<vmem>> -> memref<32x256xf32, #tpu.memory_space<vmem>>
          %gather3A_228 = tpu.vector_load_idx %gather3A_227[%broadcast_in_dim3A_223, %select_n3A_221] : memref<32x256xf32, #tpu.memory_space<vmem>>[vector<16xi32>, vector<16xi32>], vector<16xf32>,
          tpu.vector_store_idx %arg12[%iota3A, %broadcast_in_dim3A_223], %gather3A_228 : memref<16x128xf32, #tpu.memory_space<vmem>>[vector<16xi32>, vector<16xi32>], vector<16xf32>,
          %broadcast_in_dim3A_229 = arith.constant 1 : i32
          %broadcast_in_dim3A_230 = vector.broadcast %broadcast_in_dim3A_229 : i32 to vector<16xi32>
          %gather3A_231 = arith.constant 0 : i32
          %gather3A_232 = arith.constant 0 : i32
          %gather3A_233 = tpu.memref_slice %arg10[%rem3A_163, %gather3A_231, %gather3A_232] : memref<2x32x256xf32, #tpu.memory_space<vmem>> -> memref<1x32x256xf32, #tpu.memory_space<vmem>>
          %gather3A_234 = tpu.memref_squeeze %gather3A_233 : memref<1x32x256xf32, #tpu.memory_space<vmem>> -> memref<32x256xf32, #tpu.memory_space<vmem>>
          %gather3A_235 = tpu.vector_load_idx %gather3A_234[%broadcast_in_dim3A_230, %select_n3A_221] : memref<32x256xf32, #tpu.memory_space<vmem>>[vector<16xi32>, vector<16xi32>], vector<16xf32>,
          tpu.vector_store_idx %arg12[%iota3A, %broadcast_in_dim3A_230], %gather3A_235 : memref<16x128xf32, #tpu.memory_space<vmem>>[vector<16xi32>, vector<16xi32>], vector<16xf32>,
          %broadcast_in_dim3A_236 = arith.constant 2 : i32
          %broadcast_in_dim3A_237 = vector.broadcast %broadcast_in_dim3A_236 : i32 to vector<16xi32>
          %gather3A_238 = arith.constant 0 : i32
          %gather3A_239 = arith.constant 0 : i32
          %gather3A_240 = tpu.memref_slice %arg10[%rem3A_163, %gather3A_238, %gather3A_239] : memref<2x32x256xf32, #tpu.memory_space<vmem>> -> memref<1x32x256xf32, #tpu.memory_space<vmem>>
          %gather3A_241 = tpu.memref_squeeze %gather3A_240 : memref<1x32x256xf32, #tpu.memory_space<vmem>> -> memref<32x256xf32, #tpu.memory_space<vmem>>
          %gather3A_242 = tpu.vector_load_idx %gather3A_241[%broadcast_in_dim3A_237, %select_n3A_221] : memref<32x256xf32, #tpu.memory_space<vmem>>[vector<16xi32>, vector<16xi32>], vector<16xf32>,
          tpu.vector_store_idx %arg12[%iota3A, %broadcast_in_dim3A_237], %gather3A_242 : memref<16x128xf32, #tpu.memory_space<vmem>>[vector<16xi32>, vector<16xi32>], vector<16xf32>,
          %broadcast_in_dim3A_243 = arith.constant 3 : i32
          %broadcast_in_dim3A_244 = vector.broadcast %broadcast_in_dim3A_243 : i32 to vector<16xi32>
          %gather3A_245 = arith.constant 0 : i32
          %gather3A_246 = arith.constant 0 : i32
          %gather3A_247 = tpu.memref_slice %arg10[%rem3A_163, %gather3A_245, %gather3A_246] : memref<2x32x256xf32, #tpu.memory_space<vmem>> -> memref<1x32x256xf32, #tpu.memory_space<vmem>>
          %gather3A_248 = tpu.memref_squeeze %gather3A_247 : memref<1x32x256xf32, #tpu.memory_space<vmem>> -> memref<32x256xf32, #tpu.memory_space<vmem>>
          %gather3A_249 = tpu.vector_load_idx %gather3A_248[%broadcast_in_dim3A_244, %select_n3A_221] : memref<32x256xf32, #tpu.memory_space<vmem>>[vector<16xi32>, vector<16xi32>], vector<16xf32>,
          tpu.vector_store_idx %arg12[%iota3A, %broadcast_in_dim3A_244], %gather3A_249 : memref<16x128xf32, #tpu.memory_space<vmem>>[vector<16xi32>, vector<16xi32>], vector<16xf32>,
          %broadcast_in_dim3A_250 = arith.constant 4 : i32
          %broadcast_in_dim3A_251 = vector.broadcast %broadcast_in_dim3A_250 : i32 to vector<16xi32>
          %gather3A_252 = arith.constant 0 : i32
          %gather3A_253 = arith.constant 0 : i32
          %gather3A_254 = tpu.memref_slice %arg10[%rem3A_163, %gather3A_252, %gather3A_253] : memref<2x32x256xf32, #tpu.memory_space<vmem>> -> memref<1x32x256xf32, #tpu.memory_space<vmem>>
          %gather3A_255 = tpu.memref_squeeze %gather3A_254 : memref<1x32x256xf32, #tpu.memory_space<vmem>> -> memref<32x256xf32, #tpu.memory_space<vmem>>
          %gather3A_256 = tpu.vector_load_idx %gather3A_255[%broadcast_in_dim3A_251, %select_n3A_221] : memref<32x256xf32, #tpu.memory_space<vmem>>[vector<16xi32>, vector<16xi32>], vector<16xf32>,
          tpu.vector_store_idx %arg12[%iota3A, %broadcast_in_dim3A_251], %gather3A_256 : memref<16x128xf32, #tpu.memory_space<vmem>>[vector<16xi32>, vector<16xi32>], vector<16xf32>,
          %broadcast_in_dim3A_257 = arith.constant 5 : i32
          %broadcast_in_dim3A_258 = vector.broadcast %broadcast_in_dim3A_257 : i32 to vector<16xi32>
          %gather3A_259 = arith.constant 0 : i32
          %gather3A_260 = arith.constant 0 : i32
          %gather3A_261 = tpu.memref_slice %arg10[%rem3A_163, %gather3A_259, %gather3A_260] : memref<2x32x256xf32, #tpu.memory_space<vmem>> -> memref<1x32x256xf32, #tpu.memory_space<vmem>>
          %gather3A_262 = tpu.memref_squeeze %gather3A_261 : memref<1x32x256xf32, #tpu.memory_space<vmem>> -> memref<32x256xf32, #tpu.memory_space<vmem>>
          %gather3A_263 = tpu.vector_load_idx %gather3A_262[%broadcast_in_dim3A_258, %select_n3A_221] : memref<32x256xf32, #tpu.memory_space<vmem>>[vector<16xi32>, vector<16xi32>], vector<16xf32>,
          tpu.vector_store_idx %arg12[%iota3A, %broadcast_in_dim3A_258], %gather3A_263 : memref<16x128xf32, #tpu.memory_space<vmem>>[vector<16xi32>, vector<16xi32>], vector<16xf32>,
          %broadcast_in_dim3A_264 = arith.constant 6 : i32
          %broadcast_in_dim3A_265 = vector.broadcast %broadcast_in_dim3A_264 : i32 to vector<16xi32>
          %gather3A_266 = arith.constant 0 : i32
          %gather3A_267 = arith.constant 0 : i32
          %gather3A_268 = tpu.memref_slice %arg10[%rem3A_163, %gather3A_266, %gather3A_267] : memref<2x32x256xf32, #tpu.memory_space<vmem>> -> memref<1x32x256xf32, #tpu.memory_space<vmem>>
          %gather3A_269 = tpu.memref_squeeze %gather3A_268 : memref<1x32x256xf32, #tpu.memory_space<vmem>> -> memref<32x256xf32, #tpu.memory_space<vmem>>
          %gather3A_270 = tpu.vector_load_idx %gather3A_269[%broadcast_in_dim3A_265, %select_n3A_221] : memref<32x256xf32, #tpu.memory_space<vmem>>[vector<16xi32>, vector<16xi32>], vector<16xf32>,
          tpu.vector_store_idx %arg12[%iota3A, %broadcast_in_dim3A_265], %gather3A_270 : memref<16x128xf32, #tpu.memory_space<vmem>>[vector<16xi32>, vector<16xi32>], vector<16xf32>,
          %broadcast_in_dim3A_271 = arith.constant 7 : i32
          %broadcast_in_dim3A_272 = vector.broadcast %broadcast_in_dim3A_271 : i32 to vector<16xi32>
          %gather3A_273 = arith.constant 0 : i32
          %gather3A_274 = arith.constant 0 : i32
          %gather3A_275 = tpu.memref_slice %arg10[%rem3A_163, %gather3A_273, %gather3A_274] : memref<2x32x256xf32, #tpu.memory_space<vmem>> -> memref<1x32x256xf32, #tpu.memory_space<vmem>>
          %gather3A_276 = tpu.memref_squeeze %gather3A_275 : memref<1x32x256xf32, #tpu.memory_space<vmem>> -> memref<32x256xf32, #tpu.memory_space<vmem>>
          %gather3A_277 = tpu.vector_load_idx %gather3A_276[%broadcast_in_dim3A_272, %select_n3A_221] : memref<32x256xf32, #tpu.memory_space<vmem>>[vector<16xi32>, vector<16xi32>], vector<16xf32>,
          tpu.vector_store_idx %arg12[%iota3A, %broadcast_in_dim3A_272], %gather3A_277 : memref<16x128xf32, #tpu.memory_space<vmem>>[vector<16xi32>, vector<16xi32>], vector<16xf32>,
          %broadcast_in_dim3A_278 = arith.constant 8 : i32
          %broadcast_in_dim3A_279 = vector.broadcast %broadcast_in_dim3A_278 : i32 to vector<16xi32>
          %gather3A_280 = arith.constant 0 : i32
          %gather3A_281 = arith.constant 0 : i32
          %gather3A_282 = tpu.memref_slice %arg10[%rem3A_163, %gather3A_280, %gather3A_281] : memref<2x32x256xf32, #tpu.memory_space<vmem>> -> memref<1x32x256xf32, #tpu.memory_space<vmem>>
          %gather3A_283 = tpu.memref_squeeze %gather3A_282 : memref<1x32x256xf32, #tpu.memory_space<vmem>> -> memref<32x256xf32, #tpu.memory_space<vmem>>
          %gather3A_284 = tpu.vector_load_idx %gather3A_283[%broadcast_in_dim3A_279, %select_n3A_221] : memref<32x256xf32, #tpu.memory_space<vmem>>[vector<16xi32>, vector<16xi32>], vector<16xf32>,
          tpu.vector_store_idx %arg12[%iota3A, %broadcast_in_dim3A_279], %gather3A_284 : memref<16x128xf32, #tpu.memory_space<vmem>>[vector<16xi32>, vector<16xi32>], vector<16xf32>,
          %broadcast_in_dim3A_285 = arith.constant 9 : i32
          %broadcast_in_dim3A_286 = vector.broadcast %broadcast_in_dim3A_285 : i32 to vector<16xi32>
          %gather3A_287 = arith.constant 0 : i32
          %gather3A_288 = arith.constant 0 : i32
          %gather3A_289 = tpu.memref_slice %arg10[%rem3A_163, %gather3A_287, %gather3A_288] : memref<2x32x256xf32, #tpu.memory_space<vmem>> -> memref<1x32x256xf32, #tpu.memory_space<vmem>>
          %gather3A_290 = tpu.memref_squeeze %gather3A_289 : memref<1x32x256xf32, #tpu.memory_space<vmem>> -> memref<32x256xf32, #tpu.memory_space<vmem>>
          %gather3A_291 = tpu.vector_load_idx %gather3A_290[%broadcast_in_dim3A_286, %select_n3A_221] : memref<32x256xf32, #tpu.memory_space<vmem>>[vector<16xi32>, vector<16xi32>], vector<16xf32>,
          tpu.vector_store_idx %arg12[%iota3A, %broadcast_in_dim3A_286], %gather3A_291 : memref<16x128xf32, #tpu.memory_space<vmem>>[vector<16xi32>, vector<16xi32>], vector<16xf32>,
          %broadcast_in_dim3A_292 = arith.constant 10 : i32
          %broadcast_in_dim3A_293 = vector.broadcast %broadcast_in_dim3A_292 : i32 to vector<16xi32>
          %gather3A_294 = arith.constant 0 : i32
          %gather3A_295 = arith.constant 0 : i32
          %gather3A_296 = tpu.memref_slice %arg10[%rem3A_163, %gather3A_294, %gather3A_295] : memref<2x32x256xf32, #tpu.memory_space<vmem>> -> memref<1x32x256xf32, #tpu.memory_space<vmem>>
          %gather3A_297 = tpu.memref_squeeze %gather3A_296 : memref<1x32x256xf32, #tpu.memory_space<vmem>> -> memref<32x256xf32, #tpu.memory_space<vmem>>
          %gather3A_298 = tpu.vector_load_idx %gather3A_297[%broadcast_in_dim3A_293, %select_n3A_221] : memref<32x256xf32, #tpu.memory_space<vmem>>[vector<16xi32>, vector<16xi32>], vector<16xf32>,
          tpu.vector_store_idx %arg12[%iota3A, %broadcast_in_dim3A_293], %gather3A_298 : memref<16x128xf32, #tpu.memory_space<vmem>>[vector<16xi32>, vector<16xi32>], vector<16xf32>,
          %broadcast_in_dim3A_299 = arith.constant 11 : i32
          %broadcast_in_dim3A_300 = vector.broadcast %broadcast_in_dim3A_299 : i32 to vector<16xi32>
          %gather3A_301 = arith.constant 0 : i32
          %gather3A_302 = arith.constant 0 : i32
          %gather3A_303 = tpu.memref_slice %arg10[%rem3A_163, %gather3A_301, %gather3A_302] : memref<2x32x256xf32, #tpu.memory_space<vmem>> -> memref<1x32x256xf32, #tpu.memory_space<vmem>>
          %gather3A_304 = tpu.memref_squeeze %gather3A_303 : memref<1x32x256xf32, #tpu.memory_space<vmem>> -> memref<32x256xf32, #tpu.memory_space<vmem>>
          %gather3A_305 = tpu.vector_load_idx %gather3A_304[%broadcast_in_dim3A_300, %select_n3A_221] : memref<32x256xf32, #tpu.memory_space<vmem>>[vector<16xi32>, vector<16xi32>], vector<16xf32>,
          tpu.vector_store_idx %arg12[%iota3A, %broadcast_in_dim3A_300], %gather3A_305 : memref<16x128xf32, #tpu.memory_space<vmem>>[vector<16xi32>, vector<16xi32>], vector<16xf32>,
          %broadcast_in_dim3A_306 = arith.constant 12 : i32
          %broadcast_in_dim3A_307 = vector.broadcast %broadcast_in_dim3A_306 : i32 to vector<16xi32>
          %gather3A_308 = arith.constant 0 : i32
          %gather3A_309 = arith.constant 0 : i32
          %gather3A_310 = tpu.memref_slice %arg10[%rem3A_163, %gather3A_308, %gather3A_309] : memref<2x32x256xf32, #tpu.memory_space<vmem>> -> memref<1x32x256xf32, #tpu.memory_space<vmem>>
          %gather3A_311 = tpu.memref_squeeze %gather3A_310 : memref<1x32x256xf32, #tpu.memory_space<vmem>> -> memref<32x256xf32, #tpu.memory_space<vmem>>
          %gather3A_312 = tpu.vector_load_idx %gather3A_311[%broadcast_in_dim3A_307, %select_n3A_221] : memref<32x256xf32, #tpu.memory_space<vmem>>[vector<16xi32>, vector<16xi32>], vector<16xf32>,
          tpu.vector_store_idx %arg12[%iota3A, %broadcast_in_dim3A_307], %gather3A_312 : memref<16x128xf32, #tpu.memory_space<vmem>>[vector<16xi32>, vector<16xi32>], vector<16xf32>,
          %broadcast_in_dim3A_313 = arith.constant 13 : i32
          %broadcast_in_dim3A_314 = vector.broadcast %broadcast_in_dim3A_313 : i32 to vector<16xi32>
          %gather3A_315 = arith.constant 0 : i32
          %gather3A_316 = arith.constant 0 : i32
          %gather3A_317 = tpu.memref_slice %arg10[%rem3A_163, %gather3A_315, %gather3A_316] : memref<2x32x256xf32, #tpu.memory_space<vmem>> -> memref<1x32x256xf32, #tpu.memory_space<vmem>>
          %gather3A_318 = tpu.memref_squeeze %gather3A_317 : memref<1x32x256xf32, #tpu.memory_space<vmem>> -> memref<32x256xf32, #tpu.memory_space<vmem>>
          %gather3A_319 = tpu.vector_load_idx %gather3A_318[%broadcast_in_dim3A_314, %select_n3A_221] : memref<32x256xf32, #tpu.memory_space<vmem>>[vector<16xi32>, vector<16xi32>], vector<16xf32>,
          tpu.vector_store_idx %arg12[%iota3A, %broadcast_in_dim3A_314], %gather3A_319 : memref<16x128xf32, #tpu.memory_space<vmem>>[vector<16xi32>, vector<16xi32>], vector<16xf32>,
          %broadcast_in_dim3A_320 = arith.constant 14 : i32
          %broadcast_in_dim3A_321 = vector.broadcast %broadcast_in_dim3A_320 : i32 to vector<16xi32>
          %gather3A_322 = arith.constant 0 : i32
          %gather3A_323 = arith.constant 0 : i32
          %gather3A_324 = tpu.memref_slice %arg10[%rem3A_163, %gather3A_322, %gather3A_323] : memref<2x32x256xf32, #tpu.memory_space<vmem>> -> memref<1x32x256xf32, #tpu.memory_space<vmem>>
          %gather3A_325 = tpu.memref_squeeze %gather3A_324 : memref<1x32x256xf32, #tpu.memory_space<vmem>> -> memref<32x256xf32, #tpu.memory_space<vmem>>
          %gather3A_326 = tpu.vector_load_idx %gather3A_325[%broadcast_in_dim3A_321, %select_n3A_221] : memref<32x256xf32, #tpu.memory_space<vmem>>[vector<16xi32>, vector<16xi32>], vector<16xf32>,
          tpu.vector_store_idx %arg12[%iota3A, %broadcast_in_dim3A_321], %gather3A_326 : memref<16x128xf32, #tpu.memory_space<vmem>>[vector<16xi32>, vector<16xi32>], vector<16xf32>,
          %broadcast_in_dim3A_327 = arith.constant 15 : i32
          %broadcast_in_dim3A_328 = vector.broadcast %broadcast_in_dim3A_327 : i32 to vector<16xi32>
          %gather3A_329 = arith.constant 0 : i32
          %gather3A_330 = arith.constant 0 : i32
          %gather3A_331 = tpu.memref_slice %arg10[%rem3A_163, %gather3A_329, %gather3A_330] : memref<2x32x256xf32, #tpu.memory_space<vmem>> -> memref<1x32x256xf32, #tpu.memory_space<vmem>>
          %gather3A_332 = tpu.memref_squeeze %gather3A_331 : memref<1x32x256xf32, #tpu.memory_space<vmem>> -> memref<32x256xf32, #tpu.memory_space<vmem>>
          %gather3A_333 = tpu.vector_load_idx %gather3A_332[%broadcast_in_dim3A_328, %select_n3A_221] : memref<32x256xf32, #tpu.memory_space<vmem>>[vector<16xi32>, vector<16xi32>], vector<16xf32>,
          tpu.vector_store_idx %arg12[%iota3A, %broadcast_in_dim3A_328], %gather3A_333 : memref<16x128xf32, #tpu.memory_space<vmem>>[vector<16xi32>, vector<16xi32>], vector<16xf32>,
          %broadcast_in_dim3A_334 = arith.constant 16 : i32
          %broadcast_in_dim3A_335 = vector.broadcast %broadcast_in_dim3A_334 : i32 to vector<16xi32>
          %gather3A_336 = arith.constant 0 : i32
          %gather3A_337 = arith.constant 0 : i32
          %gather3A_338 = tpu.memref_slice %arg10[%rem3A_163, %gather3A_336, %gather3A_337] : memref<2x32x256xf32, #tpu.memory_space<vmem>> -> memref<1x32x256xf32, #tpu.memory_space<vmem>>
          %gather3A_339 = tpu.memref_squeeze %gather3A_338 : memref<1x32x256xf32, #tpu.memory_space<vmem>> -> memref<32x256xf32, #tpu.memory_space<vmem>>
          %gather3A_340 = tpu.vector_load_idx %gather3A_339[%broadcast_in_dim3A_335, %select_n3A_221] : memref<32x256xf32, #tpu.memory_space<vmem>>[vector<16xi32>, vector<16xi32>], vector<16xf32>,
          tpu.vector_store_idx %arg12[%iota3A, %broadcast_in_dim3A_335], %gather3A_340 : memref<16x128xf32, #tpu.memory_space<vmem>>[vector<16xi32>, vector<16xi32>], vector<16xf32>,
          %broadcast_in_dim3A_341 = arith.constant 17 : i32
          %broadcast_in_dim3A_342 = vector.broadcast %broadcast_in_dim3A_341 : i32 to vector<16xi32>
          %gather3A_343 = arith.constant 0 : i32
          %gather3A_344 = arith.constant 0 : i32
          %gather3A_345 = tpu.memref_slice %arg10[%rem3A_163, %gather3A_343, %gather3A_344] : memref<2x32x256xf32, #tpu.memory_space<vmem>> -> memref<1x32x256xf32, #tpu.memory_space<vmem>>
          %gather3A_346 = tpu.memref_squeeze %gather3A_345 : memref<1x32x256xf32, #tpu.memory_space<vmem>> -> memref<32x256xf32, #tpu.memory_space<vmem>>
          %gather3A_347 = tpu.vector_load_idx %gather3A_346[%broadcast_in_dim3A_342, %select_n3A_221] : memref<32x256xf32, #tpu.memory_space<vmem>>[vector<16xi32>, vector<16xi32>], vector<16xf32>,
          tpu.vector_store_idx %arg12[%iota3A, %broadcast_in_dim3A_342], %gather3A_347 : memref<16x128xf32, #tpu.memory_space<vmem>>[vector<16xi32>, vector<16xi32>], vector<16xf32>,
          %broadcast_in_dim3A_348 = arith.constant 18 : i32
          %broadcast_in_dim3A_349 = vector.broadcast %broadcast_in_dim3A_348 : i32 to vector<16xi32>
          %gather3A_350 = arith.constant 0 : i32
          %gather3A_351 = arith.constant 0 : i32
          %gather3A_352 = tpu.memref_slice %arg10[%rem3A_163, %gather3A_350, %gather3A_351] : memref<2x32x256xf32, #tpu.memory_space<vmem>> -> memref<1x32x256xf32, #tpu.memory_space<vmem>>
          %gather3A_353 = tpu.memref_squeeze %gather3A_352 : memref<1x32x256xf32, #tpu.memory_space<vmem>> -> memref<32x256xf32, #tpu.memory_space<vmem>>
          %gather3A_354 = tpu.vector_load_idx %gather3A_353[%broadcast_in_dim3A_349, %select_n3A_221] : memref<32x256xf32, #tpu.memory_space<vmem>>[vector<16xi32>, vector<16xi32>], vector<16xf32>,
          tpu.vector_store_idx %arg12[%iota3A, %broadcast_in_dim3A_349], %gather3A_354 : memref<16x128xf32, #tpu.memory_space<vmem>>[vector<16xi32>, vector<16xi32>], vector<16xf32>,
          %broadcast_in_dim3A_355 = arith.constant 19 : i32
          %broadcast_in_dim3A_356 = vector.broadcast %broadcast_in_dim3A_355 : i32 to vector<16xi32>
          %gather3A_357 = arith.constant 0 : i32
          %gather3A_358 = arith.constant 0 : i32
          %gather3A_359 = tpu.memref_slice %arg10[%rem3A_163, %gather3A_357, %gather3A_358] : memref<2x32x256xf32, #tpu.memory_space<vmem>> -> memref<1x32x256xf32, #tpu.memory_space<vmem>>
          %gather3A_360 = tpu.memref_squeeze %gather3A_359 : memref<1x32x256xf32, #tpu.memory_space<vmem>> -> memref<32x256xf32, #tpu.memory_space<vmem>>
          %gather3A_361 = tpu.vector_load_idx %gather3A_360[%broadcast_in_dim3A_356, %select_n3A_221] : memref<32x256xf32, #tpu.memory_space<vmem>>[vector<16xi32>, vector<16xi32>], vector<16xf32>,
          tpu.vector_store_idx %arg12[%iota3A, %broadcast_in_dim3A_356], %gather3A_361 : memref<16x128xf32, #tpu.memory_space<vmem>>[vector<16xi32>, vector<16xi32>], vector<16xf32>,
          %broadcast_in_dim3A_362 = arith.constant 20 : i32
          %broadcast_in_dim3A_363 = vector.broadcast %broadcast_in_dim3A_362 : i32 to vector<16xi32>
          %gather3A_364 = arith.constant 0 : i32
          %gather3A_365 = arith.constant 0 : i32
          %gather3A_366 = tpu.memref_slice %arg10[%rem3A_163, %gather3A_364, %gather3A_365] : memref<2x32x256xf32, #tpu.memory_space<vmem>> -> memref<1x32x256xf32, #tpu.memory_space<vmem>>
          %gather3A_367 = tpu.memref_squeeze %gather3A_366 : memref<1x32x256xf32, #tpu.memory_space<vmem>> -> memref<32x256xf32, #tpu.memory_space<vmem>>
          %gather3A_368 = tpu.vector_load_idx %gather3A_367[%broadcast_in_dim3A_363, %select_n3A_221] : memref<32x256xf32, #tpu.memory_space<vmem>>[vector<16xi32>, vector<16xi32>], vector<16xf32>,
          tpu.vector_store_idx %arg12[%iota3A, %broadcast_in_dim3A_363], %gather3A_368 : memref<16x128xf32, #tpu.memory_space<vmem>>[vector<16xi32>, vector<16xi32>], vector<16xf32>,
          %broadcast_in_dim3A_369 = arith.constant 21 : i32
          %broadcast_in_dim3A_370 = vector.broadcast %broadcast_in_dim3A_369 : i32 to vector<16xi32>
          %gather3A_371 = arith.constant 0 : i32
          %gather3A_372 = arith.constant 0 : i32
          %gather3A_373 = tpu.memref_slice %arg10[%rem3A_163, %gather3A_371, %gather3A_372] : memref<2x32x256xf32, #tpu.memory_space<vmem>> -> memref<1x32x256xf32, #tpu.memory_space<vmem>>
          %gather3A_374 = tpu.memref_squeeze %gather3A_373 : memref<1x32x256xf32, #tpu.memory_space<vmem>> -> memref<32x256xf32, #tpu.memory_space<vmem>>
          %gather3A_375 = tpu.vector_load_idx %gather3A_374[%broadcast_in_dim3A_370, %select_n3A_221] : memref<32x256xf32, #tpu.memory_space<vmem>>[vector<16xi32>, vector<16xi32>], vector<16xf32>,
          tpu.vector_store_idx %arg12[%iota3A, %broadcast_in_dim3A_370], %gather3A_375 : memref<16x128xf32, #tpu.memory_space<vmem>>[vector<16xi32>, vector<16xi32>], vector<16xf32>,
          %broadcast_in_dim3A_376 = arith.constant 22 : i32
          %broadcast_in_dim3A_377 = vector.broadcast %broadcast_in_dim3A_376 : i32 to vector<16xi32>
          %gather3A_378 = arith.constant 0 : i32
          %gather3A_379 = arith.constant 0 : i32
          %gather3A_380 = tpu.memref_slice %arg10[%rem3A_163, %gather3A_378, %gather3A_379] : memref<2x32x256xf32, #tpu.memory_space<vmem>> -> memref<1x32x256xf32, #tpu.memory_space<vmem>>
          %gather3A_381 = tpu.memref_squeeze %gather3A_380 : memref<1x32x256xf32, #tpu.memory_space<vmem>> -> memref<32x256xf32, #tpu.memory_space<vmem>>
          %gather3A_382 = tpu.vector_load_idx %gather3A_381[%broadcast_in_dim3A_377, %select_n3A_221] : memref<32x256xf32, #tpu.memory_space<vmem>>[vector<16xi32>, vector<16xi32>], vector<16xf32>,
          tpu.vector_store_idx %arg12[%iota3A, %broadcast_in_dim3A_377], %gather3A_382 : memref<16x128xf32, #tpu.memory_space<vmem>>[vector<16xi32>, vector<16xi32>], vector<16xf32>,
          %broadcast_in_dim3A_383 = arith.constant 23 : i32
          %broadcast_in_dim3A_384 = vector.broadcast %broadcast_in_dim3A_383 : i32 to vector<16xi32>
          %gather3A_385 = arith.constant 0 : i32
          %gather3A_386 = arith.constant 0 : i32
          %gather3A_387 = tpu.memref_slice %arg10[%rem3A_163, %gather3A_385, %gather3A_386] : memref<2x32x256xf32, #tpu.memory_space<vmem>> -> memref<1x32x256xf32, #tpu.memory_space<vmem>>
          %gather3A_388 = tpu.memref_squeeze %gather3A_387 : memref<1x32x256xf32, #tpu.memory_space<vmem>> -> memref<32x256xf32, #tpu.memory_space<vmem>>
          %gather3A_389 = tpu.vector_load_idx %gather3A_388[%broadcast_in_dim3A_384, %select_n3A_221] : memref<32x256xf32, #tpu.memory_space<vmem>>[vector<16xi32>, vector<16xi32>], vector<16xf32>,
          tpu.vector_store_idx %arg12[%iota3A, %broadcast_in_dim3A_384], %gather3A_389 : memref<16x128xf32, #tpu.memory_space<vmem>>[vector<16xi32>, vector<16xi32>], vector<16xf32>,
          %broadcast_in_dim3A_390 = arith.constant 24 : i32
          %broadcast_in_dim3A_391 = vector.broadcast %broadcast_in_dim3A_390 : i32 to vector<16xi32>
          %gather3A_392 = arith.constant 0 : i32
          %gather3A_393 = arith.constant 0 : i32
          %gather3A_394 = tpu.memref_slice %arg10[%rem3A_163, %gather3A_392, %gather3A_393] : memref<2x32x256xf32, #tpu.memory_space<vmem>> -> memref<1x32x256xf32, #tpu.memory_space<vmem>>
          %gather3A_395 = tpu.memref_squeeze %gather3A_394 : memref<1x32x256xf32, #tpu.memory_space<vmem>> -> memref<32x256xf32, #tpu.memory_space<vmem>>
          %gather3A_396 = tpu.vector_load_idx %gather3A_395[%broadcast_in_dim3A_391, %select_n3A_221] : memref<32x256xf32, #tpu.memory_space<vmem>>[vector<16xi32>, vector<16xi32>], vector<16xf32>,
          tpu.vector_store_idx %arg12[%iota3A, %broadcast_in_dim3A_391], %gather3A_396 : memref<16x128xf32, #tpu.memory_space<vmem>>[vector<16xi32>, vector<16xi32>], vector<16xf32>,
          %broadcast_in_dim3A_397 = arith.constant 25 : i32
          %broadcast_in_dim3A_398 = vector.broadcast %broadcast_in_dim3A_397 : i32 to vector<16xi32>
          %gather3A_399 = arith.constant 0 : i32
          %gather3A_400 = arith.constant 0 : i32
          %gather3A_401 = tpu.memref_slice %arg10[%rem3A_163, %gather3A_399, %gather3A_400] : memref<2x32x256xf32, #tpu.memory_space<vmem>> -> memref<1x32x256xf32, #tpu.memory_space<vmem>>
          %gather3A_402 = tpu.memref_squeeze %gather3A_401 : memref<1x32x256xf32, #tpu.memory_space<vmem>> -> memref<32x256xf32, #tpu.memory_space<vmem>>
          %gather3A_403 = tpu.vector_load_idx %gather3A_402[%broadcast_in_dim3A_398, %select_n3A_221] : memref<32x256xf32, #tpu.memory_space<vmem>>[vector<16xi32>, vector<16xi32>], vector<16xf32>,
          tpu.vector_store_idx %arg12[%iota3A, %broadcast_in_dim3A_398], %gather3A_403 : memref<16x128xf32, #tpu.memory_space<vmem>>[vector<16xi32>, vector<16xi32>], vector<16xf32>,
          %broadcast_in_dim3A_404 = arith.constant 26 : i32
          %broadcast_in_dim3A_405 = vector.broadcast %broadcast_in_dim3A_404 : i32 to vector<16xi32>
          %gather3A_406 = arith.constant 0 : i32
          %gather3A_407 = arith.constant 0 : i32
          %gather3A_408 = tpu.memref_slice %arg10[%rem3A_163, %gather3A_406, %gather3A_407] : memref<2x32x256xf32, #tpu.memory_space<vmem>> -> memref<1x32x256xf32, #tpu.memory_space<vmem>>
          %gather3A_409 = tpu.memref_squeeze %gather3A_408 : memref<1x32x256xf32, #tpu.memory_space<vmem>> -> memref<32x256xf32, #tpu.memory_space<vmem>>
          %gather3A_410 = tpu.vector_load_idx %gather3A_409[%broadcast_in_dim3A_405, %select_n3A_221] : memref<32x256xf32, #tpu.memory_space<vmem>>[vector<16xi32>, vector<16xi32>], vector<16xf32>,
          tpu.vector_store_idx %arg12[%iota3A, %broadcast_in_dim3A_405], %gather3A_410 : memref<16x128xf32, #tpu.memory_space<vmem>>[vector<16xi32>, vector<16xi32>], vector<16xf32>,
          %broadcast_in_dim3A_411 = arith.constant 27 : i32
          %broadcast_in_dim3A_412 = vector.broadcast %broadcast_in_dim3A_411 : i32 to vector<16xi32>
          %gather3A_413 = arith.constant 0 : i32
          %gather3A_414 = arith.constant 0 : i32
          %gather3A_415 = tpu.memref_slice %arg10[%rem3A_163, %gather3A_413, %gather3A_414] : memref<2x32x256xf32, #tpu.memory_space<vmem>> -> memref<1x32x256xf32, #tpu.memory_space<vmem>>
          %gather3A_416 = tpu.memref_squeeze %gather3A_415 : memref<1x32x256xf32, #tpu.memory_space<vmem>> -> memref<32x256xf32, #tpu.memory_space<vmem>>
          %gather3A_417 = tpu.vector_load_idx %gather3A_416[%broadcast_in_dim3A_412, %select_n3A_221] : memref<32x256xf32, #tpu.memory_space<vmem>>[vector<16xi32>, vector<16xi32>], vector<16xf32>,
          tpu.vector_store_idx %arg12[%iota3A, %broadcast_in_dim3A_412], %gather3A_417 : memref<16x128xf32, #tpu.memory_space<vmem>>[vector<16xi32>, vector<16xi32>], vector<16xf32>,
          %broadcast_in_dim3A_418 = arith.constant 28 : i32
          %broadcast_in_dim3A_419 = vector.broadcast %broadcast_in_dim3A_418 : i32 to vector<16xi32>
          %gather3A_420 = arith.constant 0 : i32
          %gather3A_421 = arith.constant 0 : i32
          %gather3A_422 = tpu.memref_slice %arg10[%rem3A_163, %gather3A_420, %gather3A_421] : memref<2x32x256xf32, #tpu.memory_space<vmem>> -> memref<1x32x256xf32, #tpu.memory_space<vmem>>
          %gather3A_423 = tpu.memref_squeeze %gather3A_422 : memref<1x32x256xf32, #tpu.memory_space<vmem>> -> memref<32x256xf32, #tpu.memory_space<vmem>>
          %gather3A_424 = tpu.vector_load_idx %gather3A_423[%broadcast_in_dim3A_419, %select_n3A_221] : memref<32x256xf32, #tpu.memory_space<vmem>>[vector<16xi32>, vector<16xi32>], vector<16xf32>,
          tpu.vector_store_idx %arg12[%iota3A, %broadcast_in_dim3A_419], %gather3A_424 : memref<16x128xf32, #tpu.memory_space<vmem>>[vector<16xi32>, vector<16xi32>], vector<16xf32>,
          %broadcast_in_dim3A_425 = arith.constant 29 : i32
          %broadcast_in_dim3A_426 = vector.broadcast %broadcast_in_dim3A_425 : i32 to vector<16xi32>
          %gather3A_427 = arith.constant 0 : i32
          %gather3A_428 = arith.constant 0 : i32
          %gather3A_429 = tpu.memref_slice %arg10[%rem3A_163, %gather3A_427, %gather3A_428] : memref<2x32x256xf32, #tpu.memory_space<vmem>> -> memref<1x32x256xf32, #tpu.memory_space<vmem>>
          %gather3A_430 = tpu.memref_squeeze %gather3A_429 : memref<1x32x256xf32, #tpu.memory_space<vmem>> -> memref<32x256xf32, #tpu.memory_space<vmem>>
          %gather3A_431 = tpu.vector_load_idx %gather3A_430[%broadcast_in_dim3A_426, %select_n3A_221] : memref<32x256xf32, #tpu.memory_space<vmem>>[vector<16xi32>, vector<16xi32>], vector<16xf32>,
          tpu.vector_store_idx %arg12[%iota3A, %broadcast_in_dim3A_426], %gather3A_431 : memref<16x128xf32, #tpu.memory_space<vmem>>[vector<16xi32>, vector<16xi32>], vector<16xf32>,
          %broadcast_in_dim3A_432 = arith.constant 30 : i32
          %broadcast_in_dim3A_433 = vector.broadcast %broadcast_in_dim3A_432 : i32 to vector<16xi32>
          %gather3A_434 = arith.constant 0 : i32
          %gather3A_435 = arith.constant 0 : i32
          %gather3A_436 = tpu.memref_slice %arg10[%rem3A_163, %gather3A_434, %gather3A_435] : memref<2x32x256xf32, #tpu.memory_space<vmem>> -> memref<1x32x256xf32, #tpu.memory_space<vmem>>
          %gather3A_437 = tpu.memref_squeeze %gather3A_436 : memref<1x32x256xf32, #tpu.memory_space<vmem>> -> memref<32x256xf32, #tpu.memory_space<vmem>>
          %gather3A_438 = tpu.vector_load_idx %gather3A_437[%broadcast_in_dim3A_433, %select_n3A_221] : memref<32x256xf32, #tpu.memory_space<vmem>>[vector<16xi32>, vector<16xi32>], vector<16xf32>,
          tpu.vector_store_idx %arg12[%iota3A, %broadcast_in_dim3A_433], %gather3A_438 : memref<16x128xf32, #tpu.memory_space<vmem>>[vector<16xi32>, vector<16xi32>], vector<16xf32>,
          %broadcast_in_dim3A_439 = arith.constant 31 : i32
          %broadcast_in_dim3A_440 = vector.broadcast %broadcast_in_dim3A_439 : i32 to vector<16xi32>
          %gather3A_441 = arith.constant 0 : i32
          %gather3A_442 = arith.constant 0 : i32
          %gather3A_443 = tpu.memref_slice %arg10[%rem3A_163, %gather3A_441, %gather3A_442] : memref<2x32x256xf32, #tpu.memory_space<vmem>> -> memref<1x32x256xf32, #tpu.memory_space<vmem>>
          %gather3A_444 = tpu.memref_squeeze %gather3A_443 : memref<1x32x256xf32, #tpu.memory_space<vmem>> -> memref<32x256xf32, #tpu.memory_space<vmem>>
          %gather3A_445 = tpu.vector_load_idx %gather3A_444[%broadcast_in_dim3A_440, %select_n3A_221] : memref<32x256xf32, #tpu.memory_space<vmem>>[vector<16xi32>, vector<16xi32>], vector<16xf32>,
          tpu.vector_store_idx %arg12[%iota3A, %broadcast_in_dim3A_440], %gather3A_445 : memref<16x128xf32, #tpu.memory_space<vmem>>[vector<16xi32>, vector<16xi32>], vector<16xf32>,
          %mul3A_446 = arith.constant 8192 : i32
          %mul3A_447 = arith.muli %arg0, %mul3A_446 : i32
          %add3A_448 = vector.broadcast %mul3A_447 : i32 to vector<16xi32>
          %add3A_449 = arith.addi %add3A_448, %get3A_201 : vector<16xi32>
          %add3A_450 = arith.constant 16384 : i32
          %add3A_451 = vector.broadcast %add3A_450 : i32 to vector<16xi32>
          %add3A_452 = arith.addi %add3A_451, %iota3A : vector<16xi32>
          %select_n3A_453 = arith.select %and3A_207, %add3A_449, %add3A_452 : vector<16xi1>, vector<16xi32>
          %swap3A_454 = arith.constant 0 : index
          %swap3A_455 = tpu.vector_load %arg13[%swap3A_454] {strides = array<i32>} : memref<16xi32, #tpu.memory_space<vmem>>, vector<16xi32>,
          tpu.vector_store %arg13[%swap3A_454], %select_n3A_453 {strides = array<i32>} : memref<16xi32, #tpu.memory_space<vmem>>, vector<16xi32>,
          "tpu.region"() ({
            %run_scoped3A = tpu.sem_alloc : memref<!tpu.dma_semaphore, #tpu.memory_space<semaphore_mem>>
            %dma_start3A = arith.constant 0 : i32
            %dma_start3A_456 = arith.constant 0 : i32
            %dma_start3A_457 = tpu.memref_slice %arg7[%dma_start3A, %dma_start3A_456] : memref<16448x128xf32, #tpu.memory_space<hbm>> -> memref<16448x128xf32, #tpu.memory_space<hbm>>
            tpu.enqueue_indirect_dma source(%arg12 : memref<16x128xf32, #tpu.memory_space<vmem>>) target(%dma_start3A_457 : memref<16448x128xf32, #tpu.memory_space<hbm>>) offsets(%arg13 : memref<16xi32, #tpu.memory_space<vmem>>) semaphore(%run_scoped3A : memref<!tpu.dma_semaphore, #tpu.memory_space<semaphore_mem>>)
            %dma_wait3A_458 = arith.constant 0 : i32
            %dma_wait3A_459 = arith.constant 0 : i32
            %dma_wait3A_460 = tpu.memref_slice %arg7[%dma_wait3A_458, %dma_wait3A_459] : memref<16448x128xf32, #tpu.memory_space<hbm>> -> memref<16448x128xf32, #tpu.memory_space<hbm>>
            tpu.wait_indirect_dma semaphore(%run_scoped3A : memref<!tpu.dma_semaphore, #tpu.memory_space<semaphore_mem>>) src(%arg12 : memref<16x128xf32, #tpu.memory_space<vmem>>) dst(%dma_wait3A_460 : memref<16448x128xf32, #tpu.memory_space<hbm>>)
            tpu.yield
          }) : () -> ()
        } else {
        }
      }
      %while3A_197 = arith.constant 1 : i32
      scf.for %while3A_198 = %while3A_195 to %while3A_191 step %while3A_197  : i32 {
        %mul3A_199 = arith.constant 16 : i32
        %mul3A_200 = arith.muli %while3A_198, %mul3A_199 : i32
        %get3A = arith.index_cast %mul3A_200 : i32 to index
        %get3A_201 = tpu.vector_load %arg9[%get3A] {strides = array<i32>} : memref<8208xi32, #tpu.memory_space<vmem>>, vector<16xi32>,
        %gather3A = tpu.vector_load_idx %arg8[%get3A_201] : memref<8192xi32, #tpu.memory_space<vmem>>[vector<16xi32>], vector<16xi32>,
        %ge3A = vector.broadcast %mul3A_187 : i32 to vector<16xi32>
        %ge3A_202 = arith.cmpi sge, %gather3A, %ge3A : vector<16xi32>
        %add3A_203 = arith.constant 256 : i32
        %add3A_204 = arith.addi %mul3A_187, %add3A_203 : i32
        %lt3A_205 = vector.broadcast %add3A_204 : i32 to vector<16xi32>
        %lt3A_206 = arith.cmpi slt, %gather3A, %lt3A_205 : vector<16xi32>
        %and3A_207 = arith.andi %ge3A_202, %lt3A_206 : vector<16xi1>
        %convert_element_type3A_208 = arith.extui %and3A_207 : vector<16xi1> to vector<16xi32>
        %reduce_sum3A = arith.constant true
        %reduce_sum3A_209 = vector.broadcast %reduce_sum3A : i1 to vector<16xi1>
        %reduce_sum3A_210 = tpu.scan <sum>, %convert_element_type3A_208 masked %reduce_sum3A_209 : vector<16xi32>, vector<16xi1> -> vector<16xi32>
        %reduce_sum3A_211 = vector.extract %reduce_sum3A_210[15] : i32 from vector<16xi32>
        %gt3A_212 = arith.constant 0 : i32
        %gt3A_213 = arith.cmpi sgt, %reduce_sum3A_211, %gt3A_212 : i32
        %convert_element_type3A_214 = arith.extui %gt3A_213 : i1 to i32
        %cond3A_215 = arith.constant 0 : i32
        %cond3A_216 = arith.cmpi ne, %convert_element_type3A_214, %cond3A_215 : i32
        scf.if %cond3A_216 {
          %sub3A_217 = vector.broadcast %mul3A_187 : i32 to vector<16xi32>
          %sub3A_218 = arith.subi %gather3A, %sub3A_217 : vector<16xi32>
          %jit3A_219 = arith.constant 0 : i32
          %broadcast_in_dim3A_220 = vector.broadcast %jit3A_219 : i32 to vector<16xi32>
          %select_n3A_221 = arith.select %and3A_207, %sub3A_218, %broadcast_in_dim3A_220 : vector<16xi1>, vector<16xi32>
          %broadcast_in_dim3A_222 = arith.constant 0 : i32
          %broadcast_in_dim3A_223 = vector.broadcast %broadcast_in_dim3A_222 : i32 to vector<16xi32>
          %gather3A_224 = arith.constant 0 : i32
          %gather3A_225 = arith.constant 0 : i32
          %gather3A_226 = tpu.memref_slice %arg10[%rem3A_163, %gather3A_224, %gather3A_225] : memref<2x32x256xf32, #tpu.memory_space<vmem>> -> memref<1x32x256xf32, #tpu.memory_space<vmem>>
          %gather3A_227 = tpu.memref_squeeze %gather3A_226 : memref<1x32x256xf32, #tpu.memory_space<vmem>> -> memref<32x256xf32, #tpu.memory_space<vmem>>
          %gather3A_228 = tpu.vector_load_idx %gather3A_227[%broadcast_in_dim3A_223, %select_n3A_221] : memref<32x256xf32, #tpu.memory_space<vmem>>[vector<16xi32>, vector<16xi32>], vector<16xf32>,
          tpu.vector_store_idx %arg12[%iota3A, %broadcast_in_dim3A_223], %gather3A_228 : memref<16x128xf32, #tpu.memory_space<vmem>>[vector<16xi32>, vector<16xi32>], vector<16xf32>,
          %broadcast_in_dim3A_229 = arith.constant 1 : i32
          %broadcast_in_dim3A_230 = vector.broadcast %broadcast_in_dim3A_229 : i32 to vector<16xi32>
          %gather3A_231 = arith.constant 0 : i32
          %gather3A_232 = arith.constant 0 : i32
          %gather3A_233 = tpu.memref_slice %arg10[%rem3A_163, %gather3A_231, %gather3A_232] : memref<2x32x256xf32, #tpu.memory_space<vmem>> -> memref<1x32x256xf32, #tpu.memory_space<vmem>>
          %gather3A_234 = tpu.memref_squeeze %gather3A_233 : memref<1x32x256xf32, #tpu.memory_space<vmem>> -> memref<32x256xf32, #tpu.memory_space<vmem>>
          %gather3A_235 = tpu.vector_load_idx %gather3A_234[%broadcast_in_dim3A_230, %select_n3A_221] : memref<32x256xf32, #tpu.memory_space<vmem>>[vector<16xi32>, vector<16xi32>], vector<16xf32>,
          tpu.vector_store_idx %arg12[%iota3A, %broadcast_in_dim3A_230], %gather3A_235 : memref<16x128xf32, #tpu.memory_space<vmem>>[vector<16xi32>, vector<16xi32>], vector<16xf32>,
          %broadcast_in_dim3A_236 = arith.constant 2 : i32
          %broadcast_in_dim3A_237 = vector.broadcast %broadcast_in_dim3A_236 : i32 to vector<16xi32>
          %gather3A_238 = arith.constant 0 : i32
          %gather3A_239 = arith.constant 0 : i32
          %gather3A_240 = tpu.memref_slice %arg10[%rem3A_163, %gather3A_238, %gather3A_239] : memref<2x32x256xf32, #tpu.memory_space<vmem>> -> memref<1x32x256xf32, #tpu.memory_space<vmem>>
          %gather3A_241 = tpu.memref_squeeze %gather3A_240 : memref<1x32x256xf32, #tpu.memory_space<vmem>> -> memref<32x256xf32, #tpu.memory_space<vmem>>
          %gather3A_242 = tpu.vector_load_idx %gather3A_241[%broadcast_in_dim3A_237, %select_n3A_221] : memref<32x256xf32, #tpu.memory_space<vmem>>[vector<16xi32>, vector<16xi32>], vector<16xf32>,
          tpu.vector_store_idx %arg12[%iota3A, %broadcast_in_dim3A_237], %gather3A_242 : memref<16x128xf32, #tpu.memory_space<vmem>>[vector<16xi32>, vector<16xi32>], vector<16xf32>,
          %broadcast_in_dim3A_243 = arith.constant 3 : i32
          %broadcast_in_dim3A_244 = vector.broadcast %broadcast_in_dim3A_243 : i32 to vector<16xi32>
          %gather3A_245 = arith.constant 0 : i32
          %gather3A_246 = arith.constant 0 : i32
          %gather3A_247 = tpu.memref_slice %arg10[%rem3A_163, %gather3A_245, %gather3A_246] : memref<2x32x256xf32, #tpu.memory_space<vmem>> -> memref<1x32x256xf32, #tpu.memory_space<vmem>>
          %gather3A_248 = tpu.memref_squeeze %gather3A_247 : memref<1x32x256xf32, #tpu.memory_space<vmem>> -> memref<32x256xf32, #tpu.memory_space<vmem>>
          %gather3A_249 = tpu.vector_load_idx %gather3A_248[%broadcast_in_dim3A_244, %select_n3A_221] : memref<32x256xf32, #tpu.memory_space<vmem>>[vector<16xi32>, vector<16xi32>], vector<16xf32>,
          tpu.vector_store_idx %arg12[%iota3A, %broadcast_in_dim3A_244], %gather3A_249 : memref<16x128xf32, #tpu.memory_space<vmem>>[vector<16xi32>, vector<16xi32>], vector<16xf32>,
          %broadcast_in_dim3A_250 = arith.constant 4 : i32
          %broadcast_in_dim3A_251 = vector.broadcast %broadcast_in_dim3A_250 : i32 to vector<16xi32>
          %gather3A_252 = arith.constant 0 : i32
          %gather3A_253 = arith.constant 0 : i32
          %gather3A_254 = tpu.memref_slice %arg10[%rem3A_163, %gather3A_252, %gather3A_253] : memref<2x32x256xf32, #tpu.memory_space<vmem>> -> memref<1x32x256xf32, #tpu.memory_space<vmem>>
          %gather3A_255 = tpu.memref_squeeze %gather3A_254 : memref<1x32x256xf32, #tpu.memory_space<vmem>> -> memref<32x256xf32, #tpu.memory_space<vmem>>
          %gather3A_256 = tpu.vector_load_idx %gather3A_255[%broadcast_in_dim3A_251, %select_n3A_221] : memref<32x256xf32, #tpu.memory_space<vmem>>[vector<16xi32>, vector<16xi32>], vector<16xf32>,
          tpu.vector_store_idx %arg12[%iota3A, %broadcast_in_dim3A_251], %gather3A_256 : memref<16x128xf32, #tpu.memory_space<vmem>>[vector<16xi32>, vector<16xi32>], vector<16xf32>,
          %broadcast_in_dim3A_257 = arith.constant 5 : i32
          %broadcast_in_dim3A_258 = vector.broadcast %broadcast_in_dim3A_257 : i32 to vector<16xi32>
          %gather3A_259 = arith.constant 0 : i32
          %gather3A_260 = arith.constant 0 : i32
          %gather3A_261 = tpu.memref_slice %arg10[%rem3A_163, %gather3A_259, %gather3A_260] : memref<2x32x256xf32, #tpu.memory_space<vmem>> -> memref<1x32x256xf32, #tpu.memory_space<vmem>>
          %gather3A_262 = tpu.memref_squeeze %gather3A_261 : memref<1x32x256xf32, #tpu.memory_space<vmem>> -> memref<32x256xf32, #tpu.memory_space<vmem>>
          %gather3A_263 = tpu.vector_load_idx %gather3A_262[%broadcast_in_dim3A_258, %select_n3A_221] : memref<32x256xf32, #tpu.memory_space<vmem>>[vector<16xi32>, vector<16xi32>], vector<16xf32>,
          tpu.vector_store_idx %arg12[%iota3A, %broadcast_in_dim3A_258], %gather3A_263 : memref<16x128xf32, #tpu.memory_space<vmem>>[vector<16xi32>, vector<16xi32>], vector<16xf32>,
          %broadcast_in_dim3A_264 = arith.constant 6 : i32
          %broadcast_in_dim3A_265 = vector.broadcast %broadcast_in_dim3A_264 : i32 to vector<16xi32>
          %gather3A_266 = arith.constant 0 : i32
          %gather3A_267 = arith.constant 0 : i32
          %gather3A_268 = tpu.memref_slice %arg10[%rem3A_163, %gather3A_266, %gather3A_267] : memref<2x32x256xf32, #tpu.memory_space<vmem>> -> memref<1x32x256xf32, #tpu.memory_space<vmem>>
          %gather3A_269 = tpu.memref_squeeze %gather3A_268 : memref<1x32x256xf32, #tpu.memory_space<vmem>> -> memref<32x256xf32, #tpu.memory_space<vmem>>
          %gather3A_270 = tpu.vector_load_idx %gather3A_269[%broadcast_in_dim3A_265, %select_n3A_221] : memref<32x256xf32, #tpu.memory_space<vmem>>[vector<16xi32>, vector<16xi32>], vector<16xf32>,
          tpu.vector_store_idx %arg12[%iota3A, %broadcast_in_dim3A_265], %gather3A_270 : memref<16x128xf32, #tpu.memory_space<vmem>>[vector<16xi32>, vector<16xi32>], vector<16xf32>,
          %broadcast_in_dim3A_271 = arith.constant 7 : i32
          %broadcast_in_dim3A_272 = vector.broadcast %broadcast_in_dim3A_271 : i32 to vector<16xi32>
          %gather3A_273 = arith.constant 0 : i32
          %gather3A_274 = arith.constant 0 : i32
          %gather3A_275 = tpu.memref_slice %arg10[%rem3A_163, %gather3A_273, %gather3A_274] : memref<2x32x256xf32, #tpu.memory_space<vmem>> -> memref<1x32x256xf32, #tpu.memory_space<vmem>>
          %gather3A_276 = tpu.memref_squeeze %gather3A_275 : memref<1x32x256xf32, #tpu.memory_space<vmem>> -> memref<32x256xf32, #tpu.memory_space<vmem>>
          %gather3A_277 = tpu.vector_load_idx %gather3A_276[%broadcast_in_dim3A_272, %select_n3A_221] : memref<32x256xf32, #tpu.memory_space<vmem>>[vector<16xi32>, vector<16xi32>], vector<16xf32>,
          tpu.vector_store_idx %arg12[%iota3A, %broadcast_in_dim3A_272], %gather3A_277 : memref<16x128xf32, #tpu.memory_space<vmem>>[vector<16xi32>, vector<16xi32>], vector<16xf32>,
          %broadcast_in_dim3A_278 = arith.constant 8 : i32
          %broadcast_in_dim3A_279 = vector.broadcast %broadcast_in_dim3A_278 : i32 to vector<16xi32>
          %gather3A_280 = arith.constant 0 : i32
          %gather3A_281 = arith.constant 0 : i32
          %gather3A_282 = tpu.memref_slice %arg10[%rem3A_163, %gather3A_280, %gather3A_281] : memref<2x32x256xf32, #tpu.memory_space<vmem>> -> memref<1x32x256xf32, #tpu.memory_space<vmem>>
          %gather3A_283 = tpu.memref_squeeze %gather3A_282 : memref<1x32x256xf32, #tpu.memory_space<vmem>> -> memref<32x256xf32, #tpu.memory_space<vmem>>
          %gather3A_284 = tpu.vector_load_idx %gather3A_283[%broadcast_in_dim3A_279, %select_n3A_221] : memref<32x256xf32, #tpu.memory_space<vmem>>[vector<16xi32>, vector<16xi32>], vector<16xf32>,
          tpu.vector_store_idx %arg12[%iota3A, %broadcast_in_dim3A_279], %gather3A_284 : memref<16x128xf32, #tpu.memory_space<vmem>>[vector<16xi32>, vector<16xi32>], vector<16xf32>,
          %broadcast_in_dim3A_285 = arith.constant 9 : i32
          %broadcast_in_dim3A_286 = vector.broadcast %broadcast_in_dim3A_285 : i32 to vector<16xi32>
          %gather3A_287 = arith.constant 0 : i32
          %gather3A_288 = arith.constant 0 : i32
          %gather3A_289 = tpu.memref_slice %arg10[%rem3A_163, %gather3A_287, %gather3A_288] : memref<2x32x256xf32, #tpu.memory_space<vmem>> -> memref<1x32x256xf32, #tpu.memory_space<vmem>>
          %gather3A_290 = tpu.memref_squeeze %gather3A_289 : memref<1x32x256xf32, #tpu.memory_space<vmem>> -> memref<32x256xf32, #tpu.memory_space<vmem>>
          %gather3A_291 = tpu.vector_load_idx %gather3A_290[%broadcast_in_dim3A_286, %select_n3A_221] : memref<32x256xf32, #tpu.memory_space<vmem>>[vector<16xi32>, vector<16xi32>], vector<16xf32>,
          tpu.vector_store_idx %arg12[%iota3A, %broadcast_in_dim3A_286], %gather3A_291 : memref<16x128xf32, #tpu.memory_space<vmem>>[vector<16xi32>, vector<16xi32>], vector<16xf32>,
          %broadcast_in_dim3A_292 = arith.constant 10 : i32
          %broadcast_in_dim3A_293 = vector.broadcast %broadcast_in_dim3A_292 : i32 to vector<16xi32>
          %gather3A_294 = arith.constant 0 : i32
          %gather3A_295 = arith.constant 0 : i32
          %gather3A_296 = tpu.memref_slice %arg10[%rem3A_163, %gather3A_294, %gather3A_295] : memref<2x32x256xf32, #tpu.memory_space<vmem>> -> memref<1x32x256xf32, #tpu.memory_space<vmem>>
          %gather3A_297 = tpu.memref_squeeze %gather3A_296 : memref<1x32x256xf32, #tpu.memory_space<vmem>> -> memref<32x256xf32, #tpu.memory_space<vmem>>
          %gather3A_298 = tpu.vector_load_idx %gather3A_297[%broadcast_in_dim3A_293, %select_n3A_221] : memref<32x256xf32, #tpu.memory_space<vmem>>[vector<16xi32>, vector<16xi32>], vector<16xf32>,
          tpu.vector_store_idx %arg12[%iota3A, %broadcast_in_dim3A_293], %gather3A_298 : memref<16x128xf32, #tpu.memory_space<vmem>>[vector<16xi32>, vector<16xi32>], vector<16xf32>,
          %broadcast_in_dim3A_299 = arith.constant 11 : i32
          %broadcast_in_dim3A_300 = vector.broadcast %broadcast_in_dim3A_299 : i32 to vector<16xi32>
          %gather3A_301 = arith.constant 0 : i32
          %gather3A_302 = arith.constant 0 : i32
          %gather3A_303 = tpu.memref_slice %arg10[%rem3A_163, %gather3A_301, %gather3A_302] : memref<2x32x256xf32, #tpu.memory_space<vmem>> -> memref<1x32x256xf32, #tpu.memory_space<vmem>>
          %gather3A_304 = tpu.memref_squeeze %gather3A_303 : memref<1x32x256xf32, #tpu.memory_space<vmem>> -> memref<32x256xf32, #tpu.memory_space<vmem>>
          %gather3A_305 = tpu.vector_load_idx %gather3A_304[%broadcast_in_dim3A_300, %select_n3A_221] : memref<32x256xf32, #tpu.memory_space<vmem>>[vector<16xi32>, vector<16xi32>], vector<16xf32>,
          tpu.vector_store_idx %arg12[%iota3A, %broadcast_in_dim3A_300], %gather3A_305 : memref<16x128xf32, #tpu.memory_space<vmem>>[vector<16xi32>, vector<16xi32>], vector<16xf32>,
          %broadcast_in_dim3A_306 = arith.constant 12 : i32
          %broadcast_in_dim3A_307 = vector.broadcast %broadcast_in_dim3A_306 : i32 to vector<16xi32>
          %gather3A_308 = arith.constant 0 : i32
          %gather3A_309 = arith.constant 0 : i32
          %gather3A_310 = tpu.memref_slice %arg10[%rem3A_163, %gather3A_308, %gather3A_309] : memref<2x32x256xf32, #tpu.memory_space<vmem>> -> memref<1x32x256xf32, #tpu.memory_space<vmem>>
          %gather3A_311 = tpu.memref_squeeze %gather3A_310 : memref<1x32x256xf32, #tpu.memory_space<vmem>> -> memref<32x256xf32, #tpu.memory_space<vmem>>
          %gather3A_312 = tpu.vector_load_idx %gather3A_311[%broadcast_in_dim3A_307, %select_n3A_221] : memref<32x256xf32, #tpu.memory_space<vmem>>[vector<16xi32>, vector<16xi32>], vector<16xf32>,
          tpu.vector_store_idx %arg12[%iota3A, %broadcast_in_dim3A_307], %gather3A_312 : memref<16x128xf32, #tpu.memory_space<vmem>>[vector<16xi32>, vector<16xi32>], vector<16xf32>,
          %broadcast_in_dim3A_313 = arith.constant 13 : i32
          %broadcast_in_dim3A_314 = vector.broadcast %broadcast_in_dim3A_313 : i32 to vector<16xi32>
          %gather3A_315 = arith.constant 0 : i32
          %gather3A_316 = arith.constant 0 : i32
          %gather3A_317 = tpu.memref_slice %arg10[%rem3A_163, %gather3A_315, %gather3A_316] : memref<2x32x256xf32, #tpu.memory_space<vmem>> -> memref<1x32x256xf32, #tpu.memory_space<vmem>>
          %gather3A_318 = tpu.memref_squeeze %gather3A_317 : memref<1x32x256xf32, #tpu.memory_space<vmem>> -> memref<32x256xf32, #tpu.memory_space<vmem>>
          %gather3A_319 = tpu.vector_load_idx %gather3A_318[%broadcast_in_dim3A_314, %select_n3A_221] : memref<32x256xf32, #tpu.memory_space<vmem>>[vector<16xi32>, vector<16xi32>], vector<16xf32>,
          tpu.vector_store_idx %arg12[%iota3A, %broadcast_in_dim3A_314], %gather3A_319 : memref<16x128xf32, #tpu.memory_space<vmem>>[vector<16xi32>, vector<16xi32>], vector<16xf32>,
          %broadcast_in_dim3A_320 = arith.constant 14 : i32
          %broadcast_in_dim3A_321 = vector.broadcast %broadcast_in_dim3A_320 : i32 to vector<16xi32>
          %gather3A_322 = arith.constant 0 : i32
          %gather3A_323 = arith.constant 0 : i32
          %gather3A_324 = tpu.memref_slice %arg10[%rem3A_163, %gather3A_322, %gather3A_323] : memref<2x32x256xf32, #tpu.memory_space<vmem>> -> memref<1x32x256xf32, #tpu.memory_space<vmem>>
          %gather3A_325 = tpu.memref_squeeze %gather3A_324 : memref<1x32x256xf32, #tpu.memory_space<vmem>> -> memref<32x256xf32, #tpu.memory_space<vmem>>
          %gather3A_326 = tpu.vector_load_idx %gather3A_325[%broadcast_in_dim3A_321, %select_n3A_221] : memref<32x256xf32, #tpu.memory_space<vmem>>[vector<16xi32>, vector<16xi32>], vector<16xf32>,
          tpu.vector_store_idx %arg12[%iota3A, %broadcast_in_dim3A_321], %gather3A_326 : memref<16x128xf32, #tpu.memory_space<vmem>>[vector<16xi32>, vector<16xi32>], vector<16xf32>,
          %broadcast_in_dim3A_327 = arith.constant 15 : i32
          %broadcast_in_dim3A_328 = vector.broadcast %broadcast_in_dim3A_327 : i32 to vector<16xi32>
          %gather3A_329 = arith.constant 0 : i32
          %gather3A_330 = arith.constant 0 : i32
          %gather3A_331 = tpu.memref_slice %arg10[%rem3A_163, %gather3A_329, %gather3A_330] : memref<2x32x256xf32, #tpu.memory_space<vmem>> -> memref<1x32x256xf32, #tpu.memory_space<vmem>>
          %gather3A_332 = tpu.memref_squeeze %gather3A_331 : memref<1x32x256xf32, #tpu.memory_space<vmem>> -> memref<32x256xf32, #tpu.memory_space<vmem>>
          %gather3A_333 = tpu.vector_load_idx %gather3A_332[%broadcast_in_dim3A_328, %select_n3A_221] : memref<32x256xf32, #tpu.memory_space<vmem>>[vector<16xi32>, vector<16xi32>], vector<16xf32>,
          tpu.vector_store_idx %arg12[%iota3A, %broadcast_in_dim3A_328], %gather3A_333 : memref<16x128xf32, #tpu.memory_space<vmem>>[vector<16xi32>, vector<16xi32>], vector<16xf32>,
          %broadcast_in_dim3A_334 = arith.constant 16 : i32
          %broadcast_in_dim3A_335 = vector.broadcast %broadcast_in_dim3A_334 : i32 to vector<16xi32>
          %gather3A_336 = arith.constant 0 : i32
          %gather3A_337 = arith.constant 0 : i32
          %gather3A_338 = tpu.memref_slice %arg10[%rem3A_163, %gather3A_336, %gather3A_337] : memref<2x32x256xf32, #tpu.memory_space<vmem>> -> memref<1x32x256xf32, #tpu.memory_space<vmem>>
          %gather3A_339 = tpu.memref_squeeze %gather3A_338 : memref<1x32x256xf32, #tpu.memory_space<vmem>> -> memref<32x256xf32, #tpu.memory_space<vmem>>
          %gather3A_340 = tpu.vector_load_idx %gather3A_339[%broadcast_in_dim3A_335, %select_n3A_221] : memref<32x256xf32, #tpu.memory_space<vmem>>[vector<16xi32>, vector<16xi32>], vector<16xf32>,
          tpu.vector_store_idx %arg12[%iota3A, %broadcast_in_dim3A_335], %gather3A_340 : memref<16x128xf32, #tpu.memory_space<vmem>>[vector<16xi32>, vector<16xi32>], vector<16xf32>,
          %broadcast_in_dim3A_341 = arith.constant 17 : i32
          %broadcast_in_dim3A_342 = vector.broadcast %broadcast_in_dim3A_341 : i32 to vector<16xi32>
          %gather3A_343 = arith.constant 0 : i32
          %gather3A_344 = arith.constant 0 : i32
          %gather3A_345 = tpu.memref_slice %arg10[%rem3A_163, %gather3A_343, %gather3A_344] : memref<2x32x256xf32, #tpu.memory_space<vmem>> -> memref<1x32x256xf32, #tpu.memory_space<vmem>>
          %gather3A_346 = tpu.memref_squeeze %gather3A_345 : memref<1x32x256xf32, #tpu.memory_space<vmem>> -> memref<32x256xf32, #tpu.memory_space<vmem>>
          %gather3A_347 = tpu.vector_load_idx %gather3A_346[%broadcast_in_dim3A_342, %select_n3A_221] : memref<32x256xf32, #tpu.memory_space<vmem>>[vector<16xi32>, vector<16xi32>], vector<16xf32>,
          tpu.vector_store_idx %arg12[%iota3A, %broadcast_in_dim3A_342], %gather3A_347 : memref<16x128xf32, #tpu.memory_space<vmem>>[vector<16xi32>, vector<16xi32>], vector<16xf32>,
          %broadcast_in_dim3A_348 = arith.constant 18 : i32
          %broadcast_in_dim3A_349 = vector.broadcast %broadcast_in_dim3A_348 : i32 to vector<16xi32>
          %gather3A_350 = arith.constant 0 : i32
          %gather3A_351 = arith.constant 0 : i32
          %gather3A_352 = tpu.memref_slice %arg10[%rem3A_163, %gather3A_350, %gather3A_351] : memref<2x32x256xf32, #tpu.memory_space<vmem>> -> memref<1x32x256xf32, #tpu.memory_space<vmem>>
          %gather3A_353 = tpu.memref_squeeze %gather3A_352 : memref<1x32x256xf32, #tpu.memory_space<vmem>> -> memref<32x256xf32, #tpu.memory_space<vmem>>
          %gather3A_354 = tpu.vector_load_idx %gather3A_353[%broadcast_in_dim3A_349, %select_n3A_221] : memref<32x256xf32, #tpu.memory_space<vmem>>[vector<16xi32>, vector<16xi32>], vector<16xf32>,
          tpu.vector_store_idx %arg12[%iota3A, %broadcast_in_dim3A_349], %gather3A_354 : memref<16x128xf32, #tpu.memory_space<vmem>>[vector<16xi32>, vector<16xi32>], vector<16xf32>,
          %broadcast_in_dim3A_355 = arith.constant 19 : i32
          %broadcast_in_dim3A_356 = vector.broadcast %broadcast_in_dim3A_355 : i32 to vector<16xi32>
          %gather3A_357 = arith.constant 0 : i32
          %gather3A_358 = arith.constant 0 : i32
          %gather3A_359 = tpu.memref_slice %arg10[%rem3A_163, %gather3A_357, %gather3A_358] : memref<2x32x256xf32, #tpu.memory_space<vmem>> -> memref<1x32x256xf32, #tpu.memory_space<vmem>>
          %gather3A_360 = tpu.memref_squeeze %gather3A_359 : memref<1x32x256xf32, #tpu.memory_space<vmem>> -> memref<32x256xf32, #tpu.memory_space<vmem>>
          %gather3A_361 = tpu.vector_load_idx %gather3A_360[%broadcast_in_dim3A_356, %select_n3A_221] : memref<32x256xf32, #tpu.memory_space<vmem>>[vector<16xi32>, vector<16xi32>], vector<16xf32>,
          tpu.vector_store_idx %arg12[%iota3A, %broadcast_in_dim3A_356], %gather3A_361 : memref<16x128xf32, #tpu.memory_space<vmem>>[vector<16xi32>, vector<16xi32>], vector<16xf32>,
          %broadcast_in_dim3A_362 = arith.constant 20 : i32
          %broadcast_in_dim3A_363 = vector.broadcast %broadcast_in_dim3A_362 : i32 to vector<16xi32>
          %gather3A_364 = arith.constant 0 : i32
          %gather3A_365 = arith.constant 0 : i32
          %gather3A_366 = tpu.memref_slice %arg10[%rem3A_163, %gather3A_364, %gather3A_365] : memref<2x32x256xf32, #tpu.memory_space<vmem>> -> memref<1x32x256xf32, #tpu.memory_space<vmem>>
          %gather3A_367 = tpu.memref_squeeze %gather3A_366 : memref<1x32x256xf32, #tpu.memory_space<vmem>> -> memref<32x256xf32, #tpu.memory_space<vmem>>
          %gather3A_368 = tpu.vector_load_idx %gather3A_367[%broadcast_in_dim3A_363, %select_n3A_221] : memref<32x256xf32, #tpu.memory_space<vmem>>[vector<16xi32>, vector<16xi32>], vector<16xf32>,
          tpu.vector_store_idx %arg12[%iota3A, %broadcast_in_dim3A_363], %gather3A_368 : memref<16x128xf32, #tpu.memory_space<vmem>>[vector<16xi32>, vector<16xi32>], vector<16xf32>,
          %broadcast_in_dim3A_369 = arith.constant 21 : i32
          %broadcast_in_dim3A_370 = vector.broadcast %broadcast_in_dim3A_369 : i32 to vector<16xi32>
          %gather3A_371 = arith.constant 0 : i32
          %gather3A_372 = arith.constant 0 : i32
          %gather3A_373 = tpu.memref_slice %arg10[%rem3A_163, %gather3A_371, %gather3A_372] : memref<2x32x256xf32, #tpu.memory_space<vmem>> -> memref<1x32x256xf32, #tpu.memory_space<vmem>>
          %gather3A_374 = tpu.memref_squeeze %gather3A_373 : memref<1x32x256xf32, #tpu.memory_space<vmem>> -> memref<32x256xf32, #tpu.memory_space<vmem>>
          %gather3A_375 = tpu.vector_load_idx %gather3A_374[%broadcast_in_dim3A_370, %select_n3A_221] : memref<32x256xf32, #tpu.memory_space<vmem>>[vector<16xi32>, vector<16xi32>], vector<16xf32>,
          tpu.vector_store_idx %arg12[%iota3A, %broadcast_in_dim3A_370], %gather3A_375 : memref<16x128xf32, #tpu.memory_space<vmem>>[vector<16xi32>, vector<16xi32>], vector<16xf32>,
          %broadcast_in_dim3A_376 = arith.constant 22 : i32
          %broadcast_in_dim3A_377 = vector.broadcast %broadcast_in_dim3A_376 : i32 to vector<16xi32>
          %gather3A_378 = arith.constant 0 : i32
          %gather3A_379 = arith.constant 0 : i32
          %gather3A_380 = tpu.memref_slice %arg10[%rem3A_163, %gather3A_378, %gather3A_379] : memref<2x32x256xf32, #tpu.memory_space<vmem>> -> memref<1x32x256xf32, #tpu.memory_space<vmem>>
          %gather3A_381 = tpu.memref_squeeze %gather3A_380 : memref<1x32x256xf32, #tpu.memory_space<vmem>> -> memref<32x256xf32, #tpu.memory_space<vmem>>
          %gather3A_382 = tpu.vector_load_idx %gather3A_381[%broadcast_in_dim3A_377, %select_n3A_221] : memref<32x256xf32, #tpu.memory_space<vmem>>[vector<16xi32>, vector<16xi32>], vector<16xf32>,
          tpu.vector_store_idx %arg12[%iota3A, %broadcast_in_dim3A_377], %gather3A_382 : memref<16x128xf32, #tpu.memory_space<vmem>>[vector<16xi32>, vector<16xi32>], vector<16xf32>,
          %broadcast_in_dim3A_383 = arith.constant 23 : i32
          %broadcast_in_dim3A_384 = vector.broadcast %broadcast_in_dim3A_383 : i32 to vector<16xi32>
          %gather3A_385 = arith.constant 0 : i32
          %gather3A_386 = arith.constant 0 : i32
          %gather3A_387 = tpu.memref_slice %arg10[%rem3A_163, %gather3A_385, %gather3A_386] : memref<2x32x256xf32, #tpu.memory_space<vmem>> -> memref<1x32x256xf32, #tpu.memory_space<vmem>>
          %gather3A_388 = tpu.memref_squeeze %gather3A_387 : memref<1x32x256xf32, #tpu.memory_space<vmem>> -> memref<32x256xf32, #tpu.memory_space<vmem>>
          %gather3A_389 = tpu.vector_load_idx %gather3A_388[%broadcast_in_dim3A_384, %select_n3A_221] : memref<32x256xf32, #tpu.memory_space<vmem>>[vector<16xi32>, vector<16xi32>], vector<16xf32>,
          tpu.vector_store_idx %arg12[%iota3A, %broadcast_in_dim3A_384], %gather3A_389 : memref<16x128xf32, #tpu.memory_space<vmem>>[vector<16xi32>, vector<16xi32>], vector<16xf32>,
          %broadcast_in_dim3A_390 = arith.constant 24 : i32
          %broadcast_in_dim3A_391 = vector.broadcast %broadcast_in_dim3A_390 : i32 to vector<16xi32>
          %gather3A_392 = arith.constant 0 : i32
          %gather3A_393 = arith.constant 0 : i32
          %gather3A_394 = tpu.memref_slice %arg10[%rem3A_163, %gather3A_392, %gather3A_393] : memref<2x32x256xf32, #tpu.memory_space<vmem>> -> memref<1x32x256xf32, #tpu.memory_space<vmem>>
          %gather3A_395 = tpu.memref_squeeze %gather3A_394 : memref<1x32x256xf32, #tpu.memory_space<vmem>> -> memref<32x256xf32, #tpu.memory_space<vmem>>
          %gather3A_396 = tpu.vector_load_idx %gather3A_395[%broadcast_in_dim3A_391, %select_n3A_221] : memref<32x256xf32, #tpu.memory_space<vmem>>[vector<16xi32>, vector<16xi32>], vector<16xf32>,
          tpu.vector_store_idx %arg12[%iota3A, %broadcast_in_dim3A_391], %gather3A_396 : memref<16x128xf32, #tpu.memory_space<vmem>>[vector<16xi32>, vector<16xi32>], vector<16xf32>,
          %broadcast_in_dim3A_397 = arith.constant 25 : i32
          %broadcast_in_dim3A_398 = vector.broadcast %broadcast_in_dim3A_397 : i32 to vector<16xi32>
          %gather3A_399 = arith.constant 0 : i32
          %gather3A_400 = arith.constant 0 : i32
          %gather3A_401 = tpu.memref_slice %arg10[%rem3A_163, %gather3A_399, %gather3A_400] : memref<2x32x256xf32, #tpu.memory_space<vmem>> -> memref<1x32x256xf32, #tpu.memory_space<vmem>>
          %gather3A_402 = tpu.memref_squeeze %gather3A_401 : memref<1x32x256xf32, #tpu.memory_space<vmem>> -> memref<32x256xf32, #tpu.memory_space<vmem>>
          %gather3A_403 = tpu.vector_load_idx %gather3A_402[%broadcast_in_dim3A_398, %select_n3A_221] : memref<32x256xf32, #tpu.memory_space<vmem>>[vector<16xi32>, vector<16xi32>], vector<16xf32>,
          tpu.vector_store_idx %arg12[%iota3A, %broadcast_in_dim3A_398], %gather3A_403 : memref<16x128xf32, #tpu.memory_space<vmem>>[vector<16xi32>, vector<16xi32>], vector<16xf32>,
          %broadcast_in_dim3A_404 = arith.constant 26 : i32
          %broadcast_in_dim3A_405 = vector.broadcast %broadcast_in_dim3A_404 : i32 to vector<16xi32>
          %gather3A_406 = arith.constant 0 : i32
          %gather3A_407 = arith.constant 0 : i32
          %gather3A_408 = tpu.memref_slice %arg10[%rem3A_163, %gather3A_406, %gather3A_407] : memref<2x32x256xf32, #tpu.memory_space<vmem>> -> memref<1x32x256xf32, #tpu.memory_space<vmem>>
          %gather3A_409 = tpu.memref_squeeze %gather3A_408 : memref<1x32x256xf32, #tpu.memory_space<vmem>> -> memref<32x256xf32, #tpu.memory_space<vmem>>
          %gather3A_410 = tpu.vector_load_idx %gather3A_409[%broadcast_in_dim3A_405, %select_n3A_221] : memref<32x256xf32, #tpu.memory_space<vmem>>[vector<16xi32>, vector<16xi32>], vector<16xf32>,
          tpu.vector_store_idx %arg12[%iota3A, %broadcast_in_dim3A_405], %gather3A_410 : memref<16x128xf32, #tpu.memory_space<vmem>>[vector<16xi32>, vector<16xi32>], vector<16xf32>,
          %broadcast_in_dim3A_411 = arith.constant 27 : i32
          %broadcast_in_dim3A_412 = vector.broadcast %broadcast_in_dim3A_411 : i32 to vector<16xi32>
          %gather3A_413 = arith.constant 0 : i32
          %gather3A_414 = arith.constant 0 : i32
          %gather3A_415 = tpu.memref_slice %arg10[%rem3A_163, %gather3A_413, %gather3A_414] : memref<2x32x256xf32, #tpu.memory_space<vmem>> -> memref<1x32x256xf32, #tpu.memory_space<vmem>>
          %gather3A_416 = tpu.memref_squeeze %gather3A_415 : memref<1x32x256xf32, #tpu.memory_space<vmem>> -> memref<32x256xf32, #tpu.memory_space<vmem>>
          %gather3A_417 = tpu.vector_load_idx %gather3A_416[%broadcast_in_dim3A_412, %select_n3A_221] : memref<32x256xf32, #tpu.memory_space<vmem>>[vector<16xi32>, vector<16xi32>], vector<16xf32>,
          tpu.vector_store_idx %arg12[%iota3A, %broadcast_in_dim3A_412], %gather3A_417 : memref<16x128xf32, #tpu.memory_space<vmem>>[vector<16xi32>, vector<16xi32>], vector<16xf32>,
          %broadcast_in_dim3A_418 = arith.constant 28 : i32
          %broadcast_in_dim3A_419 = vector.broadcast %broadcast_in_dim3A_418 : i32 to vector<16xi32>
          %gather3A_420 = arith.constant 0 : i32
          %gather3A_421 = arith.constant 0 : i32
          %gather3A_422 = tpu.memref_slice %arg10[%rem3A_163, %gather3A_420, %gather3A_421] : memref<2x32x256xf32, #tpu.memory_space<vmem>> -> memref<1x32x256xf32, #tpu.memory_space<vmem>>
          %gather3A_423 = tpu.memref_squeeze %gather3A_422 : memref<1x32x256xf32, #tpu.memory_space<vmem>> -> memref<32x256xf32, #tpu.memory_space<vmem>>
          %gather3A_424 = tpu.vector_load_idx %gather3A_423[%broadcast_in_dim3A_419, %select_n3A_221] : memref<32x256xf32, #tpu.memory_space<vmem>>[vector<16xi32>, vector<16xi32>], vector<16xf32>,
          tpu.vector_store_idx %arg12[%iota3A, %broadcast_in_dim3A_419], %gather3A_424 : memref<16x128xf32, #tpu.memory_space<vmem>>[vector<16xi32>, vector<16xi32>], vector<16xf32>,
          %broadcast_in_dim3A_425 = arith.constant 29 : i32
          %broadcast_in_dim3A_426 = vector.broadcast %broadcast_in_dim3A_425 : i32 to vector<16xi32>
          %gather3A_427 = arith.constant 0 : i32
          %gather3A_428 = arith.constant 0 : i32
          %gather3A_429 = tpu.memref_slice %arg10[%rem3A_163, %gather3A_427, %gather3A_428] : memref<2x32x256xf32, #tpu.memory_space<vmem>> -> memref<1x32x256xf32, #tpu.memory_space<vmem>>
          %gather3A_430 = tpu.memref_squeeze %gather3A_429 : memref<1x32x256xf32, #tpu.memory_space<vmem>> -> memref<32x256xf32, #tpu.memory_space<vmem>>
          %gather3A_431 = tpu.vector_load_idx %gather3A_430[%broadcast_in_dim3A_426, %select_n3A_221] : memref<32x256xf32, #tpu.memory_space<vmem>>[vector<16xi32>, vector<16xi32>], vector<16xf32>,
          tpu.vector_store_idx %arg12[%iota3A, %broadcast_in_dim3A_426], %gather3A_431 : memref<16x128xf32, #tpu.memory_space<vmem>>[vector<16xi32>, vector<16xi32>], vector<16xf32>,
          %broadcast_in_dim3A_432 = arith.constant 30 : i32
          %broadcast_in_dim3A_433 = vector.broadcast %broadcast_in_dim3A_432 : i32 to vector<16xi32>
          %gather3A_434 = arith.constant 0 : i32
          %gather3A_435 = arith.constant 0 : i32
          %gather3A_436 = tpu.memref_slice %arg10[%rem3A_163, %gather3A_434, %gather3A_435] : memref<2x32x256xf32, #tpu.memory_space<vmem>> -> memref<1x32x256xf32, #tpu.memory_space<vmem>>
          %gather3A_437 = tpu.memref_squeeze %gather3A_436 : memref<1x32x256xf32, #tpu.memory_space<vmem>> -> memref<32x256xf32, #tpu.memory_space<vmem>>
          %gather3A_438 = tpu.vector_load_idx %gather3A_437[%broadcast_in_dim3A_433, %select_n3A_221] : memref<32x256xf32, #tpu.memory_space<vmem>>[vector<16xi32>, vector<16xi32>], vector<16xf32>,
          tpu.vector_store_idx %arg12[%iota3A, %broadcast_in_dim3A_433], %gather3A_438 : memref<16x128xf32, #tpu.memory_space<vmem>>[vector<16xi32>, vector<16xi32>], vector<16xf32>,
          %broadcast_in_dim3A_439 = arith.constant 31 : i32
          %broadcast_in_dim3A_440 = vector.broadcast %broadcast_in_dim3A_439 : i32 to vector<16xi32>
          %gather3A_441 = arith.constant 0 : i32
          %gather3A_442 = arith.constant 0 : i32
          %gather3A_443 = tpu.memref_slice %arg10[%rem3A_163, %gather3A_441, %gather3A_442] : memref<2x32x256xf32, #tpu.memory_space<vmem>> -> memref<1x32x256xf32, #tpu.memory_space<vmem>>
          %gather3A_444 = tpu.memref_squeeze %gather3A_443 : memref<1x32x256xf32, #tpu.memory_space<vmem>> -> memref<32x256xf32, #tpu.memory_space<vmem>>
          %gather3A_445 = tpu.vector_load_idx %gather3A_444[%broadcast_in_dim3A_440, %select_n3A_221] : memref<32x256xf32, #tpu.memory_space<vmem>>[vector<16xi32>, vector<16xi32>], vector<16xf32>,
          tpu.vector_store_idx %arg12[%iota3A, %broadcast_in_dim3A_440], %gather3A_445 : memref<16x128xf32, #tpu.memory_space<vmem>>[vector<16xi32>, vector<16xi32>], vector<16xf32>,
          %mul3A_446 = arith.constant 8192 : i32
          %mul3A_447 = arith.muli %arg0, %mul3A_446 : i32
          %add3A_448 = vector.broadcast %mul3A_447 : i32 to vector<16xi32>
          %add3A_449 = arith.addi %add3A_448, %get3A_201 : vector<16xi32>
          %add3A_450 = arith.constant 16384 : i32
          %add3A_451 = vector.broadcast %add3A_450 : i32 to vector<16xi32>
          %add3A_452 = arith.addi %add3A_451, %iota3A : vector<16xi32>
          %select_n3A_453 = arith.select %and3A_207, %add3A_449, %add3A_452 : vector<16xi1>, vector<16xi32>
          %swap3A_454 = arith.constant 0 : index
          %swap3A_455 = tpu.vector_load %arg13[%swap3A_454] {strides = array<i32>} : memref<16xi32, #tpu.memory_space<vmem>>, vector<16xi32>,
          tpu.vector_store %arg13[%swap3A_454], %select_n3A_453 {strides = array<i32>} : memref<16xi32, #tpu.memory_space<vmem>>, vector<16xi32>,
          "tpu.region"() ({
            %run_scoped3A = tpu.sem_alloc : memref<!tpu.dma_semaphore, #tpu.memory_space<semaphore_mem>>
            %dma_start3A = arith.constant 0 : i32
            %dma_start3A_456 = arith.constant 0 : i32
            %dma_start3A_457 = tpu.memref_slice %arg7[%dma_start3A, %dma_start3A_456] : memref<16448x128xf32, #tpu.memory_space<hbm>> -> memref<16448x128xf32, #tpu.memory_space<hbm>>
            tpu.enqueue_indirect_dma source(%arg12 : memref<16x128xf32, #tpu.memory_space<vmem>>) target(%dma_start3A_457 : memref<16448x128xf32, #tpu.memory_space<hbm>>) offsets(%arg13 : memref<16xi32, #tpu.memory_space<vmem>>) semaphore(%run_scoped3A : memref<!tpu.dma_semaphore, #tpu.memory_space<semaphore_mem>>)
            %dma_wait3A_458 = arith.constant 0 : i32
            %dma_wait3A_459 = arith.constant 0 : i32
            %dma_wait3A_460 = tpu.memref_slice %arg7[%dma_wait3A_458, %dma_wait3A_459] : memref<16448x128xf32, #tpu.memory_space<hbm>> -> memref<16448x128xf32, #tpu.memory_space<hbm>>
            tpu.wait_indirect_dma semaphore(%run_scoped3A : memref<!tpu.dma_semaphore, #tpu.memory_space<semaphore_mem>>) src(%arg12 : memref<16x128xf32, #tpu.memory_space<vmem>>) dst(%dma_wait3A_460 : memref<16448x128xf32, #tpu.memory_space<hbm>>)
            tpu.yield
          }) : () -> ()
        } else {
        }
      }
    }
    %eq3A = arith.constant 3907 : i32
    %eq3A_97 = arith.cmpi eq, %select_n3A_45, %eq3A : i32
    %convert_element_type3A_98 = arith.extui %eq3A_97 : i1 to i32
    %cond3A_99 = arith.constant 0 : i32
    %cond3A_100 = arith.cmpi ne, %convert_element_type3A_98, %cond3A_99 : i32
    scf.if %cond3A_100 {
      "tpu.region"() ({
        %run_scoped3A = tpu.sem_alloc : memref<!tpu.dma_semaphore, #tpu.memory_space<semaphore_mem>>
        %dma_start3A = arith.constant 0 : i32
        %dma_start3A_171 = arith.constant 999936 : i32
        %dma_start3A_172 = tpu.memref_slice %arg2[%dma_start3A, %dma_start3A_171] : memref<32x1000000xf32, #tpu.memory_space<hbm>> -> memref<32x64xf32, #tpu.memory_space<hbm>>
        %dma_start3A_173 = arith.constant 0 : i32
        %dma_start3A_174 = arith.constant 999936 : i32
        %dma_start3A_175 = tpu.memref_slice %arg2[%dma_start3A_173, %dma_start3A_174] : memref<32x1000000xf32, #tpu.memory_space<hbm>> -> memref<32x64xf32, #tpu.memory_space<hbm>>
        tpu.enqueue_dma source(%dma_start3A_175 : memref<32x64xf32, #tpu.memory_space<hbm>>) target(%arg11 : memref<32x64xf32, #tpu.memory_space<vmem>>) target_semaphore(%run_scoped3A : memref<!tpu.dma_semaphore, #tpu.memory_space<semaphore_mem>>)
        %dma_wait3A_176 = arith.constant 0 : i32
        %dma_wait3A_177 = arith.constant 999936 : i32
        %dma_wait3A_178 = tpu.memref_slice %arg2[%dma_wait3A_176, %dma_wait3A_177] : memref<32x1000000xf32, #tpu.memory_space<hbm>> -> memref<32x64xf32, #tpu.memory_space<hbm>>
        %dma_wait3A_179 = arith.constant 0 : i32
        %dma_wait3A_180 = arith.constant 999936 : i32
        %dma_wait3A_181 = tpu.memref_slice %arg2[%dma_wait3A_179, %dma_wait3A_180] : memref<32x1000000xf32, #tpu.memory_space<hbm>> -> memref<32x64xf32, #tpu.memory_space<hbm>>
        tpu.wait_dma2 semaphore(%run_scoped3A : memref<!tpu.dma_semaphore, #tpu.memory_space<semaphore_mem>>) src(%dma_wait3A_181 : memref<32x64xf32, #tpu.memory_space<hbm>>) dst(%arg11 : memref<32x64xf32, #tpu.memory_space<vmem>>)
        tpu.yield
      }) : () -> ()
      %while3A_161 = arith.constant 0 : i32
      %while3A_162 = arith.constant 0 : i32
      %while3A_163 = arith.subi %select_n3A_83, %while3A_162 : i32
      %while3A_164 = arith.addi %while3A_162, %while3A_163 : i32
      %while3A_165 = arith.constant 1 : i32
      %while3A_166 = arith.divsi %while3A_163, %while3A_165 : i32
      %while3A_167 = arith.muli %while3A_166, %while3A_165 : i32
      %while3A_168 = arith.addi %while3A_162, %while3A_167 : i32
      %while3A_169 = arith.constant 1 : i32
      scf.for %while3A_171 = %while3A_162 to %while3A_168 step %while3A_169  : i32 {
        %mul3A_172 = arith.constant 16 : i32
        %mul3A_173 = arith.muli %while3A_171, %mul3A_172 : i32
        %get3A = arith.index_cast %mul3A_173 : i32 to index
        %get3A_174 = tpu.vector_load %arg9[%get3A] {strides = array<i32>} : memref<8208xi32, #tpu.memory_space<vmem>>, vector<16xi32>,
        %gather3A = tpu.vector_load_idx %arg8[%get3A_174] : memref<8192xi32, #tpu.memory_space<vmem>>[vector<16xi32>], vector<16xi32>,
        %ge3A = arith.constant 999936 : i32
        %ge3A_175 = vector.broadcast %ge3A : i32 to vector<16xi32>
        %ge3A_176 = arith.cmpi sge, %gather3A, %ge3A_175 : vector<16xi32>
        %lt3A = arith.constant 1000192 : i32
        %lt3A_177 = vector.broadcast %lt3A : i32 to vector<16xi32>
        %lt3A_178 = arith.cmpi slt, %gather3A, %lt3A_177 : vector<16xi32>
        %and3A_179 = arith.andi %ge3A_176, %lt3A_178 : vector<16xi1>
        %convert_element_type3A_180 = arith.extui %and3A_179 : vector<16xi1> to vector<16xi32>
        %reduce_sum3A = arith.constant true
        %reduce_sum3A_181 = vector.broadcast %reduce_sum3A : i1 to vector<16xi1>
        %reduce_sum3A_182 = tpu.scan <sum>, %convert_element_type3A_180 masked %reduce_sum3A_181 : vector<16xi32>, vector<16xi1> -> vector<16xi32>
        %reduce_sum3A_183 = vector.extract %reduce_sum3A_182[15] : i32 from vector<16xi32>
        %gt3A_184 = arith.constant 0 : i32
        %gt3A_185 = arith.cmpi sgt, %reduce_sum3A_183, %gt3A_184 : i32
        %convert_element_type3A_186 = arith.extui %gt3A_185 : i1 to i32
        %cond3A_187 = arith.constant 0 : i32
        %cond3A_188 = arith.cmpi ne, %convert_element_type3A_186, %cond3A_187 : i32
        scf.if %cond3A_188 {
          %sub3A_189 = arith.constant 999936 : i32
          %sub3A_190 = vector.broadcast %sub3A_189 : i32 to vector<16xi32>
          %sub3A_191 = arith.subi %gather3A, %sub3A_190 : vector<16xi32>
          %jit3A_192 = arith.constant 0 : i32
          %broadcast_in_dim3A_193 = vector.broadcast %jit3A_192 : i32 to vector<16xi32>
          %select_n3A_194 = arith.select %and3A_179, %sub3A_191, %broadcast_in_dim3A_193 : vector<16xi1>, vector<16xi32>
          %broadcast_in_dim3A_195 = arith.constant 0 : i32
          %broadcast_in_dim3A_196 = vector.broadcast %broadcast_in_dim3A_195 : i32 to vector<16xi32>
          %gather3A_197 = tpu.vector_load_idx %arg11[%broadcast_in_dim3A_196, %select_n3A_194] : memref<32x64xf32, #tpu.memory_space<vmem>>[vector<16xi32>, vector<16xi32>], vector<16xf32>,
          tpu.vector_store_idx %arg12[%iota3A, %broadcast_in_dim3A_196], %gather3A_197 : memref<16x128xf32, #tpu.memory_space<vmem>>[vector<16xi32>, vector<16xi32>], vector<16xf32>,
          %broadcast_in_dim3A_198 = arith.constant 1 : i32
          %broadcast_in_dim3A_199 = vector.broadcast %broadcast_in_dim3A_198 : i32 to vector<16xi32>
          %gather3A_200 = tpu.vector_load_idx %arg11[%broadcast_in_dim3A_199, %select_n3A_194] : memref<32x64xf32, #tpu.memory_space<vmem>>[vector<16xi32>, vector<16xi32>], vector<16xf32>,
          tpu.vector_store_idx %arg12[%iota3A, %broadcast_in_dim3A_199], %gather3A_200 : memref<16x128xf32, #tpu.memory_space<vmem>>[vector<16xi32>, vector<16xi32>], vector<16xf32>,
          %broadcast_in_dim3A_201 = arith.constant 2 : i32
          %broadcast_in_dim3A_202 = vector.broadcast %broadcast_in_dim3A_201 : i32 to vector<16xi32>
          %gather3A_203 = tpu.vector_load_idx %arg11[%broadcast_in_dim3A_202, %select_n3A_194] : memref<32x64xf32, #tpu.memory_space<vmem>>[vector<16xi32>, vector<16xi32>], vector<16xf32>,
          tpu.vector_store_idx %arg12[%iota3A, %broadcast_in_dim3A_202], %gather3A_203 : memref<16x128xf32, #tpu.memory_space<vmem>>[vector<16xi32>, vector<16xi32>], vector<16xf32>,
          %broadcast_in_dim3A_204 = arith.constant 3 : i32
          %broadcast_in_dim3A_205 = vector.broadcast %broadcast_in_dim3A_204 : i32 to vector<16xi32>
          %gather3A_206 = tpu.vector_load_idx %arg11[%broadcast_in_dim3A_205, %select_n3A_194] : memref<32x64xf32, #tpu.memory_space<vmem>>[vector<16xi32>, vector<16xi32>], vector<16xf32>,
          tpu.vector_store_idx %arg12[%iota3A, %broadcast_in_dim3A_205], %gather3A_206 : memref<16x128xf32, #tpu.memory_space<vmem>>[vector<16xi32>, vector<16xi32>], vector<16xf32>,
          %broadcast_in_dim3A_207 = arith.constant 4 : i32
          %broadcast_in_dim3A_208 = vector.broadcast %broadcast_in_dim3A_207 : i32 to vector<16xi32>
          %gather3A_209 = tpu.vector_load_idx %arg11[%broadcast_in_dim3A_208, %select_n3A_194] : memref<32x64xf32, #tpu.memory_space<vmem>>[vector<16xi32>, vector<16xi32>], vector<16xf32>,
          tpu.vector_store_idx %arg12[%iota3A, %broadcast_in_dim3A_208], %gather3A_209 : memref<16x128xf32, #tpu.memory_space<vmem>>[vector<16xi32>, vector<16xi32>], vector<16xf32>,
          %broadcast_in_dim3A_210 = arith.constant 5 : i32
          %broadcast_in_dim3A_211 = vector.broadcast %broadcast_in_dim3A_210 : i32 to vector<16xi32>
          %gather3A_212 = tpu.vector_load_idx %arg11[%broadcast_in_dim3A_211, %select_n3A_194] : memref<32x64xf32, #tpu.memory_space<vmem>>[vector<16xi32>, vector<16xi32>], vector<16xf32>,
          tpu.vector_store_idx %arg12[%iota3A, %broadcast_in_dim3A_211], %gather3A_212 : memref<16x128xf32, #tpu.memory_space<vmem>>[vector<16xi32>, vector<16xi32>], vector<16xf32>,
          %broadcast_in_dim3A_213 = arith.constant 6 : i32
          %broadcast_in_dim3A_214 = vector.broadcast %broadcast_in_dim3A_213 : i32 to vector<16xi32>
          %gather3A_215 = tpu.vector_load_idx %arg11[%broadcast_in_dim3A_214, %select_n3A_194] : memref<32x64xf32, #tpu.memory_space<vmem>>[vector<16xi32>, vector<16xi32>], vector<16xf32>,
          tpu.vector_store_idx %arg12[%iota3A, %broadcast_in_dim3A_214], %gather3A_215 : memref<16x128xf32, #tpu.memory_space<vmem>>[vector<16xi32>, vector<16xi32>], vector<16xf32>,
          %broadcast_in_dim3A_216 = arith.constant 7 : i32
          %broadcast_in_dim3A_217 = vector.broadcast %broadcast_in_dim3A_216 : i32 to vector<16xi32>
          %gather3A_218 = tpu.vector_load_idx %arg11[%broadcast_in_dim3A_217, %select_n3A_194] : memref<32x64xf32, #tpu.memory_space<vmem>>[vector<16xi32>, vector<16xi32>], vector<16xf32>,
          tpu.vector_store_idx %arg12[%iota3A, %broadcast_in_dim3A_217], %gather3A_218 : memref<16x128xf32, #tpu.memory_space<vmem>>[vector<16xi32>, vector<16xi32>], vector<16xf32>,
          %broadcast_in_dim3A_219 = arith.constant 8 : i32
          %broadcast_in_dim3A_220 = vector.broadcast %broadcast_in_dim3A_219 : i32 to vector<16xi32>
          %gather3A_221 = tpu.vector_load_idx %arg11[%broadcast_in_dim3A_220, %select_n3A_194] : memref<32x64xf32, #tpu.memory_space<vmem>>[vector<16xi32>, vector<16xi32>], vector<16xf32>,
          tpu.vector_store_idx %arg12[%iota3A, %broadcast_in_dim3A_220], %gather3A_221 : memref<16x128xf32, #tpu.memory_space<vmem>>[vector<16xi32>, vector<16xi32>], vector<16xf32>,
          %broadcast_in_dim3A_222 = arith.constant 9 : i32
          %broadcast_in_dim3A_223 = vector.broadcast %broadcast_in_dim3A_222 : i32 to vector<16xi32>
          %gather3A_224 = tpu.vector_load_idx %arg11[%broadcast_in_dim3A_223, %select_n3A_194] : memref<32x64xf32, #tpu.memory_space<vmem>>[vector<16xi32>, vector<16xi32>], vector<16xf32>,
          tpu.vector_store_idx %arg12[%iota3A, %broadcast_in_dim3A_223], %gather3A_224 : memref<16x128xf32, #tpu.memory_space<vmem>>[vector<16xi32>, vector<16xi32>], vector<16xf32>,
          %broadcast_in_dim3A_225 = arith.constant 10 : i32
          %broadcast_in_dim3A_226 = vector.broadcast %broadcast_in_dim3A_225 : i32 to vector<16xi32>
          %gather3A_227 = tpu.vector_load_idx %arg11[%broadcast_in_dim3A_226, %select_n3A_194] : memref<32x64xf32, #tpu.memory_space<vmem>>[vector<16xi32>, vector<16xi32>], vector<16xf32>,
          tpu.vector_store_idx %arg12[%iota3A, %broadcast_in_dim3A_226], %gather3A_227 : memref<16x128xf32, #tpu.memory_space<vmem>>[vector<16xi32>, vector<16xi32>], vector<16xf32>,
          %broadcast_in_dim3A_228 = arith.constant 11 : i32
          %broadcast_in_dim3A_229 = vector.broadcast %broadcast_in_dim3A_228 : i32 to vector<16xi32>
          %gather3A_230 = tpu.vector_load_idx %arg11[%broadcast_in_dim3A_229, %select_n3A_194] : memref<32x64xf32, #tpu.memory_space<vmem>>[vector<16xi32>, vector<16xi32>], vector<16xf32>,
          tpu.vector_store_idx %arg12[%iota3A, %broadcast_in_dim3A_229], %gather3A_230 : memref<16x128xf32, #tpu.memory_space<vmem>>[vector<16xi32>, vector<16xi32>], vector<16xf32>,
          %broadcast_in_dim3A_231 = arith.constant 12 : i32
          %broadcast_in_dim3A_232 = vector.broadcast %broadcast_in_dim3A_231 : i32 to vector<16xi32>
          %gather3A_233 = tpu.vector_load_idx %arg11[%broadcast_in_dim3A_232, %select_n3A_194] : memref<32x64xf32, #tpu.memory_space<vmem>>[vector<16xi32>, vector<16xi32>], vector<16xf32>,
          tpu.vector_store_idx %arg12[%iota3A, %broadcast_in_dim3A_232], %gather3A_233 : memref<16x128xf32, #tpu.memory_space<vmem>>[vector<16xi32>, vector<16xi32>], vector<16xf32>,
          %broadcast_in_dim3A_234 = arith.constant 13 : i32
          %broadcast_in_dim3A_235 = vector.broadcast %broadcast_in_dim3A_234 : i32 to vector<16xi32>
          %gather3A_236 = tpu.vector_load_idx %arg11[%broadcast_in_dim3A_235, %select_n3A_194] : memref<32x64xf32, #tpu.memory_space<vmem>>[vector<16xi32>, vector<16xi32>], vector<16xf32>,
          tpu.vector_store_idx %arg12[%iota3A, %broadcast_in_dim3A_235], %gather3A_236 : memref<16x128xf32, #tpu.memory_space<vmem>>[vector<16xi32>, vector<16xi32>], vector<16xf32>,
          %broadcast_in_dim3A_237 = arith.constant 14 : i32
          %broadcast_in_dim3A_238 = vector.broadcast %broadcast_in_dim3A_237 : i32 to vector<16xi32>
          %gather3A_239 = tpu.vector_load_idx %arg11[%broadcast_in_dim3A_238, %select_n3A_194] : memref<32x64xf32, #tpu.memory_space<vmem>>[vector<16xi32>, vector<16xi32>], vector<16xf32>,
          tpu.vector_store_idx %arg12[%iota3A, %broadcast_in_dim3A_238], %gather3A_239 : memref<16x128xf32, #tpu.memory_space<vmem>>[vector<16xi32>, vector<16xi32>], vector<16xf32>,
          %broadcast_in_dim3A_240 = arith.constant 15 : i32
          %broadcast_in_dim3A_241 = vector.broadcast %broadcast_in_dim3A_240 : i32 to vector<16xi32>
          %gather3A_242 = tpu.vector_load_idx %arg11[%broadcast_in_dim3A_241, %select_n3A_194] : memref<32x64xf32, #tpu.memory_space<vmem>>[vector<16xi32>, vector<16xi32>], vector<16xf32>,
          tpu.vector_store_idx %arg12[%iota3A, %broadcast_in_dim3A_241], %gather3A_242 : memref<16x128xf32, #tpu.memory_space<vmem>>[vector<16xi32>, vector<16xi32>], vector<16xf32>,
          %broadcast_in_dim3A_243 = arith.constant 16 : i32
          %broadcast_in_dim3A_244 = vector.broadcast %broadcast_in_dim3A_243 : i32 to vector<16xi32>
          %gather3A_245 = tpu.vector_load_idx %arg11[%broadcast_in_dim3A_244, %select_n3A_194] : memref<32x64xf32, #tpu.memory_space<vmem>>[vector<16xi32>, vector<16xi32>], vector<16xf32>,
          tpu.vector_store_idx %arg12[%iota3A, %broadcast_in_dim3A_244], %gather3A_245 : memref<16x128xf32, #tpu.memory_space<vmem>>[vector<16xi32>, vector<16xi32>], vector<16xf32>,
          %broadcast_in_dim3A_246 = arith.constant 17 : i32
          %broadcast_in_dim3A_247 = vector.broadcast %broadcast_in_dim3A_246 : i32 to vector<16xi32>
          %gather3A_248 = tpu.vector_load_idx %arg11[%broadcast_in_dim3A_247, %select_n3A_194] : memref<32x64xf32, #tpu.memory_space<vmem>>[vector<16xi32>, vector<16xi32>], vector<16xf32>,
          tpu.vector_store_idx %arg12[%iota3A, %broadcast_in_dim3A_247], %gather3A_248 : memref<16x128xf32, #tpu.memory_space<vmem>>[vector<16xi32>, vector<16xi32>], vector<16xf32>,
          %broadcast_in_dim3A_249 = arith.constant 18 : i32
          %broadcast_in_dim3A_250 = vector.broadcast %broadcast_in_dim3A_249 : i32 to vector<16xi32>
          %gather3A_251 = tpu.vector_load_idx %arg11[%broadcast_in_dim3A_250, %select_n3A_194] : memref<32x64xf32, #tpu.memory_space<vmem>>[vector<16xi32>, vector<16xi32>], vector<16xf32>,
          tpu.vector_store_idx %arg12[%iota3A, %broadcast_in_dim3A_250], %gather3A_251 : memref<16x128xf32, #tpu.memory_space<vmem>>[vector<16xi32>, vector<16xi32>], vector<16xf32>,
          %broadcast_in_dim3A_252 = arith.constant 19 : i32
          %broadcast_in_dim3A_253 = vector.broadcast %broadcast_in_dim3A_252 : i32 to vector<16xi32>
          %gather3A_254 = tpu.vector_load_idx %arg11[%broadcast_in_dim3A_253, %select_n3A_194] : memref<32x64xf32, #tpu.memory_space<vmem>>[vector<16xi32>, vector<16xi32>], vector<16xf32>,
          tpu.vector_store_idx %arg12[%iota3A, %broadcast_in_dim3A_253], %gather3A_254 : memref<16x128xf32, #tpu.memory_space<vmem>>[vector<16xi32>, vector<16xi32>], vector<16xf32>,
          %broadcast_in_dim3A_255 = arith.constant 20 : i32
          %broadcast_in_dim3A_256 = vector.broadcast %broadcast_in_dim3A_255 : i32 to vector<16xi32>
          %gather3A_257 = tpu.vector_load_idx %arg11[%broadcast_in_dim3A_256, %select_n3A_194] : memref<32x64xf32, #tpu.memory_space<vmem>>[vector<16xi32>, vector<16xi32>], vector<16xf32>,
          tpu.vector_store_idx %arg12[%iota3A, %broadcast_in_dim3A_256], %gather3A_257 : memref<16x128xf32, #tpu.memory_space<vmem>>[vector<16xi32>, vector<16xi32>], vector<16xf32>,
          %broadcast_in_dim3A_258 = arith.constant 21 : i32
          %broadcast_in_dim3A_259 = vector.broadcast %broadcast_in_dim3A_258 : i32 to vector<16xi32>
          %gather3A_260 = tpu.vector_load_idx %arg11[%broadcast_in_dim3A_259, %select_n3A_194] : memref<32x64xf32, #tpu.memory_space<vmem>>[vector<16xi32>, vector<16xi32>], vector<16xf32>,
          tpu.vector_store_idx %arg12[%iota3A, %broadcast_in_dim3A_259], %gather3A_260 : memref<16x128xf32, #tpu.memory_space<vmem>>[vector<16xi32>, vector<16xi32>], vector<16xf32>,
          %broadcast_in_dim3A_261 = arith.constant 22 : i32
          %broadcast_in_dim3A_262 = vector.broadcast %broadcast_in_dim3A_261 : i32 to vector<16xi32>
          %gather3A_263 = tpu.vector_load_idx %arg11[%broadcast_in_dim3A_262, %select_n3A_194] : memref<32x64xf32, #tpu.memory_space<vmem>>[vector<16xi32>, vector<16xi32>], vector<16xf32>,
          tpu.vector_store_idx %arg12[%iota3A, %broadcast_in_dim3A_262], %gather3A_263 : memref<16x128xf32, #tpu.memory_space<vmem>>[vector<16xi32>, vector<16xi32>], vector<16xf32>,
          %broadcast_in_dim3A_264 = arith.constant 23 : i32
          %broadcast_in_dim3A_265 = vector.broadcast %broadcast_in_dim3A_264 : i32 to vector<16xi32>
          %gather3A_266 = tpu.vector_load_idx %arg11[%broadcast_in_dim3A_265, %select_n3A_194] : memref<32x64xf32, #tpu.memory_space<vmem>>[vector<16xi32>, vector<16xi32>], vector<16xf32>,
          tpu.vector_store_idx %arg12[%iota3A, %broadcast_in_dim3A_265], %gather3A_266 : memref<16x128xf32, #tpu.memory_space<vmem>>[vector<16xi32>, vector<16xi32>], vector<16xf32>,
          %broadcast_in_dim3A_267 = arith.constant 24 : i32
          %broadcast_in_dim3A_268 = vector.broadcast %broadcast_in_dim3A_267 : i32 to vector<16xi32>
          %gather3A_269 = tpu.vector_load_idx %arg11[%broadcast_in_dim3A_268, %select_n3A_194] : memref<32x64xf32, #tpu.memory_space<vmem>>[vector<16xi32>, vector<16xi32>], vector<16xf32>,
          tpu.vector_store_idx %arg12[%iota3A, %broadcast_in_dim3A_268], %gather3A_269 : memref<16x128xf32, #tpu.memory_space<vmem>>[vector<16xi32>, vector<16xi32>], vector<16xf32>,
          %broadcast_in_dim3A_270 = arith.constant 25 : i32
          %broadcast_in_dim3A_271 = vector.broadcast %broadcast_in_dim3A_270 : i32 to vector<16xi32>
          %gather3A_272 = tpu.vector_load_idx %arg11[%broadcast_in_dim3A_271, %select_n3A_194] : memref<32x64xf32, #tpu.memory_space<vmem>>[vector<16xi32>, vector<16xi32>], vector<16xf32>,
          tpu.vector_store_idx %arg12[%iota3A, %broadcast_in_dim3A_271], %gather3A_272 : memref<16x128xf32, #tpu.memory_space<vmem>>[vector<16xi32>, vector<16xi32>], vector<16xf32>,
          %broadcast_in_dim3A_273 = arith.constant 26 : i32
          %broadcast_in_dim3A_274 = vector.broadcast %broadcast_in_dim3A_273 : i32 to vector<16xi32>
          %gather3A_275 = tpu.vector_load_idx %arg11[%broadcast_in_dim3A_274, %select_n3A_194] : memref<32x64xf32, #tpu.memory_space<vmem>>[vector<16xi32>, vector<16xi32>], vector<16xf32>,
          tpu.vector_store_idx %arg12[%iota3A, %broadcast_in_dim3A_274], %gather3A_275 : memref<16x128xf32, #tpu.memory_space<vmem>>[vector<16xi32>, vector<16xi32>], vector<16xf32>,
          %broadcast_in_dim3A_276 = arith.constant 27 : i32
          %broadcast_in_dim3A_277 = vector.broadcast %broadcast_in_dim3A_276 : i32 to vector<16xi32>
          %gather3A_278 = tpu.vector_load_idx %arg11[%broadcast_in_dim3A_277, %select_n3A_194] : memref<32x64xf32, #tpu.memory_space<vmem>>[vector<16xi32>, vector<16xi32>], vector<16xf32>,
          tpu.vector_store_idx %arg12[%iota3A, %broadcast_in_dim3A_277], %gather3A_278 : memref<16x128xf32, #tpu.memory_space<vmem>>[vector<16xi32>, vector<16xi32>], vector<16xf32>,
          %broadcast_in_dim3A_279 = arith.constant 28 : i32
          %broadcast_in_dim3A_280 = vector.broadcast %broadcast_in_dim3A_279 : i32 to vector<16xi32>
          %gather3A_281 = tpu.vector_load_idx %arg11[%broadcast_in_dim3A_280, %select_n3A_194] : memref<32x64xf32, #tpu.memory_space<vmem>>[vector<16xi32>, vector<16xi32>], vector<16xf32>,
          tpu.vector_store_idx %arg12[%iota3A, %broadcast_in_dim3A_280], %gather3A_281 : memref<16x128xf32, #tpu.memory_space<vmem>>[vector<16xi32>, vector<16xi32>], vector<16xf32>,
          %broadcast_in_dim3A_282 = arith.constant 29 : i32
          %broadcast_in_dim3A_283 = vector.broadcast %broadcast_in_dim3A_282 : i32 to vector<16xi32>
          %gather3A_284 = tpu.vector_load_idx %arg11[%broadcast_in_dim3A_283, %select_n3A_194] : memref<32x64xf32, #tpu.memory_space<vmem>>[vector<16xi32>, vector<16xi32>], vector<16xf32>,
          tpu.vector_store_idx %arg12[%iota3A, %broadcast_in_dim3A_283], %gather3A_284 : memref<16x128xf32, #tpu.memory_space<vmem>>[vector<16xi32>, vector<16xi32>], vector<16xf32>,
          %broadcast_in_dim3A_285 = arith.constant 30 : i32
          %broadcast_in_dim3A_286 = vector.broadcast %broadcast_in_dim3A_285 : i32 to vector<16xi32>
          %gather3A_287 = tpu.vector_load_idx %arg11[%broadcast_in_dim3A_286, %select_n3A_194] : memref<32x64xf32, #tpu.memory_space<vmem>>[vector<16xi32>, vector<16xi32>], vector<16xf32>,
          tpu.vector_store_idx %arg12[%iota3A, %broadcast_in_dim3A_286], %gather3A_287 : memref<16x128xf32, #tpu.memory_space<vmem>>[vector<16xi32>, vector<16xi32>], vector<16xf32>,
          %broadcast_in_dim3A_288 = arith.constant 31 : i32
          %broadcast_in_dim3A_289 = vector.broadcast %broadcast_in_dim3A_288 : i32 to vector<16xi32>
          %gather3A_290 = tpu.vector_load_idx %arg11[%broadcast_in_dim3A_289, %select_n3A_194] : memref<32x64xf32, #tpu.memory_space<vmem>>[vector<16xi32>, vector<16xi32>], vector<16xf32>,
          tpu.vector_store_idx %arg12[%iota3A, %broadcast_in_dim3A_289], %gather3A_290 : memref<16x128xf32, #tpu.memory_space<vmem>>[vector<16xi32>, vector<16xi32>], vector<16xf32>,
          %mul3A_291 = arith.constant 8192 : i32
          %mul3A_292 = arith.muli %arg0, %mul3A_291 : i32
          %add3A_293 = vector.broadcast %mul3A_292 : i32 to vector<16xi32>
          %add3A_294 = arith.addi %add3A_293, %get3A_174 : vector<16xi32>
          %add3A_295 = arith.constant 16384 : i32
          %add3A_296 = vector.broadcast %add3A_295 : i32 to vector<16xi32>
          %add3A_297 = arith.addi %add3A_296, %iota3A : vector<16xi32>
          %select_n3A_298 = arith.select %and3A_179, %add3A_294, %add3A_297 : vector<16xi1>, vector<16xi32>
          %swap3A_299 = arith.constant 0 : index
          %swap3A_300 = tpu.vector_load %arg13[%swap3A_299] {strides = array<i32>} : memref<16xi32, #tpu.memory_space<vmem>>, vector<16xi32>,
          tpu.vector_store %arg13[%swap3A_299], %select_n3A_298 {strides = array<i32>} : memref<16xi32, #tpu.memory_space<vmem>>, vector<16xi32>,
          "tpu.region"() ({
            %run_scoped3A = tpu.sem_alloc : memref<!tpu.dma_semaphore, #tpu.memory_space<semaphore_mem>>
            %dma_start3A = arith.constant 0 : i32
            %dma_start3A_301 = arith.constant 0 : i32
            %dma_start3A_302 = tpu.memref_slice %arg7[%dma_start3A, %dma_start3A_301] : memref<16448x128xf32, #tpu.memory_space<hbm>> -> memref<16448x128xf32, #tpu.memory_space<hbm>>
            tpu.enqueue_indirect_dma source(%arg12 : memref<16x128xf32, #tpu.memory_space<vmem>>) target(%dma_start3A_302 : memref<16448x128xf32, #tpu.memory_space<hbm>>) offsets(%arg13 : memref<16xi32, #tpu.memory_space<vmem>>) semaphore(%run_scoped3A : memref<!tpu.dma_semaphore, #tpu.memory_space<semaphore_mem>>)
            %dma_wait3A_303 = arith.constant 0 : i32
            %dma_wait3A_304 = arith.constant 0 : i32
            %dma_wait3A_305 = tpu.memref_slice %arg7[%dma_wait3A_303, %dma_wait3A_304] : memref<16448x128xf32, #tpu.memory_space<hbm>> -> memref<16448x128xf32, #tpu.memory_space<hbm>>
            tpu.wait_indirect_dma semaphore(%run_scoped3A : memref<!tpu.dma_semaphore, #tpu.memory_space<semaphore_mem>>) src(%arg12 : memref<16x128xf32, #tpu.memory_space<vmem>>) dst(%dma_wait3A_305 : memref<16448x128xf32, #tpu.memory_space<hbm>>)
            tpu.yield
          }) : () -> ()
        } else {
        }
      }
      %while3A_170 = arith.constant 1 : i32
      scf.for %while3A_171 = %while3A_168 to %while3A_164 step %while3A_170  : i32 {
        %mul3A_172 = arith.constant 16 : i32
        %mul3A_173 = arith.muli %while3A_171, %mul3A_172 : i32
        %get3A = arith.index_cast %mul3A_173 : i32 to index
        %get3A_174 = tpu.vector_load %arg9[%get3A] {strides = array<i32>} : memref<8208xi32, #tpu.memory_space<vmem>>, vector<16xi32>,
        %gather3A = tpu.vector_load_idx %arg8[%get3A_174] : memref<8192xi32, #tpu.memory_space<vmem>>[vector<16xi32>], vector<16xi32>,
        %ge3A = arith.constant 999936 : i32
        %ge3A_175 = vector.broadcast %ge3A : i32 to vector<16xi32>
        %ge3A_176 = arith.cmpi sge, %gather3A, %ge3A_175 : vector<16xi32>
        %lt3A = arith.constant 1000192 : i32
        %lt3A_177 = vector.broadcast %lt3A : i32 to vector<16xi32>
        %lt3A_178 = arith.cmpi slt, %gather3A, %lt3A_177 : vector<16xi32>
        %and3A_179 = arith.andi %ge3A_176, %lt3A_178 : vector<16xi1>
        %convert_element_type3A_180 = arith.extui %and3A_179 : vector<16xi1> to vector<16xi32>
        %reduce_sum3A = arith.constant true
        %reduce_sum3A_181 = vector.broadcast %reduce_sum3A : i1 to vector<16xi1>
        %reduce_sum3A_182 = tpu.scan <sum>, %convert_element_type3A_180 masked %reduce_sum3A_181 : vector<16xi32>, vector<16xi1> -> vector<16xi32>
        %reduce_sum3A_183 = vector.extract %reduce_sum3A_182[15] : i32 from vector<16xi32>
        %gt3A_184 = arith.constant 0 : i32
        %gt3A_185 = arith.cmpi sgt, %reduce_sum3A_183, %gt3A_184 : i32
        %convert_element_type3A_186 = arith.extui %gt3A_185 : i1 to i32
        %cond3A_187 = arith.constant 0 : i32
        %cond3A_188 = arith.cmpi ne, %convert_element_type3A_186, %cond3A_187 : i32
        scf.if %cond3A_188 {
          %sub3A_189 = arith.constant 999936 : i32
          %sub3A_190 = vector.broadcast %sub3A_189 : i32 to vector<16xi32>
          %sub3A_191 = arith.subi %gather3A, %sub3A_190 : vector<16xi32>
          %jit3A_192 = arith.constant 0 : i32
          %broadcast_in_dim3A_193 = vector.broadcast %jit3A_192 : i32 to vector<16xi32>
          %select_n3A_194 = arith.select %and3A_179, %sub3A_191, %broadcast_in_dim3A_193 : vector<16xi1>, vector<16xi32>
          %broadcast_in_dim3A_195 = arith.constant 0 : i32
          %broadcast_in_dim3A_196 = vector.broadcast %broadcast_in_dim3A_195 : i32 to vector<16xi32>
          %gather3A_197 = tpu.vector_load_idx %arg11[%broadcast_in_dim3A_196, %select_n3A_194] : memref<32x64xf32, #tpu.memory_space<vmem>>[vector<16xi32>, vector<16xi32>], vector<16xf32>,
          tpu.vector_store_idx %arg12[%iota3A, %broadcast_in_dim3A_196], %gather3A_197 : memref<16x128xf32, #tpu.memory_space<vmem>>[vector<16xi32>, vector<16xi32>], vector<16xf32>,
          %broadcast_in_dim3A_198 = arith.constant 1 : i32
          %broadcast_in_dim3A_199 = vector.broadcast %broadcast_in_dim3A_198 : i32 to vector<16xi32>
          %gather3A_200 = tpu.vector_load_idx %arg11[%broadcast_in_dim3A_199, %select_n3A_194] : memref<32x64xf32, #tpu.memory_space<vmem>>[vector<16xi32>, vector<16xi32>], vector<16xf32>,
          tpu.vector_store_idx %arg12[%iota3A, %broadcast_in_dim3A_199], %gather3A_200 : memref<16x128xf32, #tpu.memory_space<vmem>>[vector<16xi32>, vector<16xi32>], vector<16xf32>,
          %broadcast_in_dim3A_201 = arith.constant 2 : i32
          %broadcast_in_dim3A_202 = vector.broadcast %broadcast_in_dim3A_201 : i32 to vector<16xi32>
          %gather3A_203 = tpu.vector_load_idx %arg11[%broadcast_in_dim3A_202, %select_n3A_194] : memref<32x64xf32, #tpu.memory_space<vmem>>[vector<16xi32>, vector<16xi32>], vector<16xf32>,
          tpu.vector_store_idx %arg12[%iota3A, %broadcast_in_dim3A_202], %gather3A_203 : memref<16x128xf32, #tpu.memory_space<vmem>>[vector<16xi32>, vector<16xi32>], vector<16xf32>,
          %broadcast_in_dim3A_204 = arith.constant 3 : i32
          %broadcast_in_dim3A_205 = vector.broadcast %broadcast_in_dim3A_204 : i32 to vector<16xi32>
          %gather3A_206 = tpu.vector_load_idx %arg11[%broadcast_in_dim3A_205, %select_n3A_194] : memref<32x64xf32, #tpu.memory_space<vmem>>[vector<16xi32>, vector<16xi32>], vector<16xf32>,
          tpu.vector_store_idx %arg12[%iota3A, %broadcast_in_dim3A_205], %gather3A_206 : memref<16x128xf32, #tpu.memory_space<vmem>>[vector<16xi32>, vector<16xi32>], vector<16xf32>,
          %broadcast_in_dim3A_207 = arith.constant 4 : i32
          %broadcast_in_dim3A_208 = vector.broadcast %broadcast_in_dim3A_207 : i32 to vector<16xi32>
          %gather3A_209 = tpu.vector_load_idx %arg11[%broadcast_in_dim3A_208, %select_n3A_194] : memref<32x64xf32, #tpu.memory_space<vmem>>[vector<16xi32>, vector<16xi32>], vector<16xf32>,
          tpu.vector_store_idx %arg12[%iota3A, %broadcast_in_dim3A_208], %gather3A_209 : memref<16x128xf32, #tpu.memory_space<vmem>>[vector<16xi32>, vector<16xi32>], vector<16xf32>,
          %broadcast_in_dim3A_210 = arith.constant 5 : i32
          %broadcast_in_dim3A_211 = vector.broadcast %broadcast_in_dim3A_210 : i32 to vector<16xi32>
          %gather3A_212 = tpu.vector_load_idx %arg11[%broadcast_in_dim3A_211, %select_n3A_194] : memref<32x64xf32, #tpu.memory_space<vmem>>[vector<16xi32>, vector<16xi32>], vector<16xf32>,
          tpu.vector_store_idx %arg12[%iota3A, %broadcast_in_dim3A_211], %gather3A_212 : memref<16x128xf32, #tpu.memory_space<vmem>>[vector<16xi32>, vector<16xi32>], vector<16xf32>,
          %broadcast_in_dim3A_213 = arith.constant 6 : i32
          %broadcast_in_dim3A_214 = vector.broadcast %broadcast_in_dim3A_213 : i32 to vector<16xi32>
          %gather3A_215 = tpu.vector_load_idx %arg11[%broadcast_in_dim3A_214, %select_n3A_194] : memref<32x64xf32, #tpu.memory_space<vmem>>[vector<16xi32>, vector<16xi32>], vector<16xf32>,
          tpu.vector_store_idx %arg12[%iota3A, %broadcast_in_dim3A_214], %gather3A_215 : memref<16x128xf32, #tpu.memory_space<vmem>>[vector<16xi32>, vector<16xi32>], vector<16xf32>,
          %broadcast_in_dim3A_216 = arith.constant 7 : i32
          %broadcast_in_dim3A_217 = vector.broadcast %broadcast_in_dim3A_216 : i32 to vector<16xi32>
          %gather3A_218 = tpu.vector_load_idx %arg11[%broadcast_in_dim3A_217, %select_n3A_194] : memref<32x64xf32, #tpu.memory_space<vmem>>[vector<16xi32>, vector<16xi32>], vector<16xf32>,
          tpu.vector_store_idx %arg12[%iota3A, %broadcast_in_dim3A_217], %gather3A_218 : memref<16x128xf32, #tpu.memory_space<vmem>>[vector<16xi32>, vector<16xi32>], vector<16xf32>,
          %broadcast_in_dim3A_219 = arith.constant 8 : i32
          %broadcast_in_dim3A_220 = vector.broadcast %broadcast_in_dim3A_219 : i32 to vector<16xi32>
          %gather3A_221 = tpu.vector_load_idx %arg11[%broadcast_in_dim3A_220, %select_n3A_194] : memref<32x64xf32, #tpu.memory_space<vmem>>[vector<16xi32>, vector<16xi32>], vector<16xf32>,
          tpu.vector_store_idx %arg12[%iota3A, %broadcast_in_dim3A_220], %gather3A_221 : memref<16x128xf32, #tpu.memory_space<vmem>>[vector<16xi32>, vector<16xi32>], vector<16xf32>,
          %broadcast_in_dim3A_222 = arith.constant 9 : i32
          %broadcast_in_dim3A_223 = vector.broadcast %broadcast_in_dim3A_222 : i32 to vector<16xi32>
          %gather3A_224 = tpu.vector_load_idx %arg11[%broadcast_in_dim3A_223, %select_n3A_194] : memref<32x64xf32, #tpu.memory_space<vmem>>[vector<16xi32>, vector<16xi32>], vector<16xf32>,
          tpu.vector_store_idx %arg12[%iota3A, %broadcast_in_dim3A_223], %gather3A_224 : memref<16x128xf32, #tpu.memory_space<vmem>>[vector<16xi32>, vector<16xi32>], vector<16xf32>,
          %broadcast_in_dim3A_225 = arith.constant 10 : i32
          %broadcast_in_dim3A_226 = vector.broadcast %broadcast_in_dim3A_225 : i32 to vector<16xi32>
          %gather3A_227 = tpu.vector_load_idx %arg11[%broadcast_in_dim3A_226, %select_n3A_194] : memref<32x64xf32, #tpu.memory_space<vmem>>[vector<16xi32>, vector<16xi32>], vector<16xf32>,
          tpu.vector_store_idx %arg12[%iota3A, %broadcast_in_dim3A_226], %gather3A_227 : memref<16x128xf32, #tpu.memory_space<vmem>>[vector<16xi32>, vector<16xi32>], vector<16xf32>,
          %broadcast_in_dim3A_228 = arith.constant 11 : i32
          %broadcast_in_dim3A_229 = vector.broadcast %broadcast_in_dim3A_228 : i32 to vector<16xi32>
          %gather3A_230 = tpu.vector_load_idx %arg11[%broadcast_in_dim3A_229, %select_n3A_194] : memref<32x64xf32, #tpu.memory_space<vmem>>[vector<16xi32>, vector<16xi32>], vector<16xf32>,
          tpu.vector_store_idx %arg12[%iota3A, %broadcast_in_dim3A_229], %gather3A_230 : memref<16x128xf32, #tpu.memory_space<vmem>>[vector<16xi32>, vector<16xi32>], vector<16xf32>,
          %broadcast_in_dim3A_231 = arith.constant 12 : i32
          %broadcast_in_dim3A_232 = vector.broadcast %broadcast_in_dim3A_231 : i32 to vector<16xi32>
          %gather3A_233 = tpu.vector_load_idx %arg11[%broadcast_in_dim3A_232, %select_n3A_194] : memref<32x64xf32, #tpu.memory_space<vmem>>[vector<16xi32>, vector<16xi32>], vector<16xf32>,
          tpu.vector_store_idx %arg12[%iota3A, %broadcast_in_dim3A_232], %gather3A_233 : memref<16x128xf32, #tpu.memory_space<vmem>>[vector<16xi32>, vector<16xi32>], vector<16xf32>,
          %broadcast_in_dim3A_234 = arith.constant 13 : i32
          %broadcast_in_dim3A_235 = vector.broadcast %broadcast_in_dim3A_234 : i32 to vector<16xi32>
          %gather3A_236 = tpu.vector_load_idx %arg11[%broadcast_in_dim3A_235, %select_n3A_194] : memref<32x64xf32, #tpu.memory_space<vmem>>[vector<16xi32>, vector<16xi32>], vector<16xf32>,
          tpu.vector_store_idx %arg12[%iota3A, %broadcast_in_dim3A_235], %gather3A_236 : memref<16x128xf32, #tpu.memory_space<vmem>>[vector<16xi32>, vector<16xi32>], vector<16xf32>,
          %broadcast_in_dim3A_237 = arith.constant 14 : i32
          %broadcast_in_dim3A_238 = vector.broadcast %broadcast_in_dim3A_237 : i32 to vector<16xi32>
          %gather3A_239 = tpu.vector_load_idx %arg11[%broadcast_in_dim3A_238, %select_n3A_194] : memref<32x64xf32, #tpu.memory_space<vmem>>[vector<16xi32>, vector<16xi32>], vector<16xf32>,
          tpu.vector_store_idx %arg12[%iota3A, %broadcast_in_dim3A_238], %gather3A_239 : memref<16x128xf32, #tpu.memory_space<vmem>>[vector<16xi32>, vector<16xi32>], vector<16xf32>,
          %broadcast_in_dim3A_240 = arith.constant 15 : i32
          %broadcast_in_dim3A_241 = vector.broadcast %broadcast_in_dim3A_240 : i32 to vector<16xi32>
          %gather3A_242 = tpu.vector_load_idx %arg11[%broadcast_in_dim3A_241, %select_n3A_194] : memref<32x64xf32, #tpu.memory_space<vmem>>[vector<16xi32>, vector<16xi32>], vector<16xf32>,
          tpu.vector_store_idx %arg12[%iota3A, %broadcast_in_dim3A_241], %gather3A_242 : memref<16x128xf32, #tpu.memory_space<vmem>>[vector<16xi32>, vector<16xi32>], vector<16xf32>,
          %broadcast_in_dim3A_243 = arith.constant 16 : i32
          %broadcast_in_dim3A_244 = vector.broadcast %broadcast_in_dim3A_243 : i32 to vector<16xi32>
          %gather3A_245 = tpu.vector_load_idx %arg11[%broadcast_in_dim3A_244, %select_n3A_194] : memref<32x64xf32, #tpu.memory_space<vmem>>[vector<16xi32>, vector<16xi32>], vector<16xf32>,
          tpu.vector_store_idx %arg12[%iota3A, %broadcast_in_dim3A_244], %gather3A_245 : memref<16x128xf32, #tpu.memory_space<vmem>>[vector<16xi32>, vector<16xi32>], vector<16xf32>,
          %broadcast_in_dim3A_246 = arith.constant 17 : i32
          %broadcast_in_dim3A_247 = vector.broadcast %broadcast_in_dim3A_246 : i32 to vector<16xi32>
          %gather3A_248 = tpu.vector_load_idx %arg11[%broadcast_in_dim3A_247, %select_n3A_194] : memref<32x64xf32, #tpu.memory_space<vmem>>[vector<16xi32>, vector<16xi32>], vector<16xf32>,
          tpu.vector_store_idx %arg12[%iota3A, %broadcast_in_dim3A_247], %gather3A_248 : memref<16x128xf32, #tpu.memory_space<vmem>>[vector<16xi32>, vector<16xi32>], vector<16xf32>,
          %broadcast_in_dim3A_249 = arith.constant 18 : i32
          %broadcast_in_dim3A_250 = vector.broadcast %broadcast_in_dim3A_249 : i32 to vector<16xi32>
          %gather3A_251 = tpu.vector_load_idx %arg11[%broadcast_in_dim3A_250, %select_n3A_194] : memref<32x64xf32, #tpu.memory_space<vmem>>[vector<16xi32>, vector<16xi32>], vector<16xf32>,
          tpu.vector_store_idx %arg12[%iota3A, %broadcast_in_dim3A_250], %gather3A_251 : memref<16x128xf32, #tpu.memory_space<vmem>>[vector<16xi32>, vector<16xi32>], vector<16xf32>,
          %broadcast_in_dim3A_252 = arith.constant 19 : i32
          %broadcast_in_dim3A_253 = vector.broadcast %broadcast_in_dim3A_252 : i32 to vector<16xi32>
          %gather3A_254 = tpu.vector_load_idx %arg11[%broadcast_in_dim3A_253, %select_n3A_194] : memref<32x64xf32, #tpu.memory_space<vmem>>[vector<16xi32>, vector<16xi32>], vector<16xf32>,
          tpu.vector_store_idx %arg12[%iota3A, %broadcast_in_dim3A_253], %gather3A_254 : memref<16x128xf32, #tpu.memory_space<vmem>>[vector<16xi32>, vector<16xi32>], vector<16xf32>,
          %broadcast_in_dim3A_255 = arith.constant 20 : i32
          %broadcast_in_dim3A_256 = vector.broadcast %broadcast_in_dim3A_255 : i32 to vector<16xi32>
          %gather3A_257 = tpu.vector_load_idx %arg11[%broadcast_in_dim3A_256, %select_n3A_194] : memref<32x64xf32, #tpu.memory_space<vmem>>[vector<16xi32>, vector<16xi32>], vector<16xf32>,
          tpu.vector_store_idx %arg12[%iota3A, %broadcast_in_dim3A_256], %gather3A_257 : memref<16x128xf32, #tpu.memory_space<vmem>>[vector<16xi32>, vector<16xi32>], vector<16xf32>,
          %broadcast_in_dim3A_258 = arith.constant 21 : i32
          %broadcast_in_dim3A_259 = vector.broadcast %broadcast_in_dim3A_258 : i32 to vector<16xi32>
          %gather3A_260 = tpu.vector_load_idx %arg11[%broadcast_in_dim3A_259, %select_n3A_194] : memref<32x64xf32, #tpu.memory_space<vmem>>[vector<16xi32>, vector<16xi32>], vector<16xf32>,
          tpu.vector_store_idx %arg12[%iota3A, %broadcast_in_dim3A_259], %gather3A_260 : memref<16x128xf32, #tpu.memory_space<vmem>>[vector<16xi32>, vector<16xi32>], vector<16xf32>,
          %broadcast_in_dim3A_261 = arith.constant 22 : i32
          %broadcast_in_dim3A_262 = vector.broadcast %broadcast_in_dim3A_261 : i32 to vector<16xi32>
          %gather3A_263 = tpu.vector_load_idx %arg11[%broadcast_in_dim3A_262, %select_n3A_194] : memref<32x64xf32, #tpu.memory_space<vmem>>[vector<16xi32>, vector<16xi32>], vector<16xf32>,
          tpu.vector_store_idx %arg12[%iota3A, %broadcast_in_dim3A_262], %gather3A_263 : memref<16x128xf32, #tpu.memory_space<vmem>>[vector<16xi32>, vector<16xi32>], vector<16xf32>,
          %broadcast_in_dim3A_264 = arith.constant 23 : i32
          %broadcast_in_dim3A_265 = vector.broadcast %broadcast_in_dim3A_264 : i32 to vector<16xi32>
          %gather3A_266 = tpu.vector_load_idx %arg11[%broadcast_in_dim3A_265, %select_n3A_194] : memref<32x64xf32, #tpu.memory_space<vmem>>[vector<16xi32>, vector<16xi32>], vector<16xf32>,
          tpu.vector_store_idx %arg12[%iota3A, %broadcast_in_dim3A_265], %gather3A_266 : memref<16x128xf32, #tpu.memory_space<vmem>>[vector<16xi32>, vector<16xi32>], vector<16xf32>,
          %broadcast_in_dim3A_267 = arith.constant 24 : i32
          %broadcast_in_dim3A_268 = vector.broadcast %broadcast_in_dim3A_267 : i32 to vector<16xi32>
          %gather3A_269 = tpu.vector_load_idx %arg11[%broadcast_in_dim3A_268, %select_n3A_194] : memref<32x64xf32, #tpu.memory_space<vmem>>[vector<16xi32>, vector<16xi32>], vector<16xf32>,
          tpu.vector_store_idx %arg12[%iota3A, %broadcast_in_dim3A_268], %gather3A_269 : memref<16x128xf32, #tpu.memory_space<vmem>>[vector<16xi32>, vector<16xi32>], vector<16xf32>,
          %broadcast_in_dim3A_270 = arith.constant 25 : i32
          %broadcast_in_dim3A_271 = vector.broadcast %broadcast_in_dim3A_270 : i32 to vector<16xi32>
          %gather3A_272 = tpu.vector_load_idx %arg11[%broadcast_in_dim3A_271, %select_n3A_194] : memref<32x64xf32, #tpu.memory_space<vmem>>[vector<16xi32>, vector<16xi32>], vector<16xf32>,
          tpu.vector_store_idx %arg12[%iota3A, %broadcast_in_dim3A_271], %gather3A_272 : memref<16x128xf32, #tpu.memory_space<vmem>>[vector<16xi32>, vector<16xi32>], vector<16xf32>,
          %broadcast_in_dim3A_273 = arith.constant 26 : i32
          %broadcast_in_dim3A_274 = vector.broadcast %broadcast_in_dim3A_273 : i32 to vector<16xi32>
          %gather3A_275 = tpu.vector_load_idx %arg11[%broadcast_in_dim3A_274, %select_n3A_194] : memref<32x64xf32, #tpu.memory_space<vmem>>[vector<16xi32>, vector<16xi32>], vector<16xf32>,
          tpu.vector_store_idx %arg12[%iota3A, %broadcast_in_dim3A_274], %gather3A_275 : memref<16x128xf32, #tpu.memory_space<vmem>>[vector<16xi32>, vector<16xi32>], vector<16xf32>,
          %broadcast_in_dim3A_276 = arith.constant 27 : i32
          %broadcast_in_dim3A_277 = vector.broadcast %broadcast_in_dim3A_276 : i32 to vector<16xi32>
          %gather3A_278 = tpu.vector_load_idx %arg11[%broadcast_in_dim3A_277, %select_n3A_194] : memref<32x64xf32, #tpu.memory_space<vmem>>[vector<16xi32>, vector<16xi32>], vector<16xf32>,
          tpu.vector_store_idx %arg12[%iota3A, %broadcast_in_dim3A_277], %gather3A_278 : memref<16x128xf32, #tpu.memory_space<vmem>>[vector<16xi32>, vector<16xi32>], vector<16xf32>,
          %broadcast_in_dim3A_279 = arith.constant 28 : i32
          %broadcast_in_dim3A_280 = vector.broadcast %broadcast_in_dim3A_279 : i32 to vector<16xi32>
          %gather3A_281 = tpu.vector_load_idx %arg11[%broadcast_in_dim3A_280, %select_n3A_194] : memref<32x64xf32, #tpu.memory_space<vmem>>[vector<16xi32>, vector<16xi32>], vector<16xf32>,
          tpu.vector_store_idx %arg12[%iota3A, %broadcast_in_dim3A_280], %gather3A_281 : memref<16x128xf32, #tpu.memory_space<vmem>>[vector<16xi32>, vector<16xi32>], vector<16xf32>,
          %broadcast_in_dim3A_282 = arith.constant 29 : i32
          %broadcast_in_dim3A_283 = vector.broadcast %broadcast_in_dim3A_282 : i32 to vector<16xi32>
          %gather3A_284 = tpu.vector_load_idx %arg11[%broadcast_in_dim3A_283, %select_n3A_194] : memref<32x64xf32, #tpu.memory_space<vmem>>[vector<16xi32>, vector<16xi32>], vector<16xf32>,
          tpu.vector_store_idx %arg12[%iota3A, %broadcast_in_dim3A_283], %gather3A_284 : memref<16x128xf32, #tpu.memory_space<vmem>>[vector<16xi32>, vector<16xi32>], vector<16xf32>,
          %broadcast_in_dim3A_285 = arith.constant 30 : i32
          %broadcast_in_dim3A_286 = vector.broadcast %broadcast_in_dim3A_285 : i32 to vector<16xi32>
          %gather3A_287 = tpu.vector_load_idx %arg11[%broadcast_in_dim3A_286, %select_n3A_194] : memref<32x64xf32, #tpu.memory_space<vmem>>[vector<16xi32>, vector<16xi32>], vector<16xf32>,
          tpu.vector_store_idx %arg12[%iota3A, %broadcast_in_dim3A_286], %gather3A_287 : memref<16x128xf32, #tpu.memory_space<vmem>>[vector<16xi32>, vector<16xi32>], vector<16xf32>,
          %broadcast_in_dim3A_288 = arith.constant 31 : i32
          %broadcast_in_dim3A_289 = vector.broadcast %broadcast_in_dim3A_288 : i32 to vector<16xi32>
          %gather3A_290 = tpu.vector_load_idx %arg11[%broadcast_in_dim3A_289, %select_n3A_194] : memref<32x64xf32, #tpu.memory_space<vmem>>[vector<16xi32>, vector<16xi32>], vector<16xf32>,
          tpu.vector_store_idx %arg12[%iota3A, %broadcast_in_dim3A_289], %gather3A_290 : memref<16x128xf32, #tpu.memory_space<vmem>>[vector<16xi32>, vector<16xi32>], vector<16xf32>,
          %mul3A_291 = arith.constant 8192 : i32
          %mul3A_292 = arith.muli %arg0, %mul3A_291 : i32
          %add3A_293 = vector.broadcast %mul3A_292 : i32 to vector<16xi32>
          %add3A_294 = arith.addi %add3A_293, %get3A_174 : vector<16xi32>
          %add3A_295 = arith.constant 16384 : i32
          %add3A_296 = vector.broadcast %add3A_295 : i32 to vector<16xi32>
          %add3A_297 = arith.addi %add3A_296, %iota3A : vector<16xi32>
          %select_n3A_298 = arith.select %and3A_179, %add3A_294, %add3A_297 : vector<16xi1>, vector<16xi32>
          %swap3A_299 = arith.constant 0 : index
          %swap3A_300 = tpu.vector_load %arg13[%swap3A_299] {strides = array<i32>} : memref<16xi32, #tpu.memory_space<vmem>>, vector<16xi32>,
          tpu.vector_store %arg13[%swap3A_299], %select_n3A_298 {strides = array<i32>} : memref<16xi32, #tpu.memory_space<vmem>>, vector<16xi32>,
          "tpu.region"() ({
            %run_scoped3A = tpu.sem_alloc : memref<!tpu.dma_semaphore, #tpu.memory_space<semaphore_mem>>
            %dma_start3A = arith.constant 0 : i32
            %dma_start3A_301 = arith.constant 0 : i32
            %dma_start3A_302 = tpu.memref_slice %arg7[%dma_start3A, %dma_start3A_301] : memref<16448x128xf32, #tpu.memory_space<hbm>> -> memref<16448x128xf32, #tpu.memory_space<hbm>>
            tpu.enqueue_indirect_dma source(%arg12 : memref<16x128xf32, #tpu.memory_space<vmem>>) target(%dma_start3A_302 : memref<16448x128xf32, #tpu.memory_space<hbm>>) offsets(%arg13 : memref<16xi32, #tpu.memory_space<vmem>>) semaphore(%run_scoped3A : memref<!tpu.dma_semaphore, #tpu.memory_space<semaphore_mem>>)
            %dma_wait3A_303 = arith.constant 0 : i32
            %dma_wait3A_304 = arith.constant 0 : i32
            %dma_wait3A_305 = tpu.memref_slice %arg7[%dma_wait3A_303, %dma_wait3A_304] : memref<16448x128xf32, #tpu.memory_space<hbm>> -> memref<16448x128xf32, #tpu.memory_space<hbm>>
            tpu.wait_indirect_dma semaphore(%run_scoped3A : memref<!tpu.dma_semaphore, #tpu.memory_space<semaphore_mem>>) src(%arg12 : memref<16x128xf32, #tpu.memory_space<vmem>>) dst(%dma_wait3A_305 : memref<16448x128xf32, #tpu.memory_space<hbm>>)
            tpu.yield
          }) : () -> ()
        } else {
        }
      }
    } else {
    }
    %mul3A_101 = arith.constant 8192 : i32
    %mul3A_102 = arith.muli %arg0, %mul3A_101 : i32
    %mul3A_103 = arith.constant 512 : i32
    %mul3A_104 = arith.muli %arg1, %mul3A_103 : i32
    %add3A_105 = arith.addi %mul3A_102, %mul3A_104 : i32
    %scan3A_106 = arith.constant 0 : i32
    %scan3A_107 = arith.constant 0 : i32
    %scan3A_108 = arith.constant 20 : i32
    %scan3A_109 = arith.addi %scan3A_107, %scan3A_108 : i32
    %scan3A_110 = arith.constant 1 : i32
    scf.for %scan3A_161 = %scan3A_107 to %scan3A_109 step %scan3A_110  : i32 {
      %mul3A_162 = arith.constant 16384 : i32
      %mul3A_163 = arith.muli %scan3A_161, %mul3A_162 : i32
      %add3A_164 = arith.addi %mul3A_163, %add3A_105 : i32
      "tpu.region"() ({
        %run_scoped3A = tpu.sem_alloc : memref<!tpu.dma_semaphore, #tpu.memory_space<semaphore_mem>>
        %dma_start3A = tpu.memref_slice %arg5[%add3A_164] : memref<327680xi32, #tpu.memory_space<hbm>> -> memref<512xi32, #tpu.memory_space<hbm>>
        %dma_start3A_171 = tpu.memref_slice %arg5[%add3A_164] : memref<327680xi32, #tpu.memory_space<hbm>> -> memref<512xi32, #tpu.memory_space<hbm>>
        tpu.enqueue_dma source(%dma_start3A_171 : memref<512xi32, #tpu.memory_space<hbm>>) target(%arg15 : memref<512xi32, #tpu.memory_space<vmem>>) target_semaphore(%run_scoped3A : memref<!tpu.dma_semaphore, #tpu.memory_space<semaphore_mem>>)
        %dma_wait3A_172 = tpu.memref_slice %arg5[%add3A_164] : memref<327680xi32, #tpu.memory_space<hbm>> -> memref<512xi32, #tpu.memory_space<hbm>>
        %dma_wait3A_173 = tpu.memref_slice %arg5[%add3A_164] : memref<327680xi32, #tpu.memory_space<hbm>> -> memref<512xi32, #tpu.memory_space<hbm>>
        tpu.wait_dma2 semaphore(%run_scoped3A : memref<!tpu.dma_semaphore, #tpu.memory_space<semaphore_mem>>) src(%dma_wait3A_173 : memref<512xi32, #tpu.memory_space<hbm>>) dst(%arg15 : memref<512xi32, #tpu.memory_space<vmem>>)
        tpu.yield
      }) : () -> ()
      %scan3A_165 = arith.constant 0 : i32
      %scan3A_166 = arith.constant 0 : i32
      %scan3A_167 = arith.constant 4 : i32
      %scan3A_168 = arith.addi %scan3A_166, %scan3A_167 : i32
      %scan3A_169 = arith.constant 1 : i32
      scf.for %scan3A_171 = %scan3A_166 to %scan3A_168 step %scan3A_169  : i32 {
        %mul3A_172 = arith.constant 4 : i32
        %mul3A_173 = arith.muli %scan3A_161, %mul3A_172 : i32
        %add3A_174 = arith.addi %mul3A_173, %scan3A_171 : i32
        %rem3A_175 = arith.constant 2 : i32
        %rem3A_176 = arith.remsi %add3A_174, %rem3A_175 : i32
        %mul3A_177 = arith.constant 4 : i32
        %mul3A_178 = arith.muli %scan3A_161, %mul3A_177 : i32
        %add3A_179 = arith.addi %mul3A_178, %scan3A_171 : i32
        %ge3A = arith.constant 2 : i32
        %ge3A_180 = arith.cmpi sge, %add3A_179, %ge3A : i32
        %convert_element_type3A_181 = arith.extui %ge3A_180 : i1 to i32
        %cond3A_182 = arith.constant 0 : i32
        %cond3A_183 = arith.cmpi ne, %convert_element_type3A_181, %cond3A_182 : i32
        scf.if %cond3A_183 {
          %dma_wait3A_207 = arith.constant 0 : i32
          %dma_wait3A_208 = arith.constant 0 : i32
          %dma_wait3A_209 = arith.constant 0 : i32
          %dma_wait3A_210 = tpu.memref_slice %arg18[%rem3A_176, %dma_wait3A_208, %dma_wait3A_209] : memref<2x8x512xf32, #tpu.memory_space<vmem>> -> memref<1x8x512xf32, #tpu.memory_space<vmem>>
          %dma_wait3A_211 = tpu.memref_squeeze %dma_wait3A_210 : memref<1x8x512xf32, #tpu.memory_space<vmem>> -> memref<8x512xf32, #tpu.memory_space<vmem>>
          %dma_wait3A_212 = arith.constant 32 : i32
          %dma_wait3A_213 = tpu.memref_slice %arg6[%dma_wait3A_207, %dma_wait3A_212, %add3A_105] : memref<20x64x16384xf32, #tpu.memory_space<hbm>> -> memref<1x8x512xf32, #tpu.memory_space<hbm>>
          %dma_wait3A_214 = tpu.memref_squeeze %dma_wait3A_213 : memref<1x8x512xf32, #tpu.memory_space<hbm>> -> memref<8x512xf32, #tpu.memory_space<hbm>>
          %dma_wait3A_215 = tpu.memref_slice %arg21[%rem3A_176] : memref<2x!tpu.dma_semaphore, #tpu.memory_space<semaphore_mem>> -> memref<1x!tpu.dma_semaphore, #tpu.memory_space<semaphore_mem>>
          %dma_wait3A_216 = tpu.memref_squeeze %dma_wait3A_215 : memref<1x!tpu.dma_semaphore, #tpu.memory_space<semaphore_mem>> -> memref<!tpu.dma_semaphore, #tpu.memory_space<semaphore_mem>>
          %dma_wait3A_217 = arith.constant 32 : i32
          %dma_wait3A_218 = tpu.memref_slice %arg6[%dma_wait3A_207, %dma_wait3A_217, %add3A_105] : memref<20x64x16384xf32, #tpu.memory_space<hbm>> -> memref<1x8x512xf32, #tpu.memory_space<hbm>>
          %dma_wait3A_219 = tpu.memref_squeeze %dma_wait3A_218 : memref<1x8x512xf32, #tpu.memory_space<hbm>> -> memref<8x512xf32, #tpu.memory_space<hbm>>
          %dma_wait3A_220 = arith.constant 0 : i32
          %dma_wait3A_221 = arith.constant 0 : i32
          %dma_wait3A_222 = tpu.memref_slice %arg18[%rem3A_176, %dma_wait3A_220, %dma_wait3A_221] : memref<2x8x512xf32, #tpu.memory_space<vmem>> -> memref<1x8x512xf32, #tpu.memory_space<vmem>>
          %dma_wait3A_223 = tpu.memref_squeeze %dma_wait3A_222 : memref<1x8x512xf32, #tpu.memory_space<vmem>> -> memref<8x512xf32, #tpu.memory_space<vmem>>
          tpu.wait_dma2 semaphore(%dma_wait3A_216 : memref<!tpu.dma_semaphore, #tpu.memory_space<semaphore_mem>>) src(%dma_wait3A_223 : memref<8x512xf32, #tpu.memory_space<vmem>>) dst(%dma_wait3A_219 : memref<8x512xf32, #tpu.memory_space<hbm>>)
        } else {
        }
        %scan3A_184 = arith.constant 0 : i32
        %scan3A_185 = arith.constant 0 : i32
        %scan3A_186 = arith.constant 8 : i32
        %scan3A_187 = arith.addi %scan3A_185, %scan3A_186 : i32
        %scan3A_188 = arith.constant 1 : i32
        scf.for %scan3A_207 = %scan3A_185 to %scan3A_187 step %scan3A_188  : i32 {
          %mul3A_208 = arith.constant 8 : i32
          %mul3A_209 = arith.muli %scan3A_171, %mul3A_208 : i32
          %add3A_210 = arith.addi %mul3A_209, %scan3A_207 : i32
          %broadcast_in_dim3A_211 = vector.broadcast %add3A_210 : i32 to vector<16xi32>
          %get3A = arith.constant 0 : index
          %get3A_212 = tpu.vector_load %arg15[%get3A] {strides = array<i32>} : memref<512xi32, #tpu.memory_space<vmem>>, vector<16xi32>,
          %gather3A = tpu.vector_load_idx %arg14[%broadcast_in_dim3A_211, %get3A_212] : memref<32x1000xf32, #tpu.memory_space<vmem>>[vector<16xi32>, vector<16xi32>], vector<16xf32>,
          %swap3A_213 = arith.index_cast %rem3A_176 : i32 to index
          %swap3A_214 = arith.index_cast %scan3A_207 : i32 to index
          %swap3A_215 = arith.constant 0 : index
          %swap3A_216 = tpu.vector_load %arg18[%swap3A_213, %swap3A_214, %swap3A_215] {strides = array<i32>} : memref<2x8x512xf32, #tpu.memory_space<vmem>>, vector<16xf32>,
          tpu.vector_store %arg18[%swap3A_213, %swap3A_214, %swap3A_215], %gather3A {strides = array<i32>} : memref<2x8x512xf32, #tpu.memory_space<vmem>>, vector<16xf32>,
          %get3A_217 = arith.constant 16 : index
          %get3A_218 = tpu.vector_load %arg15[%get3A_217] {strides = array<i32>} : memref<512xi32, #tpu.memory_space<vmem>>, vector<16xi32>,
          %gather3A_219 = tpu.vector_load_idx %arg14[%broadcast_in_dim3A_211, %get3A_218] : memref<32x1000xf32, #tpu.memory_space<vmem>>[vector<16xi32>, vector<16xi32>], vector<16xf32>,
          %swap3A_220 = arith.index_cast %rem3A_176 : i32 to index
          %swap3A_221 = arith.index_cast %scan3A_207 : i32 to index
          %swap3A_222 = arith.constant 16 : index
          %swap3A_223 = tpu.vector_load %arg18[%swap3A_220, %swap3A_221, %swap3A_222] {strides = array<i32>} : memref<2x8x512xf32, #tpu.memory_space<vmem>>, vector<16xf32>,
          tpu.vector_store %arg18[%swap3A_220, %swap3A_221, %swap3A_222], %gather3A_219 {strides = array<i32>} : memref<2x8x512xf32, #tpu.memory_space<vmem>>, vector<16xf32>,
          %get3A_224 = arith.constant 32 : index
          %get3A_225 = tpu.vector_load %arg15[%get3A_224] {strides = array<i32>} : memref<512xi32, #tpu.memory_space<vmem>>, vector<16xi32>,
          %gather3A_226 = tpu.vector_load_idx %arg14[%broadcast_in_dim3A_211, %get3A_225] : memref<32x1000xf32, #tpu.memory_space<vmem>>[vector<16xi32>, vector<16xi32>], vector<16xf32>,
          %swap3A_227 = arith.index_cast %rem3A_176 : i32 to index
          %swap3A_228 = arith.index_cast %scan3A_207 : i32 to index
          %swap3A_229 = arith.constant 32 : index
          %swap3A_230 = tpu.vector_load %arg18[%swap3A_227, %swap3A_228, %swap3A_229] {strides = array<i32>} : memref<2x8x512xf32, #tpu.memory_space<vmem>>, vector<16xf32>,
          tpu.vector_store %arg18[%swap3A_227, %swap3A_228, %swap3A_229], %gather3A_226 {strides = array<i32>} : memref<2x8x512xf32, #tpu.memory_space<vmem>>, vector<16xf32>,
          %get3A_231 = arith.constant 48 : index
          %get3A_232 = tpu.vector_load %arg15[%get3A_231] {strides = array<i32>} : memref<512xi32, #tpu.memory_space<vmem>>, vector<16xi32>,
          %gather3A_233 = tpu.vector_load_idx %arg14[%broadcast_in_dim3A_211, %get3A_232] : memref<32x1000xf32, #tpu.memory_space<vmem>>[vector<16xi32>, vector<16xi32>], vector<16xf32>,
          %swap3A_234 = arith.index_cast %rem3A_176 : i32 to index
          %swap3A_235 = arith.index_cast %scan3A_207 : i32 to index
          %swap3A_236 = arith.constant 48 : index
          %swap3A_237 = tpu.vector_load %arg18[%swap3A_234, %swap3A_235, %swap3A_236] {strides = array<i32>} : memref<2x8x512xf32, #tpu.memory_space<vmem>>, vector<16xf32>,
          tpu.vector_store %arg18[%swap3A_234, %swap3A_235, %swap3A_236], %gather3A_233 {strides = array<i32>} : memref<2x8x512xf32, #tpu.memory_space<vmem>>, vector<16xf32>,
          %get3A_238 = arith.constant 64 : index
          %get3A_239 = tpu.vector_load %arg15[%get3A_238] {strides = array<i32>} : memref<512xi32, #tpu.memory_space<vmem>>, vector<16xi32>,
          %gather3A_240 = tpu.vector_load_idx %arg14[%broadcast_in_dim3A_211, %get3A_239] : memref<32x1000xf32, #tpu.memory_space<vmem>>[vector<16xi32>, vector<16xi32>], vector<16xf32>,
          %swap3A_241 = arith.index_cast %rem3A_176 : i32 to index
          %swap3A_242 = arith.index_cast %scan3A_207 : i32 to index
          %swap3A_243 = arith.constant 64 : index
          %swap3A_244 = tpu.vector_load %arg18[%swap3A_241, %swap3A_242, %swap3A_243] {strides = array<i32>} : memref<2x8x512xf32, #tpu.memory_space<vmem>>, vector<16xf32>,
          tpu.vector_store %arg18[%swap3A_241, %swap3A_242, %swap3A_243], %gather3A_240 {strides = array<i32>} : memref<2x8x512xf32, #tpu.memory_space<vmem>>, vector<16xf32>,
          %get3A_245 = arith.constant 80 : index
          %get3A_246 = tpu.vector_load %arg15[%get3A_245] {strides = array<i32>} : memref<512xi32, #tpu.memory_space<vmem>>, vector<16xi32>,
          %gather3A_247 = tpu.vector_load_idx %arg14[%broadcast_in_dim3A_211, %get3A_246] : memref<32x1000xf32, #tpu.memory_space<vmem>>[vector<16xi32>, vector<16xi32>], vector<16xf32>,
          %swap3A_248 = arith.index_cast %rem3A_176 : i32 to index
          %swap3A_249 = arith.index_cast %scan3A_207 : i32 to index
          %swap3A_250 = arith.constant 80 : index
          %swap3A_251 = tpu.vector_load %arg18[%swap3A_248, %swap3A_249, %swap3A_250] {strides = array<i32>} : memref<2x8x512xf32, #tpu.memory_space<vmem>>, vector<16xf32>,
          tpu.vector_store %arg18[%swap3A_248, %swap3A_249, %swap3A_250], %gather3A_247 {strides = array<i32>} : memref<2x8x512xf32, #tpu.memory_space<vmem>>, vector<16xf32>,
          %get3A_252 = arith.constant 96 : index
          %get3A_253 = tpu.vector_load %arg15[%get3A_252] {strides = array<i32>} : memref<512xi32, #tpu.memory_space<vmem>>, vector<16xi32>,
          %gather3A_254 = tpu.vector_load_idx %arg14[%broadcast_in_dim3A_211, %get3A_253] : memref<32x1000xf32, #tpu.memory_space<vmem>>[vector<16xi32>, vector<16xi32>], vector<16xf32>,
          %swap3A_255 = arith.index_cast %rem3A_176 : i32 to index
          %swap3A_256 = arith.index_cast %scan3A_207 : i32 to index
          %swap3A_257 = arith.constant 96 : index
          %swap3A_258 = tpu.vector_load %arg18[%swap3A_255, %swap3A_256, %swap3A_257] {strides = array<i32>} : memref<2x8x512xf32, #tpu.memory_space<vmem>>, vector<16xf32>,
          tpu.vector_store %arg18[%swap3A_255, %swap3A_256, %swap3A_257], %gather3A_254 {strides = array<i32>} : memref<2x8x512xf32, #tpu.memory_space<vmem>>, vector<16xf32>,
          %get3A_259 = arith.constant 112 : index
          %get3A_260 = tpu.vector_load %arg15[%get3A_259] {strides = array<i32>} : memref<512xi32, #tpu.memory_space<vmem>>, vector<16xi32>,
          %gather3A_261 = tpu.vector_load_idx %arg14[%broadcast_in_dim3A_211, %get3A_260] : memref<32x1000xf32, #tpu.memory_space<vmem>>[vector<16xi32>, vector<16xi32>], vector<16xf32>,
          %swap3A_262 = arith.index_cast %rem3A_176 : i32 to index
          %swap3A_263 = arith.index_cast %scan3A_207 : i32 to index
          %swap3A_264 = arith.constant 112 : index
          %swap3A_265 = tpu.vector_load %arg18[%swap3A_262, %swap3A_263, %swap3A_264] {strides = array<i32>} : memref<2x8x512xf32, #tpu.memory_space<vmem>>, vector<16xf32>,
          tpu.vector_store %arg18[%swap3A_262, %swap3A_263, %swap3A_264], %gather3A_261 {strides = array<i32>} : memref<2x8x512xf32, #tpu.memory_space<vmem>>, vector<16xf32>,
          %get3A_266 = arith.constant 128 : index
          %get3A_267 = tpu.vector_load %arg15[%get3A_266] {strides = array<i32>} : memref<512xi32, #tpu.memory_space<vmem>>, vector<16xi32>,
          %gather3A_268 = tpu.vector_load_idx %arg14[%broadcast_in_dim3A_211, %get3A_267] : memref<32x1000xf32, #tpu.memory_space<vmem>>[vector<16xi32>, vector<16xi32>], vector<16xf32>,
          %swap3A_269 = arith.index_cast %rem3A_176 : i32 to index
          %swap3A_270 = arith.index_cast %scan3A_207 : i32 to index
          %swap3A_271 = arith.constant 128 : index
          %swap3A_272 = tpu.vector_load %arg18[%swap3A_269, %swap3A_270, %swap3A_271] {strides = array<i32>} : memref<2x8x512xf32, #tpu.memory_space<vmem>>, vector<16xf32>,
          tpu.vector_store %arg18[%swap3A_269, %swap3A_270, %swap3A_271], %gather3A_268 {strides = array<i32>} : memref<2x8x512xf32, #tpu.memory_space<vmem>>, vector<16xf32>,
          %get3A_273 = arith.constant 144 : index
          %get3A_274 = tpu.vector_load %arg15[%get3A_273] {strides = array<i32>} : memref<512xi32, #tpu.memory_space<vmem>>, vector<16xi32>,
          %gather3A_275 = tpu.vector_load_idx %arg14[%broadcast_in_dim3A_211, %get3A_274] : memref<32x1000xf32, #tpu.memory_space<vmem>>[vector<16xi32>, vector<16xi32>], vector<16xf32>,
          %swap3A_276 = arith.index_cast %rem3A_176 : i32 to index
          %swap3A_277 = arith.index_cast %scan3A_207 : i32 to index
          %swap3A_278 = arith.constant 144 : index
          %swap3A_279 = tpu.vector_load %arg18[%swap3A_276, %swap3A_277, %swap3A_278] {strides = array<i32>} : memref<2x8x512xf32, #tpu.memory_space<vmem>>, vector<16xf32>,
          tpu.vector_store %arg18[%swap3A_276, %swap3A_277, %swap3A_278], %gather3A_275 {strides = array<i32>} : memref<2x8x512xf32, #tpu.memory_space<vmem>>, vector<16xf32>,
          %get3A_280 = arith.constant 160 : index
          %get3A_281 = tpu.vector_load %arg15[%get3A_280] {strides = array<i32>} : memref<512xi32, #tpu.memory_space<vmem>>, vector<16xi32>,
          %gather3A_282 = tpu.vector_load_idx %arg14[%broadcast_in_dim3A_211, %get3A_281] : memref<32x1000xf32, #tpu.memory_space<vmem>>[vector<16xi32>, vector<16xi32>], vector<16xf32>,
          %swap3A_283 = arith.index_cast %rem3A_176 : i32 to index
          %swap3A_284 = arith.index_cast %scan3A_207 : i32 to index
          %swap3A_285 = arith.constant 160 : index
          %swap3A_286 = tpu.vector_load %arg18[%swap3A_283, %swap3A_284, %swap3A_285] {strides = array<i32>} : memref<2x8x512xf32, #tpu.memory_space<vmem>>, vector<16xf32>,
          tpu.vector_store %arg18[%swap3A_283, %swap3A_284, %swap3A_285], %gather3A_282 {strides = array<i32>} : memref<2x8x512xf32, #tpu.memory_space<vmem>>, vector<16xf32>,
          %get3A_287 = arith.constant 176 : index
          %get3A_288 = tpu.vector_load %arg15[%get3A_287] {strides = array<i32>} : memref<512xi32, #tpu.memory_space<vmem>>, vector<16xi32>,
          %gather3A_289 = tpu.vector_load_idx %arg14[%broadcast_in_dim3A_211, %get3A_288] : memref<32x1000xf32, #tpu.memory_space<vmem>>[vector<16xi32>, vector<16xi32>], vector<16xf32>,
          %swap3A_290 = arith.index_cast %rem3A_176 : i32 to index
          %swap3A_291 = arith.index_cast %scan3A_207 : i32 to index
          %swap3A_292 = arith.constant 176 : index
          %swap3A_293 = tpu.vector_load %arg18[%swap3A_290, %swap3A_291, %swap3A_292] {strides = array<i32>} : memref<2x8x512xf32, #tpu.memory_space<vmem>>, vector<16xf32>,
          tpu.vector_store %arg18[%swap3A_290, %swap3A_291, %swap3A_292], %gather3A_289 {strides = array<i32>} : memref<2x8x512xf32, #tpu.memory_space<vmem>>, vector<16xf32>,
          %get3A_294 = arith.constant 192 : index
          %get3A_295 = tpu.vector_load %arg15[%get3A_294] {strides = array<i32>} : memref<512xi32, #tpu.memory_space<vmem>>, vector<16xi32>,
          %gather3A_296 = tpu.vector_load_idx %arg14[%broadcast_in_dim3A_211, %get3A_295] : memref<32x1000xf32, #tpu.memory_space<vmem>>[vector<16xi32>, vector<16xi32>], vector<16xf32>,
          %swap3A_297 = arith.index_cast %rem3A_176 : i32 to index
          %swap3A_298 = arith.index_cast %scan3A_207 : i32 to index
          %swap3A_299 = arith.constant 192 : index
          %swap3A_300 = tpu.vector_load %arg18[%swap3A_297, %swap3A_298, %swap3A_299] {strides = array<i32>} : memref<2x8x512xf32, #tpu.memory_space<vmem>>, vector<16xf32>,
          tpu.vector_store %arg18[%swap3A_297, %swap3A_298, %swap3A_299], %gather3A_296 {strides = array<i32>} : memref<2x8x512xf32, #tpu.memory_space<vmem>>, vector<16xf32>,
          %get3A_301 = arith.constant 208 : index
          %get3A_302 = tpu.vector_load %arg15[%get3A_301] {strides = array<i32>} : memref<512xi32, #tpu.memory_space<vmem>>, vector<16xi32>,
          %gather3A_303 = tpu.vector_load_idx %arg14[%broadcast_in_dim3A_211, %get3A_302] : memref<32x1000xf32, #tpu.memory_space<vmem>>[vector<16xi32>, vector<16xi32>], vector<16xf32>,
          %swap3A_304 = arith.index_cast %rem3A_176 : i32 to index
          %swap3A_305 = arith.index_cast %scan3A_207 : i32 to index
          %swap3A_306 = arith.constant 208 : index
          %swap3A_307 = tpu.vector_load %arg18[%swap3A_304, %swap3A_305, %swap3A_306] {strides = array<i32>} : memref<2x8x512xf32, #tpu.memory_space<vmem>>, vector<16xf32>,
          tpu.vector_store %arg18[%swap3A_304, %swap3A_305, %swap3A_306], %gather3A_303 {strides = array<i32>} : memref<2x8x512xf32, #tpu.memory_space<vmem>>, vector<16xf32>,
          %get3A_308 = arith.constant 224 : index
          %get3A_309 = tpu.vector_load %arg15[%get3A_308] {strides = array<i32>} : memref<512xi32, #tpu.memory_space<vmem>>, vector<16xi32>,
          %gather3A_310 = tpu.vector_load_idx %arg14[%broadcast_in_dim3A_211, %get3A_309] : memref<32x1000xf32, #tpu.memory_space<vmem>>[vector<16xi32>, vector<16xi32>], vector<16xf32>,
          %swap3A_311 = arith.index_cast %rem3A_176 : i32 to index
          %swap3A_312 = arith.index_cast %scan3A_207 : i32 to index
          %swap3A_313 = arith.constant 224 : index
          %swap3A_314 = tpu.vector_load %arg18[%swap3A_311, %swap3A_312, %swap3A_313] {strides = array<i32>} : memref<2x8x512xf32, #tpu.memory_space<vmem>>, vector<16xf32>,
          tpu.vector_store %arg18[%swap3A_311, %swap3A_312, %swap3A_313], %gather3A_310 {strides = array<i32>} : memref<2x8x512xf32, #tpu.memory_space<vmem>>, vector<16xf32>,
          %get3A_315 = arith.constant 240 : index
          %get3A_316 = tpu.vector_load %arg15[%get3A_315] {strides = array<i32>} : memref<512xi32, #tpu.memory_space<vmem>>, vector<16xi32>,
          %gather3A_317 = tpu.vector_load_idx %arg14[%broadcast_in_dim3A_211, %get3A_316] : memref<32x1000xf32, #tpu.memory_space<vmem>>[vector<16xi32>, vector<16xi32>], vector<16xf32>,
          %swap3A_318 = arith.index_cast %rem3A_176 : i32 to index
          %swap3A_319 = arith.index_cast %scan3A_207 : i32 to index
          %swap3A_320 = arith.constant 240 : index
          %swap3A_321 = tpu.vector_load %arg18[%swap3A_318, %swap3A_319, %swap3A_320] {strides = array<i32>} : memref<2x8x512xf32, #tpu.memory_space<vmem>>, vector<16xf32>,
          tpu.vector_store %arg18[%swap3A_318, %swap3A_319, %swap3A_320], %gather3A_317 {strides = array<i32>} : memref<2x8x512xf32, #tpu.memory_space<vmem>>, vector<16xf32>,
          %get3A_322 = arith.constant 256 : index
          %get3A_323 = tpu.vector_load %arg15[%get3A_322] {strides = array<i32>} : memref<512xi32, #tpu.memory_space<vmem>>, vector<16xi32>,
          %gather3A_324 = tpu.vector_load_idx %arg14[%broadcast_in_dim3A_211, %get3A_323] : memref<32x1000xf32, #tpu.memory_space<vmem>>[vector<16xi32>, vector<16xi32>], vector<16xf32>,
          %swap3A_325 = arith.index_cast %rem3A_176 : i32 to index
          %swap3A_326 = arith.index_cast %scan3A_207 : i32 to index
          %swap3A_327 = arith.constant 256 : index
          %swap3A_328 = tpu.vector_load %arg18[%swap3A_325, %swap3A_326, %swap3A_327] {strides = array<i32>} : memref<2x8x512xf32, #tpu.memory_space<vmem>>, vector<16xf32>,
          tpu.vector_store %arg18[%swap3A_325, %swap3A_326, %swap3A_327], %gather3A_324 {strides = array<i32>} : memref<2x8x512xf32, #tpu.memory_space<vmem>>, vector<16xf32>,
          %get3A_329 = arith.constant 272 : index
          %get3A_330 = tpu.vector_load %arg15[%get3A_329] {strides = array<i32>} : memref<512xi32, #tpu.memory_space<vmem>>, vector<16xi32>,
          %gather3A_331 = tpu.vector_load_idx %arg14[%broadcast_in_dim3A_211, %get3A_330] : memref<32x1000xf32, #tpu.memory_space<vmem>>[vector<16xi32>, vector<16xi32>], vector<16xf32>,
          %swap3A_332 = arith.index_cast %rem3A_176 : i32 to index
          %swap3A_333 = arith.index_cast %scan3A_207 : i32 to index
          %swap3A_334 = arith.constant 272 : index
          %swap3A_335 = tpu.vector_load %arg18[%swap3A_332, %swap3A_333, %swap3A_334] {strides = array<i32>} : memref<2x8x512xf32, #tpu.memory_space<vmem>>, vector<16xf32>,
          tpu.vector_store %arg18[%swap3A_332, %swap3A_333, %swap3A_334], %gather3A_331 {strides = array<i32>} : memref<2x8x512xf32, #tpu.memory_space<vmem>>, vector<16xf32>,
          %get3A_336 = arith.constant 288 : index
          %get3A_337 = tpu.vector_load %arg15[%get3A_336] {strides = array<i32>} : memref<512xi32, #tpu.memory_space<vmem>>, vector<16xi32>,
          %gather3A_338 = tpu.vector_load_idx %arg14[%broadcast_in_dim3A_211, %get3A_337] : memref<32x1000xf32, #tpu.memory_space<vmem>>[vector<16xi32>, vector<16xi32>], vector<16xf32>,
          %swap3A_339 = arith.index_cast %rem3A_176 : i32 to index
          %swap3A_340 = arith.index_cast %scan3A_207 : i32 to index
          %swap3A_341 = arith.constant 288 : index
          %swap3A_342 = tpu.vector_load %arg18[%swap3A_339, %swap3A_340, %swap3A_341] {strides = array<i32>} : memref<2x8x512xf32, #tpu.memory_space<vmem>>, vector<16xf32>,
          tpu.vector_store %arg18[%swap3A_339, %swap3A_340, %swap3A_341], %gather3A_338 {strides = array<i32>} : memref<2x8x512xf32, #tpu.memory_space<vmem>>, vector<16xf32>,
          %get3A_343 = arith.constant 304 : index
          %get3A_344 = tpu.vector_load %arg15[%get3A_343] {strides = array<i32>} : memref<512xi32, #tpu.memory_space<vmem>>, vector<16xi32>,
          %gather3A_345 = tpu.vector_load_idx %arg14[%broadcast_in_dim3A_211, %get3A_344] : memref<32x1000xf32, #tpu.memory_space<vmem>>[vector<16xi32>, vector<16xi32>], vector<16xf32>,
          %swap3A_346 = arith.index_cast %rem3A_176 : i32 to index
          %swap3A_347 = arith.index_cast %scan3A_207 : i32 to index
          %swap3A_348 = arith.constant 304 : index
          %swap3A_349 = tpu.vector_load %arg18[%swap3A_346, %swap3A_347, %swap3A_348] {strides = array<i32>} : memref<2x8x512xf32, #tpu.memory_space<vmem>>, vector<16xf32>,
          tpu.vector_store %arg18[%swap3A_346, %swap3A_347, %swap3A_348], %gather3A_345 {strides = array<i32>} : memref<2x8x512xf32, #tpu.memory_space<vmem>>, vector<16xf32>,
          %get3A_350 = arith.constant 320 : index
          %get3A_351 = tpu.vector_load %arg15[%get3A_350] {strides = array<i32>} : memref<512xi32, #tpu.memory_space<vmem>>, vector<16xi32>,
          %gather3A_352 = tpu.vector_load_idx %arg14[%broadcast_in_dim3A_211, %get3A_351] : memref<32x1000xf32, #tpu.memory_space<vmem>>[vector<16xi32>, vector<16xi32>], vector<16xf32>,
          %swap3A_353 = arith.index_cast %rem3A_176 : i32 to index
          %swap3A_354 = arith.index_cast %scan3A_207 : i32 to index
          %swap3A_355 = arith.constant 320 : index
          %swap3A_356 = tpu.vector_load %arg18[%swap3A_353, %swap3A_354, %swap3A_355] {strides = array<i32>} : memref<2x8x512xf32, #tpu.memory_space<vmem>>, vector<16xf32>,
          tpu.vector_store %arg18[%swap3A_353, %swap3A_354, %swap3A_355], %gather3A_352 {strides = array<i32>} : memref<2x8x512xf32, #tpu.memory_space<vmem>>, vector<16xf32>,
          %get3A_357 = arith.constant 336 : index
          %get3A_358 = tpu.vector_load %arg15[%get3A_357] {strides = array<i32>} : memref<512xi32, #tpu.memory_space<vmem>>, vector<16xi32>,
          %gather3A_359 = tpu.vector_load_idx %arg14[%broadcast_in_dim3A_211, %get3A_358] : memref<32x1000xf32, #tpu.memory_space<vmem>>[vector<16xi32>, vector<16xi32>], vector<16xf32>,
          %swap3A_360 = arith.index_cast %rem3A_176 : i32 to index
          %swap3A_361 = arith.index_cast %scan3A_207 : i32 to index
          %swap3A_362 = arith.constant 336 : index
          %swap3A_363 = tpu.vector_load %arg18[%swap3A_360, %swap3A_361, %swap3A_362] {strides = array<i32>} : memref<2x8x512xf32, #tpu.memory_space<vmem>>, vector<16xf32>,
          tpu.vector_store %arg18[%swap3A_360, %swap3A_361, %swap3A_362], %gather3A_359 {strides = array<i32>} : memref<2x8x512xf32, #tpu.memory_space<vmem>>, vector<16xf32>,
          %get3A_364 = arith.constant 352 : index
          %get3A_365 = tpu.vector_load %arg15[%get3A_364] {strides = array<i32>} : memref<512xi32, #tpu.memory_space<vmem>>, vector<16xi32>,
          %gather3A_366 = tpu.vector_load_idx %arg14[%broadcast_in_dim3A_211, %get3A_365] : memref<32x1000xf32, #tpu.memory_space<vmem>>[vector<16xi32>, vector<16xi32>], vector<16xf32>,
          %swap3A_367 = arith.index_cast %rem3A_176 : i32 to index
          %swap3A_368 = arith.index_cast %scan3A_207 : i32 to index
          %swap3A_369 = arith.constant 352 : index
          %swap3A_370 = tpu.vector_load %arg18[%swap3A_367, %swap3A_368, %swap3A_369] {strides = array<i32>} : memref<2x8x512xf32, #tpu.memory_space<vmem>>, vector<16xf32>,
          tpu.vector_store %arg18[%swap3A_367, %swap3A_368, %swap3A_369], %gather3A_366 {strides = array<i32>} : memref<2x8x512xf32, #tpu.memory_space<vmem>>, vector<16xf32>,
          %get3A_371 = arith.constant 368 : index
          %get3A_372 = tpu.vector_load %arg15[%get3A_371] {strides = array<i32>} : memref<512xi32, #tpu.memory_space<vmem>>, vector<16xi32>,
          %gather3A_373 = tpu.vector_load_idx %arg14[%broadcast_in_dim3A_211, %get3A_372] : memref<32x1000xf32, #tpu.memory_space<vmem>>[vector<16xi32>, vector<16xi32>], vector<16xf32>,
          %swap3A_374 = arith.index_cast %rem3A_176 : i32 to index
          %swap3A_375 = arith.index_cast %scan3A_207 : i32 to index
          %swap3A_376 = arith.constant 368 : index
          %swap3A_377 = tpu.vector_load %arg18[%swap3A_374, %swap3A_375, %swap3A_376] {strides = array<i32>} : memref<2x8x512xf32, #tpu.memory_space<vmem>>, vector<16xf32>,
          tpu.vector_store %arg18[%swap3A_374, %swap3A_375, %swap3A_376], %gather3A_373 {strides = array<i32>} : memref<2x8x512xf32, #tpu.memory_space<vmem>>, vector<16xf32>,
          %get3A_378 = arith.constant 384 : index
          %get3A_379 = tpu.vector_load %arg15[%get3A_378] {strides = array<i32>} : memref<512xi32, #tpu.memory_space<vmem>>, vector<16xi32>,
          %gather3A_380 = tpu.vector_load_idx %arg14[%broadcast_in_dim3A_211, %get3A_379] : memref<32x1000xf32, #tpu.memory_space<vmem>>[vector<16xi32>, vector<16xi32>], vector<16xf32>,
          %swap3A_381 = arith.index_cast %rem3A_176 : i32 to index
          %swap3A_382 = arith.index_cast %scan3A_207 : i32 to index
          %swap3A_383 = arith.constant 384 : index
          %swap3A_384 = tpu.vector_load %arg18[%swap3A_381, %swap3A_382, %swap3A_383] {strides = array<i32>} : memref<2x8x512xf32, #tpu.memory_space<vmem>>, vector<16xf32>,
          tpu.vector_store %arg18[%swap3A_381, %swap3A_382, %swap3A_383], %gather3A_380 {strides = array<i32>} : memref<2x8x512xf32, #tpu.memory_space<vmem>>, vector<16xf32>,
          %get3A_385 = arith.constant 400 : index
          %get3A_386 = tpu.vector_load %arg15[%get3A_385] {strides = array<i32>} : memref<512xi32, #tpu.memory_space<vmem>>, vector<16xi32>,
          %gather3A_387 = tpu.vector_load_idx %arg14[%broadcast_in_dim3A_211, %get3A_386] : memref<32x1000xf32, #tpu.memory_space<vmem>>[vector<16xi32>, vector<16xi32>], vector<16xf32>,
          %swap3A_388 = arith.index_cast %rem3A_176 : i32 to index
          %swap3A_389 = arith.index_cast %scan3A_207 : i32 to index
          %swap3A_390 = arith.constant 400 : index
          %swap3A_391 = tpu.vector_load %arg18[%swap3A_388, %swap3A_389, %swap3A_390] {strides = array<i32>} : memref<2x8x512xf32, #tpu.memory_space<vmem>>, vector<16xf32>,
          tpu.vector_store %arg18[%swap3A_388, %swap3A_389, %swap3A_390], %gather3A_387 {strides = array<i32>} : memref<2x8x512xf32, #tpu.memory_space<vmem>>, vector<16xf32>,
          %get3A_392 = arith.constant 416 : index
          %get3A_393 = tpu.vector_load %arg15[%get3A_392] {strides = array<i32>} : memref<512xi32, #tpu.memory_space<vmem>>, vector<16xi32>,
          %gather3A_394 = tpu.vector_load_idx %arg14[%broadcast_in_dim3A_211, %get3A_393] : memref<32x1000xf32, #tpu.memory_space<vmem>>[vector<16xi32>, vector<16xi32>], vector<16xf32>,
          %swap3A_395 = arith.index_cast %rem3A_176 : i32 to index
          %swap3A_396 = arith.index_cast %scan3A_207 : i32 to index
          %swap3A_397 = arith.constant 416 : index
          %swap3A_398 = tpu.vector_load %arg18[%swap3A_395, %swap3A_396, %swap3A_397] {strides = array<i32>} : memref<2x8x512xf32, #tpu.memory_space<vmem>>, vector<16xf32>,
          tpu.vector_store %arg18[%swap3A_395, %swap3A_396, %swap3A_397], %gather3A_394 {strides = array<i32>} : memref<2x8x512xf32, #tpu.memory_space<vmem>>, vector<16xf32>,
          %get3A_399 = arith.constant 432 : index
          %get3A_400 = tpu.vector_load %arg15[%get3A_399] {strides = array<i32>} : memref<512xi32, #tpu.memory_space<vmem>>, vector<16xi32>,
          %gather3A_401 = tpu.vector_load_idx %arg14[%broadcast_in_dim3A_211, %get3A_400] : memref<32x1000xf32, #tpu.memory_space<vmem>>[vector<16xi32>, vector<16xi32>], vector<16xf32>,
          %swap3A_402 = arith.index_cast %rem3A_176 : i32 to index
          %swap3A_403 = arith.index_cast %scan3A_207 : i32 to index
          %swap3A_404 = arith.constant 432 : index
          %swap3A_405 = tpu.vector_load %arg18[%swap3A_402, %swap3A_403, %swap3A_404] {strides = array<i32>} : memref<2x8x512xf32, #tpu.memory_space<vmem>>, vector<16xf32>,
          tpu.vector_store %arg18[%swap3A_402, %swap3A_403, %swap3A_404], %gather3A_401 {strides = array<i32>} : memref<2x8x512xf32, #tpu.memory_space<vmem>>, vector<16xf32>,
          %get3A_406 = arith.constant 448 : index
          %get3A_407 = tpu.vector_load %arg15[%get3A_406] {strides = array<i32>} : memref<512xi32, #tpu.memory_space<vmem>>, vector<16xi32>,
          %gather3A_408 = tpu.vector_load_idx %arg14[%broadcast_in_dim3A_211, %get3A_407] : memref<32x1000xf32, #tpu.memory_space<vmem>>[vector<16xi32>, vector<16xi32>], vector<16xf32>,
          %swap3A_409 = arith.index_cast %rem3A_176 : i32 to index
          %swap3A_410 = arith.index_cast %scan3A_207 : i32 to index
          %swap3A_411 = arith.constant 448 : index
          %swap3A_412 = tpu.vector_load %arg18[%swap3A_409, %swap3A_410, %swap3A_411] {strides = array<i32>} : memref<2x8x512xf32, #tpu.memory_space<vmem>>, vector<16xf32>,
          tpu.vector_store %arg18[%swap3A_409, %swap3A_410, %swap3A_411], %gather3A_408 {strides = array<i32>} : memref<2x8x512xf32, #tpu.memory_space<vmem>>, vector<16xf32>,
          %get3A_413 = arith.constant 464 : index
          %get3A_414 = tpu.vector_load %arg15[%get3A_413] {strides = array<i32>} : memref<512xi32, #tpu.memory_space<vmem>>, vector<16xi32>,
          %gather3A_415 = tpu.vector_load_idx %arg14[%broadcast_in_dim3A_211, %get3A_414] : memref<32x1000xf32, #tpu.memory_space<vmem>>[vector<16xi32>, vector<16xi32>], vector<16xf32>,
          %swap3A_416 = arith.index_cast %rem3A_176 : i32 to index
          %swap3A_417 = arith.index_cast %scan3A_207 : i32 to index
          %swap3A_418 = arith.constant 464 : index
          %swap3A_419 = tpu.vector_load %arg18[%swap3A_416, %swap3A_417, %swap3A_418] {strides = array<i32>} : memref<2x8x512xf32, #tpu.memory_space<vmem>>, vector<16xf32>,
          tpu.vector_store %arg18[%swap3A_416, %swap3A_417, %swap3A_418], %gather3A_415 {strides = array<i32>} : memref<2x8x512xf32, #tpu.memory_space<vmem>>, vector<16xf32>,
          %get3A_420 = arith.constant 480 : index
          %get3A_421 = tpu.vector_load %arg15[%get3A_420] {strides = array<i32>} : memref<512xi32, #tpu.memory_space<vmem>>, vector<16xi32>,
          %gather3A_422 = tpu.vector_load_idx %arg14[%broadcast_in_dim3A_211, %get3A_421] : memref<32x1000xf32, #tpu.memory_space<vmem>>[vector<16xi32>, vector<16xi32>], vector<16xf32>,
          %swap3A_423 = arith.index_cast %rem3A_176 : i32 to index
          %swap3A_424 = arith.index_cast %scan3A_207 : i32 to index
          %swap3A_425 = arith.constant 480 : index
          %swap3A_426 = tpu.vector_load %arg18[%swap3A_423, %swap3A_424, %swap3A_425] {strides = array<i32>} : memref<2x8x512xf32, #tpu.memory_space<vmem>>, vector<16xf32>,
          tpu.vector_store %arg18[%swap3A_423, %swap3A_424, %swap3A_425], %gather3A_422 {strides = array<i32>} : memref<2x8x512xf32, #tpu.memory_space<vmem>>, vector<16xf32>,
          %get3A_427 = arith.constant 496 : index
          %get3A_428 = tpu.vector_load %arg15[%get3A_427] {strides = array<i32>} : memref<512xi32, #tpu.memory_space<vmem>>, vector<16xi32>,
          %gather3A_429 = tpu.vector_load_idx %arg14[%broadcast_in_dim3A_211, %get3A_428] : memref<32x1000xf32, #tpu.memory_space<vmem>>[vector<16xi32>, vector<16xi32>], vector<16xf32>,
          %swap3A_430 = arith.index_cast %rem3A_176 : i32 to index
          %swap3A_431 = arith.index_cast %scan3A_207 : i32 to index
          %swap3A_432 = arith.constant 496 : index
          %swap3A_433 = tpu.vector_load %arg18[%swap3A_430, %swap3A_431, %swap3A_432] {strides = array<i32>} : memref<2x8x512xf32, #tpu.memory_space<vmem>>, vector<16xf32>,
          tpu.vector_store %arg18[%swap3A_430, %swap3A_431, %swap3A_432], %gather3A_429 {strides = array<i32>} : memref<2x8x512xf32, #tpu.memory_space<vmem>>, vector<16xf32>,
        }
        %scan3A_189 = arith.constant 8 : i32
        %mul3A_190 = arith.constant 8 : i32
        %mul3A_191 = arith.muli %scan3A_171, %mul3A_190 : i32
        %add3A_192 = arith.constant 32 : i32
        %add3A_193 = arith.addi %add3A_192, %mul3A_191 : i32
        %dma_start3A = arith.constant 0 : i32
        %dma_start3A_194 = arith.constant 0 : i32
        %dma_start3A_195 = tpu.memref_slice %arg18[%rem3A_176, %dma_start3A, %dma_start3A_194] : memref<2x8x512xf32, #tpu.memory_space<vmem>> -> memref<1x8x512xf32, #tpu.memory_space<vmem>>
        %dma_start3A_196 = tpu.memref_squeeze %dma_start3A_195 : memref<1x8x512xf32, #tpu.memory_space<vmem>> -> memref<8x512xf32, #tpu.memory_space<vmem>>
        %dma_start3A_197 = tpu.memref_slice %arg6[%scan3A_161, %add3A_193, %add3A_105] : memref<20x64x16384xf32, #tpu.memory_space<hbm>> -> memref<1x8x512xf32, #tpu.memory_space<hbm>>
        %dma_start3A_198 = tpu.memref_squeeze %dma_start3A_197 : memref<1x8x512xf32, #tpu.memory_space<hbm>> -> memref<8x512xf32, #tpu.memory_space<hbm>>
        %dma_start3A_199 = tpu.memref_slice %arg21[%rem3A_176] : memref<2x!tpu.dma_semaphore, #tpu.memory_space<semaphore_mem>> -> memref<1x!tpu.dma_semaphore, #tpu.memory_space<semaphore_mem>>
        %dma_start3A_200 = tpu.memref_squeeze %dma_start3A_199 : memref<1x!tpu.dma_semaphore, #tpu.memory_space<semaphore_mem>> -> memref<!tpu.dma_semaphore, #tpu.memory_space<semaphore_mem>>
        %dma_start3A_201 = tpu.memref_slice %arg6[%scan3A_161, %add3A_193, %add3A_105] : memref<20x64x16384xf32, #tpu.memory_space<hbm>> -> memref<1x8x512xf32, #tpu.memory_space<hbm>>
        %dma_start3A_202 = tpu.memref_squeeze %dma_start3A_201 : memref<1x8x512xf32, #tpu.memory_space<hbm>> -> memref<8x512xf32, #tpu.memory_space<hbm>>
        %dma_start3A_203 = arith.constant 0 : i32
        %dma_start3A_204 = arith.constant 0 : i32
        %dma_start3A_205 = tpu.memref_slice %arg18[%rem3A_176, %dma_start3A_203, %dma_start3A_204] : memref<2x8x512xf32, #tpu.memory_space<vmem>> -> memref<1x8x512xf32, #tpu.memory_space<vmem>>
        %dma_start3A_206 = tpu.memref_squeeze %dma_start3A_205 : memref<1x8x512xf32, #tpu.memory_space<vmem>> -> memref<8x512xf32, #tpu.memory_space<vmem>>
        tpu.enqueue_dma source(%dma_start3A_206 : memref<8x512xf32, #tpu.memory_space<vmem>>) target(%dma_start3A_202 : memref<8x512xf32, #tpu.memory_space<hbm>>) target_semaphore(%dma_start3A_200 : memref<!tpu.dma_semaphore, #tpu.memory_space<semaphore_mem>>)
      }
      %scan3A_170 = arith.constant 4 : i32
    }
    %scan3A_111 = arith.constant 20 : i32
    %dma_wait3A = arith.constant 0 : i32
    %dma_wait3A_112 = arith.constant 0 : i32
    %dma_wait3A_113 = arith.constant 0 : i32
    %dma_wait3A_114 = arith.constant 0 : i32
    %dma_wait3A_115 = arith.constant 0 : i32
    %dma_wait3A_116 = tpu.memref_slice %arg18[%dma_wait3A, %dma_wait3A_114, %dma_wait3A_115] : memref<2x8x512xf32, #tpu.memory_space<vmem>> -> memref<1x8x512xf32, #tpu.memory_space<vmem>>
    %dma_wait3A_117 = tpu.memref_squeeze %dma_wait3A_116 : memref<1x8x512xf32, #tpu.memory_space<vmem>> -> memref<8x512xf32, #tpu.memory_space<vmem>>
    %dma_wait3A_118 = arith.constant 32 : i32
    %dma_wait3A_119 = tpu.memref_slice %arg6[%dma_wait3A_112, %dma_wait3A_118, %add3A_105] : memref<20x64x16384xf32, #tpu.memory_space<hbm>> -> memref<1x8x512xf32, #tpu.memory_space<hbm>>
    %dma_wait3A_120 = tpu.memref_squeeze %dma_wait3A_119 : memref<1x8x512xf32, #tpu.memory_space<hbm>> -> memref<8x512xf32, #tpu.memory_space<hbm>>
    %dma_wait3A_121 = tpu.memref_slice %arg21[%dma_wait3A_113] : memref<2x!tpu.dma_semaphore, #tpu.memory_space<semaphore_mem>> -> memref<1x!tpu.dma_semaphore, #tpu.memory_space<semaphore_mem>>
    %dma_wait3A_122 = tpu.memref_squeeze %dma_wait3A_121 : memref<1x!tpu.dma_semaphore, #tpu.memory_space<semaphore_mem>> -> memref<!tpu.dma_semaphore, #tpu.memory_space<semaphore_mem>>
    %dma_wait3A_123 = arith.constant 32 : i32
    %dma_wait3A_124 = tpu.memref_slice %arg6[%dma_wait3A_112, %dma_wait3A_123, %add3A_105] : memref<20x64x16384xf32, #tpu.memory_space<hbm>> -> memref<1x8x512xf32, #tpu.memory_space<hbm>>
    %dma_wait3A_125 = tpu.memref_squeeze %dma_wait3A_124 : memref<1x8x512xf32, #tpu.memory_space<hbm>> -> memref<8x512xf32, #tpu.memory_space<hbm>>
    %dma_wait3A_126 = arith.constant 0 : i32
    %dma_wait3A_127 = arith.constant 0 : i32
    %dma_wait3A_128 = tpu.memref_slice %arg18[%dma_wait3A, %dma_wait3A_126, %dma_wait3A_127] : memref<2x8x512xf32, #tpu.memory_space<vmem>> -> memref<1x8x512xf32, #tpu.memory_space<vmem>>
    %dma_wait3A_129 = tpu.memref_squeeze %dma_wait3A_128 : memref<1x8x512xf32, #tpu.memory_space<vmem>> -> memref<8x512xf32, #tpu.memory_space<vmem>>
    tpu.wait_dma2 semaphore(%dma_wait3A_122 : memref<!tpu.dma_semaphore, #tpu.memory_space<semaphore_mem>>) src(%dma_wait3A_129 : memref<8x512xf32, #tpu.memory_space<vmem>>) dst(%dma_wait3A_125 : memref<8x512xf32, #tpu.memory_space<hbm>>)
    %dma_wait3A_130 = arith.constant 1 : i32
    %dma_wait3A_131 = arith.constant 0 : i32
    %dma_wait3A_132 = arith.constant 1 : i32
    %dma_wait3A_133 = arith.constant 0 : i32
    %dma_wait3A_134 = arith.constant 0 : i32
    %dma_wait3A_135 = tpu.memref_slice %arg18[%dma_wait3A_130, %dma_wait3A_133, %dma_wait3A_134] : memref<2x8x512xf32, #tpu.memory_space<vmem>> -> memref<1x8x512xf32, #tpu.memory_space<vmem>>
    %dma_wait3A_136 = tpu.memref_squeeze %dma_wait3A_135 : memref<1x8x512xf32, #tpu.memory_space<vmem>> -> memref<8x512xf32, #tpu.memory_space<vmem>>
    %dma_wait3A_137 = arith.constant 32 : i32
    %dma_wait3A_138 = tpu.memref_slice %arg6[%dma_wait3A_131, %dma_wait3A_137, %add3A_105] : memref<20x64x16384xf32, #tpu.memory_space<hbm>> -> memref<1x8x512xf32, #tpu.memory_space<hbm>>
    %dma_wait3A_139 = tpu.memref_squeeze %dma_wait3A_138 : memref<1x8x512xf32, #tpu.memory_space<hbm>> -> memref<8x512xf32, #tpu.memory_space<hbm>>
    %dma_wait3A_140 = tpu.memref_slice %arg21[%dma_wait3A_132] : memref<2x!tpu.dma_semaphore, #tpu.memory_space<semaphore_mem>> -> memref<1x!tpu.dma_semaphore, #tpu.memory_space<semaphore_mem>>
    %dma_wait3A_141 = tpu.memref_squeeze %dma_wait3A_140 : memref<1x!tpu.dma_semaphore, #tpu.memory_space<semaphore_mem>> -> memref<!tpu.dma_semaphore, #tpu.memory_space<semaphore_mem>>
    %dma_wait3A_142 = arith.constant 32 : i32
    %dma_wait3A_143 = tpu.memref_slice %arg6[%dma_wait3A_131, %dma_wait3A_142, %add3A_105] : memref<20x64x16384xf32, #tpu.memory_space<hbm>> -> memref<1x8x512xf32, #tpu.memory_space<hbm>>
    %dma_wait3A_144 = tpu.memref_squeeze %dma_wait3A_143 : memref<1x8x512xf32, #tpu.memory_space<hbm>> -> memref<8x512xf32, #tpu.memory_space<hbm>>
    %dma_wait3A_145 = arith.constant 0 : i32
    %dma_wait3A_146 = arith.constant 0 : i32
    %dma_wait3A_147 = tpu.memref_slice %arg18[%dma_wait3A_130, %dma_wait3A_145, %dma_wait3A_146] : memref<2x8x512xf32, #tpu.memory_space<vmem>> -> memref<1x8x512xf32, #tpu.memory_space<vmem>>
    %dma_wait3A_148 = tpu.memref_squeeze %dma_wait3A_147 : memref<1x8x512xf32, #tpu.memory_space<vmem>> -> memref<8x512xf32, #tpu.memory_space<vmem>>
    tpu.wait_dma2 semaphore(%dma_wait3A_141 : memref<!tpu.dma_semaphore, #tpu.memory_space<semaphore_mem>>) src(%dma_wait3A_148 : memref<8x512xf32, #tpu.memory_space<vmem>>) dst(%dma_wait3A_144 : memref<8x512xf32, #tpu.memory_space<hbm>>)
    %barrier3A = arith.constant 0 : index
    tpu.barrier barrier_id(%barrier3A)
    %scan3A_149 = arith.constant 0 : i32
    %scan3A_150 = arith.constant 0 : i32
    %scan3A_151 = arith.constant 4 : i32
    %scan3A_152 = arith.addi %scan3A_150, %scan3A_151 : i32
    %scan3A_153 = arith.constant 1 : i32
    scf.for %scan3A_161 = %scan3A_150 to %scan3A_152 step %scan3A_153  : i32 {
      %mul3A_162 = arith.constant 128 : i32
      %mul3A_163 = arith.muli %scan3A_161, %mul3A_162 : i32
      %add3A_164 = arith.addi %add3A_105, %mul3A_163 : i32
      "tpu.region"() ({
        %run_scoped3A = tpu.sem_alloc : memref<!tpu.dma_semaphore, #tpu.memory_space<semaphore_mem>>
        %dma_start3A = arith.constant 0 : i32
        %dma_start3A_171 = tpu.memref_slice %arg7[%add3A_164, %dma_start3A] : memref<16448x128xf32, #tpu.memory_space<hbm>> -> memref<128x128xf32, #tpu.memory_space<hbm>>
        %dma_start3A_172 = arith.constant 0 : i32
        %dma_start3A_173 = tpu.memref_slice %arg7[%add3A_164, %dma_start3A_172] : memref<16448x128xf32, #tpu.memory_space<hbm>> -> memref<128x128xf32, #tpu.memory_space<hbm>>
        tpu.enqueue_dma source(%dma_start3A_173 : memref<128x128xf32, #tpu.memory_space<hbm>>) target(%arg16 : memref<128x128xf32, #tpu.memory_space<vmem>>) target_semaphore(%run_scoped3A : memref<!tpu.dma_semaphore, #tpu.memory_space<semaphore_mem>>)
        %dma_wait3A_174 = arith.constant 0 : i32
        %dma_wait3A_175 = tpu.memref_slice %arg7[%add3A_164, %dma_wait3A_174] : memref<16448x128xf32, #tpu.memory_space<hbm>> -> memref<128x128xf32, #tpu.memory_space<hbm>>
        %dma_wait3A_176 = arith.constant 0 : i32
        %dma_wait3A_177 = tpu.memref_slice %arg7[%add3A_164, %dma_wait3A_176] : memref<16448x128xf32, #tpu.memory_space<hbm>> -> memref<128x128xf32, #tpu.memory_space<hbm>>
        tpu.wait_dma2 semaphore(%run_scoped3A : memref<!tpu.dma_semaphore, #tpu.memory_space<semaphore_mem>>) src(%dma_wait3A_177 : memref<128x128xf32, #tpu.memory_space<hbm>>) dst(%arg16 : memref<128x128xf32, #tpu.memory_space<vmem>>)
        tpu.yield
      }) : () -> ()
      %scan3A_165 = arith.constant 0 : i32
      %scan3A_166 = arith.constant 0 : i32
      %scan3A_167 = arith.constant 32 : i32
      %scan3A_168 = arith.addi %scan3A_166, %scan3A_167 : i32
      %scan3A_169 = arith.constant 1 : i32
      scf.for %scan3A_171 = %scan3A_166 to %scan3A_168 step %scan3A_169  : i32 {
        %jit3A_172 = arith.constant 8 : i32
        %div3A_173 = arith.divsi %scan3A_171, %jit3A_172 : i32
        %sign3A_174 = arith.constant 0 : i32
        %sign3A_175 = arith.cmpi sgt, %scan3A_171, %sign3A_174 : i32
        %sign3A_176 = arith.extui %sign3A_175 : i1 to i32
        %sign3A_177 = arith.constant 0 : i32
        %sign3A_178 = arith.cmpi slt, %scan3A_171, %sign3A_177 : i32
        %sign3A_179 = arith.extui %sign3A_178 : i1 to i32
        %sign3A_180 = arith.subi %sign3A_176, %sign3A_179 : i32
        %sign3A_181 = arith.constant 0 : i32
        %sign3A_182 = arith.cmpi sgt, %jit3A_172, %sign3A_181 : i32
        %sign3A_183 = arith.extui %sign3A_182 : i1 to i32
        %sign3A_184 = arith.constant 0 : i32
        %sign3A_185 = arith.cmpi slt, %jit3A_172, %sign3A_184 : i32
        %sign3A_186 = arith.extui %sign3A_185 : i1 to i32
        %sign3A_187 = arith.subi %sign3A_183, %sign3A_186 : i32
        %ne3A_188 = arith.cmpi ne, %sign3A_180, %sign3A_187 : i32
        %rem3A_189 = arith.remsi %scan3A_171, %jit3A_172 : i32
        %ne3A_190 = arith.constant 0 : i32
        %ne3A_191 = arith.cmpi ne, %rem3A_189, %ne3A_190 : i32
        %and3A_192 = arith.andi %ne3A_188, %ne3A_191 : i1
        %sub3A_193 = arith.constant 1 : i32
        %sub3A_194 = arith.subi %div3A_173, %sub3A_193 : i32
        %select_n3A_195 = arith.select %and3A_192, %sub3A_194, %div3A_173 : i32
        %rem3A_196 = arith.constant 8 : i32
        %rem3A_197 = arith.remsi %scan3A_171, %rem3A_196 : i32
        %broadcast_in_dim3A_198 = vector.broadcast %scan3A_171 : i32 to vector<16xi32>
        %add3A_199 = arith.constant 0 : i32
        %add3A_200 = vector.broadcast %add3A_199 : i32 to vector<16xi32>
        %add3A_201 = arith.addi %add3A_200, %iota3A : vector<16xi32>
        %gather3A = tpu.vector_load_idx %arg16[%add3A_201, %broadcast_in_dim3A_198] : memref<128x128xf32, #tpu.memory_space<vmem>>[vector<16xi32>, vector<16xi32>], vector<16xf32>,
        %mul3A_202 = arith.constant 128 : i32
        %mul3A_203 = arith.muli %scan3A_161, %mul3A_202 : i32
        %add3A_204 = arith.constant 0 : i32
        %add3A_205 = arith.addi %mul3A_203, %add3A_204 : i32
        %swap3A_206 = arith.index_cast %select_n3A_195 : i32 to index
        %swap3A_207 = arith.index_cast %rem3A_197 : i32 to index
        %swap3A_208 = arith.index_cast %add3A_205 : i32 to index
        %swap3A_209 = tpu.vector_load %arg17[%swap3A_206, %swap3A_207, %swap3A_208] {strides = array<i32>} : memref<4x8x512xf32, #tpu.memory_space<vmem>>, vector<16xf32>,
        tpu.vector_store %arg17[%swap3A_206, %swap3A_207, %swap3A_208], %gather3A {strides = array<i32>} : memref<4x8x512xf32, #tpu.memory_space<vmem>>, vector<16xf32>,
        %add3A_210 = arith.constant 16 : i32
        %add3A_211 = vector.broadcast %add3A_210 : i32 to vector<16xi32>
        %add3A_212 = arith.addi %add3A_211, %iota3A : vector<16xi32>
        %gather3A_213 = tpu.vector_load_idx %arg16[%add3A_212, %broadcast_in_dim3A_198] : memref<128x128xf32, #tpu.memory_space<vmem>>[vector<16xi32>, vector<16xi32>], vector<16xf32>,
        %mul3A_214 = arith.constant 128 : i32
        %mul3A_215 = arith.muli %scan3A_161, %mul3A_214 : i32
        %add3A_216 = arith.constant 16 : i32
        %add3A_217 = arith.addi %mul3A_215, %add3A_216 : i32
        %swap3A_218 = arith.index_cast %select_n3A_195 : i32 to index
        %swap3A_219 = arith.index_cast %rem3A_197 : i32 to index
        %swap3A_220 = arith.index_cast %add3A_217 : i32 to index
        %swap3A_221 = tpu.vector_load %arg17[%swap3A_218, %swap3A_219, %swap3A_220] {strides = array<i32>} : memref<4x8x512xf32, #tpu.memory_space<vmem>>, vector<16xf32>,
        tpu.vector_store %arg17[%swap3A_218, %swap3A_219, %swap3A_220], %gather3A_213 {strides = array<i32>} : memref<4x8x512xf32, #tpu.memory_space<vmem>>, vector<16xf32>,
        %add3A_222 = arith.constant 32 : i32
        %add3A_223 = vector.broadcast %add3A_222 : i32 to vector<16xi32>
        %add3A_224 = arith.addi %add3A_223, %iota3A : vector<16xi32>
        %gather3A_225 = tpu.vector_load_idx %arg16[%add3A_224, %broadcast_in_dim3A_198] : memref<128x128xf32, #tpu.memory_space<vmem>>[vector<16xi32>, vector<16xi32>], vector<16xf32>,
        %mul3A_226 = arith.constant 128 : i32
        %mul3A_227 = arith.muli %scan3A_161, %mul3A_226 : i32
        %add3A_228 = arith.constant 32 : i32
        %add3A_229 = arith.addi %mul3A_227, %add3A_228 : i32
        %swap3A_230 = arith.index_cast %select_n3A_195 : i32 to index
        %swap3A_231 = arith.index_cast %rem3A_197 : i32 to index
        %swap3A_232 = arith.index_cast %add3A_229 : i32 to index
        %swap3A_233 = tpu.vector_load %arg17[%swap3A_230, %swap3A_231, %swap3A_232] {strides = array<i32>} : memref<4x8x512xf32, #tpu.memory_space<vmem>>, vector<16xf32>,
        tpu.vector_store %arg17[%swap3A_230, %swap3A_231, %swap3A_232], %gather3A_225 {strides = array<i32>} : memref<4x8x512xf32, #tpu.memory_space<vmem>>, vector<16xf32>,
        %add3A_234 = arith.constant 48 : i32
        %add3A_235 = vector.broadcast %add3A_234 : i32 to vector<16xi32>
        %add3A_236 = arith.addi %add3A_235, %iota3A : vector<16xi32>
        %gather3A_237 = tpu.vector_load_idx %arg16[%add3A_236, %broadcast_in_dim3A_198] : memref<128x128xf32, #tpu.memory_space<vmem>>[vector<16xi32>, vector<16xi32>], vector<16xf32>,
        %mul3A_238 = arith.constant 128 : i32
        %mul3A_239 = arith.muli %scan3A_161, %mul3A_238 : i32
        %add3A_240 = arith.constant 48 : i32
        %add3A_241 = arith.addi %mul3A_239, %add3A_240 : i32
        %swap3A_242 = arith.index_cast %select_n3A_195 : i32 to index
        %swap3A_243 = arith.index_cast %rem3A_197 : i32 to index
        %swap3A_244 = arith.index_cast %add3A_241 : i32 to index
        %swap3A_245 = tpu.vector_load %arg17[%swap3A_242, %swap3A_243, %swap3A_244] {strides = array<i32>} : memref<4x8x512xf32, #tpu.memory_space<vmem>>, vector<16xf32>,
        tpu.vector_store %arg17[%swap3A_242, %swap3A_243, %swap3A_244], %gather3A_237 {strides = array<i32>} : memref<4x8x512xf32, #tpu.memory_space<vmem>>, vector<16xf32>,
        %add3A_246 = arith.constant 64 : i32
        %add3A_247 = vector.broadcast %add3A_246 : i32 to vector<16xi32>
        %add3A_248 = arith.addi %add3A_247, %iota3A : vector<16xi32>
        %gather3A_249 = tpu.vector_load_idx %arg16[%add3A_248, %broadcast_in_dim3A_198] : memref<128x128xf32, #tpu.memory_space<vmem>>[vector<16xi32>, vector<16xi32>], vector<16xf32>,
        %mul3A_250 = arith.constant 128 : i32
        %mul3A_251 = arith.muli %scan3A_161, %mul3A_250 : i32
        %add3A_252 = arith.constant 64 : i32
        %add3A_253 = arith.addi %mul3A_251, %add3A_252 : i32
        %swap3A_254 = arith.index_cast %select_n3A_195 : i32 to index
        %swap3A_255 = arith.index_cast %rem3A_197 : i32 to index
        %swap3A_256 = arith.index_cast %add3A_253 : i32 to index
        %swap3A_257 = tpu.vector_load %arg17[%swap3A_254, %swap3A_255, %swap3A_256] {strides = array<i32>} : memref<4x8x512xf32, #tpu.memory_space<vmem>>, vector<16xf32>,
        tpu.vector_store %arg17[%swap3A_254, %swap3A_255, %swap3A_256], %gather3A_249 {strides = array<i32>} : memref<4x8x512xf32, #tpu.memory_space<vmem>>, vector<16xf32>,
        %add3A_258 = arith.constant 80 : i32
        %add3A_259 = vector.broadcast %add3A_258 : i32 to vector<16xi32>
        %add3A_260 = arith.addi %add3A_259, %iota3A : vector<16xi32>
        %gather3A_261 = tpu.vector_load_idx %arg16[%add3A_260, %broadcast_in_dim3A_198] : memref<128x128xf32, #tpu.memory_space<vmem>>[vector<16xi32>, vector<16xi32>], vector<16xf32>,
        %mul3A_262 = arith.constant 128 : i32
        %mul3A_263 = arith.muli %scan3A_161, %mul3A_262 : i32
        %add3A_264 = arith.constant 80 : i32
        %add3A_265 = arith.addi %mul3A_263, %add3A_264 : i32
        %swap3A_266 = arith.index_cast %select_n3A_195 : i32 to index
        %swap3A_267 = arith.index_cast %rem3A_197 : i32 to index
        %swap3A_268 = arith.index_cast %add3A_265 : i32 to index
        %swap3A_269 = tpu.vector_load %arg17[%swap3A_266, %swap3A_267, %swap3A_268] {strides = array<i32>} : memref<4x8x512xf32, #tpu.memory_space<vmem>>, vector<16xf32>,
        tpu.vector_store %arg17[%swap3A_266, %swap3A_267, %swap3A_268], %gather3A_261 {strides = array<i32>} : memref<4x8x512xf32, #tpu.memory_space<vmem>>, vector<16xf32>,
        %add3A_270 = arith.constant 96 : i32
        %add3A_271 = vector.broadcast %add3A_270 : i32 to vector<16xi32>
        %add3A_272 = arith.addi %add3A_271, %iota3A : vector<16xi32>
        %gather3A_273 = tpu.vector_load_idx %arg16[%add3A_272, %broadcast_in_dim3A_198] : memref<128x128xf32, #tpu.memory_space<vmem>>[vector<16xi32>, vector<16xi32>], vector<16xf32>,
        %mul3A_274 = arith.constant 128 : i32
        %mul3A_275 = arith.muli %scan3A_161, %mul3A_274 : i32
        %add3A_276 = arith.constant 96 : i32
        %add3A_277 = arith.addi %mul3A_275, %add3A_276 : i32
        %swap3A_278 = arith.index_cast %select_n3A_195 : i32 to index
        %swap3A_279 = arith.index_cast %rem3A_197 : i32 to index
        %swap3A_280 = arith.index_cast %add3A_277 : i32 to index
        %swap3A_281 = tpu.vector_load %arg17[%swap3A_278, %swap3A_279, %swap3A_280] {strides = array<i32>} : memref<4x8x512xf32, #tpu.memory_space<vmem>>, vector<16xf32>,
        tpu.vector_store %arg17[%swap3A_278, %swap3A_279, %swap3A_280], %gather3A_273 {strides = array<i32>} : memref<4x8x512xf32, #tpu.memory_space<vmem>>, vector<16xf32>,
        %add3A_282 = arith.constant 112 : i32
        %add3A_283 = vector.broadcast %add3A_282 : i32 to vector<16xi32>
        %add3A_284 = arith.addi %add3A_283, %iota3A : vector<16xi32>
        %gather3A_285 = tpu.vector_load_idx %arg16[%add3A_284, %broadcast_in_dim3A_198] : memref<128x128xf32, #tpu.memory_space<vmem>>[vector<16xi32>, vector<16xi32>], vector<16xf32>,
        %mul3A_286 = arith.constant 128 : i32
        %mul3A_287 = arith.muli %scan3A_161, %mul3A_286 : i32
        %add3A_288 = arith.constant 112 : i32
        %add3A_289 = arith.addi %mul3A_287, %add3A_288 : i32
        %swap3A_290 = arith.index_cast %select_n3A_195 : i32 to index
        %swap3A_291 = arith.index_cast %rem3A_197 : i32 to index
        %swap3A_292 = arith.index_cast %add3A_289 : i32 to index
        %swap3A_293 = tpu.vector_load %arg17[%swap3A_290, %swap3A_291, %swap3A_292] {strides = array<i32>} : memref<4x8x512xf32, #tpu.memory_space<vmem>>, vector<16xf32>,
        tpu.vector_store %arg17[%swap3A_290, %swap3A_291, %swap3A_292], %gather3A_285 {strides = array<i32>} : memref<4x8x512xf32, #tpu.memory_space<vmem>>, vector<16xf32>,
      }
      %scan3A_170 = arith.constant 32 : i32
    }
    %scan3A_154 = arith.constant 4 : i32
    %scan3A_155 = arith.constant 0 : i32
    %scan3A_156 = arith.constant 0 : i32
    %scan3A_157 = arith.constant 20 : i32
    %scan3A_158 = arith.addi %scan3A_156, %scan3A_157 : i32
    %scan3A_159 = arith.constant 1 : i32
    scf.for %scan3A_161 = %scan3A_156 to %scan3A_158 step %scan3A_159  : i32 {
      %dma_start3A = arith.constant 0 : i32
      %dma_start3A_162 = arith.constant 0 : i32
      %dma_start3A_163 = arith.constant 0 : i32
      %dma_start3A_164 = tpu.memref_slice %arg17[%dma_start3A, %dma_start3A_162, %dma_start3A_163] : memref<4x8x512xf32, #tpu.memory_space<vmem>> -> memref<1x8x512xf32, #tpu.memory_space<vmem>>
      %dma_start3A_165 = tpu.memref_squeeze %dma_start3A_164 : memref<1x8x512xf32, #tpu.memory_space<vmem>> -> memref<8x512xf32, #tpu.memory_space<vmem>>
      %dma_start3A_166 = arith.constant 0 : i32
      %dma_start3A_167 = tpu.memref_slice %arg6[%scan3A_161, %dma_start3A_166, %add3A_105] : memref<20x64x16384xf32, #tpu.memory_space<hbm>> -> memref<1x8x512xf32, #tpu.memory_space<hbm>>
      %dma_start3A_168 = tpu.memref_squeeze %dma_start3A_167 : memref<1x8x512xf32, #tpu.memory_space<hbm>> -> memref<8x512xf32, #tpu.memory_space<hbm>>
      %dma_start3A_169 = arith.constant 0 : i32
      %dma_start3A_170 = tpu.memref_slice %arg6[%scan3A_161, %dma_start3A_169, %add3A_105] : memref<20x64x16384xf32, #tpu.memory_space<hbm>> -> memref<1x8x512xf32, #tpu.memory_space<hbm>>
      %dma_start3A_171 = tpu.memref_squeeze %dma_start3A_170 : memref<1x8x512xf32, #tpu.memory_space<hbm>> -> memref<8x512xf32, #tpu.memory_space<hbm>>
      %dma_start3A_172 = arith.constant 0 : i32
      %dma_start3A_173 = arith.constant 0 : i32
      %dma_start3A_174 = tpu.memref_slice %arg17[%dma_start3A, %dma_start3A_172, %dma_start3A_173] : memref<4x8x512xf32, #tpu.memory_space<vmem>> -> memref<1x8x512xf32, #tpu.memory_space<vmem>>
      %dma_start3A_175 = tpu.memref_squeeze %dma_start3A_174 : memref<1x8x512xf32, #tpu.memory_space<vmem>> -> memref<8x512xf32, #tpu.memory_space<vmem>>
      tpu.enqueue_dma source(%dma_start3A_175 : memref<8x512xf32, #tpu.memory_space<vmem>>) target(%dma_start3A_171 : memref<8x512xf32, #tpu.memory_space<hbm>>) target_semaphore(%arg20 : memref<!tpu.dma_semaphore, #tpu.memory_space<semaphore_mem>>)
      %dma_start3A_176 = arith.constant 1 : i32
      %dma_start3A_177 = arith.constant 0 : i32
      %dma_start3A_178 = arith.constant 0 : i32
      %dma_start3A_179 = tpu.memref_slice %arg17[%dma_start3A_176, %dma_start3A_177, %dma_start3A_178] : memref<4x8x512xf32, #tpu.memory_space<vmem>> -> memref<1x8x512xf32, #tpu.memory_space<vmem>>
      %dma_start3A_180 = tpu.memref_squeeze %dma_start3A_179 : memref<1x8x512xf32, #tpu.memory_space<vmem>> -> memref<8x512xf32, #tpu.memory_space<vmem>>
      %dma_start3A_181 = arith.constant 8 : i32
      %dma_start3A_182 = tpu.memref_slice %arg6[%scan3A_161, %dma_start3A_181, %add3A_105] : memref<20x64x16384xf32, #tpu.memory_space<hbm>> -> memref<1x8x512xf32, #tpu.memory_space<hbm>>
      %dma_start3A_183 = tpu.memref_squeeze %dma_start3A_182 : memref<1x8x512xf32, #tpu.memory_space<hbm>> -> memref<8x512xf32, #tpu.memory_space<hbm>>
      %dma_start3A_184 = arith.constant 8 : i32
      %dma_start3A_185 = tpu.memref_slice %arg6[%scan3A_161, %dma_start3A_184, %add3A_105] : memref<20x64x16384xf32, #tpu.memory_space<hbm>> -> memref<1x8x512xf32, #tpu.memory_space<hbm>>
      %dma_start3A_186 = tpu.memref_squeeze %dma_start3A_185 : memref<1x8x512xf32, #tpu.memory_space<hbm>> -> memref<8x512xf32, #tpu.memory_space<hbm>>
      %dma_start3A_187 = arith.constant 0 : i32
      %dma_start3A_188 = arith.constant 0 : i32
      %dma_start3A_189 = tpu.memref_slice %arg17[%dma_start3A_176, %dma_start3A_187, %dma_start3A_188] : memref<4x8x512xf32, #tpu.memory_space<vmem>> -> memref<1x8x512xf32, #tpu.memory_space<vmem>>
      %dma_start3A_190 = tpu.memref_squeeze %dma_start3A_189 : memref<1x8x512xf32, #tpu.memory_space<vmem>> -> memref<8x512xf32, #tpu.memory_space<vmem>>
      tpu.enqueue_dma source(%dma_start3A_190 : memref<8x512xf32, #tpu.memory_space<vmem>>) target(%dma_start3A_186 : memref<8x512xf32, #tpu.memory_space<hbm>>) target_semaphore(%arg20 : memref<!tpu.dma_semaphore, #tpu.memory_space<semaphore_mem>>)
      %dma_start3A_191 = arith.constant 2 : i32
      %dma_start3A_192 = arith.constant 0 : i32
      %dma_start3A_193 = arith.constant 0 : i32
      %dma_start3A_194 = tpu.memref_slice %arg17[%dma_start3A_191, %dma_start3A_192, %dma_start3A_193] : memref<4x8x512xf32, #tpu.memory_space<vmem>> -> memref<1x8x512xf32, #tpu.memory_space<vmem>>
      %dma_start3A_195 = tpu.memref_squeeze %dma_start3A_194 : memref<1x8x512xf32, #tpu.memory_space<vmem>> -> memref<8x512xf32, #tpu.memory_space<vmem>>
      %dma_start3A_196 = arith.constant 16 : i32
      %dma_start3A_197 = tpu.memref_slice %arg6[%scan3A_161, %dma_start3A_196, %add3A_105] : memref<20x64x16384xf32, #tpu.memory_space<hbm>> -> memref<1x8x512xf32, #tpu.memory_space<hbm>>
      %dma_start3A_198 = tpu.memref_squeeze %dma_start3A_197 : memref<1x8x512xf32, #tpu.memory_space<hbm>> -> memref<8x512xf32, #tpu.memory_space<hbm>>
      %dma_start3A_199 = arith.constant 16 : i32
      %dma_start3A_200 = tpu.memref_slice %arg6[%scan3A_161, %dma_start3A_199, %add3A_105] : memref<20x64x16384xf32, #tpu.memory_space<hbm>> -> memref<1x8x512xf32, #tpu.memory_space<hbm>>
      %dma_start3A_201 = tpu.memref_squeeze %dma_start3A_200 : memref<1x8x512xf32, #tpu.memory_space<hbm>> -> memref<8x512xf32, #tpu.memory_space<hbm>>
      %dma_start3A_202 = arith.constant 0 : i32
      %dma_start3A_203 = arith.constant 0 : i32
      %dma_start3A_204 = tpu.memref_slice %arg17[%dma_start3A_191, %dma_start3A_202, %dma_start3A_203] : memref<4x8x512xf32, #tpu.memory_space<vmem>> -> memref<1x8x512xf32, #tpu.memory_space<vmem>>
      %dma_start3A_205 = tpu.memref_squeeze %dma_start3A_204 : memref<1x8x512xf32, #tpu.memory_space<vmem>> -> memref<8x512xf32, #tpu.memory_space<vmem>>
      tpu.enqueue_dma source(%dma_start3A_205 : memref<8x512xf32, #tpu.memory_space<vmem>>) target(%dma_start3A_201 : memref<8x512xf32, #tpu.memory_space<hbm>>) target_semaphore(%arg20 : memref<!tpu.dma_semaphore, #tpu.memory_space<semaphore_mem>>)
      %dma_start3A_206 = arith.constant 3 : i32
      %dma_start3A_207 = arith.constant 0 : i32
      %dma_start3A_208 = arith.constant 0 : i32
      %dma_start3A_209 = tpu.memref_slice %arg17[%dma_start3A_206, %dma_start3A_207, %dma_start3A_208] : memref<4x8x512xf32, #tpu.memory_space<vmem>> -> memref<1x8x512xf32, #tpu.memory_space<vmem>>
      %dma_start3A_210 = tpu.memref_squeeze %dma_start3A_209 : memref<1x8x512xf32, #tpu.memory_space<vmem>> -> memref<8x512xf32, #tpu.memory_space<vmem>>
      %dma_start3A_211 = arith.constant 24 : i32
      %dma_start3A_212 = tpu.memref_slice %arg6[%scan3A_161, %dma_start3A_211, %add3A_105] : memref<20x64x16384xf32, #tpu.memory_space<hbm>> -> memref<1x8x512xf32, #tpu.memory_space<hbm>>
      %dma_start3A_213 = tpu.memref_squeeze %dma_start3A_212 : memref<1x8x512xf32, #tpu.memory_space<hbm>> -> memref<8x512xf32, #tpu.memory_space<hbm>>
      %dma_start3A_214 = arith.constant 24 : i32
      %dma_start3A_215 = tpu.memref_slice %arg6[%scan3A_161, %dma_start3A_214, %add3A_105] : memref<20x64x16384xf32, #tpu.memory_space<hbm>> -> memref<1x8x512xf32, #tpu.memory_space<hbm>>
      %dma_start3A_216 = tpu.memref_squeeze %dma_start3A_215 : memref<1x8x512xf32, #tpu.memory_space<hbm>> -> memref<8x512xf32, #tpu.memory_space<hbm>>
      %dma_start3A_217 = arith.constant 0 : i32
      %dma_start3A_218 = arith.constant 0 : i32
      %dma_start3A_219 = tpu.memref_slice %arg17[%dma_start3A_206, %dma_start3A_217, %dma_start3A_218] : memref<4x8x512xf32, #tpu.memory_space<vmem>> -> memref<1x8x512xf32, #tpu.memory_space<vmem>>
      %dma_start3A_220 = tpu.memref_squeeze %dma_start3A_219 : memref<1x8x512xf32, #tpu.memory_space<vmem>> -> memref<8x512xf32, #tpu.memory_space<vmem>>
      tpu.enqueue_dma source(%dma_start3A_220 : memref<8x512xf32, #tpu.memory_space<vmem>>) target(%dma_start3A_216 : memref<8x512xf32, #tpu.memory_space<hbm>>) target_semaphore(%arg20 : memref<!tpu.dma_semaphore, #tpu.memory_space<semaphore_mem>>)
      %dma_wait3A_221 = arith.constant 0 : i32
      %dma_wait3A_222 = arith.constant 0 : i32
      %dma_wait3A_223 = arith.constant 0 : i32
      %dma_wait3A_224 = tpu.memref_slice %arg17[%dma_wait3A_221, %dma_wait3A_222, %dma_wait3A_223] : memref<4x8x512xf32, #tpu.memory_space<vmem>> -> memref<1x8x512xf32, #tpu.memory_space<vmem>>
      %dma_wait3A_225 = tpu.memref_squeeze %dma_wait3A_224 : memref<1x8x512xf32, #tpu.memory_space<vmem>> -> memref<8x512xf32, #tpu.memory_space<vmem>>
      %dma_wait3A_226 = arith.constant 0 : i32
      %dma_wait3A_227 = tpu.memref_slice %arg6[%scan3A_161, %dma_wait3A_226, %add3A_105] : memref<20x64x16384xf32, #tpu.memory_space<hbm>> -> memref<1x8x512xf32, #tpu.memory_space<hbm>>
      %dma_wait3A_228 = tpu.memref_squeeze %dma_wait3A_227 : memref<1x8x512xf32, #tpu.memory_space<hbm>> -> memref<8x512xf32, #tpu.memory_space<hbm>>
      %dma_wait3A_229 = arith.constant 0 : i32
      %dma_wait3A_230 = tpu.memref_slice %arg6[%scan3A_161, %dma_wait3A_229, %add3A_105] : memref<20x64x16384xf32, #tpu.memory_space<hbm>> -> memref<1x8x512xf32, #tpu.memory_space<hbm>>
      %dma_wait3A_231 = tpu.memref_squeeze %dma_wait3A_230 : memref<1x8x512xf32, #tpu.memory_space<hbm>> -> memref<8x512xf32, #tpu.memory_space<hbm>>
      %dma_wait3A_232 = arith.constant 0 : i32
      %dma_wait3A_233 = arith.constant 0 : i32
      %dma_wait3A_234 = tpu.memref_slice %arg17[%dma_wait3A_221, %dma_wait3A_232, %dma_wait3A_233] : memref<4x8x512xf32, #tpu.memory_space<vmem>> -> memref<1x8x512xf32, #tpu.memory_space<vmem>>
      %dma_wait3A_235 = tpu.memref_squeeze %dma_wait3A_234 : memref<1x8x512xf32, #tpu.memory_space<vmem>> -> memref<8x512xf32, #tpu.memory_space<vmem>>
      tpu.wait_dma2 semaphore(%arg20 : memref<!tpu.dma_semaphore, #tpu.memory_space<semaphore_mem>>) src(%dma_wait3A_235 : memref<8x512xf32, #tpu.memory_space<vmem>>) dst(%dma_wait3A_231 : memref<8x512xf32, #tpu.memory_space<hbm>>)
      %dma_wait3A_236 = arith.constant 1 : i32
      %dma_wait3A_237 = arith.constant 0 : i32
      %dma_wait3A_238 = arith.constant 0 : i32
      %dma_wait3A_239 = tpu.memref_slice %arg17[%dma_wait3A_236, %dma_wait3A_237, %dma_wait3A_238] : memref<4x8x512xf32, #tpu.memory_space<vmem>> -> memref<1x8x512xf32, #tpu.memory_space<vmem>>
      %dma_wait3A_240 = tpu.memref_squeeze %dma_wait3A_239 : memref<1x8x512xf32, #tpu.memory_space<vmem>> -> memref<8x512xf32, #tpu.memory_space<vmem>>
      %dma_wait3A_241 = arith.constant 8 : i32
      %dma_wait3A_242 = tpu.memref_slice %arg6[%scan3A_161, %dma_wait3A_241, %add3A_105] : memref<20x64x16384xf32, #tpu.memory_space<hbm>> -> memref<1x8x512xf32, #tpu.memory_space<hbm>>
      %dma_wait3A_243 = tpu.memref_squeeze %dma_wait3A_242 : memref<1x8x512xf32, #tpu.memory_space<hbm>> -> memref<8x512xf32, #tpu.memory_space<hbm>>
      %dma_wait3A_244 = arith.constant 8 : i32
      %dma_wait3A_245 = tpu.memref_slice %arg6[%scan3A_161, %dma_wait3A_244, %add3A_105] : memref<20x64x16384xf32, #tpu.memory_space<hbm>> -> memref<1x8x512xf32, #tpu.memory_space<hbm>>
      %dma_wait3A_246 = tpu.memref_squeeze %dma_wait3A_245 : memref<1x8x512xf32, #tpu.memory_space<hbm>> -> memref<8x512xf32, #tpu.memory_space<hbm>>
      %dma_wait3A_247 = arith.constant 0 : i32
      %dma_wait3A_248 = arith.constant 0 : i32
      %dma_wait3A_249 = tpu.memref_slice %arg17[%dma_wait3A_236, %dma_wait3A_247, %dma_wait3A_248] : memref<4x8x512xf32, #tpu.memory_space<vmem>> -> memref<1x8x512xf32, #tpu.memory_space<vmem>>
      %dma_wait3A_250 = tpu.memref_squeeze %dma_wait3A_249 : memref<1x8x512xf32, #tpu.memory_space<vmem>> -> memref<8x512xf32, #tpu.memory_space<vmem>>
      tpu.wait_dma2 semaphore(%arg20 : memref<!tpu.dma_semaphore, #tpu.memory_space<semaphore_mem>>) src(%dma_wait3A_250 : memref<8x512xf32, #tpu.memory_space<vmem>>) dst(%dma_wait3A_246 : memref<8x512xf32, #tpu.memory_space<hbm>>)
      %dma_wait3A_251 = arith.constant 2 : i32
      %dma_wait3A_252 = arith.constant 0 : i32
      %dma_wait3A_253 = arith.constant 0 : i32
      %dma_wait3A_254 = tpu.memref_slice %arg17[%dma_wait3A_251, %dma_wait3A_252, %dma_wait3A_253] : memref<4x8x512xf32, #tpu.memory_space<vmem>> -> memref<1x8x512xf32, #tpu.memory_space<vmem>>
      %dma_wait3A_255 = tpu.memref_squeeze %dma_wait3A_254 : memref<1x8x512xf32, #tpu.memory_space<vmem>> -> memref<8x512xf32, #tpu.memory_space<vmem>>
      %dma_wait3A_256 = arith.constant 16 : i32
      %dma_wait3A_257 = tpu.memref_slice %arg6[%scan3A_161, %dma_wait3A_256, %add3A_105] : memref<20x64x16384xf32, #tpu.memory_space<hbm>> -> memref<1x8x512xf32, #tpu.memory_space<hbm>>
      %dma_wait3A_258 = tpu.memref_squeeze %dma_wait3A_257 : memref<1x8x512xf32, #tpu.memory_space<hbm>> -> memref<8x512xf32, #tpu.memory_space<hbm>>
      %dma_wait3A_259 = arith.constant 16 : i32
      %dma_wait3A_260 = tpu.memref_slice %arg6[%scan3A_161, %dma_wait3A_259, %add3A_105] : memref<20x64x16384xf32, #tpu.memory_space<hbm>> -> memref<1x8x512xf32, #tpu.memory_space<hbm>>
      %dma_wait3A_261 = tpu.memref_squeeze %dma_wait3A_260 : memref<1x8x512xf32, #tpu.memory_space<hbm>> -> memref<8x512xf32, #tpu.memory_space<hbm>>
      %dma_wait3A_262 = arith.constant 0 : i32
      %dma_wait3A_263 = arith.constant 0 : i32
      %dma_wait3A_264 = tpu.memref_slice %arg17[%dma_wait3A_251, %dma_wait3A_262, %dma_wait3A_263] : memref<4x8x512xf32, #tpu.memory_space<vmem>> -> memref<1x8x512xf32, #tpu.memory_space<vmem>>
      %dma_wait3A_265 = tpu.memref_squeeze %dma_wait3A_264 : memref<1x8x512xf32, #tpu.memory_space<vmem>> -> memref<8x512xf32, #tpu.memory_space<vmem>>
      tpu.wait_dma2 semaphore(%arg20 : memref<!tpu.dma_semaphore, #tpu.memory_space<semaphore_mem>>) src(%dma_wait3A_265 : memref<8x512xf32, #tpu.memory_space<vmem>>) dst(%dma_wait3A_261 : memref<8x512xf32, #tpu.memory_space<hbm>>)
      %dma_wait3A_266 = arith.constant 3 : i32
      %dma_wait3A_267 = arith.constant 0 : i32
      %dma_wait3A_268 = arith.constant 0 : i32
      %dma_wait3A_269 = tpu.memref_slice %arg17[%dma_wait3A_266, %dma_wait3A_267, %dma_wait3A_268] : memref<4x8x512xf32, #tpu.memory_space<vmem>> -> memref<1x8x512xf32, #tpu.memory_space<vmem>>
      %dma_wait3A_270 = tpu.memref_squeeze %dma_wait3A_269 : memref<1x8x512xf32, #tpu.memory_space<vmem>> -> memref<8x512xf32, #tpu.memory_space<vmem>>
      %dma_wait3A_271 = arith.constant 24 : i32
      %dma_wait3A_272 = tpu.memref_slice %arg6[%scan3A_161, %dma_wait3A_271, %add3A_105] : memref<20x64x16384xf32, #tpu.memory_space<hbm>> -> memref<1x8x512xf32, #tpu.memory_space<hbm>>
      %dma_wait3A_273 = tpu.memref_squeeze %dma_wait3A_272 : memref<1x8x512xf32, #tpu.memory_space<hbm>> -> memref<8x512xf32, #tpu.memory_space<hbm>>
      %dma_wait3A_274 = arith.constant 24 : i32
      %dma_wait3A_275 = tpu.memref_slice %arg6[%scan3A_161, %dma_wait3A_274, %add3A_105] : memref<20x64x16384xf32, #tpu.memory_space<hbm>> -> memref<1x8x512xf32, #tpu.memory_space<hbm>>
      %dma_wait3A_276 = tpu.memref_squeeze %dma_wait3A_275 : memref<1x8x512xf32, #tpu.memory_space<hbm>> -> memref<8x512xf32, #tpu.memory_space<hbm>>
      %dma_wait3A_277 = arith.constant 0 : i32
      %dma_wait3A_278 = arith.constant 0 : i32
      %dma_wait3A_279 = tpu.memref_slice %arg17[%dma_wait3A_266, %dma_wait3A_277, %dma_wait3A_278] : memref<4x8x512xf32, #tpu.memory_space<vmem>> -> memref<1x8x512xf32, #tpu.memory_space<vmem>>
      %dma_wait3A_280 = tpu.memref_squeeze %dma_wait3A_279 : memref<1x8x512xf32, #tpu.memory_space<vmem>> -> memref<8x512xf32, #tpu.memory_space<vmem>>
      tpu.wait_dma2 semaphore(%arg20 : memref<!tpu.dma_semaphore, #tpu.memory_space<semaphore_mem>>) src(%dma_wait3A_280 : memref<8x512xf32, #tpu.memory_space<vmem>>) dst(%dma_wait3A_276 : memref<8x512xf32, #tpu.memory_space<hbm>>)
    }
    %scan3A_160 = arith.constant 20 : i32
    return
  }
}

</mosaic_0001>

<sc_bundles>
// kernel: kernel.3.cloned.1.call-start
scs
__scs_entry_jumppad:
0x0: {  	(pc) =	sbr.rel $0x88, $3  }
0x1: {  	(tag) =	ssettag $0x0;
	lr =	simm.s32 $0x1  }
0x2: {  	[smem:$0x3F9D] =	sst lr;
	_ =	strace $0xD0000000  }
0x3: {  	_ = 	snop  }
0x4: {  	_ = 	snop  }
0x5: {  	_ = 	snop  }
0x6: {  	_ = 	snop  }
0x7: {  	_ = 	snop  }
__scs_overlays_trampoline_lowered:
0x8: {  	[smem:$0x3FAC] =	sst s0  }
0x9: {  	[smem:$0x3FAD] =	sst s1  }
0xa: {  	[smem:$0x3FAE] =	sst s2  }
0xb: {  	[smem:$0x3FAF] =	sst s3  }
0xc: {  	[smem:$0x3FB0] =	sst s4  }
0xd: {  	[smem:$0x3FB1] =	sst s5  }
0xe: {  	[smem:$0x3FB2] =	sst s6  }
0xf: {  	[smem:$0x3FB3] =	sst s7  }
0x10: {  	[smem:$0x3FB4] =	sst s8  }
0x11: {  	[smem:$0x3FB5] =	sst s9;
	s0 =	simm.s32 @!p0 $0x0  }
0x12: {  	s1 =	sld [smem:$0x3F9B];
	s0 =	simm.s32 @p0 $0x1  }
0x13: {  	[smem:$0x3FB6] =	sst s0;
	s0 =	simm.s32 @!p1 $0x0  }
0x14: {  	s2 =	sld [smem:$0x3F9A];
	s0 =	simm.s32 @p1 $0x1  }
0x15: {  	[smem:$0x3FB7] =	sst s0;
	s0 =	simm.s32 @!p2 $0x0  }
0x16: {  	s3 =	sld [smem:$0x3FDB];
	s0 =	simm.s32 @p2 $0x1  }
0x17: {  	s4 =	simm.s32 $0x1BF5;
	[smem:$0x3FB9] =	sst s0  }
0x18: {  	s0 =	sld [smem:$0x3F9C];
	_ =	swait.ge [sflag:s4], $0x0  }
0x19: {  	s7 =	sld [smem:$0x3F9D]  }
0x1a: {  	s8 =	sadd.s32 $0xFFFFE003, lr  }
0x1b: {  	s9 =	sadd.s32 $0xFFFFFEF7, lr;
	s5 =	simm.s32 $0xFFFFFFFF;
	p2 =	slt.u32 s8, $0xFFFFF086  }
0x1c: {  	p1 =	slt.u32 s9, $0xF7A;
	s5 =	simm.s32 @!p2 $0x0  }
0x1d: {  	s5 =	simm.s32 @p1 $0x1;
	p0 =	seq.s32 s7, s2  }
0x1e: {  	s7 =	smul.u32 @!p0 $0xF7A, s2;
	p2 =	seq.s32 @!p0 s5, $0x0  }
0x1f: {  	s9 =	smul.u32 $0xF7A, s1;
	s8 =	simm.s32 @!p0 $0x1BF5;
	p2 =	por !p2, p0  }
0x20: {  	[sflag:s8] =	ssyncset.s32 @!p0 $0xFFFFF086;
	s6 =	sadd.s32 @!p0 s3, s7;
	s7 =	simm.s32 @!p0 $0x108  }
0x21: {  	s3 =	sadd.s32 s3, s9;
	s6 =	sadd.s32 @!p0 $0x88, s6;
	s7 =	simm.s32 @p2 $0x1082  }
0x22: {  	[simem:s7], [sflag:s8] =	dma.local @!p0 [hbm:s6], $0xF7A  }
0x23: {  	s9 =	sor.u32 $0xD0000000, s2;
	s6 =	simm.s32 $0x108;
	_ =	swait.ge @!p0 [sflag:s8], $0x0  }
0x24: {  	s3 =	sadd.s32 $0x88, s3;
	s6 =	simm.s32 @!p1 $0x1082;
	[sflag:s4] =	ssyncset.s32 $0xFFFFF086  }
0x25: {  	[simem:s6], [sflag:s4] =	dma.local [hbm:s3], $0xF7A  }
0x26: {  	[smem:$0x3F9D] =	sst s1;
	(tag) =	ssettag s2;
	_ =	strace s9  }
0x27: {  	s1 =	sld [smem:$0x3FAD]  }
0x28: {  	s2 =	sld [smem:$0x3FAE]  }
0x29: {  	s4 =	sld [smem:$0x3FB0]  }
0x2a: {  	p0 =	seq.s32 s5, $0x0;
	s5 =	sld [smem:$0x3FB1]  }
0x2b: {  	s6 =	sld [smem:$0x3FB2]  }
0x2c: {  	s7 =	sld [smem:$0x3FB3]  }
0x2d: {  	s3 =	simm.s32 $0x108;
	s8 =	sld [smem:$0x3FB4]  }
0x2e: {  	s3 =	simm.s32 @!p0 $0x1082;
	s9 =	sld [smem:$0x3FB5]  }
0x2f: {  	lr =	sadd.s32 s0, s3;
	s0 =	sld [smem:$0x3FAC]  }
0x30: {  	s3 =	sld [smem:$0x3FAF]  }
0x31: {  	[smem:$0x3FB8] =	sst s10  }
0x32: {  	s10 =	sld [smem:$0x3FB6];
	_ =	sdelay $0x3  }
0x33: {  	p0 =	seq.s32 s10, $0x1;
	s10 =	sld [smem:$0x3FB8];
	_ =	sdelay $0x3  }
0x34: {  	[smem:$0x3FB8] =	sst s10  }
0x35: {  	s10 =	sld [smem:$0x3FB7];
	_ =	sdelay $0x3  }
0x36: {  	p1 =	seq.s32 s10, $0x1;
	s10 =	sld [smem:$0x3FB8];
	_ =	sdelay $0x3  }
0x37: {  	[smem:$0x3FB8] =	sst s10  }
0x38: {  	s10 =	sld [smem:$0x3FB9]  }
0x39: {  	_ = 	snop;
	(pc) =	sbr.ind lr, $3  }
0x3a: {  	_ = 	snop  }
0x3b: {  	_ = 	snop  }
0x3c: {  	p2 =	seq.s32 s10, $0x1;
	s10 =	sld [smem:$0x3FB8]  }
0x3d: {  	_ =	shalt  }
0x3e: {  	_ =	shalt  }
0x3f: {  	_ =	shalt  }
0x40: {  	_ =	shalt  }
0x41: {  	_ =	shalt  }
0x42: {  	_ =	shalt  }
0x43: {  	_ =	shalt  }
0x44: {  	_ =	shalt  }
0x45: {  	_ =	shalt  }
0x46: {  	_ =	shalt  }
0x47: {  	_ =	shalt  }
0x48: {  	_ =	shalt  }
0x49: {  	_ =	shalt  }
0x4a: {  	_ =	shalt  }
0x4b: {  	_ =	shalt  }
0x4c: {  	_ =	shalt  }
0x4d: {  	_ =	shalt  }
0x4e: {  	_ =	shalt  }
0x4f: {  	_ =	shalt  }
0x50: {  	_ =	shalt  }
0x51: {  	_ =	shalt  }
0x52: {  	_ =	shalt  }
0x53: {  	_ =	shalt  }
0x54: {  	_ =	shalt  }
0x55: {  	_ =	shalt  }
0x56: {  	_ =	shalt  }
0x57: {  	_ =	shalt  }
0x58: {  	_ =	shalt  }
0x59: {  	_ =	shalt  }
0x5a: {  	_ =	shalt  }
0x5b: {  	_ =	shalt  }
0x5c: {  	_ =	shalt  }
0x5d: {  	_ =	shalt  }
0x5e: {  	_ =	shalt  }
0x5f: {  	_ =	shalt  }
0x60: {  	_ =	shalt  }
0x61: {  	_ =	shalt  }
0x62: {  	_ =	shalt  }
0x63: {  	_ =	shalt  }
0x64: {  	_ =	shalt  }
0x65: {  	_ =	shalt  }
0x66: {  	_ =	shalt  }
0x67: {  	_ =	shalt  }
0x68: {  	_ =	shalt  }
0x69: {  	_ =	shalt  }
0x6a: {  	_ =	shalt  }
0x6b: {  	_ =	shalt  }
0x6c: {  	_ =	shalt  }
0x6d: {  	_ =	shalt  }
0x6e: {  	_ =	shalt  }
0x6f: {  	_ =	shalt  }
0x70: {  	_ =	shalt  }
0x71: {  	_ =	shalt  }
0x72: {  	_ =	shalt  }
0x73: {  	_ =	shalt  }
0x74: {  	_ =	shalt  }
0x75: {  	_ =	shalt  }
0x76: {  	_ =	shalt  }
0x77: {  	_ =	shalt  }
0x78: {  	_ =	shalt  }
0x79: {  	_ =	shalt  }
0x7a: {  	_ =	shalt  }
0x7b: {  	_ =	shalt  }
0x7c: {  	_ =	shalt  }
0x7d: {  	_ =	shalt  }
0x7e: {  	_ =	shalt  }
0x7f: {  	_ =	shalt  }
0x80: {  	_ =	shalt  }
0x81: {  	_ =	shalt  }
0x82: {  	_ =	shalt  }
0x83: {  	_ =	shalt  }
0x84: {  	_ =	shalt  }
0x85: {  	_ =	shalt  }
0x86: {  	_ =	shalt  }
0x87: {  	_ =	shalt  }
.Lfunc_end0:
.L_simem_size_0:
called_computation_lowered:
.L_overlay_start_0:
0x88: {  	s2 =	sld [smem:$0x3FD9]  }
0x89: {  	s3 =	sld [smem:$0x3FFE];
	_ =	sdelay $0x1  }
0x8a: {  	s1 =	srdreg.scid  }
0x8b: {  	s0 =	sand.u32 $0x1, s1  }
0x8c: {  	s17 =	sshll.u32 s0, $0xA;
	s2 =	sadd.s32 s3, s2  }
0x8d: {  	s2 =	sadd.s32 s2, s17  }
0x8e: {  	[smem:$0x3FC4] =	sst s2  }
0x8f: {  	_ = 	snop  }
0x90: {  	s2 =	sld [smem:$0x3FC9]  }
0x91: {  	s18 =	sld [smem:$0x3FC8]  }
0x92: {  	s4 =	sld [smem:$0x3FC7]  }
0x93: {  	s5 =	sld [smem:$0x3FC6]  }
0x94: {  	s6 =	sld [smem:$0x3FD0];
	(tm) =	ssettm $0x1  }
0x95: {  	s7 =	sld [smem:$0x3FFB];
	_ =	sdelay $0x3  }
0x96: {  	_ =	strace s7  }
0x97: {  	s7 =	sld [smem:$0x3FFC];
	_ =	sdelay $0x3  }
0x98: {  	_ =	strace s7  }
0x99: {  	s7 =	sld [smem:$0x3FFD];
	_ =	sdelay $0x3  }
0x9a: {  	_ =	strace s7  }
0x9b: {  	_ =	strace $0x8FFFFFFF  }
0x9c: {  	s19 =	sld [smem:$0x3FDB];
	_ =	sdelay $0x1  }
0x9d: {  	s8 =	simm.s32 $_scs_section_size  }
0x9e: {  	s9 =	simm.s32 $_size__tile_overlayer_lowered;
	s10 =	simm.s32 $_tile_overlayer_lowered  }
0x9f: {  	s22 =	simm.s32 $0x1BFF;
	s21 =	sshll.u32 s10, $0x1;
	s7 =	sadd.s32 s8, s19  }
0xa0: {  	s11 =	simm.s32 $0x0;
	s20 =	sshll.u32 s9, $0x1;
	s9 =	sadd.s32 s21, s7  }
0xa1: {  	[timem:s11], [sflag:s22] =	dma.local [hbm:s9], s20  }
0xa2: {  	_ =	swait.ge [sflag:s22], s20  }
0xa3: {  	s8 =	ssub.s32 $0x0, s20;
	[sflag:s22] =	ssyncset.done $0x0  }
0xa4: {  	[sflag:s22] =	ssyncadd.s32 s8;
	_ =	sdelay $0x1  }
0xa5: {  	s23 =	simm.s32 $0x1B8B  }
0xa6: {  	_ =	swait.ge [sflag:s23], $0x1  }
0xa7: {  	[sflag:s23] =	ssyncset.done $0x0  }
0xa8: {  	s25 =	simm.s32 $0x1B8E;
	s24 =	sld [smem:$0x3FFE];
	[sflag:s23] =	ssyncadd.s32 $0xFFFFFFFF  }
0xa9: {  	s26 =	simm.s32 $execute0_lowered;
	[smem:$0x3FD2] =	sst s25  }
0xaa: {  	s9 =	sshll.u32 s26, $0x1;
	_ =	strace $0x80000046;
	[dreg:$0x1] =	wrdreg $0xFFFFFFFF  }
0xab: {  	s28 =	simm.s32 $_size_execute0_lowered;
	s7 =	sadd.s32 s7, s9;
	[dreg:$0x0] =	wrdreg $0x0  }
0xac: {  	s9 =	sshll.u32 s28, $0x1;
	[dreg:$0x2] =	wrdreg s7  }
0xad: {  	[dreg:$0x3] =	wrdreg s9  }
0xae: {  	[dreg:$0x4] =	wrdreg $0xC0  }
0xaf: {  	_ =	task [dreg:s11], $0x5FFFF  }
0xb0: {  	[dreg:$0x1] =	wrdreg $0xFFFFFFFF  }
0xb1: {  	[dreg:$0x0] =	wrdreg $0x60  }
0xb2: {  	[dreg:$0x2] =	wrdreg s4  }
0xb3: {  	[dreg:$0x3] =	wrdreg s5  }
0xb4: {  	[dreg:$0x4] =	wrdreg s2  }
0xb5: {  	[dreg:$0x5] =	wrdreg s18  }
0xb6: {  	[dreg:$0x6] =	wrdreg s6  }
0xb7: {  	[dreg:$0x7] =	wrdreg s24  }
0xb8: {  	[dreg:$0x8] =	wrdreg $0x9  }
0xb9: {  	_ =	task.clear_ibuf [dreg:s11], $0x9FFFF;
	_ =	strace $0x90000046  }
0xba: {  	s29 =	simm.s32 $0x9;
	_ =	strace $0x80000048  }
0xbb: {  	_ =	swait.ge [sflag:s29], $0x1  }
0xbc: {  	[sflag:s29] =	ssyncadd.s32 $0xFFFFFFFF  }
0xbd: {  	_ =	strace $0x90000048  }
0xbe: {  	_ =	sfence  }
0xbf: {  	s30 =	sld [smem:$0x0];
	_ =	sdelay $0x2  }
0xc0: {  	s31 =	sshll.u32 s1, $0xD;
	s1 =	sshrl.u32 s1, $0x2  }
0xc1: {  	s3 =	sand.u32 $0x4000, s31;
	s1 =	sadd.s32 s1, s30  }
0xc2: {  	s0 =	sor.u32 s3, s0;
	s1 =	sshll.u32 s1, $0x11  }
0xc3: {  	s0 =	sor.u32 s1, s0  }
0xc4: {  	s0 =	sadd.s32 $0x8F2B, s0  }
0xc5: {  	[sflag:s0] =	ssyncadd.remote.s32 $0x1  }
0xc6: {  	_ =	sfence.sel $0xFFFF  }
0xc7: {  	[dreg:$0x0] =	wrdreg $0xFFFFFFFF;
	(pc) =	sbr.abs _section_cstart, $3  }
0xc8: {  	[dreg:$0x1] =	wrdreg $0xFFFFFFFF  }
0xc9: {  	_ =	task.clear_ibuf [dreg:s11], $0x2FFFF;
	_ =	strace $0x9FFFFFFF  }
0xca: {  	(tm) =	ssettm $0x7FFFFFFF  }
0xcb: {  	_ =	shalt  }
tec
execute0_lowered:
.L_overlay_start_1:
0x0: {  	(tag) =	ssettag $0x1  }
0x1: {  	s6 =	rddreg [dreg:$0x0]  }
0x2: {  	s1 =	rddreg [dreg:$0x2]  }
0x3: {  	s2 =	rddreg [dreg:$0x4]  }
0x4: {  	s3 =	rddreg [dreg:$0x5];
	s12 =	stileid.u32;
	s5 =	simm.s32 $0x0  }
0x5: {  	s4 =	srdreg.scid;
	v0 =	vlaneseq.u32;
	s17 =	simm.s32 $0x6;
	s18 =	simm.s32 $0x9900  }
0x6: {  	s19 =	simm.s32 $0x2000;
	s31 =	simm.s32 $0x11B00;
	s4 =	sand.u32 $0x1, s4;
	v2 =	vmul.u32 $0x80, v0  }
0x7: {  	v5 =	vimm.s32 $0x0;
	s0 =	smul.u32 $0xF43, s12;
	[smem:$0x7FF] =	sst s5;
	s10 =	sshll.u32 s4, $0xD  }
0x8: {  	s22 =	sshll.u32 s12, $0x9;
	s24 =	sadd.s32 $0xF4200, s6;
	v37 =	vor.u32 $0x4000, v0;
	s9 =	ssub.s32 $0x2, s4;
	v4 =	vmov s10;
	v6 =	vor.u32 $0x1, v2  }
0x9: {  	_ =	strace $0x80000047;
	s4 =	sshll.u32 s4, $0xA;
	[dreg:$0xa] =	wrdreg s24;
	v7 =	vor.u32 $0x2, v2;
	v8 =	vor.u32 $0x3, v2;
	v9 =	vor.u32 $0x4, v2  }
0xa: {  	s24 =	simm.s32 $0x10;
	s30 =	sshrl.u32 s0, $0x4;
	s0 =	sadd.s32 $0xF43, s0;
	v10 =	vor.u32 $0x5, v2;
	v11 =	vor.u32 $0x6, v2;
	v12 =	vor.u32 $0x7, v2  }
0xb: {  	s11 =	sshrl.u32 s9, $0x1;
	s1 =	sadd.s32 s1, s4;
	v13 =	vor.u32 $0x8, v2;
	v14 =	vor.u32 $0x9, v2;
	v15 =	vor.u32 $0xA, v2;
	s28 =	sadd.s32 s10, s2  }
0xc: {  	v16 =	vor.u32 $0xB, v2;
	v17 =	vor.u32 $0xC, v2;
	v18 =	vor.u32 $0xD, v2;
	s0 =	sshrl.u32 s0, $0x4;
	s8 =	sshll.u32 s30, $0x8;
	s20 =	ssub.s32 s9, s11  }
0xd: {  	v19 =	vor.u32 $0xE, v2;
	v20 =	vor.u32 $0xF, v2;
	v21 =	vor.u32 $0x10, v2;
	[dreg:$0x8] =	wrdreg s1;
	s11 =	sor.u32 s22, s10;
	s16 =	sadd.s32 s22, s28  }
0xe: {  	v22 =	vor.u32 $0x11, v2;
	v23 =	vor.u32 $0x12, v2;
	v24 =	vor.u32 $0x13, v2;
	s1 =	simm.s32 $0x15B00;
	s22 =	simm.s32 $0x3;
	[dreg:$0x7] =	wrdreg s30  }
0xf: {  	v25 =	vor.u32 $0x14, v2;
	v26 =	vor.u32 $0x15, v2;
	v27 =	vor.u32 $0x16, v2;
	s7 =	sshll.u32 s0, $0x8;
	s21 =	smin.u32 s0, $0xF42;
	s23 =	sadd.s32 s6, s8  }
0x10: {  	v28 =	vor.u32 $0x17, v2;
	v29 =	vor.u32 $0x18, v2;
	v30 =	vor.u32 $0x19, v2;
	s25 =	sadd.s32 s11, s2;
	s26 =	sshll.u32 s11, $0x4;
	s29 =	smax.u32 s20, $0x1  }
0x11: {  	v31 =	vor.u32 $0x1A, v2;
	v32 =	vor.u32 $0x1B, v2;
	v33 =	vor.u32 $0x1C, v2;
	p1 =	sne.s32 s0, $0xF43;
	s20 =	simm.s32 $0x17B00;
	s2 =	simm.s32 $0x0  }
0x12: {  	v34 =	vor.u32 $0x1D, v2;
	v35 =	vor.u32 $0x1E, v2;
	v3 =	vmov s7;
	s7 =	sadd.s32 $0x800, s3;
	s9 =	ssub.s32 s21, s30;
	[dreg:$0x9] =	wrdreg s23  }
0x13: {  	v36 =	vor.u32 $0x1F, v2;
	v38 =	vor.u32 $0x800, v2;
	v39 =	vor.u32 $0x1000, v2;
	s13 =	sadd.s32 $0x10000, s25;
	[dreg:$0xb] =	wrdreg s29;
	s23 =	simm.s32 $0x9080  }
0x14: {  	v40 =	vor.u32 $0x1800, v2;
	v41 =	vor.u32 $0x2000, v2;
	v42 =	vor.u32 $0x2800, v2;
	s25 =	simm.s32 $0x9880;
	s3 =	simm.s32 $0x16B00;
	s21 =	simm.s32 $0x18B00  }
0x15: {  	v43 =	vor.u32 $0x3000, v2;
	v44 =	vor.u32 $0x3800, v2;
	v1 =	vmov s8;
	s14 =	sadd.s32 s7, s26;
	p0 =	slt.s32 s9, $0x1;
	s26 =	simm.s32 $0x8080  }
.LBB2_1:
0x16: {  	[dreg:$0xc] =	wrdreg s2  }
0x17: {  	s0 =	rddreg [dreg:$0x8]  }
0x18: {  	[tilespmem:s5], [sflag:$0x6] =	stream.linear.gather [hbm4b:s0+s5], $0x2000, $0x38;
	[tilespmem:$0x1BB00] =	vst v63  }
0x19: {  	_ =	swait.ge [sflag:s17], $0x2000  }
0x1a: {  	[sflag:s17] =	ssyncset.done $0x0  }
0x1b: {  	[sflag:s17] =	ssyncadd.s32 $0xFFFFE000  }
0x1c: {  	s29 =	rddreg [dreg:$0x1]  }
0x1d: {  	[tilespmem:s18], [sflag:$0x6] =	stream.linear.gather [hbm4b:s29+s5], $0x8000, $0x38;
	[tilespmem:$0x1BB00] =	vst v63  }
0x1e: {  	_ =	swait.ge [sflag:s17], $0x8000  }
0x1f: {  	[sflag:s17] =	ssyncset.done $0x0  }
0x20: {  	[sflag:s17] =	ssyncadd.s32 $0xFFFF8000  }
0x21: {  	v45 =	vld [tilespmem:s5+$0x0];
	_ =	sdelay $0x4  }
0x22: {  	vm0 =	vge.s32 v45, v1;
	vm1 =	vlt.s32 v45, v3  }
0x23: {  	vm0 =	vmand vm0, vm1  }
0x24: {  	v62 =	vsel vm0, $0x1, v5  }
0x25: {  	(xrf0) =	vadd.scan.msk.s32 $0xffff, v62;
	_ =	sdelay $0x2  }
0x26: {  	v63 =	vmov s5  }
0x27: {  	v45 =	vadd.s32 $0xFFFFFFFF, v63  }
0x28: {  	v45 =	vbroadcast v45, $0x0  }
0x29: {  	v46, _, _ =	vpop (xrf0)  }
0x2a: {  	v45 =	vadd.s32 v46, v45;
	(v2sf) =	vpush v46, $0xF;
	_ =	sdelay $0x3  }
0x2b: {  	v47 =	vor.u32 s5, v0  }
0x2c: {  	s0 =	simm.s32 $0x10;
	[tilespmem:v45+s19+$0x0] =	vst.idx.msk vm0, v47  }
0x2d: {  	s4 =	simm.s32 $0x20;
	s2 =	simm.s32 $0x0;
	s8 =	simm.s32 $0x10;
	v45 =	vld [tilespmem:s0+$0x0]  }
.LBB2_2:
0x2e: {  	p2 =	sne.s32 s4, $0x1FF0;
	_ =	sdelay $0x3  }
0x2f: {  	vm0 =	vge.s32 v45, v1;
	vm1 =	vlt.s32 v45, v3  }
0x30: {  	vm0 =	vmand vm0, vm1  }
0x31: {  	v45 =	vsel vm0, $0x1, v5  }
0x32: {  	(xrf0) =	vadd.scan.msk.s32 $0xffff, v45  }
0x33: {  	s10 =	spop (v2sf)  }
0x34: {  	s2 =	sadd.s32 s2, s10  }
0x35: {  	v45 =	vmov s2  }
0x36: {  	v45 =	vadd.s32 $0xFFFFFFFF, v45  }
0x37: {  	v45 =	vbroadcast v45, $0x0  }
0x38: {  	v46, _, _ =	vpop (xrf0)  }
0x39: {  	v45 =	vadd.s32 v46, v45;
	(v2sf) =	vpush v46, $0xF;
	_ =	sdelay $0x1  }
.Ltmp0:
0x3a: {  	(pc) =	sbr.rel @p2 .LBB2_2-.Ltmp0, $4  }
0x3b: {  	_ = 	snop  }
0x3c: {  	v46 =	vor.u32 s0, v0;
	s0 =	smov.u32 s4  }
0x3d: {  	s8 =	sadd.s32 $0x10, s8;
	[tilespmem:v45+s19+$0x0] =	vst.idx.msk vm0, v46  }
0x3e: {  	s4 =	sadd.s32 $0x10, s4;
	v45 =	vld [tilespmem:s8+$0x0]  }
0x3f: {  	_ =	sdelay $0x3  }
0x40: {  	vm0 =	vge.s32 v45, v1;
	vm1 =	vlt.s32 v45, v3  }
0x41: {  	vm0 =	vmand vm0, vm1  }
0x42: {  	v62 =	vsel vm0, $0x1, v5  }
0x43: {  	(xrf0) =	vadd.scan.msk.s32 $0xffff, v62;
	_ =	sdelay $0x5  }
0x44: {  	v45, _, _ =	vpop (xrf0)  }
0x45: {  	(v2sf) =	vpush v45, $0xF;
	_ =	sdelay $0xa  }
0x46: {  	s4 =	spop (v2sf)  }
0x47: {  	s2 =	sadd.s32 s2, s4  }
0x48: {  	v46 =	vmov s2  }
0x49: {  	v46 =	vadd.s32 $0xFFFFFFFF, v46  }
0x4a: {  	v46 =	vbroadcast v46, $0x0;
	s15 =	spop (v2sf)  }
0x4b: {  	s2 =	sadd.s32 s2, s15  }
0x4c: {  	v45 =	vadd.s32 v45, v46;
	s4 =	sadd.s32 $0xF, s2  }
0x4d: {  	s8 =	sand.u32 $0xF, s4;
	s28 =	sshra.s32 s4, $0x1F  }
.Ltmp1:
0x4e: {  	p3 =	slt.s32 s4, $0x1;
	p2 =	sne.s32 s8, $0x0;
	(pc) =	sbr.rel @p0 .LBB2_11-.Ltmp1, $4  }
0x4f: {  	s8 =	sshrl.u32 s28, $0x1C;
	p2 =	por !p3, !p2  }
0x50: {  	v63 =	vor.u32 s0, v0;
	s29 =	sadd.s32 s8, s4;
	s4 =	simm.s32 $0x1;
	p2 =	por !p2, !p2  }
0x51: {  	[tilespmem:v45+s19+$0x0] =	vst.idx.msk vm0, v63;
	s0 =	sshra.s32 s29, $0x4;
	s4 =	simm.s32 @!p2 $0x0  }
0x52: {  	[tilespmem:s2+$0x2000] =	vst v5;
	s2 =	ssub.s32 s0, s4  }
.Ltmp2:
0x53: {  	(pc) =	sbr.rel .LBB2_6-.Ltmp2, $4  }
0x54: {  	s0 =	rddreg [dreg:$0x9]  }
0x55: {  	s4 =	simm.s32 $0x800;
	s8 =	simm.s32 $0x7A1400;
	s10 =	simm.s32 $0x4080  }
0x56: {  	[tilespmem:s10], [sflag:$0x1] =	stream.strided.gather [hbm4b:s0+s4], $0x2000, s8, s4, $0x38;
	[tilespmem:$0x1BB00] =	vst v63  }
0x57: {  	p2 =	slt.s32 s2, $0x1;
	s0 =	simm.s32 $0x0  }
.LBB2_5:
0x58: {  	p3 =	seq.s32 s0, s9  }
.Ltmp3:
0x59: {  	_ = 	snop;
	(pc) =	sbr.rel @p3 .LBB2_11-.Ltmp3, $1  }
0x5a: {  	_ =	sdelay $0x3  }
.LBB2_6:
0x5b: {  	s4 =	smov.u32 s0;
	s0 =	sadd.s32 $0x1, s0  }
0x5c: {  	p3 =	sge.s32 s0, s9  }
0x5d: {  	s10 =	sadd.s32 @!p3 s30, s4  }
0x5e: {  	s8 =	sand.u32 $0x1, s4;
	s10 =	sshll.u32 @!p3 s10, $0x8  }
0x5f: {  	s12 =	sxor.u32 @!p3 $0x1, s8;
	s28 =	simm.s32 @!p3 $0x800;
	s10 =	sand.u32 @!p3 $0x1FFFFF00, s10  }
0x60: {  	s29 =	simm.s32 @!p3 $0x7A1400;
	s15 =	sshll.u32 @!p3 s12, $0xD;
	s10 =	sadd.s32 @!p3 s6, s10  }
0x61: {  	s12 =	sadd.s32 @!p3 $0x1, s12;
	s15 =	sor.u32 @!p3 $0x4080, s15;
	s10 =	sadd.s32 @!p3 $0x100, s10  }
0x62: {  	[tilespmem:s15], [sflag:s12] =	stream.strided.gather @!p3 [hbm4b:s10+s28], $0x2000, s29, s28, $0x38;
	[tilespmem:$0x1BB00] =	vst v63  }
.Ltmp4:
0x63: {  	_ = 	snop;
	(pc) =	sbr.rel @p2 .LBB2_5-.Ltmp4, $4  }
0x64: {  	s29 =	sadd.s32 $0x1, s8  }
0x65: {  	_ =	swait.ge [sflag:s29], $0x2000  }
0x66: {  	[sflag:s29] =	ssyncset.done $0x0  }
0x67: {  	[sflag:s29] =	ssyncadd.s32 $0xFFFFE000  }
.Ltmp5:
0x68: {  	(pc) =	sbr.rel .LBB2_8-.Ltmp5, $4  }
0x69: {  	s4 =	sadd.s32 s30, s4  }
0x6a: {  	s10 =	sshll.u32 s4, $0x8  }
0x6b: {  	s28 =	sshll.u32 s8, $0xD;
	s29 =	sadd.s32 $0x100, s10  }
0x6c: {  	s8 =	simm.s32 $0x2000;
	s4 =	sor.u32 $0x4080, s28;
	v45 =	vmov s10;
	s10 =	smov.u32 s2;
	v46 =	vmov s29  }
.LBB2_10:
0x6d: {  	s10 =	sadd.s32 $0xFFFFFFFF, s10  }
0x6e: {  	p3 =	seq.s32 s10, $0x0  }
.Ltmp6:
0x6f: {  	_ = 	snop;
	(pc) =	sbr.rel @p3 .LBB2_5-.Ltmp6, $2  }
0x70: {  	_ =	sdelay $0x2  }
0x71: {  	s8 =	sadd.s32 $0x10, s8  }
.LBB2_8:
0x72: {  	v47 =	vld [tilespmem:s8+$0x0];
	_ =	sdelay $0x7  }
0x73: {  	v48 =	vld.idx.msk [tilespmem:v47+s5+$0x0], $0xffff;
	_ =	sdelay $0x4  }
0x74: {  	vm0 =	vge.s32 v48, v45;
	vm1 =	vlt.s32 v48, v46  }
0x75: {  	vm0 =	vmand vm0, vm1  }
0x76: {  	v49 =	vsel vm0, $0x1, v5  }
0x77: {  	(xrf0) =	vadd.scan.msk.s32 $0xffff, v49;
	_ =	sdelay $0x5  }
0x78: {  	v49, _, _ =	vpop (xrf0)  }
0x79: {  	(v2sf) =	vpush v49, $0xF;
	_ =	sdelay $0xe  }
0x7a: {  	s12 =	spop (v2sf)  }
0x7b: {  	p3 =	slt.s32 s12, $0x1  }
.Ltmp7:
0x7c: {  	_ = 	snop;
	(pc) =	sbr.rel @p3 .LBB2_10-.Ltmp7, $1  }
0x7d: {  	_ =	sdelay $0x3  }
0x7e: {  	v48 =	vsub.s32 v48, v45  }
0x7f: {  	v48 =	vnsel vm0, $0x0, v48  }
0x80: {  	v49 =	vshll.u32 v48, $0x3  }
0x81: {  	v48 =	vand.u32 $0x7F, v48;
	v49 =	vand.u32 $0xFFFFFC00, v49  }
0x82: {  	v48 =	vor.u32 v48, v49;
	_ =	sdelay $0x4  }
0x83: {  	v49 =	vld.idx.msk [tilespmem:v48+s4+$0x0], $0xffff  }
0x84: {  	v50 =	vor.u32 $0x80, v48;
	_ =	sdelay $0x3  }
0x85: {  	[tilespmem:v2+s23+$0x0] =	vst.idx.msk $0xffff, v49  }
0x86: {  	v49 =	vld.idx.msk [tilespmem:v50+s4+$0x0], $0xffff  }
0x87: {  	v59 =	vor.u32 $0x100, v48;
	_ =	sdelay $0x3  }
0x88: {  	[tilespmem:v6+s23+$0x0] =	vst.idx.msk $0xffff, v49  }
0x89: {  	v49 =	vld.idx.msk [tilespmem:v59+s4+$0x0], $0xffff  }
0x8a: {  	v60 =	vor.u32 $0x180, v48;
	_ =	sdelay $0x3  }
0x8b: {  	[tilespmem:v7+s23+$0x0] =	vst.idx.msk $0xffff, v49  }
0x8c: {  	v49 =	vld.idx.msk [tilespmem:v60+s4+$0x0], $0xffff  }
0x8d: {  	v61 =	vor.u32 $0x200, v48;
	_ =	sdelay $0x3  }
0x8e: {  	[tilespmem:v8+s23+$0x0] =	vst.idx.msk $0xffff, v49  }
0x8f: {  	v49 =	vld.idx.msk [tilespmem:v61+s4+$0x0], $0xffff  }
0x90: {  	v62 =	vor.u32 $0x280, v48;
	_ =	sdelay $0x3  }
0x91: {  	[tilespmem:v9+s23+$0x0] =	vst.idx.msk $0xffff, v49  }
0x92: {  	v49 =	vld.idx.msk [tilespmem:v62+s4+$0x0], $0xffff  }
0x93: {  	v63 =	vor.u32 $0x300, v48;
	_ =	sdelay $0x3  }
0x94: {  	[tilespmem:v10+s23+$0x0] =	vst.idx.msk $0xffff, v49  }
0x95: {  	v49 =	vld.idx.msk [tilespmem:v63+s4+$0x0], $0xffff  }
0x96: {  	v52 =	vor.u32 $0x380, v48;
	_ =	sdelay $0x3  }
0x97: {  	[tilespmem:v11+s23+$0x0] =	vst.idx.msk $0xffff, v49  }
0x98: {  	v49 =	vld.idx.msk [tilespmem:v52+s4+$0x0], $0xffff  }
0x99: {  	v53 =	vadd.s32 $0x800, v48;
	_ =	sdelay $0x3  }
0x9a: {  	[tilespmem:v12+s23+$0x0] =	vst.idx.msk $0xffff, v49  }
0x9b: {  	v49 =	vld.idx.msk [tilespmem:v53+s4+$0x0], $0xffff  }
0x9c: {  	v54 =	vadd.s32 $0x880, v48;
	_ =	sdelay $0x3  }
0x9d: {  	[tilespmem:v13+s23+$0x0] =	vst.idx.msk $0xffff, v49  }
0x9e: {  	v49 =	vld.idx.msk [tilespmem:v54+s4+$0x0], $0xffff  }
0x9f: {  	v55 =	vadd.s32 $0x900, v48;
	_ =	sdelay $0x3  }
0xa0: {  	[tilespmem:v14+s23+$0x0] =	vst.idx.msk $0xffff, v49  }
0xa1: {  	v49 =	vld.idx.msk [tilespmem:v55+s4+$0x0], $0xffff  }
0xa2: {  	v56 =	vadd.s32 $0x980, v48;
	_ =	sdelay $0x3  }
0xa3: {  	[tilespmem:v15+s23+$0x0] =	vst.idx.msk $0xffff, v49  }
0xa4: {  	v49 =	vld.idx.msk [tilespmem:v56+s4+$0x0], $0xffff  }
0xa5: {  	v57 =	vadd.s32 $0xA00, v48;
	_ =	sdelay $0x3  }
0xa6: {  	[tilespmem:v16+s23+$0x0] =	vst.idx.msk $0xffff, v49  }
0xa7: {  	v49 =	vld.idx.msk [tilespmem:v57+s4+$0x0], $0xffff  }
0xa8: {  	v58 =	vadd.s32 $0xA80, v48;
	_ =	sdelay $0x3  }
0xa9: {  	[tilespmem:v17+s23+$0x0] =	vst.idx.msk $0xffff, v49  }
0xaa: {  	v49 =	vld.idx.msk [tilespmem:v58+s4+$0x0], $0xffff  }
0xab: {  	v59 =	vadd.s32 $0xB00, v48;
	_ =	sdelay $0x3  }
0xac: {  	[tilespmem:v18+s23+$0x0] =	vst.idx.msk $0xffff, v49  }
0xad: {  	v49 =	vld.idx.msk [tilespmem:v59+s4+$0x0], $0xffff  }
0xae: {  	v60 =	vadd.s32 $0xB80, v48;
	_ =	sdelay $0x3  }
0xaf: {  	[tilespmem:v19+s23+$0x0] =	vst.idx.msk $0xffff, v49  }
0xb0: {  	v49 =	vld.idx.msk [tilespmem:v60+s4+$0x0], $0xffff  }
0xb1: {  	v61 =	vadd.s32 $0x1000, v48;
	_ =	sdelay $0x3  }
0xb2: {  	[tilespmem:v20+s23+$0x0] =	vst.idx.msk $0xffff, v49  }
0xb3: {  	v49 =	vld.idx.msk [tilespmem:v61+s4+$0x0], $0xffff  }
0xb4: {  	v62 =	vadd.s32 $0x1080, v48;
	_ =	sdelay $0x3  }
0xb5: {  	[tilespmem:v21+s23+$0x0] =	vst.idx.msk $0xffff, v49  }
0xb6: {  	v49 =	vld.idx.msk [tilespmem:v62+s4+$0x0], $0xffff  }
0xb7: {  	v63 =	vadd.s32 $0x1100, v48;
	_ =	sdelay $0x3  }
0xb8: {  	[tilespmem:v22+s23+$0x0] =	vst.idx.msk $0xffff, v49  }
0xb9: {  	v49 =	vld.idx.msk [tilespmem:v63+s4+$0x0], $0xffff  }
0xba: {  	v52 =	vadd.s32 $0x1180, v48;
	_ =	sdelay $0x3  }
0xbb: {  	[tilespmem:v23+s23+$0x0] =	vst.idx.msk $0xffff, v49  }
0xbc: {  	v49 =	vld.idx.msk [tilespmem:v52+s4+$0x0], $0xffff  }
0xbd: {  	v53 =	vadd.s32 $0x1200, v48;
	_ =	sdelay $0x3  }
0xbe: {  	[tilespmem:v24+s23+$0x0] =	vst.idx.msk $0xffff, v49  }
0xbf: {  	v49 =	vld.idx.msk [tilespmem:v53+s4+$0x0], $0xffff  }
0xc0: {  	v54 =	vadd.s32 $0x1280, v48;
	_ =	sdelay $0x3  }
0xc1: {  	[tilespmem:v25+s23+$0x0] =	vst.idx.msk $0xffff, v49  }
0xc2: {  	v49 =	vld.idx.msk [tilespmem:v54+s4+$0x0], $0xffff  }
0xc3: {  	v55 =	vadd.s32 $0x1300, v48;
	_ =	sdelay $0x3  }
0xc4: {  	[tilespmem:v26+s23+$0x0] =	vst.idx.msk $0xffff, v49  }
0xc5: {  	v49 =	vld.idx.msk [tilespmem:v55+s4+$0x0], $0xffff  }
0xc6: {  	v56 =	vadd.s32 $0x1380, v48;
	_ =	sdelay $0x3  }
0xc7: {  	[tilespmem:v27+s23+$0x0] =	vst.idx.msk $0xffff, v49  }
0xc8: {  	v49 =	vld.idx.msk [tilespmem:v56+s4+$0x0], $0xffff  }
0xc9: {  	v57 =	vadd.s32 $0x1800, v48;
	_ =	sdelay $0x3  }
0xca: {  	[tilespmem:v28+s23+$0x0] =	vst.idx.msk $0xffff, v49  }
0xcb: {  	v49 =	vld.idx.msk [tilespmem:v57+s4+$0x0], $0xffff  }
0xcc: {  	v58 =	vadd.s32 $0x1880, v48;
	_ =	sdelay $0x3  }
0xcd: {  	[tilespmem:v29+s23+$0x0] =	vst.idx.msk $0xffff, v49  }
0xce: {  	v49 =	vld.idx.msk [tilespmem:v58+s4+$0x0], $0xffff  }
0xcf: {  	v59 =	vadd.s32 $0x1900, v48;
	_ =	sdelay $0x3  }
0xd0: {  	[tilespmem:v30+s23+$0x0] =	vst.idx.msk $0xffff, v49  }
0xd1: {  	v49 =	vld.idx.msk [tilespmem:v59+s4+$0x0], $0xffff  }
0xd2: {  	v60 =	vadd.s32 $0x1980, v48;
	_ =	sdelay $0x3  }
0xd3: {  	[tilespmem:v31+s23+$0x0] =	vst.idx.msk $0xffff, v49  }
0xd4: {  	v49 =	vld.idx.msk [tilespmem:v60+s4+$0x0], $0xffff  }
0xd5: {  	v61 =	vadd.s32 $0x1A00, v48;
	_ =	sdelay $0x3  }
0xd6: {  	[tilespmem:v32+s23+$0x0] =	vst.idx.msk $0xffff, v49  }
0xd7: {  	v49 =	vld.idx.msk [tilespmem:v61+s4+$0x0], $0xffff  }
0xd8: {  	v62 =	vadd.s32 $0x1A80, v48;
	_ =	sdelay $0x3  }
0xd9: {  	[tilespmem:v33+s23+$0x0] =	vst.idx.msk $0xffff, v49  }
0xda: {  	v49 =	vld.idx.msk [tilespmem:v62+s4+$0x0], $0xffff  }
0xdb: {  	v63 =	vadd.s32 $0x1B00, v48;
	_ =	sdelay $0x3  }
0xdc: {  	[tilespmem:v34+s23+$0x0] =	vst.idx.msk $0xffff, v49  }
0xdd: {  	v49 =	vld.idx.msk [tilespmem:v63+s4+$0x0], $0xffff  }
0xde: {  	v48 =	vadd.s32 $0x1B80, v48;
	_ =	sdelay $0x3  }
0xdf: {  	[tilespmem:v35+s23+$0x0] =	vst.idx.msk $0xffff, v49  }
0xe0: {  	v48 =	vld.idx.msk [tilespmem:v48+s4+$0x0], $0xffff;
	_ =	sdelay $0x3  }
0xe1: {  	v47 =	vadd.s32 v4, v47  }
0xe2: {  	v47 =	vsel vm0, v47, v37;
	[tilespmem:v36+s23+$0x0] =	vst.idx.msk $0xffff, v48  }
.Ltmp8:
0xe3: {  	[tilespmem:$0x9880] =	vst v47;
	(pc) =	sbr.rel .LBB2_10-.Ltmp8, $4  }
0xe4: {  	[hbm4b:s7+s24] =	stream.indirect.scatter [tilespmem:s23], [sflag:$0x6], $0x80, s25, s24, $0xb8;
	[tilespmem:$0x1BB00] =	vst v63  }
0xe5: {  	_ =	swait.ge [sflag:s17], $0x800  }
0xe6: {  	[sflag:s17] =	ssyncset.done $0x0  }
0xe7: {  	[sflag:s17] =	ssyncadd.s32 $0xFFFFF800  }
.LBB2_11:
0xe8: {  	s0 =	simm.s32 @!p1 $0x400;
	s4 =	simm.s32 @!p1 $0x7A1400  }
0xe9: {  	s8 =	simm.s32 @!p1 $0x8080;
	s6 =	rddreg [dreg:$0xa];
	p2 =	slt.s32 @!p1 s2, $0x1  }
0xea: {  	[tilespmem:s8], [sflag:$0x6] =	stream.strided.gather @!p1 [hbm4b:s6+s0], $0x1000, s4, s0, $0x38;
	[tilespmem:$0x1BB00] =	vst v63  }
0xeb: {  	p2 =	por p1, p2  }
.Ltmp9:
0xec: {  	_ = 	snop;
	(pc) =	sbr.rel @!p2 .LBB2_12-.Ltmp9, $4  }
0xed: {  	s0 =	simm.s32 @!p1 $0x6  }
0xee: {  	_ =	swait.ge @!p1 [sflag:s0], $0x1000  }
0xef: {  	[sflag:s0] =	ssyncset.done @!p1 $0x0  }
0xf0: {  	[sflag:s0] =	ssyncadd.s32 @!p1 $0xFFFFF000;
	s0 =	simm.s32 @!p1 $0x2000  }
.LBB2_15:
0xf1: {  	s10 =	simm.s32 $0x0;
	s8 =	simm.s32 $0x0  }
.LBB2_16:
0xf2: {  	s0 =	sshll.u32 s8, $0xE  }
0xf3: {  	s0 =	sor.u32 s11, s0  }
0xf4: {  	s2 =	rddreg [dreg:$0x3];
	s0 =	sshrl.u32 s0, $0x3  }
0xf5: {  	s15 =	simm.s32 $0x11900;
	s0 =	sadd.s32 s2, s0  }
0xf6: {  	[tilespmem:s15], [sflag:$0x6] =	stream.linear.gather [hbm4b:s0+s10], $0x200, $0x38;
	[tilespmem:$0x1BB00] =	vst v63  }
0xf7: {  	s28 =	sshll.u32 s8, $0x11;
	s12 =	sshll.u32 s8, $0x2;
	_ =	swait.ge [sflag:s17], $0x200  }
0xf8: {  	p2 =	por $0x0, $0x0;
	s29 =	simm.s32 $0x0;
	[sflag:s17] =	ssyncset.done $0x0  }
0xf9: {  	s30 =	simm.s32 $0x0;
	s15 =	sadd.s32 s28, s13;
	[sflag:s17] =	ssyncadd.s32 $0xFFFFFE00  }
.LBB2_17:
0xfa: {  	s0 =	sadd.s32 s12, s30  }
0xfb: {  	s4 =	simm.s32 $0x1;
	s2 =	sand.u32 $0x1, s30;
	p3 =	slt.u32 s0, $0x2  }
0xfc: {  	s4 =	simm.s32 @!p2 $0x0;
	s0 =	sor.u32 @!p3 $0x4, s2  }
0xfd: {  	s4 =	sshll.u32 s4, $0xC;
	_ =	swait.ge @!p3 [sflag:s0], $0x1000  }
0xfe: {  	s28 =	sshll.u32 s2, $0xC;
	s4 =	sor.u32 $0x1A300, s4;
	[sflag:s0] =	ssyncset.done @!p3 $0x0  }
0xff: {  	[sflag:s0] =	ssyncadd.s32 @!p3 $0xFFFFF000;
	s0 =	sadd.s32 $0x19B00, s28;
	s28 =	simm.s32 $0x0  }
.LBB2_18:
0x100: {  	v46 =	vld [tilespmem:$0x11900];
	_ =	sdelay $0x2  }
0x101: {  	s6 =	sadd.s32 s28, s29  }
0x102: {  	v47 =	vmov s6  }
0x103: {  	v45 =	vshll.u32 v47, $0xA;
	v48 =	vshll.u32 v46, $0x3  }
0x104: {  	v45 =	vand.u32 $0x6000, v45;
	v48 =	vand.u32 $0xFFFFFC00, v48  }
0x105: {  	v55 =	vshll.u32 v47, $0x7;
	v49 =	vand.u32 $0x7F, v46;
	v48 =	vadd.s32 v45, v48  }
0x106: {  	v46 =	vand.u32 $0x380, v55;
	v56 =	vor.u32 v49, v48  }
0x107: {  	v47 =	vor.u32 v46, v56;
	_ =	sdelay $0x4  }
0x108: {  	v47 =	vld.idx.msk [tilespmem:v47+s18+$0x0], $0xffff;
	_ =	sdelay $0x4  }
0x109: {  	[tilespmem:s4+$0xFFFFF800] =	vst v47  }
0x10a: {  	v47 =	vld [tilespmem:$0x11910];
	_ =	sdelay $0x4  }
0x10b: {  	v57 =	vshll.u32 v47, $0x3  }
0x10c: {  	v48 =	vand.u32 $0xFFFFFC00, v57  }
0x10d: {  	v47 =	vand.u32 $0x7F, v47;
	v48 =	vadd.s32 v45, v48  }
0x10e: {  	v47 =	vor.u32 v47, v48  }
0x10f: {  	v47 =	vor.u32 v46, v47;
	_ =	sdelay $0x4  }
0x110: {  	v47 =	vld.idx.msk [tilespmem:v47+s18+$0x0], $0xffff;
	_ =	sdelay $0x4  }
0x111: {  	[tilespmem:s4+$0xFFFFF810] =	vst v47  }
0x112: {  	v47 =	vld [tilespmem:$0x11920];
	_ =	sdelay $0x4  }
0x113: {  	v58 =	vshll.u32 v47, $0x3  }
0x114: {  	v48 =	vand.u32 $0xFFFFFC00, v58  }
0x115: {  	v47 =	vand.u32 $0x7F, v47;
	v48 =	vadd.s32 v45, v48  }
0x116: {  	v47 =	vor.u32 v47, v48  }
0x117: {  	v47 =	vor.u32 v46, v47;
	_ =	sdelay $0x4  }
0x118: {  	v47 =	vld.idx.msk [tilespmem:v47+s18+$0x0], $0xffff;
	_ =	sdelay $0x4  }
0x119: {  	[tilespmem:s4+$0xFFFFF820] =	vst v47  }
0x11a: {  	v47 =	vld [tilespmem:$0x11930];
	_ =	sdelay $0x4  }
0x11b: {  	v59 =	vshll.u32 v47, $0x3  }
0x11c: {  	v48 =	vand.u32 $0xFFFFFC00, v59  }
0x11d: {  	v47 =	vand.u32 $0x7F, v47;
	v48 =	vadd.s32 v45, v48  }
0x11e: {  	v47 =	vor.u32 v47, v48  }
0x11f: {  	v47 =	vor.u32 v46, v47;
	_ =	sdelay $0x4  }
0x120: {  	v47 =	vld.idx.msk [tilespmem:v47+s18+$0x0], $0xffff;
	_ =	sdelay $0x4  }
0x121: {  	[tilespmem:s4+$0xFFFFF830] =	vst v47  }
0x122: {  	v47 =	vld [tilespmem:$0x11940];
	_ =	sdelay $0x4  }
0x123: {  	v60 =	vshll.u32 v47, $0x3  }
0x124: {  	v48 =	vand.u32 $0xFFFFFC00, v60  }
0x125: {  	v47 =	vand.u32 $0x7F, v47;
	v48 =	vadd.s32 v45, v48  }
0x126: {  	v47 =	vor.u32 v47, v48  }
0x127: {  	v47 =	vor.u32 v46, v47;
	_ =	sdelay $0x4  }
0x128: {  	v47 =	vld.idx.msk [tilespmem:v47+s18+$0x0], $0xffff;
	_ =	sdelay $0x4  }
0x129: {  	[tilespmem:s4+$0xFFFFF840] =	vst v47  }
0x12a: {  	v47 =	vld [tilespmem:$0x11950];
	_ =	sdelay $0x4  }
0x12b: {  	v61 =	vshll.u32 v47, $0x3  }
0x12c: {  	v48 =	vand.u32 $0xFFFFFC00, v61  }
0x12d: {  	v47 =	vand.u32 $0x7F, v47;
	v48 =	vadd.s32 v45, v48  }
0x12e: {  	v47 =	vor.u32 v47, v48  }
0x12f: {  	v47 =	vor.u32 v46, v47;
	_ =	sdelay $0x4  }
0x130: {  	v47 =	vld.idx.msk [tilespmem:v47+s18+$0x0], $0xffff;
	_ =	sdelay $0x4  }
0x131: {  	[tilespmem:s4+$0xFFFFF850] =	vst v47  }
0x132: {  	v47 =	vld [tilespmem:$0x11960];
	_ =	sdelay $0x4  }
0x133: {  	v62 =	vshll.u32 v47, $0x3  }
0x134: {  	v48 =	vand.u32 $0xFFFFFC00, v62  }
0x135: {  	v47 =	vand.u32 $0x7F, v47;
	v48 =	vadd.s32 v45, v48  }
0x136: {  	v47 =	vor.u32 v47, v48  }
0x137: {  	v47 =	vor.u32 v46, v47;
	_ =	sdelay $0x4  }
0x138: {  	v47 =	vld.idx.msk [tilespmem:v47+s18+$0x0], $0xffff;
	_ =	sdelay $0x4  }
0x139: {  	[tilespmem:s4+$0xFFFFF860] =	vst v47  }
0x13a: {  	v47 =	vld [tilespmem:$0x11970];
	_ =	sdelay $0x4  }
0x13b: {  	v63 =	vshll.u32 v47, $0x3  }
0x13c: {  	v48 =	vand.u32 $0xFFFFFC00, v63  }
0x13d: {  	v47 =	vand.u32 $0x7F, v47;
	v48 =	vadd.s32 v45, v48  }
0x13e: {  	v47 =	vor.u32 v47, v48  }
0x13f: {  	v47 =	vor.u32 v46, v47;
	_ =	sdelay $0x4  }
0x140: {  	v47 =	vld.idx.msk [tilespmem:v47+s18+$0x0], $0xffff;
	_ =	sdelay $0x4  }
0x141: {  	[tilespmem:s4+$0xFFFFF870] =	vst v47  }
0x142: {  	v47 =	vld [tilespmem:$0x11980];
	_ =	sdelay $0x4  }
0x143: {  	v52 =	vshll.u32 v47, $0x3  }
0x144: {  	v48 =	vand.u32 $0xFFFFFC00, v52  }
0x145: {  	v47 =	vand.u32 $0x7F, v47;
	v48 =	vadd.s32 v45, v48  }
0x146: {  	v47 =	vor.u32 v47, v48  }
0x147: {  	v47 =	vor.u32 v46, v47;
	_ =	sdelay $0x4  }
0x148: {  	v47 =	vld.idx.msk [tilespmem:v47+s18+$0x0], $0xffff;
	_ =	sdelay $0x4  }
0x149: {  	[tilespmem:s4+$0xFFFFFC00] =	vst v47  }
0x14a: {  	v47 =	vld [tilespmem:$0x11990];
	_ =	sdelay $0x4  }
0x14b: {  	v53 =	vshll.u32 v47, $0x3  }
0x14c: {  	v48 =	vand.u32 $0xFFFFFC00, v53  }
0x14d: {  	v47 =	vand.u32 $0x7F, v47;
	v48 =	vadd.s32 v45, v48  }
0x14e: {  	v47 =	vor.u32 v47, v48  }
0x14f: {  	v47 =	vor.u32 v46, v47;
	_ =	sdelay $0x4  }
0x150: {  	v47 =	vld.idx.msk [tilespmem:v47+s18+$0x0], $0xffff;
	_ =	sdelay $0x4  }
0x151: {  	[tilespmem:s4+$0xFFFFFC10] =	vst v47  }
0x152: {  	v47 =	vld [tilespmem:$0x119A0];
	_ =	sdelay $0x4  }
0x153: {  	v54 =	vshll.u32 v47, $0x3  }
0x154: {  	v48 =	vand.u32 $0xFFFFFC00, v54  }
0x155: {  	v47 =	vand.u32 $0x7F, v47;
	v48 =	vadd.s32 v45, v48  }
0x156: {  	v47 =	vor.u32 v47, v48  }
0x157: {  	v47 =	vor.u32 v46, v47;
	_ =	sdelay $0x4  }
0x158: {  	v47 =	vld.idx.msk [tilespmem:v47+s18+$0x0], $0xffff;
	_ =	sdelay $0x4  }
0x159: {  	[tilespmem:s4+$0xFFFFFC20] =	vst v47  }
0x15a: {  	v47 =	vld [tilespmem:$0x119B0];
	_ =	sdelay $0x4  }
0x15b: {  	v55 =	vshll.u32 v47, $0x3  }
0x15c: {  	v48 =	vand.u32 $0xFFFFFC00, v55  }
0x15d: {  	v47 =	vand.u32 $0x7F, v47;
	v48 =	vadd.s32 v45, v48  }
0x15e: {  	v47 =	vor.u32 v47, v48  }
0x15f: {  	v47 =	vor.u32 v46, v47;
	_ =	sdelay $0x4  }
0x160: {  	v47 =	vld.idx.msk [tilespmem:v47+s18+$0x0], $0xffff;
	_ =	sdelay $0x4  }
0x161: {  	[tilespmem:s4+$0xFFFFFC30] =	vst v47  }
0x162: {  	v47 =	vld [tilespmem:$0x119C0];
	_ =	sdelay $0x4  }
0x163: {  	v56 =	vshll.u32 v47, $0x3  }
0x164: {  	v48 =	vand.u32 $0xFFFFFC00, v56  }
0x165: {  	v47 =	vand.u32 $0x7F, v47;
	v48 =	vadd.s32 v45, v48  }
0x166: {  	v47 =	vor.u32 v47, v48  }
0x167: {  	v47 =	vor.u32 v46, v47;
	_ =	sdelay $0x4  }
0x168: {  	v47 =	vld.idx.msk [tilespmem:v47+s18+$0x0], $0xffff;
	_ =	sdelay $0x4  }
0x169: {  	[tilespmem:s4+$0xFFFFFC40] =	vst v47  }
0x16a: {  	v47 =	vld [tilespmem:$0x119D0];
	_ =	sdelay $0x4  }
0x16b: {  	v57 =	vshll.u32 v47, $0x3  }
0x16c: {  	v48 =	vand.u32 $0xFFFFFC00, v57  }
0x16d: {  	v47 =	vand.u32 $0x7F, v47;
	v48 =	vadd.s32 v45, v48  }
0x16e: {  	v47 =	vor.u32 v47, v48  }
0x16f: {  	v47 =	vor.u32 v46, v47;
	_ =	sdelay $0x4  }
0x170: {  	v47 =	vld.idx.msk [tilespmem:v47+s18+$0x0], $0xffff;
	_ =	sdelay $0x4  }
0x171: {  	[tilespmem:s4+$0xFFFFFC50] =	vst v47  }
0x172: {  	v47 =	vld [tilespmem:$0x119E0];
	_ =	sdelay $0x4  }
0x173: {  	v58 =	vshll.u32 v47, $0x3  }
0x174: {  	v48 =	vand.u32 $0xFFFFFC00, v58  }
0x175: {  	v47 =	vand.u32 $0x7F, v47;
	v48 =	vadd.s32 v45, v48  }
0x176: {  	v47 =	vor.u32 v47, v48  }
0x177: {  	v47 =	vor.u32 v46, v47;
	_ =	sdelay $0x4  }
0x178: {  	v47 =	vld.idx.msk [tilespmem:v47+s18+$0x0], $0xffff;
	_ =	sdelay $0x4  }
0x179: {  	[tilespmem:s4+$0xFFFFFC60] =	vst v47  }
0x17a: {  	v47 =	vld [tilespmem:$0x119F0];
	_ =	sdelay $0x4  }
0x17b: {  	v59 =	vshll.u32 v47, $0x3  }
0x17c: {  	v48 =	vand.u32 $0xFFFFFC00, v59  }
0x17d: {  	v47 =	vand.u32 $0x7F, v47;
	v48 =	vadd.s32 v45, v48  }
0x17e: {  	v47 =	vor.u32 v47, v48  }
0x17f: {  	v47 =	vor.u32 v46, v47;
	_ =	sdelay $0x4  }
0x180: {  	v47 =	vld.idx.msk [tilespmem:v47+s18+$0x0], $0xffff;
	_ =	sdelay $0x4  }
0x181: {  	[tilespmem:s4+$0xFFFFFC70] =	vst v47  }
0x182: {  	v47 =	vld [tilespmem:$0x11A00];
	_ =	sdelay $0x4  }
0x183: {  	v60 =	vshll.u32 v47, $0x3  }
0x184: {  	v48 =	vand.u32 $0xFFFFFC00, v60  }
0x185: {  	v47 =	vand.u32 $0x7F, v47;
	v48 =	vadd.s32 v45, v48  }
0x186: {  	v47 =	vor.u32 v47, v48  }
0x187: {  	v47 =	vor.u32 v46, v47;
	_ =	sdelay $0x4  }
0x188: {  	v47 =	vld.idx.msk [tilespmem:v47+s18+$0x0], $0xffff;
	_ =	sdelay $0x4  }
0x189: {  	[tilespmem:s4+$0x0] =	vst v47  }
0x18a: {  	v47 =	vld [tilespmem:$0x11A10];
	_ =	sdelay $0x4  }
0x18b: {  	v61 =	vshll.u32 v47, $0x3  }
0x18c: {  	v48 =	vand.u32 $0xFFFFFC00, v61  }
0x18d: {  	v47 =	vand.u32 $0x7F, v47;
	v48 =	vadd.s32 v45, v48  }
0x18e: {  	v47 =	vor.u32 v47, v48  }
0x18f: {  	v47 =	vor.u32 v46, v47;
	_ =	sdelay $0x4  }
0x190: {  	v47 =	vld.idx.msk [tilespmem:v47+s18+$0x0], $0xffff;
	_ =	sdelay $0x4  }
0x191: {  	[tilespmem:s4+$0x10] =	vst v47  }
0x192: {  	v47 =	vld [tilespmem:$0x11A20];
	_ =	sdelay $0x4  }
0x193: {  	v62 =	vshll.u32 v47, $0x3  }
0x194: {  	v48 =	vand.u32 $0xFFFFFC00, v62  }
0x195: {  	v47 =	vand.u32 $0x7F, v47;
	v48 =	vadd.s32 v45, v48  }
0x196: {  	v47 =	vor.u32 v47, v48  }
0x197: {  	v47 =	vor.u32 v46, v47;
	_ =	sdelay $0x4  }
0x198: {  	v47 =	vld.idx.msk [tilespmem:v47+s18+$0x0], $0xffff;
	_ =	sdelay $0x4  }
0x199: {  	[tilespmem:s4+$0x20] =	vst v47  }
0x19a: {  	v47 =	vld [tilespmem:$0x11A30];
	_ =	sdelay $0x4  }
0x19b: {  	v63 =	vshll.u32 v47, $0x3  }
0x19c: {  	v48 =	vand.u32 $0xFFFFFC00, v63  }
0x19d: {  	v47 =	vand.u32 $0x7F, v47;
	v48 =	vadd.s32 v45, v48  }
0x19e: {  	v47 =	vor.u32 v47, v48  }
0x19f: {  	v47 =	vor.u32 v46, v47;
	_ =	sdelay $0x4  }
0x1a0: {  	v47 =	vld.idx.msk [tilespmem:v47+s18+$0x0], $0xffff;
	_ =	sdelay $0x4  }
0x1a1: {  	[tilespmem:s4+$0x30] =	vst v47  }
0x1a2: {  	v47 =	vld [tilespmem:$0x11A40];
	_ =	sdelay $0x4  }
0x1a3: {  	v52 =	vshll.u32 v47, $0x3  }
0x1a4: {  	v48 =	vand.u32 $0xFFFFFC00, v52  }
0x1a5: {  	v47 =	vand.u32 $0x7F, v47;
	v48 =	vadd.s32 v45, v48  }
0x1a6: {  	v47 =	vor.u32 v47, v48  }
0x1a7: {  	v47 =	vor.u32 v46, v47;
	_ =	sdelay $0x4  }
0x1a8: {  	v47 =	vld.idx.msk [tilespmem:v47+s18+$0x0], $0xffff;
	_ =	sdelay $0x4  }
0x1a9: {  	[tilespmem:s4+$0x40] =	vst v47  }
0x1aa: {  	v47 =	vld [tilespmem:$0x11A50];
	_ =	sdelay $0x4  }
0x1ab: {  	v53 =	vshll.u32 v47, $0x3  }
0x1ac: {  	v48 =	vand.u32 $0xFFFFFC00, v53  }
0x1ad: {  	v47 =	vand.u32 $0x7F, v47;
	v48 =	vadd.s32 v45, v48  }
0x1ae: {  	v47 =	vor.u32 v47, v48  }
0x1af: {  	v47 =	vor.u32 v46, v47;
	_ =	sdelay $0x4  }
0x1b0: {  	v47 =	vld.idx.msk [tilespmem:v47+s18+$0x0], $0xffff;
	_ =	sdelay $0x4  }
0x1b1: {  	[tilespmem:s4+$0x50] =	vst v47  }
0x1b2: {  	v47 =	vld [tilespmem:$0x11A60];
	_ =	sdelay $0x4  }
0x1b3: {  	v54 =	vshll.u32 v47, $0x3  }
0x1b4: {  	v48 =	vand.u32 $0xFFFFFC00, v54  }
0x1b5: {  	v47 =	vand.u32 $0x7F, v47;
	v48 =	vadd.s32 v45, v48  }
0x1b6: {  	v47 =	vor.u32 v47, v48  }
0x1b7: {  	v47 =	vor.u32 v46, v47;
	_ =	sdelay $0x4  }
0x1b8: {  	v47 =	vld.idx.msk [tilespmem:v47+s18+$0x0], $0xffff;
	_ =	sdelay $0x4  }
0x1b9: {  	[tilespmem:s4+$0x60] =	vst v47  }
0x1ba: {  	v47 =	vld [tilespmem:$0x11A70];
	_ =	sdelay $0x4  }
0x1bb: {  	v55 =	vshll.u32 v47, $0x3  }
0x1bc: {  	v48 =	vand.u32 $0xFFFFFC00, v55  }
0x1bd: {  	v47 =	vand.u32 $0x7F, v47;
	v48 =	vadd.s32 v45, v48  }
0x1be: {  	v47 =	vor.u32 v47, v48  }
0x1bf: {  	v47 =	vor.u32 v46, v47;
	_ =	sdelay $0x4  }
0x1c0: {  	v47 =	vld.idx.msk [tilespmem:v47+s18+$0x0], $0xffff;
	_ =	sdelay $0x4  }
0x1c1: {  	[tilespmem:s4+$0x70] =	vst v47  }
0x1c2: {  	v47 =	vld [tilespmem:$0x11A80];
	_ =	sdelay $0x4  }
0x1c3: {  	v56 =	vshll.u32 v47, $0x3  }
0x1c4: {  	v48 =	vand.u32 $0xFFFFFC00, v56  }
0x1c5: {  	v47 =	vand.u32 $0x7F, v47;
	v48 =	vadd.s32 v45, v48  }
0x1c6: {  	v47 =	vor.u32 v47, v48  }
0x1c7: {  	v47 =	vor.u32 v46, v47;
	_ =	sdelay $0x4  }
0x1c8: {  	v47 =	vld.idx.msk [tilespmem:v47+s18+$0x0], $0xffff;
	_ =	sdelay $0x4  }
0x1c9: {  	[tilespmem:s4+$0x400] =	vst v47  }
0x1ca: {  	v47 =	vld [tilespmem:$0x11A90];
	_ =	sdelay $0x4  }
0x1cb: {  	v57 =	vshll.u32 v47, $0x3  }
0x1cc: {  	v48 =	vand.u32 $0xFFFFFC00, v57  }
0x1cd: {  	v47 =	vand.u32 $0x7F, v47;
	v48 =	vadd.s32 v45, v48  }
0x1ce: {  	v47 =	vor.u32 v47, v48  }
0x1cf: {  	v47 =	vor.u32 v46, v47;
	_ =	sdelay $0x4  }
0x1d0: {  	v47 =	vld.idx.msk [tilespmem:v47+s18+$0x0], $0xffff;
	_ =	sdelay $0x4  }
0x1d1: {  	[tilespmem:s4+$0x410] =	vst v47  }
0x1d2: {  	v47 =	vld [tilespmem:$0x11AA0];
	_ =	sdelay $0x4  }
0x1d3: {  	v58 =	vshll.u32 v47, $0x3  }
0x1d4: {  	v48 =	vand.u32 $0xFFFFFC00, v58  }
0x1d5: {  	v47 =	vand.u32 $0x7F, v47;
	v48 =	vadd.s32 v45, v48  }
0x1d6: {  	v47 =	vor.u32 v47, v48  }
0x1d7: {  	v47 =	vor.u32 v46, v47;
	_ =	sdelay $0x4  }
0x1d8: {  	v47 =	vld.idx.msk [tilespmem:v47+s18+$0x0], $0xffff;
	_ =	sdelay $0x4  }
0x1d9: {  	[tilespmem:s4+$0x420] =	vst v47  }
0x1da: {  	v47 =	vld [tilespmem:$0x11AB0];
	_ =	sdelay $0x4  }
0x1db: {  	v59 =	vshll.u32 v47, $0x3  }
0x1dc: {  	v48 =	vand.u32 $0xFFFFFC00, v59  }
0x1dd: {  	v47 =	vand.u32 $0x7F, v47;
	v48 =	vadd.s32 v45, v48  }
0x1de: {  	v47 =	vor.u32 v47, v48  }
0x1df: {  	v47 =	vor.u32 v46, v47;
	_ =	sdelay $0x4  }
0x1e0: {  	v47 =	vld.idx.msk [tilespmem:v47+s18+$0x0], $0xffff;
	_ =	sdelay $0x4  }
0x1e1: {  	[tilespmem:s4+$0x430] =	vst v47  }
0x1e2: {  	v47 =	vld [tilespmem:$0x11AC0];
	_ =	sdelay $0x4  }
0x1e3: {  	v60 =	vshll.u32 v47, $0x3  }
0x1e4: {  	v48 =	vand.u32 $0xFFFFFC00, v60  }
0x1e5: {  	v47 =	vand.u32 $0x7F, v47;
	v48 =	vadd.s32 v45, v48  }
0x1e6: {  	v47 =	vor.u32 v47, v48  }
0x1e7: {  	v47 =	vor.u32 v46, v47;
	_ =	sdelay $0x4  }
0x1e8: {  	v47 =	vld.idx.msk [tilespmem:v47+s18+$0x0], $0xffff;
	_ =	sdelay $0x4  }
0x1e9: {  	[tilespmem:s4+$0x440] =	vst v47  }
0x1ea: {  	v47 =	vld [tilespmem:$0x11AD0];
	_ =	sdelay $0x4  }
0x1eb: {  	v61 =	vshll.u32 v47, $0x3  }
0x1ec: {  	v48 =	vand.u32 $0xFFFFFC00, v61  }
0x1ed: {  	v47 =	vand.u32 $0x7F, v47;
	v48 =	vadd.s32 v45, v48  }
0x1ee: {  	v47 =	vor.u32 v47, v48  }
0x1ef: {  	v47 =	vor.u32 v46, v47;
	_ =	sdelay $0x4  }
0x1f0: {  	v47 =	vld.idx.msk [tilespmem:v47+s18+$0x0], $0xffff;
	_ =	sdelay $0x4  }
0x1f1: {  	[tilespmem:s4+$0x450] =	vst v47  }
0x1f2: {  	v47 =	vld [tilespmem:$0x11AE0];
	_ =	sdelay $0x4  }
0x1f3: {  	v62 =	vshll.u32 v47, $0x3  }
0x1f4: {  	v48 =	vand.u32 $0xFFFFFC00, v62  }
0x1f5: {  	v47 =	vand.u32 $0x7F, v47;
	v48 =	vadd.s32 v45, v48  }
0x1f6: {  	v47 =	vor.u32 v47, v48  }
0x1f7: {  	v47 =	vor.u32 v46, v47;
	_ =	sdelay $0x4  }
0x1f8: {  	v47 =	vld.idx.msk [tilespmem:v47+s18+$0x0], $0xffff;
	_ =	sdelay $0x4  }
0x1f9: {  	[tilespmem:s4+$0x460] =	vst v47  }
0x1fa: {  	v47 =	vld [tilespmem:$0x11AF0];
	_ =	sdelay $0x4  }
0x1fb: {  	v63 =	vshll.u32 v47, $0x3  }
0x1fc: {  	v48 =	vand.u32 $0xFFFFFC00, v63  }
0x1fd: {  	v47 =	vand.u32 $0x7F, v47;
	v45 =	vadd.s32 v45, v48  }
0x1fe: {  	v45 =	vor.u32 v47, v45  }
0x1ff: {  	v45 =	vor.u32 v46, v45;
	_ =	sdelay $0x4  }
0x200: {  	p3 =	sne.s32 s28, $0x7;
	v45 =	vld.idx.msk [tilespmem:v45+s18+$0x0], $0xffff  }
.Ltmp10:
0x201: {  	_ = 	snop;
	(pc) =	sbr.rel @p3 .LBB2_18-.Ltmp10, $2  }
0x202: {  	_ =	sdelay $0x2  }
0x203: {  	s28 =	sadd.s32 $0x1, s28;
	[tilespmem:s4+$0x470] =	vst v45;
	s4 =	sadd.s32 $0x80, s4  }
0x204: {  	s4 =	sshll.u32 s30, $0xE;
	s30 =	sadd.s32 $0x1, s30  }
0x205: {  	p3 =	sne.s32 s30, $0x4  }
.Ltmp11:
0x206: {  	_ = 	snop;
	(pc) =	sbr.rel @p3 .LBB2_17-.Ltmp11, $4  }
0x207: {  	_ = 	snop  }
0x208: {  	s2 =	sor.u32 $0x4, s2  }
0x209: {  	s29 =	sadd.s32 $0x8, s29;
	p2 =	por !p2, !p2;
	s4 =	sadd.s32 s4, s15  }
0x20a: {  	[hbm4b:s4+s5] =	stream.linear.scatter [tilespmem:s0], [sflag:s2], $0x1000, $0x38;
	[tilespmem:$0x1BB00] =	vst v63  }
0x20b: {  	s8 =	sadd.s32 $0x1, s8  }
0x20c: {  	p2 =	sne.s32 s8, $0x14  }
.Ltmp12:
0x20d: {  	_ = 	snop;
	(pc) =	sbr.rel @p2 .LBB2_16-.Ltmp12, $1  }
0x20e: {  	_ =	sdelay $0x3  }
0x20f: {  	s0 =	simm.s32 $0x4  }
0x210: {  	_ =	swait.ge [sflag:s0], $0x1000  }
0x211: {  	[sflag:s0] =	ssyncset.done $0x0  }
0x212: {  	s29 =	simm.s32 $0x5;
	[sflag:s0] =	ssyncadd.s32 $0xFFFFF000  }
0x213: {  	_ =	swait.ge [sflag:s29], $0x1000  }
0x214: {  	[sflag:s29] =	ssyncset.done $0x0  }
0x215: {  	[sflag:s29] =	ssyncadd.s32 $0xFFFFF000  }
0x216: {  	[bflag:$0x0] =	sbarrier.arrive $0xFFFF  }
0x217: {  	s2 =	simm.s32 $0x0;
	s0 =	simm.s32 $0x0;
	s30 =	rddreg [dreg:$0x7]  }
.LBB2_22:
0x218: {  	v45 =	vmov s0  }
0x219: {  	v45 =	vand.u32 $0x7F, v45  }
0x21a: {  	v45 =	vbroadcast v45, $0x0  }
0x21b: {  	s4 =	sshll.u32 s2, $0xB  }
0x21c: {  	s4 =	sadd.s32 s4, s14;
	v46 =	vor.u32 v2, v45  }
0x21d: {  	[tilespmem:s31], [sflag:$0x6] =	stream.linear.gather [hbm4b:s4+s0], $0x4000, $0x38;
	[tilespmem:$0x1BB00] =	vst v63  }
0x21e: {  	_ =	swait.ge [sflag:s17], $0x4000  }
0x21f: {  	[sflag:s17] =	ssyncset.done $0x0  }
0x220: {  	[sflag:s17] =	ssyncadd.s32 $0xFFFFC000  }
0x221: {  	s28 =	sshll.u32 s2, $0xA;
	v46 =	vld.idx.msk [tilespmem:v46+s31+$0x0], $0xffff  }
0x222: {  	s4 =	sand.u32 $0x3FFFFC00, s28;
	v47 =	vor.u32 v38, v45  }
0x223: {  	s6 =	sand.u32 $0x3000, s0;
	s4 =	sadd.s32 $0x15B00, s4  }
0x224: {  	s8 =	sand.u32 $0x380, s0;
	s6 =	sadd.s32 s6, s4  }
0x225: {  	s8 =	sadd.s32 s8, s6  }
0x226: {  	[tilespmem:s8+$0x0] =	vst v46  }
0x227: {  	v46 =	vld.idx.msk [tilespmem:v47+s31+$0x0], $0xffff  }
0x228: {  	v59 =	vor.u32 v39, v45;
	_ =	sdelay $0x3  }
0x229: {  	[tilespmem:s8+$0x10] =	vst v46  }
0x22a: {  	v46 =	vld.idx.msk [tilespmem:v59+s31+$0x0], $0xffff  }
0x22b: {  	v60 =	vor.u32 v40, v45;
	_ =	sdelay $0x3  }
0x22c: {  	[tilespmem:s8+$0x20] =	vst v46  }
0x22d: {  	v46 =	vld.idx.msk [tilespmem:v60+s31+$0x0], $0xffff  }
0x22e: {  	v61 =	vor.u32 v41, v45;
	_ =	sdelay $0x3  }
0x22f: {  	[tilespmem:s8+$0x30] =	vst v46  }
0x230: {  	v46 =	vld.idx.msk [tilespmem:v61+s31+$0x0], $0xffff  }
0x231: {  	v62 =	vor.u32 v42, v45;
	_ =	sdelay $0x3  }
0x232: {  	[tilespmem:s8+$0x40] =	vst v46  }
0x233: {  	v46 =	vld.idx.msk [tilespmem:v62+s31+$0x0], $0xffff  }
0x234: {  	v63 =	vor.u32 v43, v45;
	_ =	sdelay $0x3  }
0x235: {  	[tilespmem:s8+$0x50] =	vst v46  }
0x236: {  	v46 =	vld.idx.msk [tilespmem:v63+s31+$0x0], $0xffff  }
0x237: {  	v45 =	vor.u32 v44, v45;
	_ =	sdelay $0x1  }
0x238: {  	s29 =	simm.s32 $0x1  }
0x239: {  	s15 =	simm.s32 $0x2;
	s12 =	simm.s32 $0x0;
	s10 =	simm.s32 $0x0;
	v47 =	vmov s29  }
.LBB2_23:
0x23a: {  	p2 =	sne.s32 s15, $0x1F;
	v47 =	vand.u32 $0x7F, v47;
	[tilespmem:s8+$0x60] =	vst v46  }
0x23b: {  	v47 =	vbroadcast v47, $0x0;
	v45 =	vld.idx.msk [tilespmem:v45+s31+$0x0], $0xffff;
	_ =	sdelay $0x1  }
0x23c: {  	v46 =	vor.u32 v2, v47;
	_ =	sdelay $0x3  }
0x23d: {  	[tilespmem:s8+$0x70] =	vst v45  }
0x23e: {  	v45 =	vld.idx.msk [tilespmem:v46+s31+$0x0], $0xffff;
	_ =	sdelay $0x1  }
0x23f: {  	s12 =	sadd.s32 $0x200, s12;
	v46 =	vor.u32 v38, v47  }
0x240: {  	s10 =	sadd.s32 $0x80, s10;
	s6 =	sand.u32 $0x3000, s12  }
0x241: {  	s6 =	sadd.s32 s6, s4;
	s8 =	sand.u32 $0x380, s10  }
0x242: {  	s8 =	sadd.s32 s8, s6  }
0x243: {  	[tilespmem:s8+$0x0] =	vst v45  }
0x244: {  	v45 =	vld.idx.msk [tilespmem:v46+s31+$0x0], $0xffff;
	_ =	sdelay $0x1  }
0x245: {  	v46 =	vor.u32 v39, v47;
	_ =	sdelay $0x3  }
0x246: {  	[tilespmem:s8+$0x10] =	vst v45  }
0x247: {  	v45 =	vld.idx.msk [tilespmem:v46+s31+$0x0], $0xffff;
	_ =	sdelay $0x1  }
0x248: {  	v46 =	vor.u32 v40, v47;
	_ =	sdelay $0x3  }
0x249: {  	[tilespmem:s8+$0x20] =	vst v45  }
0x24a: {  	v45 =	vld.idx.msk [tilespmem:v46+s31+$0x0], $0xffff;
	_ =	sdelay $0x1  }
0x24b: {  	v46 =	vor.u32 v41, v47;
	_ =	sdelay $0x3  }
0x24c: {  	[tilespmem:s8+$0x30] =	vst v45  }
0x24d: {  	v45 =	vld.idx.msk [tilespmem:v46+s31+$0x0], $0xffff;
	_ =	sdelay $0x1  }
0x24e: {  	v46 =	vor.u32 v42, v47;
	_ =	sdelay $0x3  }
0x24f: {  	[tilespmem:s8+$0x40] =	vst v45  }
0x250: {  	v45 =	vld.idx.msk [tilespmem:v46+s31+$0x0], $0xffff;
	_ =	sdelay $0x1  }
0x251: {  	v46 =	vor.u32 v43, v47;
	_ =	sdelay $0x3  }
0x252: {  	[tilespmem:s8+$0x50] =	vst v45  }
0x253: {  	v46 =	vld.idx.msk [tilespmem:v46+s31+$0x0], $0xffff  }
.Ltmp13:
0x254: {  	(pc) =	sbr.rel @p2 .LBB2_23-.Ltmp13, $2  }
0x255: {  	v45 =	vor.u32 v44, v47;
	_ =	sdelay $0x2  }
0x256: {  	v47 =	vmov s15;
	s15 =	sadd.s32 $0x1, s15  }
0x257: {  	_ =	sdelay $0x1  }
0x258: {  	v47 =	vand.u32 $0x7F, v47  }
0x259: {  	[tilespmem:s8+$0x60] =	vst v46;
	v57 =	vbroadcast v47, $0x0  }
0x25a: {  	v45 =	vld.idx.msk [tilespmem:v45+s31+$0x0], $0xffff  }
0x25b: {  	v47 =	vor.u32 v2, v57;
	_ =	sdelay $0x3  }
0x25c: {  	[tilespmem:s8+$0x70] =	vst v45  }
0x25d: {  	v45 =	vld.idx.msk [tilespmem:v47+s31+$0x0], $0xffff  }
0x25e: {  	s6 =	sadd.s32 $0x200, s12;
	v58 =	vor.u32 v38, v57  }
0x25f: {  	s29 =	sadd.s32 $0x80, s10;
	s6 =	sand.u32 $0x3000, s6  }
0x260: {  	s4 =	sadd.s32 s6, s4;
	s8 =	sand.u32 $0x380, s29  }
0x261: {  	s4 =	sadd.s32 s8, s4  }
0x262: {  	[tilespmem:s4+$0x0] =	vst v45  }
0x263: {  	v45 =	vld.idx.msk [tilespmem:v58+s31+$0x0], $0xffff  }
0x264: {  	v59 =	vor.u32 v39, v57;
	_ =	sdelay $0x3  }
0x265: {  	[tilespmem:s4+$0x10] =	vst v45  }
0x266: {  	v45 =	vld.idx.msk [tilespmem:v59+s31+$0x0], $0xffff  }
0x267: {  	v60 =	vor.u32 v40, v57;
	_ =	sdelay $0x3  }
0x268: {  	[tilespmem:s4+$0x20] =	vst v45  }
0x269: {  	v45 =	vld.idx.msk [tilespmem:v60+s31+$0x0], $0xffff  }
0x26a: {  	v61 =	vor.u32 v41, v57;
	_ =	sdelay $0x3  }
0x26b: {  	[tilespmem:s4+$0x30] =	vst v45  }
0x26c: {  	v45 =	vld.idx.msk [tilespmem:v61+s31+$0x0], $0xffff  }
0x26d: {  	v62 =	vor.u32 v42, v57;
	_ =	sdelay $0x3  }
0x26e: {  	[tilespmem:s4+$0x40] =	vst v45  }
0x26f: {  	v45 =	vld.idx.msk [tilespmem:v62+s31+$0x0], $0xffff  }
0x270: {  	v63 =	vor.u32 v43, v57;
	_ =	sdelay $0x3  }
0x271: {  	[tilespmem:s4+$0x50] =	vst v45  }
0x272: {  	v45 =	vld.idx.msk [tilespmem:v63+s31+$0x0], $0xffff  }
0x273: {  	v46 =	vor.u32 v44, v57;
	_ =	sdelay $0x3  }
0x274: {  	s2 =	sadd.s32 $0x1, s2;
	[tilespmem:s4+$0x60] =	vst v45  }
0x275: {  	p2 =	sne.s32 s2, $0x4;
	v45 =	vld.idx.msk [tilespmem:v46+s31+$0x0], $0xffff  }
.Ltmp14:
0x276: {  	_ = 	snop;
	(pc) =	sbr.rel @p2 .LBB2_22-.Ltmp14, $2  }
0x277: {  	_ =	sdelay $0x2  }
0x278: {  	[tilespmem:s4+$0x70] =	vst v45  }
0x279: {  	s0 =	sadd.s32 $0x0, s16  }
0x27a: {  	[hbm4b:s0+s5] =	stream.linear.scatter [tilespmem:s1], [sflag:$0x3], $0x1000, $0x38;
	[tilespmem:$0x1BB00] =	vst v63  }
0x27b: {  	s2 =	sadd.s32 $0x4000, s0  }
0x27c: {  	[hbm4b:s2+s5] =	stream.linear.scatter [tilespmem:s3], [sflag:$0x3], $0x1000, $0x38;
	[tilespmem:$0x1BB00] =	vst v63  }
0x27d: {  	s29 =	sadd.s32 $0x8000, s0  }
0x27e: {  	[hbm4b:s29+s5] =	stream.linear.scatter [tilespmem:s20], [sflag:$0x3], $0x1000, $0x38;
	[tilespmem:$0x1BB00] =	vst v63  }
0x27f: {  	s0 =	sadd.s32 $0xC000, s0  }
0x280: {  	[hbm4b:s0+s5] =	stream.linear.scatter [tilespmem:s21], [sflag:$0x3], $0x1000, $0x38;
	[tilespmem:$0x1BB00] =	vst v63  }
0x281: {  	_ =	swait.ge [sflag:s22], $0x1000  }
0x282: {  	[sflag:s22] =	ssyncset.done $0x0  }
0x283: {  	[sflag:s22] =	ssyncadd.s32 $0xFFFFF000  }
0x284: {  	_ =	swait.ge [sflag:s22], $0x1000  }
0x285: {  	[sflag:s22] =	ssyncset.done $0x0  }
0x286: {  	[sflag:s22] =	ssyncadd.s32 $0xFFFFF000  }
0x287: {  	_ =	swait.ge [sflag:s22], $0x1000  }
0x288: {  	[sflag:s22] =	ssyncset.done $0x0  }
0x289: {  	[sflag:s22] =	ssyncadd.s32 $0xFFFFF000  }
0x28a: {  	_ =	swait.ge [sflag:s22], $0x1000  }
0x28b: {  	s2 =	simm.s32 $0x40000;
	s0 =	simm.s32 $0x20000;
	[sflag:s22] =	ssyncset.done $0x0  }
.LBB2_26:
0x28c: {  	s4 =	sadd.s32 s0, s16  }
0x28d: {  	[sflag:s22] =	ssyncadd.s32 $0xFFFFF000;
	s0 =	smov.u32 s2;
	s6 =	sadd.s32 $0x20000, s2  }
0x28e: {  	[hbm4b:s4+s5] =	stream.linear.scatter [tilespmem:s1], [sflag:$0x3], $0x1000, $0x38;
	[tilespmem:$0x1BB00] =	vst v63  }
0x28f: {  	p2 =	sne.s32 s2, $0x260000;
	s2 =	sadd.s32 $0x4000, s4  }
0x290: {  	[hbm4b:s2+s5] =	stream.linear.scatter [tilespmem:s3], [sflag:$0x3], $0x1000, $0x38;
	[tilespmem:$0x1BB00] =	vst v63  }
0x291: {  	s2 =	sadd.s32 $0x8000, s4  }
0x292: {  	[hbm4b:s2+s5] =	stream.linear.scatter [tilespmem:s20], [sflag:$0x3], $0x1000, $0x38;
	[tilespmem:$0x1BB00] =	vst v63  }
0x293: {  	s2 =	sadd.s32 $0xC000, s4  }
0x294: {  	[hbm4b:s2+s5] =	stream.linear.scatter [tilespmem:s21], [sflag:$0x3], $0x1000, $0x38;
	[tilespmem:$0x1BB00] =	vst v63  }
0x295: {  	_ =	swait.ge [sflag:s22], $0x1000  }
0x296: {  	[sflag:s22] =	ssyncset.done $0x0  }
0x297: {  	[sflag:s22] =	ssyncadd.s32 $0xFFFFF000  }
0x298: {  	_ =	swait.ge [sflag:s22], $0x1000  }
0x299: {  	[sflag:s22] =	ssyncset.done $0x0  }
0x29a: {  	[sflag:s22] =	ssyncadd.s32 $0xFFFFF000  }
.Ltmp15:
0x29b: {  	_ =	swait.ge [sflag:s22], $0x1000;
	(pc) =	sbr.rel @p2 .LBB2_26-.Ltmp15, $4  }
0x29c: {  	[sflag:s22] =	ssyncset.done $0x0  }
0x29d: {  	[sflag:s22] =	ssyncadd.s32 $0xFFFFF000  }
0x29e: {  	_ =	swait.ge [sflag:s22], $0x1000  }
0x29f: {  	s2 =	smov.u32 s6;
	[sflag:s22] =	ssyncset.done $0x0  }
0x2a0: {  	s0 =	sadd.s32 s0, s16;
	[sflag:s22] =	ssyncadd.s32 $0xFFFFF000  }
0x2a1: {  	[hbm4b:s0+s5] =	stream.linear.scatter [tilespmem:s1], [sflag:$0x3], $0x1000, $0x38;
	[tilespmem:$0x1BB00] =	vst v63  }
0x2a2: {  	s2 =	sadd.s32 $0x4000, s0  }
0x2a3: {  	[hbm4b:s2+s5] =	stream.linear.scatter [tilespmem:s3], [sflag:$0x3], $0x1000, $0x38;
	[tilespmem:$0x1BB00] =	vst v63  }
0x2a4: {  	s15 =	sadd.s32 $0x8000, s0  }
0x2a5: {  	[hbm4b:s15+s5] =	stream.linear.scatter [tilespmem:s20], [sflag:$0x3], $0x1000, $0x38;
	[tilespmem:$0x1BB00] =	vst v63  }
0x2a6: {  	s0 =	sadd.s32 $0xC000, s0  }
0x2a7: {  	[hbm4b:s0+s5] =	stream.linear.scatter [tilespmem:s21], [sflag:$0x3], $0x1000, $0x38;
	[tilespmem:$0x1BB00] =	vst v63  }
0x2a8: {  	_ =	swait.ge [sflag:s22], $0x1000  }
0x2a9: {  	[sflag:s22] =	ssyncset.done $0x0  }
0x2aa: {  	[sflag:s22] =	ssyncadd.s32 $0xFFFFF000  }
0x2ab: {  	_ =	swait.ge [sflag:s22], $0x1000  }
0x2ac: {  	[sflag:s22] =	ssyncset.done $0x0  }
0x2ad: {  	[sflag:s22] =	ssyncadd.s32 $0xFFFFF000  }
0x2ae: {  	_ =	swait.ge [sflag:s22], $0x1000  }
0x2af: {  	[sflag:s22] =	ssyncset.done $0x0  }
0x2b0: {  	[sflag:s22] =	ssyncadd.s32 $0xFFFFF000  }
0x2b1: {  	_ =	swait.ge [sflag:s22], $0x1000  }
0x2b2: {  	s28 =	rddreg [dreg:$0xc]  }
0x2b3: {  	s29 =	rddreg [dreg:$0xb];
	s2 =	sadd.s32 $0x1, s28  }
0x2b4: {  	p2 =	sne.s32 s2, s29  }
.Ltmp16:
0x2b5: {  	_ = 	snop;
	(pc) =	sbr.rel @p2 .LBB2_1-.Ltmp16, $4  }
.Ltmp17:
0x2b6: {  	_ = 	snop;
	(pc) =	sbr.rel @!p2 .LBB2_28-.Ltmp17, $4  }
0x2b7: {  	[sflag:s22] =	ssyncset.done $0x0  }
0x2b8: {  	[sflag:s22] =	ssyncadd.s32 $0xFFFFF000  }
0x2b9: {  	s6 =	rddreg [dreg:$0x0]  }
0x2ba: {  	_ = 	snop  }
.LBB2_14:
0x2bb: {  	s2 =	sadd.s32 $0xFFFFFFFF, s2  }
0x2bc: {  	p2 =	sne.s32 s2, $0x0  }
.Ltmp18:
0x2bd: {  	_ = 	snop;
	(pc) =	sbr.rel @!p2 .LBB2_15-.Ltmp18, $2  }
0x2be: {  	_ =	sdelay $0x2  }
0x2bf: {  	s0 =	sadd.s32 $0x10, s0  }
.LBB2_12:
0x2c0: {  	v45 =	vld [tilespmem:s0+$0x0];
	_ =	sdelay $0x7  }
0x2c1: {  	v46 =	vld.idx.msk [tilespmem:v45+s5+$0x0], $0xffff;
	_ =	sdelay $0x4  }
0x2c2: {  	v47 =	vand.u32 $0xFFFFFF00, v46  }
0x2c3: {  	vm0 =	veq.s32 v47, $0xF4200  }
0x2c4: {  	v47 =	vsel vm0, $0x1, v5  }
0x2c5: {  	(xrf0) =	vadd.scan.msk.s32 $0xffff, v47;
	_ =	sdelay $0x5  }
0x2c6: {  	v47, _, _ =	vpop (xrf0)  }
0x2c7: {  	(v2sf) =	vpush v47, $0xF;
	_ =	sdelay $0xe  }
0x2c8: {  	s4 =	spop (v2sf)  }
0x2c9: {  	p2 =	slt.s32 s4, $0x1  }
.Ltmp19:
0x2ca: {  	_ = 	snop;
	(pc) =	sbr.rel @p2 .LBB2_14-.Ltmp19, $1  }
0x2cb: {  	_ =	sdelay $0x3  }
0x2cc: {  	v46 =	vadd.s32 $0xFFF0BE00, v46  }
0x2cd: {  	v46 =	vnsel vm0, $0x0, v46;
	_ =	sdelay $0x4  }
0x2ce: {  	v47 =	vld.idx.msk [tilespmem:v46+s26+$0x0], $0xffff  }
0x2cf: {  	v48 =	vadd.s32 $0x80, v46;
	_ =	sdelay $0x3  }
0x2d0: {  	[tilespmem:v2+s23+$0x0] =	vst.idx.msk $0xffff, v47  }
0x2d1: {  	v47 =	vld.idx.msk [tilespmem:v48+s26+$0x0], $0xffff  }
0x2d2: {  	v59 =	vadd.s32 $0x100, v46;
	_ =	sdelay $0x3  }
0x2d3: {  	[tilespmem:v6+s23+$0x0] =	vst.idx.msk $0xffff, v47  }
0x2d4: {  	v47 =	vld.idx.msk [tilespmem:v59+s26+$0x0], $0xffff  }
0x2d5: {  	v60 =	vadd.s32 $0x180, v46;
	_ =	sdelay $0x3  }
0x2d6: {  	[tilespmem:v7+s23+$0x0] =	vst.idx.msk $0xffff, v47  }
0x2d7: {  	v47 =	vld.idx.msk [tilespmem:v60+s26+$0x0], $0xffff  }
0x2d8: {  	v61 =	vadd.s32 $0x200, v46;
	_ =	sdelay $0x3  }
0x2d9: {  	[tilespmem:v8+s23+$0x0] =	vst.idx.msk $0xffff, v47  }
0x2da: {  	v47 =	vld.idx.msk [tilespmem:v61+s26+$0x0], $0xffff  }
0x2db: {  	v62 =	vadd.s32 $0x280, v46;
	_ =	sdelay $0x3  }
0x2dc: {  	[tilespmem:v9+s23+$0x0] =	vst.idx.msk $0xffff, v47  }
0x2dd: {  	v47 =	vld.idx.msk [tilespmem:v62+s26+$0x0], $0xffff  }
0x2de: {  	v63 =	vadd.s32 $0x300, v46;
	_ =	sdelay $0x3  }
0x2df: {  	[tilespmem:v10+s23+$0x0] =	vst.idx.msk $0xffff, v47  }
0x2e0: {  	v47 =	vld.idx.msk [tilespmem:v63+s26+$0x0], $0xffff  }
0x2e1: {  	v52 =	vadd.s32 $0x380, v46;
	_ =	sdelay $0x3  }
0x2e2: {  	[tilespmem:v11+s23+$0x0] =	vst.idx.msk $0xffff, v47  }
0x2e3: {  	v47 =	vld.idx.msk [tilespmem:v52+s26+$0x0], $0xffff  }
0x2e4: {  	v53 =	vadd.s32 $0x400, v46;
	_ =	sdelay $0x3  }
0x2e5: {  	[tilespmem:v12+s23+$0x0] =	vst.idx.msk $0xffff, v47  }
0x2e6: {  	v47 =	vld.idx.msk [tilespmem:v53+s26+$0x0], $0xffff  }
0x2e7: {  	v54 =	vadd.s32 $0x480, v46;
	_ =	sdelay $0x3  }
0x2e8: {  	[tilespmem:v13+s23+$0x0] =	vst.idx.msk $0xffff, v47  }
0x2e9: {  	v47 =	vld.idx.msk [tilespmem:v54+s26+$0x0], $0xffff  }
0x2ea: {  	v55 =	vadd.s32 $0x500, v46;
	_ =	sdelay $0x3  }
0x2eb: {  	[tilespmem:v14+s23+$0x0] =	vst.idx.msk $0xffff, v47  }
0x2ec: {  	v47 =	vld.idx.msk [tilespmem:v55+s26+$0x0], $0xffff  }
0x2ed: {  	v56 =	vadd.s32 $0x580, v46;
	_ =	sdelay $0x3  }
0x2ee: {  	[tilespmem:v15+s23+$0x0] =	vst.idx.msk $0xffff, v47  }
0x2ef: {  	v47 =	vld.idx.msk [tilespmem:v56+s26+$0x0], $0xffff  }
0x2f0: {  	v57 =	vadd.s32 $0x600, v46;
	_ =	sdelay $0x3  }
0x2f1: {  	[tilespmem:v16+s23+$0x0] =	vst.idx.msk $0xffff, v47  }
0x2f2: {  	v47 =	vld.idx.msk [tilespmem:v57+s26+$0x0], $0xffff  }
0x2f3: {  	v58 =	vadd.s32 $0x680, v46;
	_ =	sdelay $0x3  }
0x2f4: {  	[tilespmem:v17+s23+$0x0] =	vst.idx.msk $0xffff, v47  }
0x2f5: {  	v47 =	vld.idx.msk [tilespmem:v58+s26+$0x0], $0xffff  }
0x2f6: {  	v59 =	vadd.s32 $0x700, v46;
	_ =	sdelay $0x3  }
0x2f7: {  	[tilespmem:v18+s23+$0x0] =	vst.idx.msk $0xffff, v47  }
0x2f8: {  	v47 =	vld.idx.msk [tilespmem:v59+s26+$0x0], $0xffff  }
0x2f9: {  	v60 =	vadd.s32 $0x780, v46;
	_ =	sdelay $0x3  }
0x2fa: {  	[tilespmem:v19+s23+$0x0] =	vst.idx.msk $0xffff, v47  }
0x2fb: {  	v47 =	vld.idx.msk [tilespmem:v60+s26+$0x0], $0xffff  }
0x2fc: {  	v61 =	vadd.s32 $0x800, v46;
	_ =	sdelay $0x3  }
0x2fd: {  	[tilespmem:v20+s23+$0x0] =	vst.idx.msk $0xffff, v47  }
0x2fe: {  	v47 =	vld.idx.msk [tilespmem:v61+s26+$0x0], $0xffff  }
0x2ff: {  	v62 =	vadd.s32 $0x880, v46;
	_ =	sdelay $0x3  }
0x300: {  	[tilespmem:v21+s23+$0x0] =	vst.idx.msk $0xffff, v47  }
0x301: {  	v47 =	vld.idx.msk [tilespmem:v62+s26+$0x0], $0xffff  }
0x302: {  	v63 =	vadd.s32 $0x900, v46;
	_ =	sdelay $0x3  }
0x303: {  	[tilespmem:v22+s23+$0x0] =	vst.idx.msk $0xffff, v47  }
0x304: {  	v47 =	vld.idx.msk [tilespmem:v63+s26+$0x0], $0xffff  }
0x305: {  	v52 =	vadd.s32 $0x980, v46;
	_ =	sdelay $0x3  }
0x306: {  	[tilespmem:v23+s23+$0x0] =	vst.idx.msk $0xffff, v47  }
0x307: {  	v47 =	vld.idx.msk [tilespmem:v52+s26+$0x0], $0xffff  }
0x308: {  	v53 =	vadd.s32 $0xA00, v46;
	_ =	sdelay $0x3  }
0x309: {  	[tilespmem:v24+s23+$0x0] =	vst.idx.msk $0xffff, v47  }
0x30a: {  	v47 =	vld.idx.msk [tilespmem:v53+s26+$0x0], $0xffff  }
0x30b: {  	v54 =	vadd.s32 $0xA80, v46;
	_ =	sdelay $0x3  }
0x30c: {  	[tilespmem:v25+s23+$0x0] =	vst.idx.msk $0xffff, v47  }
0x30d: {  	v47 =	vld.idx.msk [tilespmem:v54+s26+$0x0], $0xffff  }
0x30e: {  	v55 =	vadd.s32 $0xB00, v46;
	_ =	sdelay $0x3  }
0x30f: {  	[tilespmem:v26+s23+$0x0] =	vst.idx.msk $0xffff, v47  }
0x310: {  	v47 =	vld.idx.msk [tilespmem:v55+s26+$0x0], $0xffff  }
0x311: {  	v56 =	vadd.s32 $0xB80, v46;
	_ =	sdelay $0x3  }
0x312: {  	[tilespmem:v27+s23+$0x0] =	vst.idx.msk $0xffff, v47  }
0x313: {  	v47 =	vld.idx.msk [tilespmem:v56+s26+$0x0], $0xffff  }
0x314: {  	v57 =	vadd.s32 $0xC00, v46;
	_ =	sdelay $0x3  }
0x315: {  	[tilespmem:v28+s23+$0x0] =	vst.idx.msk $0xffff, v47  }
0x316: {  	v47 =	vld.idx.msk [tilespmem:v57+s26+$0x0], $0xffff  }
0x317: {  	v58 =	vadd.s32 $0xC80, v46;
	_ =	sdelay $0x3  }
0x318: {  	[tilespmem:v29+s23+$0x0] =	vst.idx.msk $0xffff, v47  }
0x319: {  	v47 =	vld.idx.msk [tilespmem:v58+s26+$0x0], $0xffff  }
0x31a: {  	v59 =	vadd.s32 $0xD00, v46;
	_ =	sdelay $0x3  }
0x31b: {  	[tilespmem:v30+s23+$0x0] =	vst.idx.msk $0xffff, v47  }
0x31c: {  	v47 =	vld.idx.msk [tilespmem:v59+s26+$0x0], $0xffff  }
0x31d: {  	v60 =	vadd.s32 $0xD80, v46;
	_ =	sdelay $0x3  }
0x31e: {  	[tilespmem:v31+s23+$0x0] =	vst.idx.msk $0xffff, v47  }
0x31f: {  	v47 =	vld.idx.msk [tilespmem:v60+s26+$0x0], $0xffff  }
0x320: {  	v61 =	vadd.s32 $0xE00, v46;
	_ =	sdelay $0x3  }
0x321: {  	[tilespmem:v32+s23+$0x0] =	vst.idx.msk $0xffff, v47  }
0x322: {  	v47 =	vld.idx.msk [tilespmem:v61+s26+$0x0], $0xffff  }
0x323: {  	v62 =	vadd.s32 $0xE80, v46;
	_ =	sdelay $0x3  }
0x324: {  	[tilespmem:v33+s23+$0x0] =	vst.idx.msk $0xffff, v47  }
0x325: {  	v47 =	vld.idx.msk [tilespmem:v62+s26+$0x0], $0xffff  }
0x326: {  	v63 =	vadd.s32 $0xF00, v46;
	_ =	sdelay $0x3  }
0x327: {  	[tilespmem:v34+s23+$0x0] =	vst.idx.msk $0xffff, v47  }
0x328: {  	v47 =	vld.idx.msk [tilespmem:v63+s26+$0x0], $0xffff  }
0x329: {  	v46 =	vadd.s32 $0xF80, v46;
	_ =	sdelay $0x3  }
0x32a: {  	[tilespmem:v35+s23+$0x0] =	vst.idx.msk $0xffff, v47  }
0x32b: {  	v46 =	vld.idx.msk [tilespmem:v46+s26+$0x0], $0xffff;
	_ =	sdelay $0x3  }
0x32c: {  	v45 =	vadd.s32 v4, v45  }
0x32d: {  	v45 =	vsel vm0, v45, v37;
	[tilespmem:v36+s23+$0x0] =	vst.idx.msk $0xffff, v46  }
.Ltmp20:
0x32e: {  	[tilespmem:$0x9880] =	vst v45;
	(pc) =	sbr.rel .LBB2_14-.Ltmp20, $4  }
0x32f: {  	[hbm4b:s7+s24] =	stream.indirect.scatter [tilespmem:s23], [sflag:$0x6], $0x80, s25, s24, $0xb8;
	[tilespmem:$0x1BB00] =	vst v63  }
0x330: {  	_ =	swait.ge [sflag:s17], $0x800  }
0x331: {  	[sflag:s17] =	ssyncset.done $0x0  }
0x332: {  	[sflag:s17] =	ssyncadd.s32 $0xFFFFF800  }
.LBB2_28:
0x333: {  	_ =	sfence.sel $0x180000  }
0x334: {  	[bflag:$0x0] =	sbarrier.arrive $0xFFFF  }
0x335: {  	_ =	strace $0x90000047  }
0x336: {  	s0 =	stileid.u32;
	[bflag:$0x2] =	sbarrier.arrive $0xFFFF  }
0x337: {  	p0 =	sne.s32 s0, $0x0;
	s0 =	rddreg [dreg:$0x6]  }
0x338: {  	s0 =	sadd.s32 @!p0 $0x100000, s0  }
0x339: {  	[sflag:s0] =	ssyncadd.tile.s32 @!p0 $0x1;
	_ =	shalt  }
.Lfunc_end2:
_tile_overlayer_lowered:
.L_overlay_start_2:
0x33a: {  	(tag) =	ssettag $0x2  }
0x33b: {  	s0 =	rddreg [dreg:$0x0];
	s2 =	stileid.u32  }
0x33c: {  	s1 =	rddreg [dreg:$0x1];
	p0 =	sne.s32 s2, $0x0  }
0x33d: {  	s3 =	rddreg [dreg:$0x2];
	[bflag:$0x3] =	sbarrier.arrive $0xFFFF;
	s2 =	simm.s32 @!p0 $0x1C06  }
0x33e: {  	[timem:s3], [sflag:s2] =	dma.local @!p0 [hbm:s0], s1  }
0x33f: {  	s0 =	simm.s32 @!p0 $0x6  }
0x340: {  	_ =	swait.ge @!p0 [sflag:s0], s1  }
0x341: {  	s1 =	ssub.s32 @!p0 $0x0, s1;
	[sflag:s0] =	ssyncset.done @!p0 $0x0  }
0x342: {  	[sflag:s0] =	ssyncadd.s32 @!p0 s1  }
0x343: {  	[bflag:$0x3] =	sbarrier.arrive $0xFFFF  }
0x344: {  	_ =	shalt  }

</sc_bundles>
